<compile_context>
chip_gen: v7x
topology: tpu7x:2x2x1
jax: 0.10.2.dev20260603
libtpu: 0.0.44.dev20260713+nightly
codegen_flags: <defaults>
</compile_context>

<pallas_src>
import functools

import jax
import jax.numpy as jnp
from jax import lax
from jax.experimental import pallas as pl
from jax.experimental.pallas import tpu as pltpu
from jax.experimental.pallas import tpu_sc as plsc

N = 10000
E = 160000
G = 64
NC, NS = 2, 16
NW = NC * NS
KB = 128
NB = 40
SUB = 1
KS = KB // SUB
EP = NW * NB * KB
NPAD = 10240
RB = 1000
NBLK = N // RB
F32 = jnp.float32



def _fill2d(ref, val):
    rows, cols = ref.shape

    def row(i, carry):
        for j in range(cols // 16):
            ref[i, pl.ds(j * 16, 16)] = jnp.full((16,), val, ref.dtype)
        return carry

    lax.fori_loop(0, rows, row, 0)


def _sc_mesh():
    return plsc.VectorSubcoreMesh(
        core_axis_name="c", subcore_axis_name="s",
        num_cores=NC, num_subcores=NS)


def _make_segsum(C, with_deg, dtype=F32):
    CT = C + (1 if with_deg else 0)
    out_type = [jax.ShapeDtypeStruct((NC, CT, NPAD, 128), dtype)]

    scratch = (
        [pltpu.VMEM((NB * SUB, KS), jnp.int32),
         pltpu.VMEM((NB * SUB, KS), jnp.int32)]
        + [pltpu.VMEM((KS, 128), dtype) for _ in range(2 * SUB)]
        + [pltpu.VMEM_SHARED((NPAD, 128), dtype),
           pltpu.SemaphoreType.DMA,
           pltpu.SemaphoreType.DMA,
           pltpu.SemaphoreType.DMA,
           pltpu.SemaphoreType.DMA]
    )

    def body(src_hbm, dst_hbm, zh_hbm, *args):
        tables = args[:C]
        parts = args[C]
        rest = args[C + 1:]
        src_v, dst_v = rest[0], rest[1]
        bufs = [rest[2 + d * SUB:2 + (d + 1) * SUB] for d in range(2)]
        acc = rest[2 + 2 * SUB]
        gsem = rest[3 + 2 * SUB:5 + 2 * SUB]
        tsem = rest[5 + 2 * SUB:7 + 2 * SUB]

        ci = lax.axis_index("c")
        si = lax.axis_index("s")
        w = si * NC + ci

        pltpu.sync_copy(src_hbm.at[w], src_v)
        pltpu.sync_copy(dst_hbm.at[w], dst_v)

        def sfire(j, d):
            for u in range(SUB):
                pltpu.async_copy(bufs[d][u], acc.at[dst_v.at[j * SUB + u]],
                                 tsem[d], add=True)

        def sdrain(j, d):
            for u in range(SUB):
                pltpu.make_async_copy(bufs[d][u], acc.at[dst_v.at[j * SUB + u]],
                                      tsem[d]).wait()

        for c in range(CT):
            plsc.subcore_barrier()
            pltpu.sync_copy(zh_hbm, acc.at[pl.ds(si * 640, 640)])
            if c == C:
                for u in range(SUB):
                    _fill2d(bufs[0][u], 1.0)
            plsc.subcore_barrier()

            if c < C:
                tab = tables[c]

                def gpack(j, d):
                    for u in range(SUB):
                        pltpu.make_async_copy(tab.at[src_v.at[j * SUB + u]],
                                              bufs[d][u], gsem[d]).start()

                def gwait(j, d):
                    for u in range(SUB):
                        pltpu.make_async_copy(tab.at[src_v.at[j * SUB + u]],
                                              bufs[d][u], gsem[d]).wait()

                gpack(0, 0)
                gpack(1, 1)

                def pair(j2, carry):
                    j = 2 * j2
                    gwait(j, 0)
                    sfire(j, 0)
                    sdrain(j, 0)

                    @pl.when(j2 < NB // 2 - 1)
                    def _():
                        gpack(j + 2, 0)

                    gwait(j + 1, 1)
                    sfire(j + 1, 1)
                    sdrain(j + 1, 1)

                    @pl.when(j2 < NB // 2 - 1)
                    def _():
                        gpack(j + 3, 1)

                    return carry

                lax.fori_loop(0, NB // 2, pair, 0)
            else:
                def batch(j, carry):
                    sfire(j, 0)
                    sdrain(j, 0)
                    return carry

                lax.fori_loop(0, NB, batch, 0)

            plsc.subcore_barrier()
            pltpu.sync_copy(acc.at[pl.ds(si * 640, 640)],
                            parts.at[ci, c, pl.ds(si * 640, 640)])

    return pl.kernel(body, out_type=out_type, mesh=_sc_mesh(),
                     scratch_types=scratch)



def _fc1_body(x_ref, w_ref, b_ref, out_ref):
    z = lax.dot_general(x_ref[...], w_ref[...], (((1,), (1,)), ((), ())),
                        preferred_element_type=F32)
    out_ref[...] = jnp.maximum(z + b_ref[...], 0.0)[None]


def _fc1(xp, wp, b2):
    return pl.pallas_call(
        _fc1_body,
        grid=(NBLK,),
        in_specs=[
            pl.BlockSpec((RB, 8), lambda i: (i, 0)),
            pl.BlockSpec((128, 8), lambda i: (0, 0)),
            pl.BlockSpec((1, 128), lambda i: (0, 0)),
        ],
        out_specs=pl.BlockSpec((1, RB, 128), lambda i: (0, i, 0)),
        out_shape=jax.ShapeDtypeStruct((1, N, 128), F32),
    )(xp, wp, b2)


def _invdeg_body(p_ref, out_ref):
    d = p_ref[0, 0, :, 0:1] + p_ref[1, 0, :, 0:1]
    out_ref[...] = jnp.broadcast_to(1.0 / jnp.maximum(d, 1.0), (RB, 16))


def _invdeg(parts1):
    return pl.pallas_call(
        _invdeg_body,
        grid=(NBLK,),
        in_specs=[pl.BlockSpec((NC, 1, RB, 128), lambda i: (0, 1, i, 0))],
        out_specs=pl.BlockSpec((RB, 16), lambda i: (i, 0)),
        out_shape=jax.ShapeDtypeStruct((N, 16), F32),
    )(parts1)


def _mm_stats_body(C, Co, has_agg, *refs):
    if has_agg:
        (parts, inv_ref, h, wl, wr, b, z_out, s_out, zacc, sacc) = refs
    else:
        (h, wl, b, z_out, s_out, zacc, sacc) = refs
    j = pl.program_id(0)
    i = pl.program_id(1)
    k = pl.program_id(2)

    hb = h[0].astype(F32)
    contrib = lax.dot_general(hb, wr[...] if has_agg else wl[...],
                              (((1,), (1,)), ((), ())),
                              preferred_element_type=F32)
    if has_agg:
        a = (parts[0, 0].astype(F32) + parts[1, 0].astype(F32)) * inv_ref[:, 0:1]
        contrib = contrib + lax.dot_general(a, wl[...], (((1,), (1,)), ((), ())),
                                            preferred_element_type=F32)

    @pl.when(k == 0)
    def _():
        zacc[...] = contrib

    @pl.when(k > 0)
    def _():
        zacc[...] = zacc[...] + contrib

    @pl.when(k == C - 1)
    def _():
        z = zacc[...] + b[0]
        z_out[...] = z[None]
        srow = jnp.sum(z, axis=0, keepdims=True)
        sqrow = jnp.sum(z * z, axis=0, keepdims=True)
        st = jnp.concatenate([srow, sqrow, jnp.zeros((6, 128), F32)], axis=0)

        @pl.when(i == 0)
        def _():
            sacc[...] = st

        @pl.when(i > 0)
        def _():
            sacc[...] = sacc[...] + st

        @pl.when(i == NBLK - 1)
        def _():
            s_out[...] = sacc[...][None]


def _sage_mm(parts, inv, h, wl, wr, b3):
    C = h.shape[0]
    Co = wl.shape[0] // 128
    body = functools.partial(_mm_stats_body, C, Co, True)
    return pl.pallas_call(
        body,
        grid=(Co, NBLK, C),
        in_specs=[
            pl.BlockSpec((NC, 1, RB, 128), lambda j, i, k: (0, k, i, 0)),
            pl.BlockSpec((RB, 16), lambda j, i, k: (i, 0)),
            pl.BlockSpec((1, RB, 128), lambda j, i, k: (k, i, 0)),
            pl.BlockSpec((128, 128), lambda j, i, k: (j, k)),
            pl.BlockSpec((128, 128), lambda j, i, k: (j, k)),
            pl.BlockSpec((1, 1, 128), lambda j, i, k: (j, 0, 0)),
        ],
        out_specs=[
            pl.BlockSpec((1, RB, 128), lambda j, i, k: (j, i, 0)),
            pl.BlockSpec((1, 8, 128), lambda j, i, k: (j, 0, 0)),
        ],
        out_shape=[
            jax.ShapeDtypeStruct((Co, N, 128), F32),
            jax.ShapeDtypeStruct((Co, 8, 128), F32),
        ],
        scratch_shapes=[
            pltpu.VMEM((RB, 128), F32),
            pltpu.VMEM((8, 128), F32),
        ],
    )(parts, inv, h, wl, wr, b3)


def _lin_mm(h, w, b3):
    C = h.shape[0]
    Co = w.shape[0] // 128
    body = functools.partial(_mm_stats_body, C, Co, False)
    return pl.pallas_call(
        body,
        grid=(Co, NBLK, C),
        in_specs=[
            pl.BlockSpec((1, RB, 128), lambda j, i, k: (k, i, 0)),
            pl.BlockSpec((128, 128), lambda j, i, k: (j, k)),
            pl.BlockSpec((1, 1, 128), lambda j, i, k: (j, 0, 0)),
        ],
        out_specs=[
            pl.BlockSpec((1, RB, 128), lambda j, i, k: (j, i, 0)),
            pl.BlockSpec((1, 8, 128), lambda j, i, k: (j, 0, 0)),
        ],
        out_shape=[
            jax.ShapeDtypeStruct((Co, N, 128), F32),
            jax.ShapeDtypeStruct((Co, 8, 128), F32),
        ],
        scratch_shapes=[
            pltpu.VMEM((RB, 128), F32),
            pltpu.VMEM((8, 128), F32),
        ],
    )(h, w, b3)


def _bn_scale_shift(stats, g, b):
    m = stats[0:1] / N
    var = stats[1:2] / N - m * m
    scale = g / jnp.sqrt(var + 1e-5)
    shift = b - m * scale
    return scale, shift


def _bn_relu_body(z_ref, s_ref, g_ref, b_ref, out_ref):
    scale, shift = _bn_scale_shift(s_ref[0], g_ref[0], b_ref[0])
    h = jnp.maximum(z_ref[0] * scale + shift, 0.0)
    out_ref[...] = h.astype(out_ref.dtype)[None]


def _bn_relu(z, s, g3, b3, out_dtype=F32):
    Co = z.shape[0]
    return pl.pallas_call(
        _bn_relu_body,
        grid=(Co, NBLK),
        in_specs=[
            pl.BlockSpec((1, RB, 128), lambda j, i: (j, i, 0)),
            pl.BlockSpec((1, 8, 128), lambda j, i: (j, 0, 0)),
            pl.BlockSpec((1, 1, 128), lambda j, i: (j, 0, 0)),
            pl.BlockSpec((1, 1, 128), lambda j, i: (j, 0, 0)),
        ],
        out_specs=pl.BlockSpec((1, RB, 128), lambda j, i: (j, i, 0)),
        out_shape=jax.ShapeDtypeStruct((Co, N, 128), out_dtype),
    )(z, s, g3, b3)


def _node_head_body(z_ref, s_ref, g_ref, b_ref, w5_ref, b5_ref, out_ref):
    acc = jnp.zeros((RB, 8), F32)
    for c in range(2):
        scale, shift = _bn_scale_shift(s_ref[c], g_ref[c], b_ref[c])
        node = jnp.maximum(z_ref[c] * scale + shift, 0.0)
        acc = acc + lax.dot_general(node, w5_ref[:, c * 128:(c + 1) * 128],
                                    (((1,), (1,)), ((), ())),
                                    preferred_element_type=F32)
    out_ref[...] = acc + b5_ref[...]


def _node_head(z, s, g3, b3, w5p, b5p):
    return pl.pallas_call(
        _node_head_body,
        grid=(NBLK,),
        in_specs=[
            pl.BlockSpec((2, RB, 128), lambda i: (0, i, 0)),
            pl.BlockSpec((2, 8, 128), lambda i: (0, 0, 0)),
            pl.BlockSpec((2, 1, 128), lambda i: (0, 0, 0)),
            pl.BlockSpec((2, 1, 128), lambda i: (0, 0, 0)),
            pl.BlockSpec((8, 256), lambda i: (0, 0)),
            pl.BlockSpec((1, 8), lambda i: (0, 0)),
        ],
        out_specs=pl.BlockSpec((RB, 8), lambda i: (i, 0)),
        out_shape=jax.ShapeDtypeStruct((N, 8), F32),
    )(z, s, g3, b3, w5p, b5p)


def _pool_head_body(h_ref, batch_ref, w4_ref, b4_ref, out_ref, gacc, cacc):
    i = pl.program_id(0)
    seg = batch_ref[...]
    gid = lax.broadcasted_iota(jnp.int32, (RB, 128), 1)
    p = jnp.where(gid == seg, 1.0, 0.0).astype(F32)

    ones = jnp.zeros((RB, 8), F32) + 1.0
    cnt = lax.dot_general(p, ones, (((0,), (0,)), ((), ())),
                          preferred_element_type=F32)

    @pl.when(i == 0)
    def _():
        cacc[...] = cnt
        for c in range(4):
            gacc[c] = lax.dot_general(p, h_ref[c], (((0,), (0,)), ((), ())),
                                      preferred_element_type=F32)

    @pl.when(i > 0)
    def _():
        cacc[...] = cacc[...] + cnt
        for c in range(4):
            gacc[c] = gacc[c] + lax.dot_general(
                p, h_ref[c], (((0,), (0,)), ((), ())),
                preferred_element_type=F32)

    @pl.when(i == NBLK - 1)
    def _():
        inv = 1.0 / jnp.maximum(cacc[...][:, 0:1], 1.0)
        acc = jnp.zeros((128, 8), F32)
        for c in range(4):
            gmean = gacc[c] * inv
            acc = acc + lax.dot_general(
                gmean, w4_ref[:, c * 128:(c + 1) * 128],
                (((1,), (1,)), ((), ())), preferred_element_type=F32)
        out_ref[...] = acc + b4_ref[...]


def _pool_head(h, batch2, w4p, b4p):
    return pl.pallas_call(
        _pool_head_body,
        grid=(NBLK,),
        in_specs=[
            pl.BlockSpec((4, RB, 128), lambda i: (0, i, 0)),
            pl.BlockSpec((RB, 1), lambda i: (i, 0)),
            pl.BlockSpec((8, 512), lambda i: (0, 0)),
            pl.BlockSpec((1, 8), lambda i: (0, 0)),
        ],
        out_specs=pl.BlockSpec((128, 8), lambda i: (0, 0)),
        out_shape=jax.ShapeDtypeStruct((128, 8), F32),
        scratch_shapes=[
            pltpu.VMEM((4, 128, 128), F32),
            pltpu.VMEM((128, 8), F32),
        ],
    )(h, batch2, w4p, b4p)



_sc_cache = {}


def _segsum1(srcp, dstp, zh, t0):
    if "s1" not in _sc_cache:
        _sc_cache["s1"] = _make_segsum(1, True)
    (parts,) = _sc_cache["s1"](srcp, dstp, zh, t0)
    return parts


def _segsum4(srcp, dstp, zh, *tables):
    if "s4" not in _sc_cache:
        _sc_cache["s4"] = _make_segsum(4, False)
    (parts,) = _sc_cache["s4"](srcp, dstp, zh, *tables)
    return parts


def _seg4(srcp, dstp, zh, h):
    return _segsum4(srcp, dstp, zh, h[0], h[1], h[2], h[3])


def kernel(x, edge_index, batch,
           fc1_W, fc1_b,
           s1_Wl, s1_bl, s1_Wr, bn1_g, bn1_b,
           s2_Wl, s2_bl, s2_Wr, bn2_g, bn2_b,
           s3_Wl, s3_bl, s3_Wr, bn3_g, bn3_b,
           fc2_W, fc2_b, bn4_g, bn4_b,
           fc3_W, fc3_b, bn5_g, bn5_b,
           fc5_W, fc5_b, fc4_W, fc4_b):
    src, dst = edge_index[0], edge_index[1]
    srcp = jnp.concatenate(
        [src, jnp.zeros((EP - E,), jnp.int32)]).reshape(NW, NB * SUB, KS)
    dstp = jnp.concatenate(
        [dst, jnp.full((EP - E,), N, jnp.int32)]).reshape(NW, NB * SUB, KS)

    xp = jnp.pad(x, ((0, 0), (0, 3)))
    w1p = jnp.pad(fc1_W, ((0, 0), (0, 3)))
    zh = jnp.zeros((640, 128), F32)

    h1 = _fc1(xp, w1p, fc1_b.reshape(1, 128))

    parts1 = _segsum1(srcp, dstp, zh, h1[0])
    inv = _invdeg(parts1)
    z1, s1 = _sage_mm(parts1, inv, h1, s1_Wl, s1_Wr, s1_bl.reshape(4, 1, 128))
    h2 = _bn_relu(z1, s1, bn1_g.reshape(4, 1, 128), bn1_b.reshape(4, 1, 128))

    parts2 = _seg4(srcp, dstp, zh, h2)
    z2, s2 = _sage_mm(parts2, inv, h2, s2_Wl, s2_Wr, s2_bl.reshape(4, 1, 128))
    h3 = _bn_relu(z2, s2, bn2_g.reshape(4, 1, 128), bn2_b.reshape(4, 1, 128))

    parts3 = _seg4(srcp, dstp, zh, h3)
    z3, s3 = _sage_mm(parts3, inv, h3, s3_Wl, s3_Wr, s3_bl.reshape(4, 1, 128))
    h3b = _bn_relu(z3, s3, bn3_g.reshape(4, 1, 128), bn3_b.reshape(4, 1, 128))

    z4, s4 = _lin_mm(h3b, fc2_W, fc2_b.reshape(4, 1, 128))
    h4 = _bn_relu(z4, s4, bn4_g.reshape(4, 1, 128), bn4_b.reshape(4, 1, 128))

    z5, s5 = _lin_mm(h4, fc3_W, fc3_b.reshape(2, 1, 128))
    w5p = jnp.pad(fc5_W, ((0, 3), (0, 0)))
    b5p = jnp.pad(fc5_b, (0, 3)).reshape(1, 8)
    node_out = _node_head(z5, s5, bn5_g.reshape(2, 1, 128),
                          bn5_b.reshape(2, 1, 128), w5p, b5p)[:, :5]

    w4p = jnp.pad(fc4_W, ((0, 5), (0, 0)))
    b4p = jnp.pad(fc4_b, (0, 5)).reshape(1, 8)
    graph_out = _pool_head(h4, batch.reshape(N, 1), w4p, b4p)[:G, :3]

    return (node_out, graph_out)

# --- scband reference (transcript-rebuilt; emitter-appended) ---
"""Pipeline reference for scband-node-and-graph-classification-82437602280188 (READ-ONLY COPY).

The authoritative reference and input builder live on the scoring server;
editing this copy changes nothing except your own understanding.
"""

import jax, jax.numpy as jnp
import numpy as np

N = 10000
E = 160000
HG = 512
FC2D = 512
FC3D = 256
G = 64

def _lin(x, W, b):
    return x @ W.T + b

def _bn(x, g, b, eps=1e-5):
    m = jnp.mean(x, axis=0)
    v = jnp.var(x, axis=0)
    return (x - m) / jnp.sqrt(v + eps) * g + b

def _sage(x, src, dst, Wl, bl, Wr):
    n = x.shape[0]
    agg = jax.ops.segment_sum(x[src], dst, num_segments=n)
    deg = jax.ops.segment_sum(jnp.ones((src.shape[0],), x.dtype), dst, num_segments=n)
    mean = agg / jnp.clip(deg, 1.0, None)[:, None]
    return _lin(mean, Wl, bl) + x @ Wr.T

def setup_inputs(seed: int = 0):
    key = jax.random.key(seed)
    ks = jax.random.split(key, 32)
    def p(i, shape, scale=0.05):
        return jax.random.normal(ks[i], shape, jnp.float32) * scale
    inp = {
        'x': jax.random.normal(ks[0], (N, 5), jnp.float32),
        'edge_index': jax.random.randint(ks[1], (2, E), 0, N, dtype=jnp.int32),
        'batch': jnp.sort(jax.random.randint(ks[2], (N,), 0, G, dtype=jnp.int32)),
        'fc1_W': p(3, (128, 5)), 'fc1_b': p(4, (128,)),
        's1_Wl': p(5, (HG, 128)), 's1_bl': p(6, (HG,)), 's1_Wr': p(7, (HG, 128)),
        'bn1_g': jnp.ones((HG,), jnp.float32), 'bn1_b': jnp.zeros((HG,), jnp.float32),
        's2_Wl': p(8, (HG, HG)), 's2_bl': p(9, (HG,)), 's2_Wr': p(10, (HG, HG)),
        'bn2_g': jnp.ones((HG,), jnp.float32), 'bn2_b': jnp.zeros((HG,), jnp.float32),
        's3_Wl': p(11, (HG, HG)), 's3_bl': p(12, (HG,)), 's3_Wr': p(13, (HG, HG)),
        'bn3_g': jnp.ones((HG,), jnp.float32), 'bn3_b': jnp.zeros((HG,), jnp.float32),
        'fc2_W': p(14, (FC2D, HG)), 'fc2_b': p(15, (FC2D,)),
        'bn4_g': jnp.ones((FC2D,), jnp.float32), 'bn4_b': jnp.zeros((FC2D,), jnp.float32),
        'fc3_W': p(16, (FC3D, FC2D)), 'fc3_b': p(17, (FC3D,)),
        'bn5_g': jnp.ones((FC3D,), jnp.float32), 'bn5_b': jnp.zeros((FC3D,), jnp.float32),
        'fc5_W': p(18, (5, FC3D)), 'fc5_b': p(19, (5,)),
        'fc4_W': p(20, (3, FC2D)), 'fc4_b': p(21, (3,)),
    }
    return inp

def reference(x, edge_index, batch, fc1_W, fc1_b, s1_Wl, s1_bl, s1_Wr, bn1_g, bn1_b, s2_Wl, s2_bl, s2_Wr, bn2_g, bn2_b, s3_Wl, s3_bl, s3_Wr, bn3_g, bn3_b, fc2_W, fc2_b, bn4_g, bn4_b, fc3_W, fc3_b, bn5_g, bn5_b, fc5_W, fc5_b, fc4_W, fc4_b):
    src, dst = edge_index[0], edge_index[1]
    h = jax.nn.relu(_lin(x, fc1_W, fc1_b))
    h = jax.nn.relu(_bn(_sage(h, src, dst, s1_Wl, s1_bl, s1_Wr), bn1_g, bn1_b))
    h = jax.nn.relu(_bn(_sage(h, src, dst, s2_Wl, s2_bl, s2_Wr), bn2_g, bn2_b))
    h = jax.nn.relu(_bn(_sage(h, src, dst, s3_Wl, s3_bl, s3_Wr), bn3_g, bn3_b))
    h = jax.nn.relu(_bn(_lin(h, fc2_W, fc2_b), bn4_g, bn4_b))
    node = jax.nn.relu(_bn(_lin(h, fc3_W, fc3_b), bn5_g, bn5_b))
    node_out = _lin(node, fc5_W, fc5_b)
    gsum = jax.ops.segment_sum(h, batch, num_segments=G)
    gcnt = jax.ops.segment_sum(jnp.ones((h.shape[0],), h.dtype), batch, num_segments=G)
    gmean = gsum / jnp.clip(gcnt, 1.0, None)[:, None]
    graph_out = _lin(gmean, fc4_W, fc4_b)
    return (node_out, graph_out)

if __name__ == "__main__":
    import jax
    _d = setup_inputs()
    print(jax.jit(kernel)(*tuple(_d.values())))

</pallas_src>

<mosaic_0001>
#map = affine_map<(d0, d1) -> (0, 0, 0)>
#map1 = affine_map<(d0, d1) -> (0, 0)>
#map2 = affine_map<(d0, d1) -> (0, 0, 0, 0)>
module attributes {stable_mosaic.version = 14 : i64} {
  func.func @body(%arg0: i32, %arg1: i32, %arg2: memref<32x40x128xi32, #tpu.memory_space<hbm>>, %arg3: memref<32x40x128xi32, #tpu.memory_space<hbm>>, %arg4: memref<640x128xf32, #tpu.memory_space<hbm>>, %arg5: memref<10000x128xf32, #tpu.memory_space<hbm>>, %arg6: memref<10000x128xf32, #tpu.memory_space<hbm>>, %arg7: memref<10000x128xf32, #tpu.memory_space<hbm>>, %arg8: memref<10000x128xf32, #tpu.memory_space<hbm>>, %arg9: memref<2x4x10240x128xf32, #tpu.memory_space<hbm>>, %arg10: memref<40x128xi32, #tpu.memory_space<vmem>>, %arg11: memref<40x128xi32, #tpu.memory_space<vmem>>, %arg12: memref<128x128xf32, #tpu.memory_space<vmem>>, %arg13: memref<128x128xf32, #tpu.memory_space<vmem>>, %arg14: memref<10240x128xf32, #tpu.memory_space<vmem_shared>>, %arg15: memref<!tpu.dma_semaphore, #tpu.memory_space<semaphore_mem>>, %arg16: memref<!tpu.dma_semaphore, #tpu.memory_space<semaphore_mem>>, %arg17: memref<!tpu.dma_semaphore, #tpu.memory_space<semaphore_mem>>, %arg18: memref<!tpu.dma_semaphore, #tpu.memory_space<semaphore_mem>>) attributes {dimension_semantics = [#tpu.dimension_semantics<core_parallel>, #tpu.dimension_semantics<subcore_parallel>], iteration_bounds = array<i64: 2, 16>, scalar_prefetch = 0 : i64, scratch_operands = 9 : i64, tpu.core_type = #tpu.core_type<sc_vector_subcore>, window_params = [{transform_indices = #map}, {transform_indices = #map}, {transform_indices = #map1}, {transform_indices = #map1}, {transform_indices = #map1}, {transform_indices = #map1}, {transform_indices = #map1}, {transform_indices = #map2}]} {
    %mul3A = arith.constant 2 : i32
    %mul3A_0 = arith.muli %arg1, %mul3A : i32
    %add3A = arith.addi %mul3A_0, %arg0 : i32
    "tpu.region"() ({
      %run_scoped3A_117 = tpu.sem_alloc : memref<!tpu.dma_semaphore, #tpu.memory_space<semaphore_mem>>
      %dma_start3A_118 = arith.constant 0 : i32
      %dma_start3A_119 = arith.constant 0 : i32
      %dma_start3A_120 = tpu.memref_slice %arg2[%add3A, %dma_start3A_118, %dma_start3A_119] : memref<32x40x128xi32, #tpu.memory_space<hbm>> -> memref<1x40x128xi32, #tpu.memory_space<hbm>>
      %dma_start3A_121 = tpu.memref_squeeze %dma_start3A_120 : memref<1x40x128xi32, #tpu.memory_space<hbm>> -> memref<40x128xi32, #tpu.memory_space<hbm>>
      %dma_start3A_122 = arith.constant 0 : i32
      %dma_start3A_123 = arith.constant 0 : i32
      %dma_start3A_124 = tpu.memref_slice %arg2[%add3A, %dma_start3A_122, %dma_start3A_123] : memref<32x40x128xi32, #tpu.memory_space<hbm>> -> memref<1x40x128xi32, #tpu.memory_space<hbm>>
      %dma_start3A_125 = tpu.memref_squeeze %dma_start3A_124 : memref<1x40x128xi32, #tpu.memory_space<hbm>> -> memref<40x128xi32, #tpu.memory_space<hbm>>
      tpu.enqueue_dma source(%dma_start3A_125 : memref<40x128xi32, #tpu.memory_space<hbm>>) target(%arg10 : memref<40x128xi32, #tpu.memory_space<vmem>>) target_semaphore(%run_scoped3A_117 : memref<!tpu.dma_semaphore, #tpu.memory_space<semaphore_mem>>)
      %dma_wait3A = arith.constant 0 : i32
      %dma_wait3A_126 = arith.constant 0 : i32
      %dma_wait3A_127 = tpu.memref_slice %arg2[%add3A, %dma_wait3A, %dma_wait3A_126] : memref<32x40x128xi32, #tpu.memory_space<hbm>> -> memref<1x40x128xi32, #tpu.memory_space<hbm>>
      %dma_wait3A_128 = tpu.memref_squeeze %dma_wait3A_127 : memref<1x40x128xi32, #tpu.memory_space<hbm>> -> memref<40x128xi32, #tpu.memory_space<hbm>>
      %dma_wait3A_129 = arith.constant 0 : i32
      %dma_wait3A_130 = arith.constant 0 : i32
      %dma_wait3A_131 = tpu.memref_slice %arg2[%add3A, %dma_wait3A_129, %dma_wait3A_130] : memref<32x40x128xi32, #tpu.memory_space<hbm>> -> memref<1x40x128xi32, #tpu.memory_space<hbm>>
      %dma_wait3A_132 = tpu.memref_squeeze %dma_wait3A_131 : memref<1x40x128xi32, #tpu.memory_space<hbm>> -> memref<40x128xi32, #tpu.memory_space<hbm>>
      tpu.wait_dma2 semaphore(%run_scoped3A_117 : memref<!tpu.dma_semaphore, #tpu.memory_space<semaphore_mem>>) src(%dma_wait3A_132 : memref<40x128xi32, #tpu.memory_space<hbm>>) dst(%arg10 : memref<40x128xi32, #tpu.memory_space<vmem>>)
      tpu.yield
    }) : () -> ()
    "tpu.region"() ({
      %run_scoped3A_117 = tpu.sem_alloc : memref<!tpu.dma_semaphore, #tpu.memory_space<semaphore_mem>>
      %dma_start3A_118 = arith.constant 0 : i32
      %dma_start3A_119 = arith.constant 0 : i32
      %dma_start3A_120 = tpu.memref_slice %arg3[%add3A, %dma_start3A_118, %dma_start3A_119] : memref<32x40x128xi32, #tpu.memory_space<hbm>> -> memref<1x40x128xi32, #tpu.memory_space<hbm>>
      %dma_start3A_121 = tpu.memref_squeeze %dma_start3A_120 : memref<1x40x128xi32, #tpu.memory_space<hbm>> -> memref<40x128xi32, #tpu.memory_space<hbm>>
      %dma_start3A_122 = arith.constant 0 : i32
      %dma_start3A_123 = arith.constant 0 : i32
      %dma_start3A_124 = tpu.memref_slice %arg3[%add3A, %dma_start3A_122, %dma_start3A_123] : memref<32x40x128xi32, #tpu.memory_space<hbm>> -> memref<1x40x128xi32, #tpu.memory_space<hbm>>
      %dma_start3A_125 = tpu.memref_squeeze %dma_start3A_124 : memref<1x40x128xi32, #tpu.memory_space<hbm>> -> memref<40x128xi32, #tpu.memory_space<hbm>>
      tpu.enqueue_dma source(%dma_start3A_125 : memref<40x128xi32, #tpu.memory_space<hbm>>) target(%arg11 : memref<40x128xi32, #tpu.memory_space<vmem>>) target_semaphore(%run_scoped3A_117 : memref<!tpu.dma_semaphore, #tpu.memory_space<semaphore_mem>>)
      %dma_wait3A = arith.constant 0 : i32
      %dma_wait3A_126 = arith.constant 0 : i32
      %dma_wait3A_127 = tpu.memref_slice %arg3[%add3A, %dma_wait3A, %dma_wait3A_126] : memref<32x40x128xi32, #tpu.memory_space<hbm>> -> memref<1x40x128xi32, #tpu.memory_space<hbm>>
      %dma_wait3A_128 = tpu.memref_squeeze %dma_wait3A_127 : memref<1x40x128xi32, #tpu.memory_space<hbm>> -> memref<40x128xi32, #tpu.memory_space<hbm>>
      %dma_wait3A_129 = arith.constant 0 : i32
      %dma_wait3A_130 = arith.constant 0 : i32
      %dma_wait3A_131 = tpu.memref_slice %arg3[%add3A, %dma_wait3A_129, %dma_wait3A_130] : memref<32x40x128xi32, #tpu.memory_space<hbm>> -> memref<1x40x128xi32, #tpu.memory_space<hbm>>
      %dma_wait3A_132 = tpu.memref_squeeze %dma_wait3A_131 : memref<1x40x128xi32, #tpu.memory_space<hbm>> -> memref<40x128xi32, #tpu.memory_space<hbm>>
      tpu.wait_dma2 semaphore(%run_scoped3A_117 : memref<!tpu.dma_semaphore, #tpu.memory_space<semaphore_mem>>) src(%dma_wait3A_132 : memref<40x128xi32, #tpu.memory_space<hbm>>) dst(%arg11 : memref<40x128xi32, #tpu.memory_space<vmem>>)
      tpu.yield
    }) : () -> ()
    %barrier3A = arith.constant 0 : index
    tpu.barrier barrier_id(%barrier3A)
    %mul3A_1 = arith.constant 640 : i32
    %mul3A_2 = arith.muli %arg1, %mul3A_1 : i32
    "tpu.region"() ({
      %run_scoped3A_117 = tpu.sem_alloc : memref<!tpu.dma_semaphore, #tpu.memory_space<semaphore_mem>>
      %dma_start3A_118 = arith.constant 0 : i32
      %dma_start3A_119 = tpu.memref_slice %arg14[%mul3A_2, %dma_start3A_118] : memref<10240x128xf32, #tpu.memory_space<vmem_shared>> -> memref<640x128xf32, #tpu.memory_space<vmem_shared>>
      tpu.enqueue_dma source(%arg4 : memref<640x128xf32, #tpu.memory_space<hbm>>) target(%dma_start3A_119 : memref<640x128xf32, #tpu.memory_space<vmem_shared>>) target_semaphore(%run_scoped3A_117 : memref<!tpu.dma_semaphore, #tpu.memory_space<semaphore_mem>>)
      %dma_wait3A = arith.constant 0 : i32
      %dma_wait3A_120 = tpu.memref_slice %arg14[%mul3A_2, %dma_wait3A] : memref<10240x128xf32, #tpu.memory_space<vmem_shared>> -> memref<640x128xf32, #tpu.memory_space<vmem_shared>>
      tpu.wait_dma2 semaphore(%run_scoped3A_117 : memref<!tpu.dma_semaphore, #tpu.memory_space<semaphore_mem>>) src(%arg4 : memref<640x128xf32, #tpu.memory_space<hbm>>) dst(%dma_wait3A_120 : memref<640x128xf32, #tpu.memory_space<vmem_shared>>)
      tpu.yield
    }) : () -> ()
    %barrier3A_3 = arith.constant 0 : index
    tpu.barrier barrier_id(%barrier3A_3)
    %dma_start3A = arith.constant 0 : i32
    %dma_start3A_4 = arith.constant 0 : i32
    %dma_start3A_5 = tpu.memref_slice %arg10[%dma_start3A, %dma_start3A_4] : memref<40x128xi32, #tpu.memory_space<vmem>> -> memref<1x128xi32, #tpu.memory_space<vmem>>
    %dma_start3A_6 = tpu.memref_squeeze %dma_start3A_5 : memref<1x128xi32, #tpu.memory_space<vmem>> -> memref<128xi32, #tpu.memory_space<vmem>>
    %dma_start3A_7 = arith.constant 0 : i32
    %dma_start3A_8 = arith.constant 0 : i32
    %dma_start3A_9 = tpu.memref_slice %arg5[%dma_start3A_7, %dma_start3A_8] : memref<10000x128xf32, #tpu.memory_space<hbm>> -> memref<10000x128xf32, #tpu.memory_space<hbm>>
    tpu.enqueue_indirect_dma source(%dma_start3A_9 : memref<10000x128xf32, #tpu.memory_space<hbm>>) target(%arg12 : memref<128x128xf32, #tpu.memory_space<vmem>>) offsets(%dma_start3A_6 : memref<128xi32, #tpu.memory_space<vmem>>) semaphore(%arg15 : memref<!tpu.dma_semaphore, #tpu.memory_space<semaphore_mem>>)
    %dma_start3A_10 = arith.constant 1 : i32
    %dma_start3A_11 = arith.constant 0 : i32
    %dma_start3A_12 = tpu.memref_slice %arg10[%dma_start3A_10, %dma_start3A_11] : memref<40x128xi32, #tpu.memory_space<vmem>> -> memref<1x128xi32, #tpu.memory_space<vmem>>
    %dma_start3A_13 = tpu.memref_squeeze %dma_start3A_12 : memref<1x128xi32, #tpu.memory_space<vmem>> -> memref<128xi32, #tpu.memory_space<vmem>>
    %dma_start3A_14 = arith.constant 0 : i32
    %dma_start3A_15 = arith.constant 0 : i32
    %dma_start3A_16 = tpu.memref_slice %arg5[%dma_start3A_14, %dma_start3A_15] : memref<10000x128xf32, #tpu.memory_space<hbm>> -> memref<10000x128xf32, #tpu.memory_space<hbm>>
    tpu.enqueue_indirect_dma source(%dma_start3A_16 : memref<10000x128xf32, #tpu.memory_space<hbm>>) target(%arg13 : memref<128x128xf32, #tpu.memory_space<vmem>>) offsets(%dma_start3A_13 : memref<128xi32, #tpu.memory_space<vmem>>) semaphore(%arg16 : memref<!tpu.dma_semaphore, #tpu.memory_space<semaphore_mem>>)
    %scan3A = arith.constant 0 : i32
    %scan3A_17 = arith.constant 0 : i32
    %scan3A_18 = arith.constant 20 : i32
    %scan3A_19 = arith.addi %scan3A_17, %scan3A_18 : i32
    %scan3A_20 = arith.constant 1 : i32
    scf.for %scan3A_117 = %scan3A_17 to %scan3A_19 step %scan3A_20  : i32 {
      %mul3A_118 = arith.constant 2 : i32
      %mul3A_119 = arith.muli %mul3A_118, %scan3A_117 : i32
      %mul3A_120 = arith.constant 1 : i32
      %mul3A_121 = arith.muli %mul3A_119, %mul3A_120 : i32
      %add3A_122 = arith.constant 0 : i32
      %add3A_123 = arith.addi %mul3A_121, %add3A_122 : i32
      %dma_wait3A = arith.constant 0 : i32
      %dma_wait3A_124 = tpu.memref_slice %arg10[%add3A_123, %dma_wait3A] : memref<40x128xi32, #tpu.memory_space<vmem>> -> memref<1x128xi32, #tpu.memory_space<vmem>>
      %dma_wait3A_125 = tpu.memref_squeeze %dma_wait3A_124 : memref<1x128xi32, #tpu.memory_space<vmem>> -> memref<128xi32, #tpu.memory_space<vmem>>
      %dma_wait3A_126 = arith.constant 0 : i32
      %dma_wait3A_127 = arith.constant 0 : i32
      %dma_wait3A_128 = tpu.memref_slice %arg5[%dma_wait3A_126, %dma_wait3A_127] : memref<10000x128xf32, #tpu.memory_space<hbm>> -> memref<10000x128xf32, #tpu.memory_space<hbm>>
      tpu.wait_indirect_dma semaphore(%arg15 : memref<!tpu.dma_semaphore, #tpu.memory_space<semaphore_mem>>) src(%dma_wait3A_128 : memref<10000x128xf32, #tpu.memory_space<hbm>>) dst(%arg12 : memref<128x128xf32, #tpu.memory_space<vmem>>)
      %mul3A_129 = arith.constant 1 : i32
      %mul3A_130 = arith.muli %mul3A_119, %mul3A_129 : i32
      %add3A_131 = arith.constant 0 : i32
      %add3A_132 = arith.addi %mul3A_130, %add3A_131 : i32
      %dma_start3A_133 = arith.constant 0 : i32
      %dma_start3A_134 = tpu.memref_slice %arg11[%add3A_132, %dma_start3A_133] : memref<40x128xi32, #tpu.memory_space<vmem>> -> memref<1x128xi32, #tpu.memory_space<vmem>>
      %dma_start3A_135 = tpu.memref_squeeze %dma_start3A_134 : memref<1x128xi32, #tpu.memory_space<vmem>> -> memref<128xi32, #tpu.memory_space<vmem>>
      %dma_start3A_136 = arith.constant 0 : i32
      %dma_start3A_137 = arith.constant 0 : i32
      %dma_start3A_138 = tpu.memref_slice %arg14[%dma_start3A_136, %dma_start3A_137] : memref<10240x128xf32, #tpu.memory_space<vmem_shared>> -> memref<10240x128xf32, #tpu.memory_space<vmem_shared>>
      tpu.enqueue_indirect_dma source(%arg12 : memref<128x128xf32, #tpu.memory_space<vmem>>) target(%dma_start3A_138 : memref<10240x128xf32, #tpu.memory_space<vmem_shared>>) offsets(%dma_start3A_135 : memref<128xi32, #tpu.memory_space<vmem>>) semaphore(%arg17 : memref<!tpu.dma_semaphore, #tpu.memory_space<semaphore_mem>>) {add = true}
      %mul3A_139 = arith.constant 1 : i32
      %mul3A_140 = arith.muli %mul3A_119, %mul3A_139 : i32
      %add3A_141 = arith.constant 0 : i32
      %add3A_142 = arith.addi %mul3A_140, %add3A_141 : i32
      %dma_wait3A_143 = arith.constant 0 : i32
      %dma_wait3A_144 = tpu.memref_slice %arg11[%add3A_142, %dma_wait3A_143] : memref<40x128xi32, #tpu.memory_space<vmem>> -> memref<1x128xi32, #tpu.memory_space<vmem>>
      %dma_wait3A_145 = tpu.memref_squeeze %dma_wait3A_144 : memref<1x128xi32, #tpu.memory_space<vmem>> -> memref<128xi32, #tpu.memory_space<vmem>>
      %dma_wait3A_146 = arith.constant 0 : i32
      %dma_wait3A_147 = arith.constant 0 : i32
      %dma_wait3A_148 = tpu.memref_slice %arg14[%dma_wait3A_146, %dma_wait3A_147] : memref<10240x128xf32, #tpu.memory_space<vmem_shared>> -> memref<10240x128xf32, #tpu.memory_space<vmem_shared>>
      tpu.wait_indirect_dma semaphore(%arg17 : memref<!tpu.dma_semaphore, #tpu.memory_space<semaphore_mem>>) src(%arg12 : memref<128x128xf32, #tpu.memory_space<vmem>>) dst(%dma_wait3A_148 : memref<10240x128xf32, #tpu.memory_space<vmem_shared>>)
      %lt3A = arith.constant 19 : i32
      %lt3A_149 = arith.cmpi slt, %scan3A_117, %lt3A : i32
      %convert_element_type3A = arith.extui %lt3A_149 : i1 to i32
      %cond3A = arith.constant 0 : i32
      %cond3A_150 = arith.cmpi ne, %convert_element_type3A, %cond3A : i32
      scf.if %cond3A_150 {
        %add3A_192 = arith.constant 2 : i32
        %add3A_193 = arith.addi %mul3A_119, %add3A_192 : i32
        %mul3A_194 = arith.constant 1 : i32
        %mul3A_195 = arith.muli %add3A_193, %mul3A_194 : i32
        %add3A_196 = arith.constant 0 : i32
        %add3A_197 = arith.addi %mul3A_195, %add3A_196 : i32
        %dma_start3A_198 = arith.constant 0 : i32
        %dma_start3A_199 = tpu.memref_slice %arg10[%add3A_197, %dma_start3A_198] : memref<40x128xi32, #tpu.memory_space<vmem>> -> memref<1x128xi32, #tpu.memory_space<vmem>>
        %dma_start3A_200 = tpu.memref_squeeze %dma_start3A_199 : memref<1x128xi32, #tpu.memory_space<vmem>> -> memref<128xi32, #tpu.memory_space<vmem>>
        %dma_start3A_201 = arith.constant 0 : i32
        %dma_start3A_202 = arith.constant 0 : i32
        %dma_start3A_203 = tpu.memref_slice %arg5[%dma_start3A_201, %dma_start3A_202] : memref<10000x128xf32, #tpu.memory_space<hbm>> -> memref<10000x128xf32, #tpu.memory_space<hbm>>
        tpu.enqueue_indirect_dma source(%dma_start3A_203 : memref<10000x128xf32, #tpu.memory_space<hbm>>) target(%arg12 : memref<128x128xf32, #tpu.memory_space<vmem>>) offsets(%dma_start3A_200 : memref<128xi32, #tpu.memory_space<vmem>>) semaphore(%arg15 : memref<!tpu.dma_semaphore, #tpu.memory_space<semaphore_mem>>)
      } else {
      }
      %add3A_151 = arith.constant 1 : i32
      %add3A_152 = arith.addi %mul3A_119, %add3A_151 : i32
      %mul3A_153 = arith.constant 1 : i32
      %mul3A_154 = arith.muli %add3A_152, %mul3A_153 : i32
      %add3A_155 = arith.constant 0 : i32
      %add3A_156 = arith.addi %mul3A_154, %add3A_155 : i32
      %dma_wait3A_157 = arith.constant 0 : i32
      %dma_wait3A_158 = tpu.memref_slice %arg10[%add3A_156, %dma_wait3A_157] : memref<40x128xi32, #tpu.memory_space<vmem>> -> memref<1x128xi32, #tpu.memory_space<vmem>>
      %dma_wait3A_159 = tpu.memref_squeeze %dma_wait3A_158 : memref<1x128xi32, #tpu.memory_space<vmem>> -> memref<128xi32, #tpu.memory_space<vmem>>
      %dma_wait3A_160 = arith.constant 0 : i32
      %dma_wait3A_161 = arith.constant 0 : i32
      %dma_wait3A_162 = tpu.memref_slice %arg5[%dma_wait3A_160, %dma_wait3A_161] : memref<10000x128xf32, #tpu.memory_space<hbm>> -> memref<10000x128xf32, #tpu.memory_space<hbm>>
      tpu.wait_indirect_dma semaphore(%arg16 : memref<!tpu.dma_semaphore, #tpu.memory_space<semaphore_mem>>) src(%dma_wait3A_162 : memref<10000x128xf32, #tpu.memory_space<hbm>>) dst(%arg13 : memref<128x128xf32, #tpu.memory_space<vmem>>)
      %add3A_163 = arith.constant 1 : i32
      %add3A_164 = arith.addi %mul3A_119, %add3A_163 : i32
      %mul3A_165 = arith.constant 1 : i32
      %mul3A_166 = arith.muli %add3A_164, %mul3A_165 : i32
      %add3A_167 = arith.constant 0 : i32
      %add3A_168 = arith.addi %mul3A_166, %add3A_167 : i32
      %dma_start3A_169 = arith.constant 0 : i32
      %dma_start3A_170 = tpu.memref_slice %arg11[%add3A_168, %dma_start3A_169] : memref<40x128xi32, #tpu.memory_space<vmem>> -> memref<1x128xi32, #tpu.memory_space<vmem>>
      %dma_start3A_171 = tpu.memref_squeeze %dma_start3A_170 : memref<1x128xi32, #tpu.memory_space<vmem>> -> memref<128xi32, #tpu.memory_space<vmem>>
      %dma_start3A_172 = arith.constant 0 : i32
      %dma_start3A_173 = arith.constant 0 : i32
      %dma_start3A_174 = tpu.memref_slice %arg14[%dma_start3A_172, %dma_start3A_173] : memref<10240x128xf32, #tpu.memory_space<vmem_shared>> -> memref<10240x128xf32, #tpu.memory_space<vmem_shared>>
      tpu.enqueue_indirect_dma source(%arg13 : memref<128x128xf32, #tpu.memory_space<vmem>>) target(%dma_start3A_174 : memref<10240x128xf32, #tpu.memory_space<vmem_shared>>) offsets(%dma_start3A_171 : memref<128xi32, #tpu.memory_space<vmem>>) semaphore(%arg18 : memref<!tpu.dma_semaphore, #tpu.memory_space<semaphore_mem>>) {add = true}
      %add3A_175 = arith.constant 1 : i32
      %add3A_176 = arith.addi %mul3A_119, %add3A_175 : i32
      %mul3A_177 = arith.constant 1 : i32
      %mul3A_178 = arith.muli %add3A_176, %mul3A_177 : i32
      %add3A_179 = arith.constant 0 : i32
      %add3A_180 = arith.addi %mul3A_178, %add3A_179 : i32
      %dma_wait3A_181 = arith.constant 0 : i32
      %dma_wait3A_182 = tpu.memref_slice %arg11[%add3A_180, %dma_wait3A_181] : memref<40x128xi32, #tpu.memory_space<vmem>> -> memref<1x128xi32, #tpu.memory_space<vmem>>
      %dma_wait3A_183 = tpu.memref_squeeze %dma_wait3A_182 : memref<1x128xi32, #tpu.memory_space<vmem>> -> memref<128xi32, #tpu.memory_space<vmem>>
      %dma_wait3A_184 = arith.constant 0 : i32
      %dma_wait3A_185 = arith.constant 0 : i32
      %dma_wait3A_186 = tpu.memref_slice %arg14[%dma_wait3A_184, %dma_wait3A_185] : memref<10240x128xf32, #tpu.memory_space<vmem_shared>> -> memref<10240x128xf32, #tpu.memory_space<vmem_shared>>
      tpu.wait_indirect_dma semaphore(%arg18 : memref<!tpu.dma_semaphore, #tpu.memory_space<semaphore_mem>>) src(%arg13 : memref<128x128xf32, #tpu.memory_space<vmem>>) dst(%dma_wait3A_186 : memref<10240x128xf32, #tpu.memory_space<vmem_shared>>)
      %lt3A_187 = arith.constant 19 : i32
      %lt3A_188 = arith.cmpi slt, %scan3A_117, %lt3A_187 : i32
      %convert_element_type3A_189 = arith.extui %lt3A_188 : i1 to i32
      %cond3A_190 = arith.constant 0 : i32
      %cond3A_191 = arith.cmpi ne, %convert_element_type3A_189, %cond3A_190 : i32
      scf.if %cond3A_191 {
        %add3A_192 = arith.constant 3 : i32
        %add3A_193 = arith.addi %mul3A_119, %add3A_192 : i32
        %mul3A_194 = arith.constant 1 : i32
        %mul3A_195 = arith.muli %add3A_193, %mul3A_194 : i32
        %add3A_196 = arith.constant 0 : i32
        %add3A_197 = arith.addi %mul3A_195, %add3A_196 : i32
        %dma_start3A_198 = arith.constant 0 : i32
        %dma_start3A_199 = tpu.memref_slice %arg10[%add3A_197, %dma_start3A_198] : memref<40x128xi32, #tpu.memory_space<vmem>> -> memref<1x128xi32, #tpu.memory_space<vmem>>
        %dma_start3A_200 = tpu.memref_squeeze %dma_start3A_199 : memref<1x128xi32, #tpu.memory_space<vmem>> -> memref<128xi32, #tpu.memory_space<vmem>>
        %dma_start3A_201 = arith.constant 0 : i32
        %dma_start3A_202 = arith.constant 0 : i32
        %dma_start3A_203 = tpu.memref_slice %arg5[%dma_start3A_201, %dma_start3A_202] : memref<10000x128xf32, #tpu.memory_space<hbm>> -> memref<10000x128xf32, #tpu.memory_space<hbm>>
        tpu.enqueue_indirect_dma source(%dma_start3A_203 : memref<10000x128xf32, #tpu.memory_space<hbm>>) target(%arg13 : memref<128x128xf32, #tpu.memory_space<vmem>>) offsets(%dma_start3A_200 : memref<128xi32, #tpu.memory_space<vmem>>) semaphore(%arg16 : memref<!tpu.dma_semaphore, #tpu.memory_space<semaphore_mem>>)
      } else {
      }
    }
    %scan3A_21 = arith.constant 20 : i32
    %barrier3A_22 = arith.constant 0 : index
    tpu.barrier barrier_id(%barrier3A_22)
    %mul3A_23 = arith.constant 640 : i32
    %mul3A_24 = arith.muli %arg1, %mul3A_23 : i32
    %mul3A_25 = arith.constant 640 : i32
    %mul3A_26 = arith.muli %arg1, %mul3A_25 : i32
    %run_scoped3A = arith.constant 0 : i32
    "tpu.region"() ({
      %run_scoped3A_117 = tpu.sem_alloc : memref<!tpu.dma_semaphore, #tpu.memory_space<semaphore_mem>>
      %dma_start3A_118 = arith.constant 0 : i32
      %dma_start3A_119 = tpu.memref_slice %arg9[%arg0, %run_scoped3A, %mul3A_26, %dma_start3A_118] : memref<2x4x10240x128xf32, #tpu.memory_space<hbm>> -> memref<1x1x640x128xf32, #tpu.memory_space<hbm>>
      %dma_start3A_120 = tpu.memref_squeeze %dma_start3A_119 : memref<1x1x640x128xf32, #tpu.memory_space<hbm>> -> memref<640x128xf32, #tpu.memory_space<hbm>>
      %dma_start3A_121 = arith.constant 0 : i32
      %dma_start3A_122 = tpu.memref_slice %arg14[%mul3A_24, %dma_start3A_121] : memref<10240x128xf32, #tpu.memory_space<vmem_shared>> -> memref<640x128xf32, #tpu.memory_space<vmem_shared>>
      tpu.enqueue_dma source(%dma_start3A_122 : memref<640x128xf32, #tpu.memory_space<vmem_shared>>) target(%dma_start3A_120 : memref<640x128xf32, #tpu.memory_space<hbm>>) target_semaphore(%run_scoped3A_117 : memref<!tpu.dma_semaphore, #tpu.memory_space<semaphore_mem>>)
      %dma_wait3A = arith.constant 0 : i32
      %dma_wait3A_123 = tpu.memref_slice %arg9[%arg0, %run_scoped3A, %mul3A_26, %dma_wait3A] : memref<2x4x10240x128xf32, #tpu.memory_space<hbm>> -> memref<1x1x640x128xf32, #tpu.memory_space<hbm>>
      %dma_wait3A_124 = tpu.memref_squeeze %dma_wait3A_123 : memref<1x1x640x128xf32, #tpu.memory_space<hbm>> -> memref<640x128xf32, #tpu.memory_space<hbm>>
      %dma_wait3A_125 = arith.constant 0 : i32
      %dma_wait3A_126 = tpu.memref_slice %arg14[%mul3A_24, %dma_wait3A_125] : memref<10240x128xf32, #tpu.memory_space<vmem_shared>> -> memref<640x128xf32, #tpu.memory_space<vmem_shared>>
      tpu.wait_dma2 semaphore(%run_scoped3A_117 : memref<!tpu.dma_semaphore, #tpu.memory_space<semaphore_mem>>) src(%dma_wait3A_126 : memref<640x128xf32, #tpu.memory_space<vmem_shared>>) dst(%dma_wait3A_124 : memref<640x128xf32, #tpu.memory_space<hbm>>)
      tpu.yield
    }) : () -> ()
    %barrier3A_27 = arith.constant 0 : index
    tpu.barrier barrier_id(%barrier3A_27)
    %mul3A_28 = arith.constant 640 : i32
    %mul3A_29 = arith.muli %arg1, %mul3A_28 : i32
    "tpu.region"() ({
      %run_scoped3A_117 = tpu.sem_alloc : memref<!tpu.dma_semaphore, #tpu.memory_space<semaphore_mem>>
      %dma_start3A_118 = arith.constant 0 : i32
      %dma_start3A_119 = tpu.memref_slice %arg14[%mul3A_29, %dma_start3A_118] : memref<10240x128xf32, #tpu.memory_space<vmem_shared>> -> memref<640x128xf32, #tpu.memory_space<vmem_shared>>
      tpu.enqueue_dma source(%arg4 : memref<640x128xf32, #tpu.memory_space<hbm>>) target(%dma_start3A_119 : memref<640x128xf32, #tpu.memory_space<vmem_shared>>) target_semaphore(%run_scoped3A_117 : memref<!tpu.dma_semaphore, #tpu.memory_space<semaphore_mem>>)
      %dma_wait3A = arith.constant 0 : i32
      %dma_wait3A_120 = tpu.memref_slice %arg14[%mul3A_29, %dma_wait3A] : memref<10240x128xf32, #tpu.memory_space<vmem_shared>> -> memref<640x128xf32, #tpu.memory_space<vmem_shared>>
      tpu.wait_dma2 semaphore(%run_scoped3A_117 : memref<!tpu.dma_semaphore, #tpu.memory_space<semaphore_mem>>) src(%arg4 : memref<640x128xf32, #tpu.memory_space<hbm>>) dst(%dma_wait3A_120 : memref<640x128xf32, #tpu.memory_space<vmem_shared>>)
      tpu.yield
    }) : () -> ()
    %barrier3A_30 = arith.constant 0 : index
    tpu.barrier barrier_id(%barrier3A_30)
    %dma_start3A_31 = arith.constant 0 : i32
    %dma_start3A_32 = arith.constant 0 : i32
    %dma_start3A_33 = tpu.memref_slice %arg10[%dma_start3A_31, %dma_start3A_32] : memref<40x128xi32, #tpu.memory_space<vmem>> -> memref<1x128xi32, #tpu.memory_space<vmem>>
    %dma_start3A_34 = tpu.memref_squeeze %dma_start3A_33 : memref<1x128xi32, #tpu.memory_space<vmem>> -> memref<128xi32, #tpu.memory_space<vmem>>
    %dma_start3A_35 = arith.constant 0 : i32
    %dma_start3A_36 = arith.constant 0 : i32
    %dma_start3A_37 = tpu.memref_slice %arg6[%dma_start3A_35, %dma_start3A_36] : memref<10000x128xf32, #tpu.memory_space<hbm>> -> memref<10000x128xf32, #tpu.memory_space<hbm>>
    tpu.enqueue_indirect_dma source(%dma_start3A_37 : memref<10000x128xf32, #tpu.memory_space<hbm>>) target(%arg12 : memref<128x128xf32, #tpu.memory_space<vmem>>) offsets(%dma_start3A_34 : memref<128xi32, #tpu.memory_space<vmem>>) semaphore(%arg15 : memref<!tpu.dma_semaphore, #tpu.memory_space<semaphore_mem>>)
    %dma_start3A_38 = arith.constant 1 : i32
    %dma_start3A_39 = arith.constant 0 : i32
    %dma_start3A_40 = tpu.memref_slice %arg10[%dma_start3A_38, %dma_start3A_39] : memref<40x128xi32, #tpu.memory_space<vmem>> -> memref<1x128xi32, #tpu.memory_space<vmem>>
    %dma_start3A_41 = tpu.memref_squeeze %dma_start3A_40 : memref<1x128xi32, #tpu.memory_space<vmem>> -> memref<128xi32, #tpu.memory_space<vmem>>
    %dma_start3A_42 = arith.constant 0 : i32
    %dma_start3A_43 = arith.constant 0 : i32
    %dma_start3A_44 = tpu.memref_slice %arg6[%dma_start3A_42, %dma_start3A_43] : memref<10000x128xf32, #tpu.memory_space<hbm>> -> memref<10000x128xf32, #tpu.memory_space<hbm>>
    tpu.enqueue_indirect_dma source(%dma_start3A_44 : memref<10000x128xf32, #tpu.memory_space<hbm>>) target(%arg13 : memref<128x128xf32, #tpu.memory_space<vmem>>) offsets(%dma_start3A_41 : memref<128xi32, #tpu.memory_space<vmem>>) semaphore(%arg16 : memref<!tpu.dma_semaphore, #tpu.memory_space<semaphore_mem>>)
    %scan3A_45 = arith.constant 0 : i32
    %scan3A_46 = arith.constant 0 : i32
    %scan3A_47 = arith.constant 20 : i32
    %scan3A_48 = arith.addi %scan3A_46, %scan3A_47 : i32
    %scan3A_49 = arith.constant 1 : i32
    scf.for %scan3A_117 = %scan3A_46 to %scan3A_48 step %scan3A_49  : i32 {
      %mul3A_118 = arith.constant 2 : i32
      %mul3A_119 = arith.muli %mul3A_118, %scan3A_117 : i32
      %mul3A_120 = arith.constant 1 : i32
      %mul3A_121 = arith.muli %mul3A_119, %mul3A_120 : i32
      %add3A_122 = arith.constant 0 : i32
      %add3A_123 = arith.addi %mul3A_121, %add3A_122 : i32
      %dma_wait3A = arith.constant 0 : i32
      %dma_wait3A_124 = tpu.memref_slice %arg10[%add3A_123, %dma_wait3A] : memref<40x128xi32, #tpu.memory_space<vmem>> -> memref<1x128xi32, #tpu.memory_space<vmem>>
      %dma_wait3A_125 = tpu.memref_squeeze %dma_wait3A_124 : memref<1x128xi32, #tpu.memory_space<vmem>> -> memref<128xi32, #tpu.memory_space<vmem>>
      %dma_wait3A_126 = arith.constant 0 : i32
      %dma_wait3A_127 = arith.constant 0 : i32
      %dma_wait3A_128 = tpu.memref_slice %arg6[%dma_wait3A_126, %dma_wait3A_127] : memref<10000x128xf32, #tpu.memory_space<hbm>> -> memref<10000x128xf32, #tpu.memory_space<hbm>>
      tpu.wait_indirect_dma semaphore(%arg15 : memref<!tpu.dma_semaphore, #tpu.memory_space<semaphore_mem>>) src(%dma_wait3A_128 : memref<10000x128xf32, #tpu.memory_space<hbm>>) dst(%arg12 : memref<128x128xf32, #tpu.memory_space<vmem>>)
      %mul3A_129 = arith.constant 1 : i32
      %mul3A_130 = arith.muli %mul3A_119, %mul3A_129 : i32
      %add3A_131 = arith.constant 0 : i32
      %add3A_132 = arith.addi %mul3A_130, %add3A_131 : i32
      %dma_start3A_133 = arith.constant 0 : i32
      %dma_start3A_134 = tpu.memref_slice %arg11[%add3A_132, %dma_start3A_133] : memref<40x128xi32, #tpu.memory_space<vmem>> -> memref<1x128xi32, #tpu.memory_space<vmem>>
      %dma_start3A_135 = tpu.memref_squeeze %dma_start3A_134 : memref<1x128xi32, #tpu.memory_space<vmem>> -> memref<128xi32, #tpu.memory_space<vmem>>
      %dma_start3A_136 = arith.constant 0 : i32
      %dma_start3A_137 = arith.constant 0 : i32
      %dma_start3A_138 = tpu.memref_slice %arg14[%dma_start3A_136, %dma_start3A_137] : memref<10240x128xf32, #tpu.memory_space<vmem_shared>> -> memref<10240x128xf32, #tpu.memory_space<vmem_shared>>
      tpu.enqueue_indirect_dma source(%arg12 : memref<128x128xf32, #tpu.memory_space<vmem>>) target(%dma_start3A_138 : memref<10240x128xf32, #tpu.memory_space<vmem_shared>>) offsets(%dma_start3A_135 : memref<128xi32, #tpu.memory_space<vmem>>) semaphore(%arg17 : memref<!tpu.dma_semaphore, #tpu.memory_space<semaphore_mem>>) {add = true}
      %mul3A_139 = arith.constant 1 : i32
      %mul3A_140 = arith.muli %mul3A_119, %mul3A_139 : i32
      %add3A_141 = arith.constant 0 : i32
      %add3A_142 = arith.addi %mul3A_140, %add3A_141 : i32
      %dma_wait3A_143 = arith.constant 0 : i32
      %dma_wait3A_144 = tpu.memref_slice %arg11[%add3A_142, %dma_wait3A_143] : memref<40x128xi32, #tpu.memory_space<vmem>> -> memref<1x128xi32, #tpu.memory_space<vmem>>
      %dma_wait3A_145 = tpu.memref_squeeze %dma_wait3A_144 : memref<1x128xi32, #tpu.memory_space<vmem>> -> memref<128xi32, #tpu.memory_space<vmem>>
      %dma_wait3A_146 = arith.constant 0 : i32
      %dma_wait3A_147 = arith.constant 0 : i32
      %dma_wait3A_148 = tpu.memref_slice %arg14[%dma_wait3A_146, %dma_wait3A_147] : memref<10240x128xf32, #tpu.memory_space<vmem_shared>> -> memref<10240x128xf32, #tpu.memory_space<vmem_shared>>
      tpu.wait_indirect_dma semaphore(%arg17 : memref<!tpu.dma_semaphore, #tpu.memory_space<semaphore_mem>>) src(%arg12 : memref<128x128xf32, #tpu.memory_space<vmem>>) dst(%dma_wait3A_148 : memref<10240x128xf32, #tpu.memory_space<vmem_shared>>)
      %lt3A = arith.constant 19 : i32
      %lt3A_149 = arith.cmpi slt, %scan3A_117, %lt3A : i32
      %convert_element_type3A = arith.extui %lt3A_149 : i1 to i32
      %cond3A = arith.constant 0 : i32
      %cond3A_150 = arith.cmpi ne, %convert_element_type3A, %cond3A : i32
      scf.if %cond3A_150 {
        %add3A_192 = arith.constant 2 : i32
        %add3A_193 = arith.addi %mul3A_119, %add3A_192 : i32
        %mul3A_194 = arith.constant 1 : i32
        %mul3A_195 = arith.muli %add3A_193, %mul3A_194 : i32
        %add3A_196 = arith.constant 0 : i32
        %add3A_197 = arith.addi %mul3A_195, %add3A_196 : i32
        %dma_start3A_198 = arith.constant 0 : i32
        %dma_start3A_199 = tpu.memref_slice %arg10[%add3A_197, %dma_start3A_198] : memref<40x128xi32, #tpu.memory_space<vmem>> -> memref<1x128xi32, #tpu.memory_space<vmem>>
        %dma_start3A_200 = tpu.memref_squeeze %dma_start3A_199 : memref<1x128xi32, #tpu.memory_space<vmem>> -> memref<128xi32, #tpu.memory_space<vmem>>
        %dma_start3A_201 = arith.constant 0 : i32
        %dma_start3A_202 = arith.constant 0 : i32
        %dma_start3A_203 = tpu.memref_slice %arg6[%dma_start3A_201, %dma_start3A_202] : memref<10000x128xf32, #tpu.memory_space<hbm>> -> memref<10000x128xf32, #tpu.memory_space<hbm>>
        tpu.enqueue_indirect_dma source(%dma_start3A_203 : memref<10000x128xf32, #tpu.memory_space<hbm>>) target(%arg12 : memref<128x128xf32, #tpu.memory_space<vmem>>) offsets(%dma_start3A_200 : memref<128xi32, #tpu.memory_space<vmem>>) semaphore(%arg15 : memref<!tpu.dma_semaphore, #tpu.memory_space<semaphore_mem>>)
      } else {
      }
      %add3A_151 = arith.constant 1 : i32
      %add3A_152 = arith.addi %mul3A_119, %add3A_151 : i32
      %mul3A_153 = arith.constant 1 : i32
      %mul3A_154 = arith.muli %add3A_152, %mul3A_153 : i32
      %add3A_155 = arith.constant 0 : i32
      %add3A_156 = arith.addi %mul3A_154, %add3A_155 : i32
      %dma_wait3A_157 = arith.constant 0 : i32
      %dma_wait3A_158 = tpu.memref_slice %arg10[%add3A_156, %dma_wait3A_157] : memref<40x128xi32, #tpu.memory_space<vmem>> -> memref<1x128xi32, #tpu.memory_space<vmem>>
      %dma_wait3A_159 = tpu.memref_squeeze %dma_wait3A_158 : memref<1x128xi32, #tpu.memory_space<vmem>> -> memref<128xi32, #tpu.memory_space<vmem>>
      %dma_wait3A_160 = arith.constant 0 : i32
      %dma_wait3A_161 = arith.constant 0 : i32
      %dma_wait3A_162 = tpu.memref_slice %arg6[%dma_wait3A_160, %dma_wait3A_161] : memref<10000x128xf32, #tpu.memory_space<hbm>> -> memref<10000x128xf32, #tpu.memory_space<hbm>>
      tpu.wait_indirect_dma semaphore(%arg16 : memref<!tpu.dma_semaphore, #tpu.memory_space<semaphore_mem>>) src(%dma_wait3A_162 : memref<10000x128xf32, #tpu.memory_space<hbm>>) dst(%arg13 : memref<128x128xf32, #tpu.memory_space<vmem>>)
      %add3A_163 = arith.constant 1 : i32
      %add3A_164 = arith.addi %mul3A_119, %add3A_163 : i32
      %mul3A_165 = arith.constant 1 : i32
      %mul3A_166 = arith.muli %add3A_164, %mul3A_165 : i32
      %add3A_167 = arith.constant 0 : i32
      %add3A_168 = arith.addi %mul3A_166, %add3A_167 : i32
      %dma_start3A_169 = arith.constant 0 : i32
      %dma_start3A_170 = tpu.memref_slice %arg11[%add3A_168, %dma_start3A_169] : memref<40x128xi32, #tpu.memory_space<vmem>> -> memref<1x128xi32, #tpu.memory_space<vmem>>
      %dma_start3A_171 = tpu.memref_squeeze %dma_start3A_170 : memref<1x128xi32, #tpu.memory_space<vmem>> -> memref<128xi32, #tpu.memory_space<vmem>>
      %dma_start3A_172 = arith.constant 0 : i32
      %dma_start3A_173 = arith.constant 0 : i32
      %dma_start3A_174 = tpu.memref_slice %arg14[%dma_start3A_172, %dma_start3A_173] : memref<10240x128xf32, #tpu.memory_space<vmem_shared>> -> memref<10240x128xf32, #tpu.memory_space<vmem_shared>>
      tpu.enqueue_indirect_dma source(%arg13 : memref<128x128xf32, #tpu.memory_space<vmem>>) target(%dma_start3A_174 : memref<10240x128xf32, #tpu.memory_space<vmem_shared>>) offsets(%dma_start3A_171 : memref<128xi32, #tpu.memory_space<vmem>>) semaphore(%arg18 : memref<!tpu.dma_semaphore, #tpu.memory_space<semaphore_mem>>) {add = true}
      %add3A_175 = arith.constant 1 : i32
      %add3A_176 = arith.addi %mul3A_119, %add3A_175 : i32
      %mul3A_177 = arith.constant 1 : i32
      %mul3A_178 = arith.muli %add3A_176, %mul3A_177 : i32
      %add3A_179 = arith.constant 0 : i32
      %add3A_180 = arith.addi %mul3A_178, %add3A_179 : i32
      %dma_wait3A_181 = arith.constant 0 : i32
      %dma_wait3A_182 = tpu.memref_slice %arg11[%add3A_180, %dma_wait3A_181] : memref<40x128xi32, #tpu.memory_space<vmem>> -> memref<1x128xi32, #tpu.memory_space<vmem>>
      %dma_wait3A_183 = tpu.memref_squeeze %dma_wait3A_182 : memref<1x128xi32, #tpu.memory_space<vmem>> -> memref<128xi32, #tpu.memory_space<vmem>>
      %dma_wait3A_184 = arith.constant 0 : i32
      %dma_wait3A_185 = arith.constant 0 : i32
      %dma_wait3A_186 = tpu.memref_slice %arg14[%dma_wait3A_184, %dma_wait3A_185] : memref<10240x128xf32, #tpu.memory_space<vmem_shared>> -> memref<10240x128xf32, #tpu.memory_space<vmem_shared>>
      tpu.wait_indirect_dma semaphore(%arg18 : memref<!tpu.dma_semaphore, #tpu.memory_space<semaphore_mem>>) src(%arg13 : memref<128x128xf32, #tpu.memory_space<vmem>>) dst(%dma_wait3A_186 : memref<10240x128xf32, #tpu.memory_space<vmem_shared>>)
      %lt3A_187 = arith.constant 19 : i32
      %lt3A_188 = arith.cmpi slt, %scan3A_117, %lt3A_187 : i32
      %convert_element_type3A_189 = arith.extui %lt3A_188 : i1 to i32
      %cond3A_190 = arith.constant 0 : i32
      %cond3A_191 = arith.cmpi ne, %convert_element_type3A_189, %cond3A_190 : i32
      scf.if %cond3A_191 {
        %add3A_192 = arith.constant 3 : i32
        %add3A_193 = arith.addi %mul3A_119, %add3A_192 : i32
        %mul3A_194 = arith.constant 1 : i32
        %mul3A_195 = arith.muli %add3A_193, %mul3A_194 : i32
        %add3A_196 = arith.constant 0 : i32
        %add3A_197 = arith.addi %mul3A_195, %add3A_196 : i32
        %dma_start3A_198 = arith.constant 0 : i32
        %dma_start3A_199 = tpu.memref_slice %arg10[%add3A_197, %dma_start3A_198] : memref<40x128xi32, #tpu.memory_space<vmem>> -> memref<1x128xi32, #tpu.memory_space<vmem>>
        %dma_start3A_200 = tpu.memref_squeeze %dma_start3A_199 : memref<1x128xi32, #tpu.memory_space<vmem>> -> memref<128xi32, #tpu.memory_space<vmem>>
        %dma_start3A_201 = arith.constant 0 : i32
        %dma_start3A_202 = arith.constant 0 : i32
        %dma_start3A_203 = tpu.memref_slice %arg6[%dma_start3A_201, %dma_start3A_202] : memref<10000x128xf32, #tpu.memory_space<hbm>> -> memref<10000x128xf32, #tpu.memory_space<hbm>>
        tpu.enqueue_indirect_dma source(%dma_start3A_203 : memref<10000x128xf32, #tpu.memory_space<hbm>>) target(%arg13 : memref<128x128xf32, #tpu.memory_space<vmem>>) offsets(%dma_start3A_200 : memref<128xi32, #tpu.memory_space<vmem>>) semaphore(%arg16 : memref<!tpu.dma_semaphore, #tpu.memory_space<semaphore_mem>>)
      } else {
      }
    }
    %scan3A_50 = arith.constant 20 : i32
    %barrier3A_51 = arith.constant 0 : index
    tpu.barrier barrier_id(%barrier3A_51)
    %mul3A_52 = arith.constant 640 : i32
    %mul3A_53 = arith.muli %arg1, %mul3A_52 : i32
    %mul3A_54 = arith.constant 640 : i32
    %mul3A_55 = arith.muli %arg1, %mul3A_54 : i32
    %run_scoped3A_56 = arith.constant 1 : i32
    "tpu.region"() ({
      %run_scoped3A_117 = tpu.sem_alloc : memref<!tpu.dma_semaphore, #tpu.memory_space<semaphore_mem>>
      %dma_start3A_118 = arith.constant 0 : i32
      %dma_start3A_119 = tpu.memref_slice %arg9[%arg0, %run_scoped3A_56, %mul3A_55, %dma_start3A_118] : memref<2x4x10240x128xf32, #tpu.memory_space<hbm>> -> memref<1x1x640x128xf32, #tpu.memory_space<hbm>>
      %dma_start3A_120 = tpu.memref_squeeze %dma_start3A_119 : memref<1x1x640x128xf32, #tpu.memory_space<hbm>> -> memref<640x128xf32, #tpu.memory_space<hbm>>
      %dma_start3A_121 = arith.constant 0 : i32
      %dma_start3A_122 = tpu.memref_slice %arg14[%mul3A_53, %dma_start3A_121] : memref<10240x128xf32, #tpu.memory_space<vmem_shared>> -> memref<640x128xf32, #tpu.memory_space<vmem_shared>>
      tpu.enqueue_dma source(%dma_start3A_122 : memref<640x128xf32, #tpu.memory_space<vmem_shared>>) target(%dma_start3A_120 : memref<640x128xf32, #tpu.memory_space<hbm>>) target_semaphore(%run_scoped3A_117 : memref<!tpu.dma_semaphore, #tpu.memory_space<semaphore_mem>>)
      %dma_wait3A = arith.constant 0 : i32
      %dma_wait3A_123 = tpu.memref_slice %arg9[%arg0, %run_scoped3A_56, %mul3A_55, %dma_wait3A] : memref<2x4x10240x128xf32, #tpu.memory_space<hbm>> -> memref<1x1x640x128xf32, #tpu.memory_space<hbm>>
      %dma_wait3A_124 = tpu.memref_squeeze %dma_wait3A_123 : memref<1x1x640x128xf32, #tpu.memory_space<hbm>> -> memref<640x128xf32, #tpu.memory_space<hbm>>
      %dma_wait3A_125 = arith.constant 0 : i32
      %dma_wait3A_126 = tpu.memref_slice %arg14[%mul3A_53, %dma_wait3A_125] : memref<10240x128xf32, #tpu.memory_space<vmem_shared>> -> memref<640x128xf32, #tpu.memory_space<vmem_shared>>
      tpu.wait_dma2 semaphore(%run_scoped3A_117 : memref<!tpu.dma_semaphore, #tpu.memory_space<semaphore_mem>>) src(%dma_wait3A_126 : memref<640x128xf32, #tpu.memory_space<vmem_shared>>) dst(%dma_wait3A_124 : memref<640x128xf32, #tpu.memory_space<hbm>>)
      tpu.yield
    }) : () -> ()
    %barrier3A_57 = arith.constant 0 : index
    tpu.barrier barrier_id(%barrier3A_57)
    %mul3A_58 = arith.constant 640 : i32
    %mul3A_59 = arith.muli %arg1, %mul3A_58 : i32
    "tpu.region"() ({
      %run_scoped3A_117 = tpu.sem_alloc : memref<!tpu.dma_semaphore, #tpu.memory_space<semaphore_mem>>
      %dma_start3A_118 = arith.constant 0 : i32
      %dma_start3A_119 = tpu.memref_slice %arg14[%mul3A_59, %dma_start3A_118] : memref<10240x128xf32, #tpu.memory_space<vmem_shared>> -> memref<640x128xf32, #tpu.memory_space<vmem_shared>>
      tpu.enqueue_dma source(%arg4 : memref<640x128xf32, #tpu.memory_space<hbm>>) target(%dma_start3A_119 : memref<640x128xf32, #tpu.memory_space<vmem_shared>>) target_semaphore(%run_scoped3A_117 : memref<!tpu.dma_semaphore, #tpu.memory_space<semaphore_mem>>)
      %dma_wait3A = arith.constant 0 : i32
      %dma_wait3A_120 = tpu.memref_slice %arg14[%mul3A_59, %dma_wait3A] : memref<10240x128xf32, #tpu.memory_space<vmem_shared>> -> memref<640x128xf32, #tpu.memory_space<vmem_shared>>
      tpu.wait_dma2 semaphore(%run_scoped3A_117 : memref<!tpu.dma_semaphore, #tpu.memory_space<semaphore_mem>>) src(%arg4 : memref<640x128xf32, #tpu.memory_space<hbm>>) dst(%dma_wait3A_120 : memref<640x128xf32, #tpu.memory_space<vmem_shared>>)
      tpu.yield
    }) : () -> ()
    %barrier3A_60 = arith.constant 0 : index
    tpu.barrier barrier_id(%barrier3A_60)
    %dma_start3A_61 = arith.constant 0 : i32
    %dma_start3A_62 = arith.constant 0 : i32
    %dma_start3A_63 = tpu.memref_slice %arg10[%dma_start3A_61, %dma_start3A_62] : memref<40x128xi32, #tpu.memory_space<vmem>> -> memref<1x128xi32, #tpu.memory_space<vmem>>
    %dma_start3A_64 = tpu.memref_squeeze %dma_start3A_63 : memref<1x128xi32, #tpu.memory_space<vmem>> -> memref<128xi32, #tpu.memory_space<vmem>>
    %dma_start3A_65 = arith.constant 0 : i32
    %dma_start3A_66 = arith.constant 0 : i32
    %dma_start3A_67 = tpu.memref_slice %arg7[%dma_start3A_65, %dma_start3A_66] : memref<10000x128xf32, #tpu.memory_space<hbm>> -> memref<10000x128xf32, #tpu.memory_space<hbm>>
    tpu.enqueue_indirect_dma source(%dma_start3A_67 : memref<10000x128xf32, #tpu.memory_space<hbm>>) target(%arg12 : memref<128x128xf32, #tpu.memory_space<vmem>>) offsets(%dma_start3A_64 : memref<128xi32, #tpu.memory_space<vmem>>) semaphore(%arg15 : memref<!tpu.dma_semaphore, #tpu.memory_space<semaphore_mem>>)
    %dma_start3A_68 = arith.constant 1 : i32
    %dma_start3A_69 = arith.constant 0 : i32
    %dma_start3A_70 = tpu.memref_slice %arg10[%dma_start3A_68, %dma_start3A_69] : memref<40x128xi32, #tpu.memory_space<vmem>> -> memref<1x128xi32, #tpu.memory_space<vmem>>
    %dma_start3A_71 = tpu.memref_squeeze %dma_start3A_70 : memref<1x128xi32, #tpu.memory_space<vmem>> -> memref<128xi32, #tpu.memory_space<vmem>>
    %dma_start3A_72 = arith.constant 0 : i32
    %dma_start3A_73 = arith.constant 0 : i32
    %dma_start3A_74 = tpu.memref_slice %arg7[%dma_start3A_72, %dma_start3A_73] : memref<10000x128xf32, #tpu.memory_space<hbm>> -> memref<10000x128xf32, #tpu.memory_space<hbm>>
    tpu.enqueue_indirect_dma source(%dma_start3A_74 : memref<10000x128xf32, #tpu.memory_space<hbm>>) target(%arg13 : memref<128x128xf32, #tpu.memory_space<vmem>>) offsets(%dma_start3A_71 : memref<128xi32, #tpu.memory_space<vmem>>) semaphore(%arg16 : memref<!tpu.dma_semaphore, #tpu.memory_space<semaphore_mem>>)
    %scan3A_75 = arith.constant 0 : i32
    %scan3A_76 = arith.constant 0 : i32
    %scan3A_77 = arith.constant 20 : i32
    %scan3A_78 = arith.addi %scan3A_76, %scan3A_77 : i32
    %scan3A_79 = arith.constant 1 : i32
    scf.for %scan3A_117 = %scan3A_76 to %scan3A_78 step %scan3A_79  : i32 {
      %mul3A_118 = arith.constant 2 : i32
      %mul3A_119 = arith.muli %mul3A_118, %scan3A_117 : i32
      %mul3A_120 = arith.constant 1 : i32
      %mul3A_121 = arith.muli %mul3A_119, %mul3A_120 : i32
      %add3A_122 = arith.constant 0 : i32
      %add3A_123 = arith.addi %mul3A_121, %add3A_122 : i32
      %dma_wait3A = arith.constant 0 : i32
      %dma_wait3A_124 = tpu.memref_slice %arg10[%add3A_123, %dma_wait3A] : memref<40x128xi32, #tpu.memory_space<vmem>> -> memref<1x128xi32, #tpu.memory_space<vmem>>
      %dma_wait3A_125 = tpu.memref_squeeze %dma_wait3A_124 : memref<1x128xi32, #tpu.memory_space<vmem>> -> memref<128xi32, #tpu.memory_space<vmem>>
      %dma_wait3A_126 = arith.constant 0 : i32
      %dma_wait3A_127 = arith.constant 0 : i32
      %dma_wait3A_128 = tpu.memref_slice %arg7[%dma_wait3A_126, %dma_wait3A_127] : memref<10000x128xf32, #tpu.memory_space<hbm>> -> memref<10000x128xf32, #tpu.memory_space<hbm>>
      tpu.wait_indirect_dma semaphore(%arg15 : memref<!tpu.dma_semaphore, #tpu.memory_space<semaphore_mem>>) src(%dma_wait3A_128 : memref<10000x128xf32, #tpu.memory_space<hbm>>) dst(%arg12 : memref<128x128xf32, #tpu.memory_space<vmem>>)
      %mul3A_129 = arith.constant 1 : i32
      %mul3A_130 = arith.muli %mul3A_119, %mul3A_129 : i32
      %add3A_131 = arith.constant 0 : i32
      %add3A_132 = arith.addi %mul3A_130, %add3A_131 : i32
      %dma_start3A_133 = arith.constant 0 : i32
      %dma_start3A_134 = tpu.memref_slice %arg11[%add3A_132, %dma_start3A_133] : memref<40x128xi32, #tpu.memory_space<vmem>> -> memref<1x128xi32, #tpu.memory_space<vmem>>
      %dma_start3A_135 = tpu.memref_squeeze %dma_start3A_134 : memref<1x128xi32, #tpu.memory_space<vmem>> -> memref<128xi32, #tpu.memory_space<vmem>>
      %dma_start3A_136 = arith.constant 0 : i32
      %dma_start3A_137 = arith.constant 0 : i32
      %dma_start3A_138 = tpu.memref_slice %arg14[%dma_start3A_136, %dma_start3A_137] : memref<10240x128xf32, #tpu.memory_space<vmem_shared>> -> memref<10240x128xf32, #tpu.memory_space<vmem_shared>>
      tpu.enqueue_indirect_dma source(%arg12 : memref<128x128xf32, #tpu.memory_space<vmem>>) target(%dma_start3A_138 : memref<10240x128xf32, #tpu.memory_space<vmem_shared>>) offsets(%dma_start3A_135 : memref<128xi32, #tpu.memory_space<vmem>>) semaphore(%arg17 : memref<!tpu.dma_semaphore, #tpu.memory_space<semaphore_mem>>) {add = true}
      %mul3A_139 = arith.constant 1 : i32
      %mul3A_140 = arith.muli %mul3A_119, %mul3A_139 : i32
      %add3A_141 = arith.constant 0 : i32
      %add3A_142 = arith.addi %mul3A_140, %add3A_141 : i32
      %dma_wait3A_143 = arith.constant 0 : i32
      %dma_wait3A_144 = tpu.memref_slice %arg11[%add3A_142, %dma_wait3A_143] : memref<40x128xi32, #tpu.memory_space<vmem>> -> memref<1x128xi32, #tpu.memory_space<vmem>>
      %dma_wait3A_145 = tpu.memref_squeeze %dma_wait3A_144 : memref<1x128xi32, #tpu.memory_space<vmem>> -> memref<128xi32, #tpu.memory_space<vmem>>
      %dma_wait3A_146 = arith.constant 0 : i32
      %dma_wait3A_147 = arith.constant 0 : i32
      %dma_wait3A_148 = tpu.memref_slice %arg14[%dma_wait3A_146, %dma_wait3A_147] : memref<10240x128xf32, #tpu.memory_space<vmem_shared>> -> memref<10240x128xf32, #tpu.memory_space<vmem_shared>>
      tpu.wait_indirect_dma semaphore(%arg17 : memref<!tpu.dma_semaphore, #tpu.memory_space<semaphore_mem>>) src(%arg12 : memref<128x128xf32, #tpu.memory_space<vmem>>) dst(%dma_wait3A_148 : memref<10240x128xf32, #tpu.memory_space<vmem_shared>>)
      %lt3A = arith.constant 19 : i32
      %lt3A_149 = arith.cmpi slt, %scan3A_117, %lt3A : i32
      %convert_element_type3A = arith.extui %lt3A_149 : i1 to i32
      %cond3A = arith.constant 0 : i32
      %cond3A_150 = arith.cmpi ne, %convert_element_type3A, %cond3A : i32
      scf.if %cond3A_150 {
        %add3A_192 = arith.constant 2 : i32
        %add3A_193 = arith.addi %mul3A_119, %add3A_192 : i32
        %mul3A_194 = arith.constant 1 : i32
        %mul3A_195 = arith.muli %add3A_193, %mul3A_194 : i32
        %add3A_196 = arith.constant 0 : i32
        %add3A_197 = arith.addi %mul3A_195, %add3A_196 : i32
        %dma_start3A_198 = arith.constant 0 : i32
        %dma_start3A_199 = tpu.memref_slice %arg10[%add3A_197, %dma_start3A_198] : memref<40x128xi32, #tpu.memory_space<vmem>> -> memref<1x128xi32, #tpu.memory_space<vmem>>
        %dma_start3A_200 = tpu.memref_squeeze %dma_start3A_199 : memref<1x128xi32, #tpu.memory_space<vmem>> -> memref<128xi32, #tpu.memory_space<vmem>>
        %dma_start3A_201 = arith.constant 0 : i32
        %dma_start3A_202 = arith.constant 0 : i32
        %dma_start3A_203 = tpu.memref_slice %arg7[%dma_start3A_201, %dma_start3A_202] : memref<10000x128xf32, #tpu.memory_space<hbm>> -> memref<10000x128xf32, #tpu.memory_space<hbm>>
        tpu.enqueue_indirect_dma source(%dma_start3A_203 : memref<10000x128xf32, #tpu.memory_space<hbm>>) target(%arg12 : memref<128x128xf32, #tpu.memory_space<vmem>>) offsets(%dma_start3A_200 : memref<128xi32, #tpu.memory_space<vmem>>) semaphore(%arg15 : memref<!tpu.dma_semaphore, #tpu.memory_space<semaphore_mem>>)
      } else {
      }
      %add3A_151 = arith.constant 1 : i32
      %add3A_152 = arith.addi %mul3A_119, %add3A_151 : i32
      %mul3A_153 = arith.constant 1 : i32
      %mul3A_154 = arith.muli %add3A_152, %mul3A_153 : i32
      %add3A_155 = arith.constant 0 : i32
      %add3A_156 = arith.addi %mul3A_154, %add3A_155 : i32
      %dma_wait3A_157 = arith.constant 0 : i32
      %dma_wait3A_158 = tpu.memref_slice %arg10[%add3A_156, %dma_wait3A_157] : memref<40x128xi32, #tpu.memory_space<vmem>> -> memref<1x128xi32, #tpu.memory_space<vmem>>
      %dma_wait3A_159 = tpu.memref_squeeze %dma_wait3A_158 : memref<1x128xi32, #tpu.memory_space<vmem>> -> memref<128xi32, #tpu.memory_space<vmem>>
      %dma_wait3A_160 = arith.constant 0 : i32
      %dma_wait3A_161 = arith.constant 0 : i32
      %dma_wait3A_162 = tpu.memref_slice %arg7[%dma_wait3A_160, %dma_wait3A_161] : memref<10000x128xf32, #tpu.memory_space<hbm>> -> memref<10000x128xf32, #tpu.memory_space<hbm>>
      tpu.wait_indirect_dma semaphore(%arg16 : memref<!tpu.dma_semaphore, #tpu.memory_space<semaphore_mem>>) src(%dma_wait3A_162 : memref<10000x128xf32, #tpu.memory_space<hbm>>) dst(%arg13 : memref<128x128xf32, #tpu.memory_space<vmem>>)
      %add3A_163 = arith.constant 1 : i32
      %add3A_164 = arith.addi %mul3A_119, %add3A_163 : i32
      %mul3A_165 = arith.constant 1 : i32
      %mul3A_166 = arith.muli %add3A_164, %mul3A_165 : i32
      %add3A_167 = arith.constant 0 : i32
      %add3A_168 = arith.addi %mul3A_166, %add3A_167 : i32
      %dma_start3A_169 = arith.constant 0 : i32
      %dma_start3A_170 = tpu.memref_slice %arg11[%add3A_168, %dma_start3A_169] : memref<40x128xi32, #tpu.memory_space<vmem>> -> memref<1x128xi32, #tpu.memory_space<vmem>>
      %dma_start3A_171 = tpu.memref_squeeze %dma_start3A_170 : memref<1x128xi32, #tpu.memory_space<vmem>> -> memref<128xi32, #tpu.memory_space<vmem>>
      %dma_start3A_172 = arith.constant 0 : i32
      %dma_start3A_173 = arith.constant 0 : i32
      %dma_start3A_174 = tpu.memref_slice %arg14[%dma_start3A_172, %dma_start3A_173] : memref<10240x128xf32, #tpu.memory_space<vmem_shared>> -> memref<10240x128xf32, #tpu.memory_space<vmem_shared>>
      tpu.enqueue_indirect_dma source(%arg13 : memref<128x128xf32, #tpu.memory_space<vmem>>) target(%dma_start3A_174 : memref<10240x128xf32, #tpu.memory_space<vmem_shared>>) offsets(%dma_start3A_171 : memref<128xi32, #tpu.memory_space<vmem>>) semaphore(%arg18 : memref<!tpu.dma_semaphore, #tpu.memory_space<semaphore_mem>>) {add = true}
      %add3A_175 = arith.constant 1 : i32
      %add3A_176 = arith.addi %mul3A_119, %add3A_175 : i32
      %mul3A_177 = arith.constant 1 : i32
      %mul3A_178 = arith.muli %add3A_176, %mul3A_177 : i32
      %add3A_179 = arith.constant 0 : i32
      %add3A_180 = arith.addi %mul3A_178, %add3A_179 : i32
      %dma_wait3A_181 = arith.constant 0 : i32
      %dma_wait3A_182 = tpu.memref_slice %arg11[%add3A_180, %dma_wait3A_181] : memref<40x128xi32, #tpu.memory_space<vmem>> -> memref<1x128xi32, #tpu.memory_space<vmem>>
      %dma_wait3A_183 = tpu.memref_squeeze %dma_wait3A_182 : memref<1x128xi32, #tpu.memory_space<vmem>> -> memref<128xi32, #tpu.memory_space<vmem>>
      %dma_wait3A_184 = arith.constant 0 : i32
      %dma_wait3A_185 = arith.constant 0 : i32
      %dma_wait3A_186 = tpu.memref_slice %arg14[%dma_wait3A_184, %dma_wait3A_185] : memref<10240x128xf32, #tpu.memory_space<vmem_shared>> -> memref<10240x128xf32, #tpu.memory_space<vmem_shared>>
      tpu.wait_indirect_dma semaphore(%arg18 : memref<!tpu.dma_semaphore, #tpu.memory_space<semaphore_mem>>) src(%arg13 : memref<128x128xf32, #tpu.memory_space<vmem>>) dst(%dma_wait3A_186 : memref<10240x128xf32, #tpu.memory_space<vmem_shared>>)
      %lt3A_187 = arith.constant 19 : i32
      %lt3A_188 = arith.cmpi slt, %scan3A_117, %lt3A_187 : i32
      %convert_element_type3A_189 = arith.extui %lt3A_188 : i1 to i32
      %cond3A_190 = arith.constant 0 : i32
      %cond3A_191 = arith.cmpi ne, %convert_element_type3A_189, %cond3A_190 : i32
      scf.if %cond3A_191 {
        %add3A_192 = arith.constant 3 : i32
        %add3A_193 = arith.addi %mul3A_119, %add3A_192 : i32
        %mul3A_194 = arith.constant 1 : i32
        %mul3A_195 = arith.muli %add3A_193, %mul3A_194 : i32
        %add3A_196 = arith.constant 0 : i32
        %add3A_197 = arith.addi %mul3A_195, %add3A_196 : i32
        %dma_start3A_198 = arith.constant 0 : i32
        %dma_start3A_199 = tpu.memref_slice %arg10[%add3A_197, %dma_start3A_198] : memref<40x128xi32, #tpu.memory_space<vmem>> -> memref<1x128xi32, #tpu.memory_space<vmem>>
        %dma_start3A_200 = tpu.memref_squeeze %dma_start3A_199 : memref<1x128xi32, #tpu.memory_space<vmem>> -> memref<128xi32, #tpu.memory_space<vmem>>
        %dma_start3A_201 = arith.constant 0 : i32
        %dma_start3A_202 = arith.constant 0 : i32
        %dma_start3A_203 = tpu.memref_slice %arg7[%dma_start3A_201, %dma_start3A_202] : memref<10000x128xf32, #tpu.memory_space<hbm>> -> memref<10000x128xf32, #tpu.memory_space<hbm>>
        tpu.enqueue_indirect_dma source(%dma_start3A_203 : memref<10000x128xf32, #tpu.memory_space<hbm>>) target(%arg13 : memref<128x128xf32, #tpu.memory_space<vmem>>) offsets(%dma_start3A_200 : memref<128xi32, #tpu.memory_space<vmem>>) semaphore(%arg16 : memref<!tpu.dma_semaphore, #tpu.memory_space<semaphore_mem>>)
      } else {
      }
    }
    %scan3A_80 = arith.constant 20 : i32
    %barrier3A_81 = arith.constant 0 : index
    tpu.barrier barrier_id(%barrier3A_81)
    %mul3A_82 = arith.constant 640 : i32
    %mul3A_83 = arith.muli %arg1, %mul3A_82 : i32
    %mul3A_84 = arith.constant 640 : i32
    %mul3A_85 = arith.muli %arg1, %mul3A_84 : i32
    %run_scoped3A_86 = arith.constant 2 : i32
    "tpu.region"() ({
      %run_scoped3A_117 = tpu.sem_alloc : memref<!tpu.dma_semaphore, #tpu.memory_space<semaphore_mem>>
      %dma_start3A_118 = arith.constant 0 : i32
      %dma_start3A_119 = tpu.memref_slice %arg9[%arg0, %run_scoped3A_86, %mul3A_85, %dma_start3A_118] : memref<2x4x10240x128xf32, #tpu.memory_space<hbm>> -> memref<1x1x640x128xf32, #tpu.memory_space<hbm>>
      %dma_start3A_120 = tpu.memref_squeeze %dma_start3A_119 : memref<1x1x640x128xf32, #tpu.memory_space<hbm>> -> memref<640x128xf32, #tpu.memory_space<hbm>>
      %dma_start3A_121 = arith.constant 0 : i32
      %dma_start3A_122 = tpu.memref_slice %arg14[%mul3A_83, %dma_start3A_121] : memref<10240x128xf32, #tpu.memory_space<vmem_shared>> -> memref<640x128xf32, #tpu.memory_space<vmem_shared>>
      tpu.enqueue_dma source(%dma_start3A_122 : memref<640x128xf32, #tpu.memory_space<vmem_shared>>) target(%dma_start3A_120 : memref<640x128xf32, #tpu.memory_space<hbm>>) target_semaphore(%run_scoped3A_117 : memref<!tpu.dma_semaphore, #tpu.memory_space<semaphore_mem>>)
      %dma_wait3A = arith.constant 0 : i32
      %dma_wait3A_123 = tpu.memref_slice %arg9[%arg0, %run_scoped3A_86, %mul3A_85, %dma_wait3A] : memref<2x4x10240x128xf32, #tpu.memory_space<hbm>> -> memref<1x1x640x128xf32, #tpu.memory_space<hbm>>
      %dma_wait3A_124 = tpu.memref_squeeze %dma_wait3A_123 : memref<1x1x640x128xf32, #tpu.memory_space<hbm>> -> memref<640x128xf32, #tpu.memory_space<hbm>>
      %dma_wait3A_125 = arith.constant 0 : i32
      %dma_wait3A_126 = tpu.memref_slice %arg14[%mul3A_83, %dma_wait3A_125] : memref<10240x128xf32, #tpu.memory_space<vmem_shared>> -> memref<640x128xf32, #tpu.memory_space<vmem_shared>>
      tpu.wait_dma2 semaphore(%run_scoped3A_117 : memref<!tpu.dma_semaphore, #tpu.memory_space<semaphore_mem>>) src(%dma_wait3A_126 : memref<640x128xf32, #tpu.memory_space<vmem_shared>>) dst(%dma_wait3A_124 : memref<640x128xf32, #tpu.memory_space<hbm>>)
      tpu.yield
    }) : () -> ()
    %barrier3A_87 = arith.constant 0 : index
    tpu.barrier barrier_id(%barrier3A_87)
    %mul3A_88 = arith.constant 640 : i32
    %mul3A_89 = arith.muli %arg1, %mul3A_88 : i32
    "tpu.region"() ({
      %run_scoped3A_117 = tpu.sem_alloc : memref<!tpu.dma_semaphore, #tpu.memory_space<semaphore_mem>>
      %dma_start3A_118 = arith.constant 0 : i32
      %dma_start3A_119 = tpu.memref_slice %arg14[%mul3A_89, %dma_start3A_118] : memref<10240x128xf32, #tpu.memory_space<vmem_shared>> -> memref<640x128xf32, #tpu.memory_space<vmem_shared>>
      tpu.enqueue_dma source(%arg4 : memref<640x128xf32, #tpu.memory_space<hbm>>) target(%dma_start3A_119 : memref<640x128xf32, #tpu.memory_space<vmem_shared>>) target_semaphore(%run_scoped3A_117 : memref<!tpu.dma_semaphore, #tpu.memory_space<semaphore_mem>>)
      %dma_wait3A = arith.constant 0 : i32
      %dma_wait3A_120 = tpu.memref_slice %arg14[%mul3A_89, %dma_wait3A] : memref<10240x128xf32, #tpu.memory_space<vmem_shared>> -> memref<640x128xf32, #tpu.memory_space<vmem_shared>>
      tpu.wait_dma2 semaphore(%run_scoped3A_117 : memref<!tpu.dma_semaphore, #tpu.memory_space<semaphore_mem>>) src(%arg4 : memref<640x128xf32, #tpu.memory_space<hbm>>) dst(%dma_wait3A_120 : memref<640x128xf32, #tpu.memory_space<vmem_shared>>)
      tpu.yield
    }) : () -> ()
    %barrier3A_90 = arith.constant 0 : index
    tpu.barrier barrier_id(%barrier3A_90)
    %dma_start3A_91 = arith.constant 0 : i32
    %dma_start3A_92 = arith.constant 0 : i32
    %dma_start3A_93 = tpu.memref_slice %arg10[%dma_start3A_91, %dma_start3A_92] : memref<40x128xi32, #tpu.memory_space<vmem>> -> memref<1x128xi32, #tpu.memory_space<vmem>>
    %dma_start3A_94 = tpu.memref_squeeze %dma_start3A_93 : memref<1x128xi32, #tpu.memory_space<vmem>> -> memref<128xi32, #tpu.memory_space<vmem>>
    %dma_start3A_95 = arith.constant 0 : i32
    %dma_start3A_96 = arith.constant 0 : i32
    %dma_start3A_97 = tpu.memref_slice %arg8[%dma_start3A_95, %dma_start3A_96] : memref<10000x128xf32, #tpu.memory_space<hbm>> -> memref<10000x128xf32, #tpu.memory_space<hbm>>
    tpu.enqueue_indirect_dma source(%dma_start3A_97 : memref<10000x128xf32, #tpu.memory_space<hbm>>) target(%arg12 : memref<128x128xf32, #tpu.memory_space<vmem>>) offsets(%dma_start3A_94 : memref<128xi32, #tpu.memory_space<vmem>>) semaphore(%arg15 : memref<!tpu.dma_semaphore, #tpu.memory_space<semaphore_mem>>)
    %dma_start3A_98 = arith.constant 1 : i32
    %dma_start3A_99 = arith.constant 0 : i32
    %dma_start3A_100 = tpu.memref_slice %arg10[%dma_start3A_98, %dma_start3A_99] : memref<40x128xi32, #tpu.memory_space<vmem>> -> memref<1x128xi32, #tpu.memory_space<vmem>>
    %dma_start3A_101 = tpu.memref_squeeze %dma_start3A_100 : memref<1x128xi32, #tpu.memory_space<vmem>> -> memref<128xi32, #tpu.memory_space<vmem>>
    %dma_start3A_102 = arith.constant 0 : i32
    %dma_start3A_103 = arith.constant 0 : i32
    %dma_start3A_104 = tpu.memref_slice %arg8[%dma_start3A_102, %dma_start3A_103] : memref<10000x128xf32, #tpu.memory_space<hbm>> -> memref<10000x128xf32, #tpu.memory_space<hbm>>
    tpu.enqueue_indirect_dma source(%dma_start3A_104 : memref<10000x128xf32, #tpu.memory_space<hbm>>) target(%arg13 : memref<128x128xf32, #tpu.memory_space<vmem>>) offsets(%dma_start3A_101 : memref<128xi32, #tpu.memory_space<vmem>>) semaphore(%arg16 : memref<!tpu.dma_semaphore, #tpu.memory_space<semaphore_mem>>)
    %scan3A_105 = arith.constant 0 : i32
    %scan3A_106 = arith.constant 0 : i32
    %scan3A_107 = arith.constant 20 : i32
    %scan3A_108 = arith.addi %scan3A_106, %scan3A_107 : i32
    %scan3A_109 = arith.constant 1 : i32
    scf.for %scan3A_117 = %scan3A_106 to %scan3A_108 step %scan3A_109  : i32 {
      %mul3A_118 = arith.constant 2 : i32
      %mul3A_119 = arith.muli %mul3A_118, %scan3A_117 : i32
      %mul3A_120 = arith.constant 1 : i32
      %mul3A_121 = arith.muli %mul3A_119, %mul3A_120 : i32
      %add3A_122 = arith.constant 0 : i32
      %add3A_123 = arith.addi %mul3A_121, %add3A_122 : i32
      %dma_wait3A = arith.constant 0 : i32
      %dma_wait3A_124 = tpu.memref_slice %arg10[%add3A_123, %dma_wait3A] : memref<40x128xi32, #tpu.memory_space<vmem>> -> memref<1x128xi32, #tpu.memory_space<vmem>>
      %dma_wait3A_125 = tpu.memref_squeeze %dma_wait3A_124 : memref<1x128xi32, #tpu.memory_space<vmem>> -> memref<128xi32, #tpu.memory_space<vmem>>
      %dma_wait3A_126 = arith.constant 0 : i32
      %dma_wait3A_127 = arith.constant 0 : i32
      %dma_wait3A_128 = tpu.memref_slice %arg8[%dma_wait3A_126, %dma_wait3A_127] : memref<10000x128xf32, #tpu.memory_space<hbm>> -> memref<10000x128xf32, #tpu.memory_space<hbm>>
      tpu.wait_indirect_dma semaphore(%arg15 : memref<!tpu.dma_semaphore, #tpu.memory_space<semaphore_mem>>) src(%dma_wait3A_128 : memref<10000x128xf32, #tpu.memory_space<hbm>>) dst(%arg12 : memref<128x128xf32, #tpu.memory_space<vmem>>)
      %mul3A_129 = arith.constant 1 : i32
      %mul3A_130 = arith.muli %mul3A_119, %mul3A_129 : i32
      %add3A_131 = arith.constant 0 : i32
      %add3A_132 = arith.addi %mul3A_130, %add3A_131 : i32
      %dma_start3A_133 = arith.constant 0 : i32
      %dma_start3A_134 = tpu.memref_slice %arg11[%add3A_132, %dma_start3A_133] : memref<40x128xi32, #tpu.memory_space<vmem>> -> memref<1x128xi32, #tpu.memory_space<vmem>>
      %dma_start3A_135 = tpu.memref_squeeze %dma_start3A_134 : memref<1x128xi32, #tpu.memory_space<vmem>> -> memref<128xi32, #tpu.memory_space<vmem>>
      %dma_start3A_136 = arith.constant 0 : i32
      %dma_start3A_137 = arith.constant 0 : i32
      %dma_start3A_138 = tpu.memref_slice %arg14[%dma_start3A_136, %dma_start3A_137] : memref<10240x128xf32, #tpu.memory_space<vmem_shared>> -> memref<10240x128xf32, #tpu.memory_space<vmem_shared>>
      tpu.enqueue_indirect_dma source(%arg12 : memref<128x128xf32, #tpu.memory_space<vmem>>) target(%dma_start3A_138 : memref<10240x128xf32, #tpu.memory_space<vmem_shared>>) offsets(%dma_start3A_135 : memref<128xi32, #tpu.memory_space<vmem>>) semaphore(%arg17 : memref<!tpu.dma_semaphore, #tpu.memory_space<semaphore_mem>>) {add = true}
      %mul3A_139 = arith.constant 1 : i32
      %mul3A_140 = arith.muli %mul3A_119, %mul3A_139 : i32
      %add3A_141 = arith.constant 0 : i32
      %add3A_142 = arith.addi %mul3A_140, %add3A_141 : i32
      %dma_wait3A_143 = arith.constant 0 : i32
      %dma_wait3A_144 = tpu.memref_slice %arg11[%add3A_142, %dma_wait3A_143] : memref<40x128xi32, #tpu.memory_space<vmem>> -> memref<1x128xi32, #tpu.memory_space<vmem>>
      %dma_wait3A_145 = tpu.memref_squeeze %dma_wait3A_144 : memref<1x128xi32, #tpu.memory_space<vmem>> -> memref<128xi32, #tpu.memory_space<vmem>>
      %dma_wait3A_146 = arith.constant 0 : i32
      %dma_wait3A_147 = arith.constant 0 : i32
      %dma_wait3A_148 = tpu.memref_slice %arg14[%dma_wait3A_146, %dma_wait3A_147] : memref<10240x128xf32, #tpu.memory_space<vmem_shared>> -> memref<10240x128xf32, #tpu.memory_space<vmem_shared>>
      tpu.wait_indirect_dma semaphore(%arg17 : memref<!tpu.dma_semaphore, #tpu.memory_space<semaphore_mem>>) src(%arg12 : memref<128x128xf32, #tpu.memory_space<vmem>>) dst(%dma_wait3A_148 : memref<10240x128xf32, #tpu.memory_space<vmem_shared>>)
      %lt3A = arith.constant 19 : i32
      %lt3A_149 = arith.cmpi slt, %scan3A_117, %lt3A : i32
      %convert_element_type3A = arith.extui %lt3A_149 : i1 to i32
      %cond3A = arith.constant 0 : i32
      %cond3A_150 = arith.cmpi ne, %convert_element_type3A, %cond3A : i32
      scf.if %cond3A_150 {
        %add3A_192 = arith.constant 2 : i32
        %add3A_193 = arith.addi %mul3A_119, %add3A_192 : i32
        %mul3A_194 = arith.constant 1 : i32
        %mul3A_195 = arith.muli %add3A_193, %mul3A_194 : i32
        %add3A_196 = arith.constant 0 : i32
        %add3A_197 = arith.addi %mul3A_195, %add3A_196 : i32
        %dma_start3A_198 = arith.constant 0 : i32
        %dma_start3A_199 = tpu.memref_slice %arg10[%add3A_197, %dma_start3A_198] : memref<40x128xi32, #tpu.memory_space<vmem>> -> memref<1x128xi32, #tpu.memory_space<vmem>>
        %dma_start3A_200 = tpu.memref_squeeze %dma_start3A_199 : memref<1x128xi32, #tpu.memory_space<vmem>> -> memref<128xi32, #tpu.memory_space<vmem>>
        %dma_start3A_201 = arith.constant 0 : i32
        %dma_start3A_202 = arith.constant 0 : i32
        %dma_start3A_203 = tpu.memref_slice %arg8[%dma_start3A_201, %dma_start3A_202] : memref<10000x128xf32, #tpu.memory_space<hbm>> -> memref<10000x128xf32, #tpu.memory_space<hbm>>
        tpu.enqueue_indirect_dma source(%dma_start3A_203 : memref<10000x128xf32, #tpu.memory_space<hbm>>) target(%arg12 : memref<128x128xf32, #tpu.memory_space<vmem>>) offsets(%dma_start3A_200 : memref<128xi32, #tpu.memory_space<vmem>>) semaphore(%arg15 : memref<!tpu.dma_semaphore, #tpu.memory_space<semaphore_mem>>)
      } else {
      }
      %add3A_151 = arith.constant 1 : i32
      %add3A_152 = arith.addi %mul3A_119, %add3A_151 : i32
      %mul3A_153 = arith.constant 1 : i32
      %mul3A_154 = arith.muli %add3A_152, %mul3A_153 : i32
      %add3A_155 = arith.constant 0 : i32
      %add3A_156 = arith.addi %mul3A_154, %add3A_155 : i32
      %dma_wait3A_157 = arith.constant 0 : i32
      %dma_wait3A_158 = tpu.memref_slice %arg10[%add3A_156, %dma_wait3A_157] : memref<40x128xi32, #tpu.memory_space<vmem>> -> memref<1x128xi32, #tpu.memory_space<vmem>>
      %dma_wait3A_159 = tpu.memref_squeeze %dma_wait3A_158 : memref<1x128xi32, #tpu.memory_space<vmem>> -> memref<128xi32, #tpu.memory_space<vmem>>
      %dma_wait3A_160 = arith.constant 0 : i32
      %dma_wait3A_161 = arith.constant 0 : i32
      %dma_wait3A_162 = tpu.memref_slice %arg8[%dma_wait3A_160, %dma_wait3A_161] : memref<10000x128xf32, #tpu.memory_space<hbm>> -> memref<10000x128xf32, #tpu.memory_space<hbm>>
      tpu.wait_indirect_dma semaphore(%arg16 : memref<!tpu.dma_semaphore, #tpu.memory_space<semaphore_mem>>) src(%dma_wait3A_162 : memref<10000x128xf32, #tpu.memory_space<hbm>>) dst(%arg13 : memref<128x128xf32, #tpu.memory_space<vmem>>)
      %add3A_163 = arith.constant 1 : i32
      %add3A_164 = arith.addi %mul3A_119, %add3A_163 : i32
      %mul3A_165 = arith.constant 1 : i32
      %mul3A_166 = arith.muli %add3A_164, %mul3A_165 : i32
      %add3A_167 = arith.constant 0 : i32
      %add3A_168 = arith.addi %mul3A_166, %add3A_167 : i32
      %dma_start3A_169 = arith.constant 0 : i32
      %dma_start3A_170 = tpu.memref_slice %arg11[%add3A_168, %dma_start3A_169] : memref<40x128xi32, #tpu.memory_space<vmem>> -> memref<1x128xi32, #tpu.memory_space<vmem>>
      %dma_start3A_171 = tpu.memref_squeeze %dma_start3A_170 : memref<1x128xi32, #tpu.memory_space<vmem>> -> memref<128xi32, #tpu.memory_space<vmem>>
      %dma_start3A_172 = arith.constant 0 : i32
      %dma_start3A_173 = arith.constant 0 : i32
      %dma_start3A_174 = tpu.memref_slice %arg14[%dma_start3A_172, %dma_start3A_173] : memref<10240x128xf32, #tpu.memory_space<vmem_shared>> -> memref<10240x128xf32, #tpu.memory_space<vmem_shared>>
      tpu.enqueue_indirect_dma source(%arg13 : memref<128x128xf32, #tpu.memory_space<vmem>>) target(%dma_start3A_174 : memref<10240x128xf32, #tpu.memory_space<vmem_shared>>) offsets(%dma_start3A_171 : memref<128xi32, #tpu.memory_space<vmem>>) semaphore(%arg18 : memref<!tpu.dma_semaphore, #tpu.memory_space<semaphore_mem>>) {add = true}
      %add3A_175 = arith.constant 1 : i32
      %add3A_176 = arith.addi %mul3A_119, %add3A_175 : i32
      %mul3A_177 = arith.constant 1 : i32
      %mul3A_178 = arith.muli %add3A_176, %mul3A_177 : i32
      %add3A_179 = arith.constant 0 : i32
      %add3A_180 = arith.addi %mul3A_178, %add3A_179 : i32
      %dma_wait3A_181 = arith.constant 0 : i32
      %dma_wait3A_182 = tpu.memref_slice %arg11[%add3A_180, %dma_wait3A_181] : memref<40x128xi32, #tpu.memory_space<vmem>> -> memref<1x128xi32, #tpu.memory_space<vmem>>
      %dma_wait3A_183 = tpu.memref_squeeze %dma_wait3A_182 : memref<1x128xi32, #tpu.memory_space<vmem>> -> memref<128xi32, #tpu.memory_space<vmem>>
      %dma_wait3A_184 = arith.constant 0 : i32
      %dma_wait3A_185 = arith.constant 0 : i32
      %dma_wait3A_186 = tpu.memref_slice %arg14[%dma_wait3A_184, %dma_wait3A_185] : memref<10240x128xf32, #tpu.memory_space<vmem_shared>> -> memref<10240x128xf32, #tpu.memory_space<vmem_shared>>
      tpu.wait_indirect_dma semaphore(%arg18 : memref<!tpu.dma_semaphore, #tpu.memory_space<semaphore_mem>>) src(%arg13 : memref<128x128xf32, #tpu.memory_space<vmem>>) dst(%dma_wait3A_186 : memref<10240x128xf32, #tpu.memory_space<vmem_shared>>)
      %lt3A_187 = arith.constant 19 : i32
      %lt3A_188 = arith.cmpi slt, %scan3A_117, %lt3A_187 : i32
      %convert_element_type3A_189 = arith.extui %lt3A_188 : i1 to i32
      %cond3A_190 = arith.constant 0 : i32
      %cond3A_191 = arith.cmpi ne, %convert_element_type3A_189, %cond3A_190 : i32
      scf.if %cond3A_191 {
        %add3A_192 = arith.constant 3 : i32
        %add3A_193 = arith.addi %mul3A_119, %add3A_192 : i32
        %mul3A_194 = arith.constant 1 : i32
        %mul3A_195 = arith.muli %add3A_193, %mul3A_194 : i32
        %add3A_196 = arith.constant 0 : i32
        %add3A_197 = arith.addi %mul3A_195, %add3A_196 : i32
        %dma_start3A_198 = arith.constant 0 : i32
        %dma_start3A_199 = tpu.memref_slice %arg10[%add3A_197, %dma_start3A_198] : memref<40x128xi32, #tpu.memory_space<vmem>> -> memref<1x128xi32, #tpu.memory_space<vmem>>
        %dma_start3A_200 = tpu.memref_squeeze %dma_start3A_199 : memref<1x128xi32, #tpu.memory_space<vmem>> -> memref<128xi32, #tpu.memory_space<vmem>>
        %dma_start3A_201 = arith.constant 0 : i32
        %dma_start3A_202 = arith.constant 0 : i32
        %dma_start3A_203 = tpu.memref_slice %arg8[%dma_start3A_201, %dma_start3A_202] : memref<10000x128xf32, #tpu.memory_space<hbm>> -> memref<10000x128xf32, #tpu.memory_space<hbm>>
        tpu.enqueue_indirect_dma source(%dma_start3A_203 : memref<10000x128xf32, #tpu.memory_space<hbm>>) target(%arg13 : memref<128x128xf32, #tpu.memory_space<vmem>>) offsets(%dma_start3A_200 : memref<128xi32, #tpu.memory_space<vmem>>) semaphore(%arg16 : memref<!tpu.dma_semaphore, #tpu.memory_space<semaphore_mem>>)
      } else {
      }
    }
    %scan3A_110 = arith.constant 20 : i32
    %barrier3A_111 = arith.constant 0 : index
    tpu.barrier barrier_id(%barrier3A_111)
    %mul3A_112 = arith.constant 640 : i32
    %mul3A_113 = arith.muli %arg1, %mul3A_112 : i32
    %mul3A_114 = arith.constant 640 : i32
    %mul3A_115 = arith.muli %arg1, %mul3A_114 : i32
    %run_scoped3A_116 = arith.constant 3 : i32
    "tpu.region"() ({
      %run_scoped3A_117 = tpu.sem_alloc : memref<!tpu.dma_semaphore, #tpu.memory_space<semaphore_mem>>
      %dma_start3A_118 = arith.constant 0 : i32
      %dma_start3A_119 = tpu.memref_slice %arg9[%arg0, %run_scoped3A_116, %mul3A_115, %dma_start3A_118] : memref<2x4x10240x128xf32, #tpu.memory_space<hbm>> -> memref<1x1x640x128xf32, #tpu.memory_space<hbm>>
      %dma_start3A_120 = tpu.memref_squeeze %dma_start3A_119 : memref<1x1x640x128xf32, #tpu.memory_space<hbm>> -> memref<640x128xf32, #tpu.memory_space<hbm>>
      %dma_start3A_121 = arith.constant 0 : i32
      %dma_start3A_122 = tpu.memref_slice %arg14[%mul3A_113, %dma_start3A_121] : memref<10240x128xf32, #tpu.memory_space<vmem_shared>> -> memref<640x128xf32, #tpu.memory_space<vmem_shared>>
      tpu.enqueue_dma source(%dma_start3A_122 : memref<640x128xf32, #tpu.memory_space<vmem_shared>>) target(%dma_start3A_120 : memref<640x128xf32, #tpu.memory_space<hbm>>) target_semaphore(%run_scoped3A_117 : memref<!tpu.dma_semaphore, #tpu.memory_space<semaphore_mem>>)
      %dma_wait3A = arith.constant 0 : i32
      %dma_wait3A_123 = tpu.memref_slice %arg9[%arg0, %run_scoped3A_116, %mul3A_115, %dma_wait3A] : memref<2x4x10240x128xf32, #tpu.memory_space<hbm>> -> memref<1x1x640x128xf32, #tpu.memory_space<hbm>>
      %dma_wait3A_124 = tpu.memref_squeeze %dma_wait3A_123 : memref<1x1x640x128xf32, #tpu.memory_space<hbm>> -> memref<640x128xf32, #tpu.memory_space<hbm>>
      %dma_wait3A_125 = arith.constant 0 : i32
      %dma_wait3A_126 = tpu.memref_slice %arg14[%mul3A_113, %dma_wait3A_125] : memref<10240x128xf32, #tpu.memory_space<vmem_shared>> -> memref<640x128xf32, #tpu.memory_space<vmem_shared>>
      tpu.wait_dma2 semaphore(%run_scoped3A_117 : memref<!tpu.dma_semaphore, #tpu.memory_space<semaphore_mem>>) src(%dma_wait3A_126 : memref<640x128xf32, #tpu.memory_space<vmem_shared>>) dst(%dma_wait3A_124 : memref<640x128xf32, #tpu.memory_space<hbm>>)
      tpu.yield
    }) : () -> ()
    return
  }
}

#map = affine_map<(d0, d1) -> (0, 0, 0)>
#map1 = affine_map<(d0, d1) -> (0, 0)>
#map2 = affine_map<(d0, d1) -> (0, 0, 0, 0)>
module attributes {stable_mosaic.version = 14 : i64} {
  func.func @body(%arg0: i32, %arg1: i32, %arg2: memref<32x40x128xi32, #tpu.memory_space<hbm>>, %arg3: memref<32x40x128xi32, #tpu.memory_space<hbm>>, %arg4: memref<640x128xf32, #tpu.memory_space<hbm>>, %arg5: memref<10000x128xf32, #tpu.memory_space<hbm>>, %arg6: memref<10000x128xf32, #tpu.memory_space<hbm>>, %arg7: memref<10000x128xf32, #tpu.memory_space<hbm>>, %arg8: memref<10000x128xf32, #tpu.memory_space<hbm>>, %arg9: memref<2x4x10240x128xf32, #tpu.memory_space<hbm>>, %arg10: memref<40x128xi32, #tpu.memory_space<vmem>>, %arg11: memref<40x128xi32, #tpu.memory_space<vmem>>, %arg12: memref<128x128xf32, #tpu.memory_space<vmem>>, %arg13: memref<128x128xf32, #tpu.memory_space<vmem>>, %arg14: memref<10240x128xf32, #tpu.memory_space<vmem_shared>>, %arg15: memref<!tpu.dma_semaphore, #tpu.memory_space<semaphore_mem>>, %arg16: memref<!tpu.dma_semaphore, #tpu.memory_space<semaphore_mem>>, %arg17: memref<!tpu.dma_semaphore, #tpu.memory_space<semaphore_mem>>, %arg18: memref<!tpu.dma_semaphore, #tpu.memory_space<semaphore_mem>>) attributes {dimension_semantics = [#tpu.dimension_semantics<core_parallel>, #tpu.dimension_semantics<subcore_parallel>], iteration_bounds = array<i64: 2, 16>, scalar_prefetch = 0 : i64, scratch_operands = 9 : i64, tpu.core_type = #tpu.core_type<sc_vector_subcore>, window_params = [{transform_indices = #map}, {transform_indices = #map}, {transform_indices = #map1}, {transform_indices = #map1}, {transform_indices = #map1}, {transform_indices = #map1}, {transform_indices = #map1}, {transform_indices = #map2}]} {
    %mul3A = arith.constant 2 : i32
    %mul3A_0 = arith.muli %arg1, %mul3A : i32
    %add3A = arith.addi %mul3A_0, %arg0 : i32
    "tpu.region"() ({
      %run_scoped3A_117 = tpu.sem_alloc : memref<!tpu.dma_semaphore, #tpu.memory_space<semaphore_mem>>
      %dma_start3A_118 = arith.constant 0 : i32
      %dma_start3A_119 = arith.constant 0 : i32
      %dma_start3A_120 = tpu.memref_slice %arg2[%add3A, %dma_start3A_118, %dma_start3A_119] : memref<32x40x128xi32, #tpu.memory_space<hbm>> -> memref<1x40x128xi32, #tpu.memory_space<hbm>>
      %dma_start3A_121 = tpu.memref_squeeze %dma_start3A_120 : memref<1x40x128xi32, #tpu.memory_space<hbm>> -> memref<40x128xi32, #tpu.memory_space<hbm>>
      %dma_start3A_122 = arith.constant 0 : i32
      %dma_start3A_123 = arith.constant 0 : i32
      %dma_start3A_124 = tpu.memref_slice %arg2[%add3A, %dma_start3A_122, %dma_start3A_123] : memref<32x40x128xi32, #tpu.memory_space<hbm>> -> memref<1x40x128xi32, #tpu.memory_space<hbm>>
      %dma_start3A_125 = tpu.memref_squeeze %dma_start3A_124 : memref<1x40x128xi32, #tpu.memory_space<hbm>> -> memref<40x128xi32, #tpu.memory_space<hbm>>
      tpu.enqueue_dma source(%dma_start3A_125 : memref<40x128xi32, #tpu.memory_space<hbm>>) target(%arg10 : memref<40x128xi32, #tpu.memory_space<vmem>>) target_semaphore(%run_scoped3A_117 : memref<!tpu.dma_semaphore, #tpu.memory_space<semaphore_mem>>)
      %dma_wait3A = arith.constant 0 : i32
      %dma_wait3A_126 = arith.constant 0 : i32
      %dma_wait3A_127 = tpu.memref_slice %arg2[%add3A, %dma_wait3A, %dma_wait3A_126] : memref<32x40x128xi32, #tpu.memory_space<hbm>> -> memref<1x40x128xi32, #tpu.memory_space<hbm>>
      %dma_wait3A_128 = tpu.memref_squeeze %dma_wait3A_127 : memref<1x40x128xi32, #tpu.memory_space<hbm>> -> memref<40x128xi32, #tpu.memory_space<hbm>>
      %dma_wait3A_129 = arith.constant 0 : i32
      %dma_wait3A_130 = arith.constant 0 : i32
      %dma_wait3A_131 = tpu.memref_slice %arg2[%add3A, %dma_wait3A_129, %dma_wait3A_130] : memref<32x40x128xi32, #tpu.memory_space<hbm>> -> memref<1x40x128xi32, #tpu.memory_space<hbm>>
      %dma_wait3A_132 = tpu.memref_squeeze %dma_wait3A_131 : memref<1x40x128xi32, #tpu.memory_space<hbm>> -> memref<40x128xi32, #tpu.memory_space<hbm>>
      tpu.wait_dma2 semaphore(%run_scoped3A_117 : memref<!tpu.dma_semaphore, #tpu.memory_space<semaphore_mem>>) src(%dma_wait3A_132 : memref<40x128xi32, #tpu.memory_space<hbm>>) dst(%arg10 : memref<40x128xi32, #tpu.memory_space<vmem>>)
      tpu.yield
    }) : () -> ()
    "tpu.region"() ({
      %run_scoped3A_117 = tpu.sem_alloc : memref<!tpu.dma_semaphore, #tpu.memory_space<semaphore_mem>>
      %dma_start3A_118 = arith.constant 0 : i32
      %dma_start3A_119 = arith.constant 0 : i32
      %dma_start3A_120 = tpu.memref_slice %arg3[%add3A, %dma_start3A_118, %dma_start3A_119] : memref<32x40x128xi32, #tpu.memory_space<hbm>> -> memref<1x40x128xi32, #tpu.memory_space<hbm>>
      %dma_start3A_121 = tpu.memref_squeeze %dma_start3A_120 : memref<1x40x128xi32, #tpu.memory_space<hbm>> -> memref<40x128xi32, #tpu.memory_space<hbm>>
      %dma_start3A_122 = arith.constant 0 : i32
      %dma_start3A_123 = arith.constant 0 : i32
      %dma_start3A_124 = tpu.memref_slice %arg3[%add3A, %dma_start3A_122, %dma_start3A_123] : memref<32x40x128xi32, #tpu.memory_space<hbm>> -> memref<1x40x128xi32, #tpu.memory_space<hbm>>
      %dma_start3A_125 = tpu.memref_squeeze %dma_start3A_124 : memref<1x40x128xi32, #tpu.memory_space<hbm>> -> memref<40x128xi32, #tpu.memory_space<hbm>>
      tpu.enqueue_dma source(%dma_start3A_125 : memref<40x128xi32, #tpu.memory_space<hbm>>) target(%arg11 : memref<40x128xi32, #tpu.memory_space<vmem>>) target_semaphore(%run_scoped3A_117 : memref<!tpu.dma_semaphore, #tpu.memory_space<semaphore_mem>>)
      %dma_wait3A = arith.constant 0 : i32
      %dma_wait3A_126 = arith.constant 0 : i32
      %dma_wait3A_127 = tpu.memref_slice %arg3[%add3A, %dma_wait3A, %dma_wait3A_126] : memref<32x40x128xi32, #tpu.memory_space<hbm>> -> memref<1x40x128xi32, #tpu.memory_space<hbm>>
      %dma_wait3A_128 = tpu.memref_squeeze %dma_wait3A_127 : memref<1x40x128xi32, #tpu.memory_space<hbm>> -> memref<40x128xi32, #tpu.memory_space<hbm>>
      %dma_wait3A_129 = arith.constant 0 : i32
      %dma_wait3A_130 = arith.constant 0 : i32
      %dma_wait3A_131 = tpu.memref_slice %arg3[%add3A, %dma_wait3A_129, %dma_wait3A_130] : memref<32x40x128xi32, #tpu.memory_space<hbm>> -> memref<1x40x128xi32, #tpu.memory_space<hbm>>
      %dma_wait3A_132 = tpu.memref_squeeze %dma_wait3A_131 : memref<1x40x128xi32, #tpu.memory_space<hbm>> -> memref<40x128xi32, #tpu.memory_space<hbm>>
      tpu.wait_dma2 semaphore(%run_scoped3A_117 : memref<!tpu.dma_semaphore, #tpu.memory_space<semaphore_mem>>) src(%dma_wait3A_132 : memref<40x128xi32, #tpu.memory_space<hbm>>) dst(%arg11 : memref<40x128xi32, #tpu.memory_space<vmem>>)
      tpu.yield
    }) : () -> ()
    %barrier3A = arith.constant 0 : index
    tpu.barrier barrier_id(%barrier3A)
    %mul3A_1 = arith.constant 640 : i32
    %mul3A_2 = arith.muli %arg1, %mul3A_1 : i32
    "tpu.region"() ({
      %run_scoped3A_117 = tpu.sem_alloc : memref<!tpu.dma_semaphore, #tpu.memory_space<semaphore_mem>>
      %dma_start3A_118 = arith.constant 0 : i32
      %dma_start3A_119 = tpu.memref_slice %arg14[%mul3A_2, %dma_start3A_118] : memref<10240x128xf32, #tpu.memory_space<vmem_shared>> -> memref<640x128xf32, #tpu.memory_space<vmem_shared>>
      tpu.enqueue_dma source(%arg4 : memref<640x128xf32, #tpu.memory_space<hbm>>) target(%dma_start3A_119 : memref<640x128xf32, #tpu.memory_space<vmem_shared>>) target_semaphore(%run_scoped3A_117 : memref<!tpu.dma_semaphore, #tpu.memory_space<semaphore_mem>>)
      %dma_wait3A = arith.constant 0 : i32
      %dma_wait3A_120 = tpu.memref_slice %arg14[%mul3A_2, %dma_wait3A] : memref<10240x128xf32, #tpu.memory_space<vmem_shared>> -> memref<640x128xf32, #tpu.memory_space<vmem_shared>>
      tpu.wait_dma2 semaphore(%run_scoped3A_117 : memref<!tpu.dma_semaphore, #tpu.memory_space<semaphore_mem>>) src(%arg4 : memref<640x128xf32, #tpu.memory_space<hbm>>) dst(%dma_wait3A_120 : memref<640x128xf32, #tpu.memory_space<vmem_shared>>)
      tpu.yield
    }) : () -> ()
    %barrier3A_3 = arith.constant 0 : index
    tpu.barrier barrier_id(%barrier3A_3)
    %dma_start3A = arith.constant 0 : i32
    %dma_start3A_4 = arith.constant 0 : i32
    %dma_start3A_5 = tpu.memref_slice %arg10[%dma_start3A, %dma_start3A_4] : memref<40x128xi32, #tpu.memory_space<vmem>> -> memref<1x128xi32, #tpu.memory_space<vmem>>
    %dma_start3A_6 = tpu.memref_squeeze %dma_start3A_5 : memref<1x128xi32, #tpu.memory_space<vmem>> -> memref<128xi32, #tpu.memory_space<vmem>>
    %dma_start3A_7 = arith.constant 0 : i32
    %dma_start3A_8 = arith.constant 0 : i32
    %dma_start3A_9 = tpu.memref_slice %arg5[%dma_start3A_7, %dma_start3A_8] : memref<10000x128xf32, #tpu.memory_space<hbm>> -> memref<10000x128xf32, #tpu.memory_space<hbm>>
    tpu.enqueue_indirect_dma source(%dma_start3A_9 : memref<10000x128xf32, #tpu.memory_space<hbm>>) target(%arg12 : memref<128x128xf32, #tpu.memory_space<vmem>>) offsets(%dma_start3A_6 : memref<128xi32, #tpu.memory_space<vmem>>) semaphore(%arg15 : memref<!tpu.dma_semaphore, #tpu.memory_space<semaphore_mem>>)
    %dma_start3A_10 = arith.constant 1 : i32
    %dma_start3A_11 = arith.constant 0 : i32
    %dma_start3A_12 = tpu.memref_slice %arg10[%dma_start3A_10, %dma_start3A_11] : memref<40x128xi32, #tpu.memory_space<vmem>> -> memref<1x128xi32, #tpu.memory_space<vmem>>
    %dma_start3A_13 = tpu.memref_squeeze %dma_start3A_12 : memref<1x128xi32, #tpu.memory_space<vmem>> -> memref<128xi32, #tpu.memory_space<vmem>>
    %dma_start3A_14 = arith.constant 0 : i32
    %dma_start3A_15 = arith.constant 0 : i32
    %dma_start3A_16 = tpu.memref_slice %arg5[%dma_start3A_14, %dma_start3A_15] : memref<10000x128xf32, #tpu.memory_space<hbm>> -> memref<10000x128xf32, #tpu.memory_space<hbm>>
    tpu.enqueue_indirect_dma source(%dma_start3A_16 : memref<10000x128xf32, #tpu.memory_space<hbm>>) target(%arg13 : memref<128x128xf32, #tpu.memory_space<vmem>>) offsets(%dma_start3A_13 : memref<128xi32, #tpu.memory_space<vmem>>) semaphore(%arg16 : memref<!tpu.dma_semaphore, #tpu.memory_space<semaphore_mem>>)
    %scan3A = arith.constant 0 : i32
    %scan3A_17 = arith.constant 0 : i32
    %scan3A_18 = arith.constant 20 : i32
    %scan3A_19 = arith.addi %scan3A_17, %scan3A_18 : i32
    %scan3A_20 = arith.constant 1 : i32
    scf.for %scan3A_117 = %scan3A_17 to %scan3A_19 step %scan3A_20  : i32 {
      %mul3A_118 = arith.constant 2 : i32
      %mul3A_119 = arith.muli %mul3A_118, %scan3A_117 : i32
      %mul3A_120 = arith.constant 1 : i32
      %mul3A_121 = arith.muli %mul3A_119, %mul3A_120 : i32
      %add3A_122 = arith.constant 0 : i32
      %add3A_123 = arith.addi %mul3A_121, %add3A_122 : i32
      %dma_wait3A = arith.constant 0 : i32
      %dma_wait3A_124 = tpu.memref_slice %arg10[%add3A_123, %dma_wait3A] : memref<40x128xi32, #tpu.memory_space<vmem>> -> memref<1x128xi32, #tpu.memory_space<vmem>>
      %dma_wait3A_125 = tpu.memref_squeeze %dma_wait3A_124 : memref<1x128xi32, #tpu.memory_space<vmem>> -> memref<128xi32, #tpu.memory_space<vmem>>
      %dma_wait3A_126 = arith.constant 0 : i32
      %dma_wait3A_127 = arith.constant 0 : i32
      %dma_wait3A_128 = tpu.memref_slice %arg5[%dma_wait3A_126, %dma_wait3A_127] : memref<10000x128xf32, #tpu.memory_space<hbm>> -> memref<10000x128xf32, #tpu.memory_space<hbm>>
      tpu.wait_indirect_dma semaphore(%arg15 : memref<!tpu.dma_semaphore, #tpu.memory_space<semaphore_mem>>) src(%dma_wait3A_128 : memref<10000x128xf32, #tpu.memory_space<hbm>>) dst(%arg12 : memref<128x128xf32, #tpu.memory_space<vmem>>)
      %mul3A_129 = arith.constant 1 : i32
      %mul3A_130 = arith.muli %mul3A_119, %mul3A_129 : i32
      %add3A_131 = arith.constant 0 : i32
      %add3A_132 = arith.addi %mul3A_130, %add3A_131 : i32
      %dma_start3A_133 = arith.constant 0 : i32
      %dma_start3A_134 = tpu.memref_slice %arg11[%add3A_132, %dma_start3A_133] : memref<40x128xi32, #tpu.memory_space<vmem>> -> memref<1x128xi32, #tpu.memory_space<vmem>>
      %dma_start3A_135 = tpu.memref_squeeze %dma_start3A_134 : memref<1x128xi32, #tpu.memory_space<vmem>> -> memref<128xi32, #tpu.memory_space<vmem>>
      %dma_start3A_136 = arith.constant 0 : i32
      %dma_start3A_137 = arith.constant 0 : i32
      %dma_start3A_138 = tpu.memref_slice %arg14[%dma_start3A_136, %dma_start3A_137] : memref<10240x128xf32, #tpu.memory_space<vmem_shared>> -> memref<10240x128xf32, #tpu.memory_space<vmem_shared>>
      tpu.enqueue_indirect_dma source(%arg12 : memref<128x128xf32, #tpu.memory_space<vmem>>) target(%dma_start3A_138 : memref<10240x128xf32, #tpu.memory_space<vmem_shared>>) offsets(%dma_start3A_135 : memref<128xi32, #tpu.memory_space<vmem>>) semaphore(%arg17 : memref<!tpu.dma_semaphore, #tpu.memory_space<semaphore_mem>>) {add = true}
      %mul3A_139 = arith.constant 1 : i32
      %mul3A_140 = arith.muli %mul3A_119, %mul3A_139 : i32
      %add3A_141 = arith.constant 0 : i32
      %add3A_142 = arith.addi %mul3A_140, %add3A_141 : i32
      %dma_wait3A_143 = arith.constant 0 : i32
      %dma_wait3A_144 = tpu.memref_slice %arg11[%add3A_142, %dma_wait3A_143] : memref<40x128xi32, #tpu.memory_space<vmem>> -> memref<1x128xi32, #tpu.memory_space<vmem>>
      %dma_wait3A_145 = tpu.memref_squeeze %dma_wait3A_144 : memref<1x128xi32, #tpu.memory_space<vmem>> -> memref<128xi32, #tpu.memory_space<vmem>>
      %dma_wait3A_146 = arith.constant 0 : i32
      %dma_wait3A_147 = arith.constant 0 : i32
      %dma_wait3A_148 = tpu.memref_slice %arg14[%dma_wait3A_146, %dma_wait3A_147] : memref<10240x128xf32, #tpu.memory_space<vmem_shared>> -> memref<10240x128xf32, #tpu.memory_space<vmem_shared>>
      tpu.wait_indirect_dma semaphore(%arg17 : memref<!tpu.dma_semaphore, #tpu.memory_space<semaphore_mem>>) src(%arg12 : memref<128x128xf32, #tpu.memory_space<vmem>>) dst(%dma_wait3A_148 : memref<10240x128xf32, #tpu.memory_space<vmem_shared>>)
      %lt3A = arith.constant 19 : i32
      %lt3A_149 = arith.cmpi slt, %scan3A_117, %lt3A : i32
      %convert_element_type3A = arith.extui %lt3A_149 : i1 to i32
      %cond3A = arith.constant 0 : i32
      %cond3A_150 = arith.cmpi ne, %convert_element_type3A, %cond3A : i32
      scf.if %cond3A_150 {
        %add3A_192 = arith.constant 2 : i32
        %add3A_193 = arith.addi %mul3A_119, %add3A_192 : i32
        %mul3A_194 = arith.constant 1 : i32
        %mul3A_195 = arith.muli %add3A_193, %mul3A_194 : i32
        %add3A_196 = arith.constant 0 : i32
        %add3A_197 = arith.addi %mul3A_195, %add3A_196 : i32
        %dma_start3A_198 = arith.constant 0 : i32
        %dma_start3A_199 = tpu.memref_slice %arg10[%add3A_197, %dma_start3A_198] : memref<40x128xi32, #tpu.memory_space<vmem>> -> memref<1x128xi32, #tpu.memory_space<vmem>>
        %dma_start3A_200 = tpu.memref_squeeze %dma_start3A_199 : memref<1x128xi32, #tpu.memory_space<vmem>> -> memref<128xi32, #tpu.memory_space<vmem>>
        %dma_start3A_201 = arith.constant 0 : i32
        %dma_start3A_202 = arith.constant 0 : i32
        %dma_start3A_203 = tpu.memref_slice %arg5[%dma_start3A_201, %dma_start3A_202] : memref<10000x128xf32, #tpu.memory_space<hbm>> -> memref<10000x128xf32, #tpu.memory_space<hbm>>
        tpu.enqueue_indirect_dma source(%dma_start3A_203 : memref<10000x128xf32, #tpu.memory_space<hbm>>) target(%arg12 : memref<128x128xf32, #tpu.memory_space<vmem>>) offsets(%dma_start3A_200 : memref<128xi32, #tpu.memory_space<vmem>>) semaphore(%arg15 : memref<!tpu.dma_semaphore, #tpu.memory_space<semaphore_mem>>)
      } else {
      }
      %add3A_151 = arith.constant 1 : i32
      %add3A_152 = arith.addi %mul3A_119, %add3A_151 : i32
      %mul3A_153 = arith.constant 1 : i32
      %mul3A_154 = arith.muli %add3A_152, %mul3A_153 : i32
      %add3A_155 = arith.constant 0 : i32
      %add3A_156 = arith.addi %mul3A_154, %add3A_155 : i32
      %dma_wait3A_157 = arith.constant 0 : i32
      %dma_wait3A_158 = tpu.memref_slice %arg10[%add3A_156, %dma_wait3A_157] : memref<40x128xi32, #tpu.memory_space<vmem>> -> memref<1x128xi32, #tpu.memory_space<vmem>>
      %dma_wait3A_159 = tpu.memref_squeeze %dma_wait3A_158 : memref<1x128xi32, #tpu.memory_space<vmem>> -> memref<128xi32, #tpu.memory_space<vmem>>
      %dma_wait3A_160 = arith.constant 0 : i32
      %dma_wait3A_161 = arith.constant 0 : i32
      %dma_wait3A_162 = tpu.memref_slice %arg5[%dma_wait3A_160, %dma_wait3A_161] : memref<10000x128xf32, #tpu.memory_space<hbm>> -> memref<10000x128xf32, #tpu.memory_space<hbm>>
      tpu.wait_indirect_dma semaphore(%arg16 : memref<!tpu.dma_semaphore, #tpu.memory_space<semaphore_mem>>) src(%dma_wait3A_162 : memref<10000x128xf32, #tpu.memory_space<hbm>>) dst(%arg13 : memref<128x128xf32, #tpu.memory_space<vmem>>)
      %add3A_163 = arith.constant 1 : i32
      %add3A_164 = arith.addi %mul3A_119, %add3A_163 : i32
      %mul3A_165 = arith.constant 1 : i32
      %mul3A_166 = arith.muli %add3A_164, %mul3A_165 : i32
      %add3A_167 = arith.constant 0 : i32
      %add3A_168 = arith.addi %mul3A_166, %add3A_167 : i32
      %dma_start3A_169 = arith.constant 0 : i32
      %dma_start3A_170 = tpu.memref_slice %arg11[%add3A_168, %dma_start3A_169] : memref<40x128xi32, #tpu.memory_space<vmem>> -> memref<1x128xi32, #tpu.memory_space<vmem>>
      %dma_start3A_171 = tpu.memref_squeeze %dma_start3A_170 : memref<1x128xi32, #tpu.memory_space<vmem>> -> memref<128xi32, #tpu.memory_space<vmem>>
      %dma_start3A_172 = arith.constant 0 : i32
      %dma_start3A_173 = arith.constant 0 : i32
      %dma_start3A_174 = tpu.memref_slice %arg14[%dma_start3A_172, %dma_start3A_173] : memref<10240x128xf32, #tpu.memory_space<vmem_shared>> -> memref<10240x128xf32, #tpu.memory_space<vmem_shared>>
      tpu.enqueue_indirect_dma source(%arg13 : memref<128x128xf32, #tpu.memory_space<vmem>>) target(%dma_start3A_174 : memref<10240x128xf32, #tpu.memory_space<vmem_shared>>) offsets(%dma_start3A_171 : memref<128xi32, #tpu.memory_space<vmem>>) semaphore(%arg18 : memref<!tpu.dma_semaphore, #tpu.memory_space<semaphore_mem>>) {add = true}
      %add3A_175 = arith.constant 1 : i32
      %add3A_176 = arith.addi %mul3A_119, %add3A_175 : i32
      %mul3A_177 = arith.constant 1 : i32
      %mul3A_178 = arith.muli %add3A_176, %mul3A_177 : i32
      %add3A_179 = arith.constant 0 : i32
      %add3A_180 = arith.addi %mul3A_178, %add3A_179 : i32
      %dma_wait3A_181 = arith.constant 0 : i32
      %dma_wait3A_182 = tpu.memref_slice %arg11[%add3A_180, %dma_wait3A_181] : memref<40x128xi32, #tpu.memory_space<vmem>> -> memref<1x128xi32, #tpu.memory_space<vmem>>
      %dma_wait3A_183 = tpu.memref_squeeze %dma_wait3A_182 : memref<1x128xi32, #tpu.memory_space<vmem>> -> memref<128xi32, #tpu.memory_space<vmem>>
      %dma_wait3A_184 = arith.constant 0 : i32
      %dma_wait3A_185 = arith.constant 0 : i32
      %dma_wait3A_186 = tpu.memref_slice %arg14[%dma_wait3A_184, %dma_wait3A_185] : memref<10240x128xf32, #tpu.memory_space<vmem_shared>> -> memref<10240x128xf32, #tpu.memory_space<vmem_shared>>
      tpu.wait_indirect_dma semaphore(%arg18 : memref<!tpu.dma_semaphore, #tpu.memory_space<semaphore_mem>>) src(%arg13 : memref<128x128xf32, #tpu.memory_space<vmem>>) dst(%dma_wait3A_186 : memref<10240x128xf32, #tpu.memory_space<vmem_shared>>)
      %lt3A_187 = arith.constant 19 : i32
      %lt3A_188 = arith.cmpi slt, %scan3A_117, %lt3A_187 : i32
      %convert_element_type3A_189 = arith.extui %lt3A_188 : i1 to i32
      %cond3A_190 = arith.constant 0 : i32
      %cond3A_191 = arith.cmpi ne, %convert_element_type3A_189, %cond3A_190 : i32
      scf.if %cond3A_191 {
        %add3A_192 = arith.constant 3 : i32
        %add3A_193 = arith.addi %mul3A_119, %add3A_192 : i32
        %mul3A_194 = arith.constant 1 : i32
        %mul3A_195 = arith.muli %add3A_193, %mul3A_194 : i32
        %add3A_196 = arith.constant 0 : i32
        %add3A_197 = arith.addi %mul3A_195, %add3A_196 : i32
        %dma_start3A_198 = arith.constant 0 : i32
        %dma_start3A_199 = tpu.memref_slice %arg10[%add3A_197, %dma_start3A_198] : memref<40x128xi32, #tpu.memory_space<vmem>> -> memref<1x128xi32, #tpu.memory_space<vmem>>
        %dma_start3A_200 = tpu.memref_squeeze %dma_start3A_199 : memref<1x128xi32, #tpu.memory_space<vmem>> -> memref<128xi32, #tpu.memory_space<vmem>>
        %dma_start3A_201 = arith.constant 0 : i32
        %dma_start3A_202 = arith.constant 0 : i32
        %dma_start3A_203 = tpu.memref_slice %arg5[%dma_start3A_201, %dma_start3A_202] : memref<10000x128xf32, #tpu.memory_space<hbm>> -> memref<10000x128xf32, #tpu.memory_space<hbm>>
        tpu.enqueue_indirect_dma source(%dma_start3A_203 : memref<10000x128xf32, #tpu.memory_space<hbm>>) target(%arg13 : memref<128x128xf32, #tpu.memory_space<vmem>>) offsets(%dma_start3A_200 : memref<128xi32, #tpu.memory_space<vmem>>) semaphore(%arg16 : memref<!tpu.dma_semaphore, #tpu.memory_space<semaphore_mem>>)
      } else {
      }
    }
    %scan3A_21 = arith.constant 20 : i32
    %barrier3A_22 = arith.constant 0 : index
    tpu.barrier barrier_id(%barrier3A_22)
    %mul3A_23 = arith.constant 640 : i32
    %mul3A_24 = arith.muli %arg1, %mul3A_23 : i32
    %mul3A_25 = arith.constant 640 : i32
    %mul3A_26 = arith.muli %arg1, %mul3A_25 : i32
    %run_scoped3A = arith.constant 0 : i32
    "tpu.region"() ({
      %run_scoped3A_117 = tpu.sem_alloc : memref<!tpu.dma_semaphore, #tpu.memory_space<semaphore_mem>>
      %dma_start3A_118 = arith.constant 0 : i32
      %dma_start3A_119 = tpu.memref_slice %arg9[%arg0, %run_scoped3A, %mul3A_26, %dma_start3A_118] : memref<2x4x10240x128xf32, #tpu.memory_space<hbm>> -> memref<1x1x640x128xf32, #tpu.memory_space<hbm>>
      %dma_start3A_120 = tpu.memref_squeeze %dma_start3A_119 : memref<1x1x640x128xf32, #tpu.memory_space<hbm>> -> memref<640x128xf32, #tpu.memory_space<hbm>>
      %dma_start3A_121 = arith.constant 0 : i32
      %dma_start3A_122 = tpu.memref_slice %arg14[%mul3A_24, %dma_start3A_121] : memref<10240x128xf32, #tpu.memory_space<vmem_shared>> -> memref<640x128xf32, #tpu.memory_space<vmem_shared>>
      tpu.enqueue_dma source(%dma_start3A_122 : memref<640x128xf32, #tpu.memory_space<vmem_shared>>) target(%dma_start3A_120 : memref<640x128xf32, #tpu.memory_space<hbm>>) target_semaphore(%run_scoped3A_117 : memref<!tpu.dma_semaphore, #tpu.memory_space<semaphore_mem>>)
      %dma_wait3A = arith.constant 0 : i32
      %dma_wait3A_123 = tpu.memref_slice %arg9[%arg0, %run_scoped3A, %mul3A_26, %dma_wait3A] : memref<2x4x10240x128xf32, #tpu.memory_space<hbm>> -> memref<1x1x640x128xf32, #tpu.memory_space<hbm>>
      %dma_wait3A_124 = tpu.memref_squeeze %dma_wait3A_123 : memref<1x1x640x128xf32, #tpu.memory_space<hbm>> -> memref<640x128xf32, #tpu.memory_space<hbm>>
      %dma_wait3A_125 = arith.constant 0 : i32
      %dma_wait3A_126 = tpu.memref_slice %arg14[%mul3A_24, %dma_wait3A_125] : memref<10240x128xf32, #tpu.memory_space<vmem_shared>> -> memref<640x128xf32, #tpu.memory_space<vmem_shared>>
      tpu.wait_dma2 semaphore(%run_scoped3A_117 : memref<!tpu.dma_semaphore, #tpu.memory_space<semaphore_mem>>) src(%dma_wait3A_126 : memref<640x128xf32, #tpu.memory_space<vmem_shared>>) dst(%dma_wait3A_124 : memref<640x128xf32, #tpu.memory_space<hbm>>)
      tpu.yield
    }) : () -> ()
    %barrier3A_27 = arith.constant 0 : index
    tpu.barrier barrier_id(%barrier3A_27)
    %mul3A_28 = arith.constant 640 : i32
    %mul3A_29 = arith.muli %arg1, %mul3A_28 : i32
    "tpu.region"() ({
      %run_scoped3A_117 = tpu.sem_alloc : memref<!tpu.dma_semaphore, #tpu.memory_space<semaphore_mem>>
      %dma_start3A_118 = arith.constant 0 : i32
      %dma_start3A_119 = tpu.memref_slice %arg14[%mul3A_29, %dma_start3A_118] : memref<10240x128xf32, #tpu.memory_space<vmem_shared>> -> memref<640x128xf32, #tpu.memory_space<vmem_shared>>
      tpu.enqueue_dma source(%arg4 : memref<640x128xf32, #tpu.memory_space<hbm>>) target(%dma_start3A_119 : memref<640x128xf32, #tpu.memory_space<vmem_shared>>) target_semaphore(%run_scoped3A_117 : memref<!tpu.dma_semaphore, #tpu.memory_space<semaphore_mem>>)
      %dma_wait3A = arith.constant 0 : i32
      %dma_wait3A_120 = tpu.memref_slice %arg14[%mul3A_29, %dma_wait3A] : memref<10240x128xf32, #tpu.memory_space<vmem_shared>> -> memref<640x128xf32, #tpu.memory_space<vmem_shared>>
      tpu.wait_dma2 semaphore(%run_scoped3A_117 : memref<!tpu.dma_semaphore, #tpu.memory_space<semaphore_mem>>) src(%arg4 : memref<640x128xf32, #tpu.memory_space<hbm>>) dst(%dma_wait3A_120 : memref<640x128xf32, #tpu.memory_space<vmem_shared>>)
      tpu.yield
    }) : () -> ()
    %barrier3A_30 = arith.constant 0 : index
    tpu.barrier barrier_id(%barrier3A_30)
    %dma_start3A_31 = arith.constant 0 : i32
    %dma_start3A_32 = arith.constant 0 : i32
    %dma_start3A_33 = tpu.memref_slice %arg10[%dma_start3A_31, %dma_start3A_32] : memref<40x128xi32, #tpu.memory_space<vmem>> -> memref<1x128xi32, #tpu.memory_space<vmem>>
    %dma_start3A_34 = tpu.memref_squeeze %dma_start3A_33 : memref<1x128xi32, #tpu.memory_space<vmem>> -> memref<128xi32, #tpu.memory_space<vmem>>
    %dma_start3A_35 = arith.constant 0 : i32
    %dma_start3A_36 = arith.constant 0 : i32
    %dma_start3A_37 = tpu.memref_slice %arg6[%dma_start3A_35, %dma_start3A_36] : memref<10000x128xf32, #tpu.memory_space<hbm>> -> memref<10000x128xf32, #tpu.memory_space<hbm>>
    tpu.enqueue_indirect_dma source(%dma_start3A_37 : memref<10000x128xf32, #tpu.memory_space<hbm>>) target(%arg12 : memref<128x128xf32, #tpu.memory_space<vmem>>) offsets(%dma_start3A_34 : memref<128xi32, #tpu.memory_space<vmem>>) semaphore(%arg15 : memref<!tpu.dma_semaphore, #tpu.memory_space<semaphore_mem>>)
    %dma_start3A_38 = arith.constant 1 : i32
    %dma_start3A_39 = arith.constant 0 : i32
    %dma_start3A_40 = tpu.memref_slice %arg10[%dma_start3A_38, %dma_start3A_39] : memref<40x128xi32, #tpu.memory_space<vmem>> -> memref<1x128xi32, #tpu.memory_space<vmem>>
    %dma_start3A_41 = tpu.memref_squeeze %dma_start3A_40 : memref<1x128xi32, #tpu.memory_space<vmem>> -> memref<128xi32, #tpu.memory_space<vmem>>
    %dma_start3A_42 = arith.constant 0 : i32
    %dma_start3A_43 = arith.constant 0 : i32
    %dma_start3A_44 = tpu.memref_slice %arg6[%dma_start3A_42, %dma_start3A_43] : memref<10000x128xf32, #tpu.memory_space<hbm>> -> memref<10000x128xf32, #tpu.memory_space<hbm>>
    tpu.enqueue_indirect_dma source(%dma_start3A_44 : memref<10000x128xf32, #tpu.memory_space<hbm>>) target(%arg13 : memref<128x128xf32, #tpu.memory_space<vmem>>) offsets(%dma_start3A_41 : memref<128xi32, #tpu.memory_space<vmem>>) semaphore(%arg16 : memref<!tpu.dma_semaphore, #tpu.memory_space<semaphore_mem>>)
    %scan3A_45 = arith.constant 0 : i32
    %scan3A_46 = arith.constant 0 : i32
    %scan3A_47 = arith.constant 20 : i32
    %scan3A_48 = arith.addi %scan3A_46, %scan3A_47 : i32
    %scan3A_49 = arith.constant 1 : i32
    scf.for %scan3A_117 = %scan3A_46 to %scan3A_48 step %scan3A_49  : i32 {
      %mul3A_118 = arith.constant 2 : i32
      %mul3A_119 = arith.muli %mul3A_118, %scan3A_117 : i32
      %mul3A_120 = arith.constant 1 : i32
      %mul3A_121 = arith.muli %mul3A_119, %mul3A_120 : i32
      %add3A_122 = arith.constant 0 : i32
      %add3A_123 = arith.addi %mul3A_121, %add3A_122 : i32
      %dma_wait3A = arith.constant 0 : i32
      %dma_wait3A_124 = tpu.memref_slice %arg10[%add3A_123, %dma_wait3A] : memref<40x128xi32, #tpu.memory_space<vmem>> -> memref<1x128xi32, #tpu.memory_space<vmem>>
      %dma_wait3A_125 = tpu.memref_squeeze %dma_wait3A_124 : memref<1x128xi32, #tpu.memory_space<vmem>> -> memref<128xi32, #tpu.memory_space<vmem>>
      %dma_wait3A_126 = arith.constant 0 : i32
      %dma_wait3A_127 = arith.constant 0 : i32
      %dma_wait3A_128 = tpu.memref_slice %arg6[%dma_wait3A_126, %dma_wait3A_127] : memref<10000x128xf32, #tpu.memory_space<hbm>> -> memref<10000x128xf32, #tpu.memory_space<hbm>>
      tpu.wait_indirect_dma semaphore(%arg15 : memref<!tpu.dma_semaphore, #tpu.memory_space<semaphore_mem>>) src(%dma_wait3A_128 : memref<10000x128xf32, #tpu.memory_space<hbm>>) dst(%arg12 : memref<128x128xf32, #tpu.memory_space<vmem>>)
      %mul3A_129 = arith.constant 1 : i32
      %mul3A_130 = arith.muli %mul3A_119, %mul3A_129 : i32
      %add3A_131 = arith.constant 0 : i32
      %add3A_132 = arith.addi %mul3A_130, %add3A_131 : i32
      %dma_start3A_133 = arith.constant 0 : i32
      %dma_start3A_134 = tpu.memref_slice %arg11[%add3A_132, %dma_start3A_133] : memref<40x128xi32, #tpu.memory_space<vmem>> -> memref<1x128xi32, #tpu.memory_space<vmem>>
      %dma_start3A_135 = tpu.memref_squeeze %dma_start3A_134 : memref<1x128xi32, #tpu.memory_space<vmem>> -> memref<128xi32, #tpu.memory_space<vmem>>
      %dma_start3A_136 = arith.constant 0 : i32
      %dma_start3A_137 = arith.constant 0 : i32
      %dma_start3A_138 = tpu.memref_slice %arg14[%dma_start3A_136, %dma_start3A_137] : memref<10240x128xf32, #tpu.memory_space<vmem_shared>> -> memref<10240x128xf32, #tpu.memory_space<vmem_shared>>
      tpu.enqueue_indirect_dma source(%arg12 : memref<128x128xf32, #tpu.memory_space<vmem>>) target(%dma_start3A_138 : memref<10240x128xf32, #tpu.memory_space<vmem_shared>>) offsets(%dma_start3A_135 : memref<128xi32, #tpu.memory_space<vmem>>) semaphore(%arg17 : memref<!tpu.dma_semaphore, #tpu.memory_space<semaphore_mem>>) {add = true}
      %mul3A_139 = arith.constant 1 : i32
      %mul3A_140 = arith.muli %mul3A_119, %mul3A_139 : i32
      %add3A_141 = arith.constant 0 : i32
      %add3A_142 = arith.addi %mul3A_140, %add3A_141 : i32
      %dma_wait3A_143 = arith.constant 0 : i32
      %dma_wait3A_144 = tpu.memref_slice %arg11[%add3A_142, %dma_wait3A_143] : memref<40x128xi32, #tpu.memory_space<vmem>> -> memref<1x128xi32, #tpu.memory_space<vmem>>
      %dma_wait3A_145 = tpu.memref_squeeze %dma_wait3A_144 : memref<1x128xi32, #tpu.memory_space<vmem>> -> memref<128xi32, #tpu.memory_space<vmem>>
      %dma_wait3A_146 = arith.constant 0 : i32
      %dma_wait3A_147 = arith.constant 0 : i32
      %dma_wait3A_148 = tpu.memref_slice %arg14[%dma_wait3A_146, %dma_wait3A_147] : memref<10240x128xf32, #tpu.memory_space<vmem_shared>> -> memref<10240x128xf32, #tpu.memory_space<vmem_shared>>
      tpu.wait_indirect_dma semaphore(%arg17 : memref<!tpu.dma_semaphore, #tpu.memory_space<semaphore_mem>>) src(%arg12 : memref<128x128xf32, #tpu.memory_space<vmem>>) dst(%dma_wait3A_148 : memref<10240x128xf32, #tpu.memory_space<vmem_shared>>)
      %lt3A = arith.constant 19 : i32
      %lt3A_149 = arith.cmpi slt, %scan3A_117, %lt3A : i32
      %convert_element_type3A = arith.extui %lt3A_149 : i1 to i32
      %cond3A = arith.constant 0 : i32
      %cond3A_150 = arith.cmpi ne, %convert_element_type3A, %cond3A : i32
      scf.if %cond3A_150 {
        %add3A_192 = arith.constant 2 : i32
        %add3A_193 = arith.addi %mul3A_119, %add3A_192 : i32
        %mul3A_194 = arith.constant 1 : i32
        %mul3A_195 = arith.muli %add3A_193, %mul3A_194 : i32
        %add3A_196 = arith.constant 0 : i32
        %add3A_197 = arith.addi %mul3A_195, %add3A_196 : i32
        %dma_start3A_198 = arith.constant 0 : i32
        %dma_start3A_199 = tpu.memref_slice %arg10[%add3A_197, %dma_start3A_198] : memref<40x128xi32, #tpu.memory_space<vmem>> -> memref<1x128xi32, #tpu.memory_space<vmem>>
        %dma_start3A_200 = tpu.memref_squeeze %dma_start3A_199 : memref<1x128xi32, #tpu.memory_space<vmem>> -> memref<128xi32, #tpu.memory_space<vmem>>
        %dma_start3A_201 = arith.constant 0 : i32
        %dma_start3A_202 = arith.constant 0 : i32
        %dma_start3A_203 = tpu.memref_slice %arg6[%dma_start3A_201, %dma_start3A_202] : memref<10000x128xf32, #tpu.memory_space<hbm>> -> memref<10000x128xf32, #tpu.memory_space<hbm>>
        tpu.enqueue_indirect_dma source(%dma_start3A_203 : memref<10000x128xf32, #tpu.memory_space<hbm>>) target(%arg12 : memref<128x128xf32, #tpu.memory_space<vmem>>) offsets(%dma_start3A_200 : memref<128xi32, #tpu.memory_space<vmem>>) semaphore(%arg15 : memref<!tpu.dma_semaphore, #tpu.memory_space<semaphore_mem>>)
      } else {
      }
      %add3A_151 = arith.constant 1 : i32
      %add3A_152 = arith.addi %mul3A_119, %add3A_151 : i32
      %mul3A_153 = arith.constant 1 : i32
      %mul3A_154 = arith.muli %add3A_152, %mul3A_153 : i32
      %add3A_155 = arith.constant 0 : i32
      %add3A_156 = arith.addi %mul3A_154, %add3A_155 : i32
      %dma_wait3A_157 = arith.constant 0 : i32
      %dma_wait3A_158 = tpu.memref_slice %arg10[%add3A_156, %dma_wait3A_157] : memref<40x128xi32, #tpu.memory_space<vmem>> -> memref<1x128xi32, #tpu.memory_space<vmem>>
      %dma_wait3A_159 = tpu.memref_squeeze %dma_wait3A_158 : memref<1x128xi32, #tpu.memory_space<vmem>> -> memref<128xi32, #tpu.memory_space<vmem>>
      %dma_wait3A_160 = arith.constant 0 : i32
      %dma_wait3A_161 = arith.constant 0 : i32
      %dma_wait3A_162 = tpu.memref_slice %arg6[%dma_wait3A_160, %dma_wait3A_161] : memref<10000x128xf32, #tpu.memory_space<hbm>> -> memref<10000x128xf32, #tpu.memory_space<hbm>>
      tpu.wait_indirect_dma semaphore(%arg16 : memref<!tpu.dma_semaphore, #tpu.memory_space<semaphore_mem>>) src(%dma_wait3A_162 : memref<10000x128xf32, #tpu.memory_space<hbm>>) dst(%arg13 : memref<128x128xf32, #tpu.memory_space<vmem>>)
      %add3A_163 = arith.constant 1 : i32
      %add3A_164 = arith.addi %mul3A_119, %add3A_163 : i32
      %mul3A_165 = arith.constant 1 : i32
      %mul3A_166 = arith.muli %add3A_164, %mul3A_165 : i32
      %add3A_167 = arith.constant 0 : i32
      %add3A_168 = arith.addi %mul3A_166, %add3A_167 : i32
      %dma_start3A_169 = arith.constant 0 : i32
      %dma_start3A_170 = tpu.memref_slice %arg11[%add3A_168, %dma_start3A_169] : memref<40x128xi32, #tpu.memory_space<vmem>> -> memref<1x128xi32, #tpu.memory_space<vmem>>
      %dma_start3A_171 = tpu.memref_squeeze %dma_start3A_170 : memref<1x128xi32, #tpu.memory_space<vmem>> -> memref<128xi32, #tpu.memory_space<vmem>>
      %dma_start3A_172 = arith.constant 0 : i32
      %dma_start3A_173 = arith.constant 0 : i32
      %dma_start3A_174 = tpu.memref_slice %arg14[%dma_start3A_172, %dma_start3A_173] : memref<10240x128xf32, #tpu.memory_space<vmem_shared>> -> memref<10240x128xf32, #tpu.memory_space<vmem_shared>>
      tpu.enqueue_indirect_dma source(%arg13 : memref<128x128xf32, #tpu.memory_space<vmem>>) target(%dma_start3A_174 : memref<10240x128xf32, #tpu.memory_space<vmem_shared>>) offsets(%dma_start3A_171 : memref<128xi32, #tpu.memory_space<vmem>>) semaphore(%arg18 : memref<!tpu.dma_semaphore, #tpu.memory_space<semaphore_mem>>) {add = true}
      %add3A_175 = arith.constant 1 : i32
      %add3A_176 = arith.addi %mul3A_119, %add3A_175 : i32
      %mul3A_177 = arith.constant 1 : i32
      %mul3A_178 = arith.muli %add3A_176, %mul3A_177 : i32
      %add3A_179 = arith.constant 0 : i32
      %add3A_180 = arith.addi %mul3A_178, %add3A_179 : i32
      %dma_wait3A_181 = arith.constant 0 : i32
      %dma_wait3A_182 = tpu.memref_slice %arg11[%add3A_180, %dma_wait3A_181] : memref<40x128xi32, #tpu.memory_space<vmem>> -> memref<1x128xi32, #tpu.memory_space<vmem>>
      %dma_wait3A_183 = tpu.memref_squeeze %dma_wait3A_182 : memref<1x128xi32, #tpu.memory_space<vmem>> -> memref<128xi32, #tpu.memory_space<vmem>>
      %dma_wait3A_184 = arith.constant 0 : i32
      %dma_wait3A_185 = arith.constant 0 : i32
      %dma_wait3A_186 = tpu.memref_slice %arg14[%dma_wait3A_184, %dma_wait3A_185] : memref<10240x128xf32, #tpu.memory_space<vmem_shared>> -> memref<10240x128xf32, #tpu.memory_space<vmem_shared>>
      tpu.wait_indirect_dma semaphore(%arg18 : memref<!tpu.dma_semaphore, #tpu.memory_space<semaphore_mem>>) src(%arg13 : memref<128x128xf32, #tpu.memory_space<vmem>>) dst(%dma_wait3A_186 : memref<10240x128xf32, #tpu.memory_space<vmem_shared>>)
      %lt3A_187 = arith.constant 19 : i32
      %lt3A_188 = arith.cmpi slt, %scan3A_117, %lt3A_187 : i32
      %convert_element_type3A_189 = arith.extui %lt3A_188 : i1 to i32
      %cond3A_190 = arith.constant 0 : i32
      %cond3A_191 = arith.cmpi ne, %convert_element_type3A_189, %cond3A_190 : i32
      scf.if %cond3A_191 {
        %add3A_192 = arith.constant 3 : i32
        %add3A_193 = arith.addi %mul3A_119, %add3A_192 : i32
        %mul3A_194 = arith.constant 1 : i32
        %mul3A_195 = arith.muli %add3A_193, %mul3A_194 : i32
        %add3A_196 = arith.constant 0 : i32
        %add3A_197 = arith.addi %mul3A_195, %add3A_196 : i32
        %dma_start3A_198 = arith.constant 0 : i32
        %dma_start3A_199 = tpu.memref_slice %arg10[%add3A_197, %dma_start3A_198] : memref<40x128xi32, #tpu.memory_space<vmem>> -> memref<1x128xi32, #tpu.memory_space<vmem>>
        %dma_start3A_200 = tpu.memref_squeeze %dma_start3A_199 : memref<1x128xi32, #tpu.memory_space<vmem>> -> memref<128xi32, #tpu.memory_space<vmem>>
        %dma_start3A_201 = arith.constant 0 : i32
        %dma_start3A_202 = arith.constant 0 : i32
        %dma_start3A_203 = tpu.memref_slice %arg6[%dma_start3A_201, %dma_start3A_202] : memref<10000x128xf32, #tpu.memory_space<hbm>> -> memref<10000x128xf32, #tpu.memory_space<hbm>>
        tpu.enqueue_indirect_dma source(%dma_start3A_203 : memref<10000x128xf32, #tpu.memory_space<hbm>>) target(%arg13 : memref<128x128xf32, #tpu.memory_space<vmem>>) offsets(%dma_start3A_200 : memref<128xi32, #tpu.memory_space<vmem>>) semaphore(%arg16 : memref<!tpu.dma_semaphore, #tpu.memory_space<semaphore_mem>>)
      } else {
      }
    }
    %scan3A_50 = arith.constant 20 : i32
    %barrier3A_51 = arith.constant 0 : index
    tpu.barrier barrier_id(%barrier3A_51)
    %mul3A_52 = arith.constant 640 : i32
    %mul3A_53 = arith.muli %arg1, %mul3A_52 : i32
    %mul3A_54 = arith.constant 640 : i32
    %mul3A_55 = arith.muli %arg1, %mul3A_54 : i32
    %run_scoped3A_56 = arith.constant 1 : i32
    "tpu.region"() ({
      %run_scoped3A_117 = tpu.sem_alloc : memref<!tpu.dma_semaphore, #tpu.memory_space<semaphore_mem>>
      %dma_start3A_118 = arith.constant 0 : i32
      %dma_start3A_119 = tpu.memref_slice %arg9[%arg0, %run_scoped3A_56, %mul3A_55, %dma_start3A_118] : memref<2x4x10240x128xf32, #tpu.memory_space<hbm>> -> memref<1x1x640x128xf32, #tpu.memory_space<hbm>>
      %dma_start3A_120 = tpu.memref_squeeze %dma_start3A_119 : memref<1x1x640x128xf32, #tpu.memory_space<hbm>> -> memref<640x128xf32, #tpu.memory_space<hbm>>
      %dma_start3A_121 = arith.constant 0 : i32
      %dma_start3A_122 = tpu.memref_slice %arg14[%mul3A_53, %dma_start3A_121] : memref<10240x128xf32, #tpu.memory_space<vmem_shared>> -> memref<640x128xf32, #tpu.memory_space<vmem_shared>>
      tpu.enqueue_dma source(%dma_start3A_122 : memref<640x128xf32, #tpu.memory_space<vmem_shared>>) target(%dma_start3A_120 : memref<640x128xf32, #tpu.memory_space<hbm>>) target_semaphore(%run_scoped3A_117 : memref<!tpu.dma_semaphore, #tpu.memory_space<semaphore_mem>>)
      %dma_wait3A = arith.constant 0 : i32
      %dma_wait3A_123 = tpu.memref_slice %arg9[%arg0, %run_scoped3A_56, %mul3A_55, %dma_wait3A] : memref<2x4x10240x128xf32, #tpu.memory_space<hbm>> -> memref<1x1x640x128xf32, #tpu.memory_space<hbm>>
      %dma_wait3A_124 = tpu.memref_squeeze %dma_wait3A_123 : memref<1x1x640x128xf32, #tpu.memory_space<hbm>> -> memref<640x128xf32, #tpu.memory_space<hbm>>
      %dma_wait3A_125 = arith.constant 0 : i32
      %dma_wait3A_126 = tpu.memref_slice %arg14[%mul3A_53, %dma_wait3A_125] : memref<10240x128xf32, #tpu.memory_space<vmem_shared>> -> memref<640x128xf32, #tpu.memory_space<vmem_shared>>
      tpu.wait_dma2 semaphore(%run_scoped3A_117 : memref<!tpu.dma_semaphore, #tpu.memory_space<semaphore_mem>>) src(%dma_wait3A_126 : memref<640x128xf32, #tpu.memory_space<vmem_shared>>) dst(%dma_wait3A_124 : memref<640x128xf32, #tpu.memory_space<hbm>>)
      tpu.yield
    }) : () -> ()
    %barrier3A_57 = arith.constant 0 : index
    tpu.barrier barrier_id(%barrier3A_57)
    %mul3A_58 = arith.constant 640 : i32
    %mul3A_59 = arith.muli %arg1, %mul3A_58 : i32
    "tpu.region"() ({
      %run_scoped3A_117 = tpu.sem_alloc : memref<!tpu.dma_semaphore, #tpu.memory_space<semaphore_mem>>
      %dma_start3A_118 = arith.constant 0 : i32
      %dma_start3A_119 = tpu.memref_slice %arg14[%mul3A_59, %dma_start3A_118] : memref<10240x128xf32, #tpu.memory_space<vmem_shared>> -> memref<640x128xf32, #tpu.memory_space<vmem_shared>>
      tpu.enqueue_dma source(%arg4 : memref<640x128xf32, #tpu.memory_space<hbm>>) target(%dma_start3A_119 : memref<640x128xf32, #tpu.memory_space<vmem_shared>>) target_semaphore(%run_scoped3A_117 : memref<!tpu.dma_semaphore, #tpu.memory_space<semaphore_mem>>)
      %dma_wait3A = arith.constant 0 : i32
      %dma_wait3A_120 = tpu.memref_slice %arg14[%mul3A_59, %dma_wait3A] : memref<10240x128xf32, #tpu.memory_space<vmem_shared>> -> memref<640x128xf32, #tpu.memory_space<vmem_shared>>
      tpu.wait_dma2 semaphore(%run_scoped3A_117 : memref<!tpu.dma_semaphore, #tpu.memory_space<semaphore_mem>>) src(%arg4 : memref<640x128xf32, #tpu.memory_space<hbm>>) dst(%dma_wait3A_120 : memref<640x128xf32, #tpu.memory_space<vmem_shared>>)
      tpu.yield
    }) : () -> ()
    %barrier3A_60 = arith.constant 0 : index
    tpu.barrier barrier_id(%barrier3A_60)
    %dma_start3A_61 = arith.constant 0 : i32
    %dma_start3A_62 = arith.constant 0 : i32
    %dma_start3A_63 = tpu.memref_slice %arg10[%dma_start3A_61, %dma_start3A_62] : memref<40x128xi32, #tpu.memory_space<vmem>> -> memref<1x128xi32, #tpu.memory_space<vmem>>
    %dma_start3A_64 = tpu.memref_squeeze %dma_start3A_63 : memref<1x128xi32, #tpu.memory_space<vmem>> -> memref<128xi32, #tpu.memory_space<vmem>>
    %dma_start3A_65 = arith.constant 0 : i32
    %dma_start3A_66 = arith.constant 0 : i32
    %dma_start3A_67 = tpu.memref_slice %arg7[%dma_start3A_65, %dma_start3A_66] : memref<10000x128xf32, #tpu.memory_space<hbm>> -> memref<10000x128xf32, #tpu.memory_space<hbm>>
    tpu.enqueue_indirect_dma source(%dma_start3A_67 : memref<10000x128xf32, #tpu.memory_space<hbm>>) target(%arg12 : memref<128x128xf32, #tpu.memory_space<vmem>>) offsets(%dma_start3A_64 : memref<128xi32, #tpu.memory_space<vmem>>) semaphore(%arg15 : memref<!tpu.dma_semaphore, #tpu.memory_space<semaphore_mem>>)
    %dma_start3A_68 = arith.constant 1 : i32
    %dma_start3A_69 = arith.constant 0 : i32
    %dma_start3A_70 = tpu.memref_slice %arg10[%dma_start3A_68, %dma_start3A_69] : memref<40x128xi32, #tpu.memory_space<vmem>> -> memref<1x128xi32, #tpu.memory_space<vmem>>
    %dma_start3A_71 = tpu.memref_squeeze %dma_start3A_70 : memref<1x128xi32, #tpu.memory_space<vmem>> -> memref<128xi32, #tpu.memory_space<vmem>>
    %dma_start3A_72 = arith.constant 0 : i32
    %dma_start3A_73 = arith.constant 0 : i32
    %dma_start3A_74 = tpu.memref_slice %arg7[%dma_start3A_72, %dma_start3A_73] : memref<10000x128xf32, #tpu.memory_space<hbm>> -> memref<10000x128xf32, #tpu.memory_space<hbm>>
    tpu.enqueue_indirect_dma source(%dma_start3A_74 : memref<10000x128xf32, #tpu.memory_space<hbm>>) target(%arg13 : memref<128x128xf32, #tpu.memory_space<vmem>>) offsets(%dma_start3A_71 : memref<128xi32, #tpu.memory_space<vmem>>) semaphore(%arg16 : memref<!tpu.dma_semaphore, #tpu.memory_space<semaphore_mem>>)
    %scan3A_75 = arith.constant 0 : i32
    %scan3A_76 = arith.constant 0 : i32
    %scan3A_77 = arith.constant 20 : i32
    %scan3A_78 = arith.addi %scan3A_76, %scan3A_77 : i32
    %scan3A_79 = arith.constant 1 : i32
    scf.for %scan3A_117 = %scan3A_76 to %scan3A_78 step %scan3A_79  : i32 {
      %mul3A_118 = arith.constant 2 : i32
      %mul3A_119 = arith.muli %mul3A_118, %scan3A_117 : i32
      %mul3A_120 = arith.constant 1 : i32
      %mul3A_121 = arith.muli %mul3A_119, %mul3A_120 : i32
      %add3A_122 = arith.constant 0 : i32
      %add3A_123 = arith.addi %mul3A_121, %add3A_122 : i32
      %dma_wait3A = arith.constant 0 : i32
      %dma_wait3A_124 = tpu.memref_slice %arg10[%add3A_123, %dma_wait3A] : memref<40x128xi32, #tpu.memory_space<vmem>> -> memref<1x128xi32, #tpu.memory_space<vmem>>
      %dma_wait3A_125 = tpu.memref_squeeze %dma_wait3A_124 : memref<1x128xi32, #tpu.memory_space<vmem>> -> memref<128xi32, #tpu.memory_space<vmem>>
      %dma_wait3A_126 = arith.constant 0 : i32
      %dma_wait3A_127 = arith.constant 0 : i32
      %dma_wait3A_128 = tpu.memref_slice %arg7[%dma_wait3A_126, %dma_wait3A_127] : memref<10000x128xf32, #tpu.memory_space<hbm>> -> memref<10000x128xf32, #tpu.memory_space<hbm>>
      tpu.wait_indirect_dma semaphore(%arg15 : memref<!tpu.dma_semaphore, #tpu.memory_space<semaphore_mem>>) src(%dma_wait3A_128 : memref<10000x128xf32, #tpu.memory_space<hbm>>) dst(%arg12 : memref<128x128xf32, #tpu.memory_space<vmem>>)
      %mul3A_129 = arith.constant 1 : i32
      %mul3A_130 = arith.muli %mul3A_119, %mul3A_129 : i32
      %add3A_131 = arith.constant 0 : i32
      %add3A_132 = arith.addi %mul3A_130, %add3A_131 : i32
      %dma_start3A_133 = arith.constant 0 : i32
      %dma_start3A_134 = tpu.memref_slice %arg11[%add3A_132, %dma_start3A_133] : memref<40x128xi32, #tpu.memory_space<vmem>> -> memref<1x128xi32, #tpu.memory_space<vmem>>
      %dma_start3A_135 = tpu.memref_squeeze %dma_start3A_134 : memref<1x128xi32, #tpu.memory_space<vmem>> -> memref<128xi32, #tpu.memory_space<vmem>>
      %dma_start3A_136 = arith.constant 0 : i32
      %dma_start3A_137 = arith.constant 0 : i32
      %dma_start3A_138 = tpu.memref_slice %arg14[%dma_start3A_136, %dma_start3A_137] : memref<10240x128xf32, #tpu.memory_space<vmem_shared>> -> memref<10240x128xf32, #tpu.memory_space<vmem_shared>>
      tpu.enqueue_indirect_dma source(%arg12 : memref<128x128xf32, #tpu.memory_space<vmem>>) target(%dma_start3A_138 : memref<10240x128xf32, #tpu.memory_space<vmem_shared>>) offsets(%dma_start3A_135 : memref<128xi32, #tpu.memory_space<vmem>>) semaphore(%arg17 : memref<!tpu.dma_semaphore, #tpu.memory_space<semaphore_mem>>) {add = true}
      %mul3A_139 = arith.constant 1 : i32
      %mul3A_140 = arith.muli %mul3A_119, %mul3A_139 : i32
      %add3A_141 = arith.constant 0 : i32
      %add3A_142 = arith.addi %mul3A_140, %add3A_141 : i32
      %dma_wait3A_143 = arith.constant 0 : i32
      %dma_wait3A_144 = tpu.memref_slice %arg11[%add3A_142, %dma_wait3A_143] : memref<40x128xi32, #tpu.memory_space<vmem>> -> memref<1x128xi32, #tpu.memory_space<vmem>>
      %dma_wait3A_145 = tpu.memref_squeeze %dma_wait3A_144 : memref<1x128xi32, #tpu.memory_space<vmem>> -> memref<128xi32, #tpu.memory_space<vmem>>
      %dma_wait3A_146 = arith.constant 0 : i32
      %dma_wait3A_147 = arith.constant 0 : i32
      %dma_wait3A_148 = tpu.memref_slice %arg14[%dma_wait3A_146, %dma_wait3A_147] : memref<10240x128xf32, #tpu.memory_space<vmem_shared>> -> memref<10240x128xf32, #tpu.memory_space<vmem_shared>>
      tpu.wait_indirect_dma semaphore(%arg17 : memref<!tpu.dma_semaphore, #tpu.memory_space<semaphore_mem>>) src(%arg12 : memref<128x128xf32, #tpu.memory_space<vmem>>) dst(%dma_wait3A_148 : memref<10240x128xf32, #tpu.memory_space<vmem_shared>>)
      %lt3A = arith.constant 19 : i32
      %lt3A_149 = arith.cmpi slt, %scan3A_117, %lt3A : i32
      %convert_element_type3A = arith.extui %lt3A_149 : i1 to i32
      %cond3A = arith.constant 0 : i32
      %cond3A_150 = arith.cmpi ne, %convert_element_type3A, %cond3A : i32
      scf.if %cond3A_150 {
        %add3A_192 = arith.constant 2 : i32
        %add3A_193 = arith.addi %mul3A_119, %add3A_192 : i32
        %mul3A_194 = arith.constant 1 : i32
        %mul3A_195 = arith.muli %add3A_193, %mul3A_194 : i32
        %add3A_196 = arith.constant 0 : i32
        %add3A_197 = arith.addi %mul3A_195, %add3A_196 : i32
        %dma_start3A_198 = arith.constant 0 : i32
        %dma_start3A_199 = tpu.memref_slice %arg10[%add3A_197, %dma_start3A_198] : memref<40x128xi32, #tpu.memory_space<vmem>> -> memref<1x128xi32, #tpu.memory_space<vmem>>
        %dma_start3A_200 = tpu.memref_squeeze %dma_start3A_199 : memref<1x128xi32, #tpu.memory_space<vmem>> -> memref<128xi32, #tpu.memory_space<vmem>>
        %dma_start3A_201 = arith.constant 0 : i32
        %dma_start3A_202 = arith.constant 0 : i32
        %dma_start3A_203 = tpu.memref_slice %arg7[%dma_start3A_201, %dma_start3A_202] : memref<10000x128xf32, #tpu.memory_space<hbm>> -> memref<10000x128xf32, #tpu.memory_space<hbm>>
        tpu.enqueue_indirect_dma source(%dma_start3A_203 : memref<10000x128xf32, #tpu.memory_space<hbm>>) target(%arg12 : memref<128x128xf32, #tpu.memory_space<vmem>>) offsets(%dma_start3A_200 : memref<128xi32, #tpu.memory_space<vmem>>) semaphore(%arg15 : memref<!tpu.dma_semaphore, #tpu.memory_space<semaphore_mem>>)
      } else {
      }
      %add3A_151 = arith.constant 1 : i32
      %add3A_152 = arith.addi %mul3A_119, %add3A_151 : i32
      %mul3A_153 = arith.constant 1 : i32
      %mul3A_154 = arith.muli %add3A_152, %mul3A_153 : i32
      %add3A_155 = arith.constant 0 : i32
      %add3A_156 = arith.addi %mul3A_154, %add3A_155 : i32
      %dma_wait3A_157 = arith.constant 0 : i32
      %dma_wait3A_158 = tpu.memref_slice %arg10[%add3A_156, %dma_wait3A_157] : memref<40x128xi32, #tpu.memory_space<vmem>> -> memref<1x128xi32, #tpu.memory_space<vmem>>
      %dma_wait3A_159 = tpu.memref_squeeze %dma_wait3A_158 : memref<1x128xi32, #tpu.memory_space<vmem>> -> memref<128xi32, #tpu.memory_space<vmem>>
      %dma_wait3A_160 = arith.constant 0 : i32
      %dma_wait3A_161 = arith.constant 0 : i32
      %dma_wait3A_162 = tpu.memref_slice %arg7[%dma_wait3A_160, %dma_wait3A_161] : memref<10000x128xf32, #tpu.memory_space<hbm>> -> memref<10000x128xf32, #tpu.memory_space<hbm>>
      tpu.wait_indirect_dma semaphore(%arg16 : memref<!tpu.dma_semaphore, #tpu.memory_space<semaphore_mem>>) src(%dma_wait3A_162 : memref<10000x128xf32, #tpu.memory_space<hbm>>) dst(%arg13 : memref<128x128xf32, #tpu.memory_space<vmem>>)
      %add3A_163 = arith.constant 1 : i32
      %add3A_164 = arith.addi %mul3A_119, %add3A_163 : i32
      %mul3A_165 = arith.constant 1 : i32
      %mul3A_166 = arith.muli %add3A_164, %mul3A_165 : i32
      %add3A_167 = arith.constant 0 : i32
      %add3A_168 = arith.addi %mul3A_166, %add3A_167 : i32
      %dma_start3A_169 = arith.constant 0 : i32
      %dma_start3A_170 = tpu.memref_slice %arg11[%add3A_168, %dma_start3A_169] : memref<40x128xi32, #tpu.memory_space<vmem>> -> memref<1x128xi32, #tpu.memory_space<vmem>>
      %dma_start3A_171 = tpu.memref_squeeze %dma_start3A_170 : memref<1x128xi32, #tpu.memory_space<vmem>> -> memref<128xi32, #tpu.memory_space<vmem>>
      %dma_start3A_172 = arith.constant 0 : i32
      %dma_start3A_173 = arith.constant 0 : i32
      %dma_start3A_174 = tpu.memref_slice %arg14[%dma_start3A_172, %dma_start3A_173] : memref<10240x128xf32, #tpu.memory_space<vmem_shared>> -> memref<10240x128xf32, #tpu.memory_space<vmem_shared>>
      tpu.enqueue_indirect_dma source(%arg13 : memref<128x128xf32, #tpu.memory_space<vmem>>) target(%dma_start3A_174 : memref<10240x128xf32, #tpu.memory_space<vmem_shared>>) offsets(%dma_start3A_171 : memref<128xi32, #tpu.memory_space<vmem>>) semaphore(%arg18 : memref<!tpu.dma_semaphore, #tpu.memory_space<semaphore_mem>>) {add = true}
      %add3A_175 = arith.constant 1 : i32
      %add3A_176 = arith.addi %mul3A_119, %add3A_175 : i32
      %mul3A_177 = arith.constant 1 : i32
      %mul3A_178 = arith.muli %add3A_176, %mul3A_177 : i32
      %add3A_179 = arith.constant 0 : i32
      %add3A_180 = arith.addi %mul3A_178, %add3A_179 : i32
      %dma_wait3A_181 = arith.constant 0 : i32
      %dma_wait3A_182 = tpu.memref_slice %arg11[%add3A_180, %dma_wait3A_181] : memref<40x128xi32, #tpu.memory_space<vmem>> -> memref<1x128xi32, #tpu.memory_space<vmem>>
      %dma_wait3A_183 = tpu.memref_squeeze %dma_wait3A_182 : memref<1x128xi32, #tpu.memory_space<vmem>> -> memref<128xi32, #tpu.memory_space<vmem>>
      %dma_wait3A_184 = arith.constant 0 : i32
      %dma_wait3A_185 = arith.constant 0 : i32
      %dma_wait3A_186 = tpu.memref_slice %arg14[%dma_wait3A_184, %dma_wait3A_185] : memref<10240x128xf32, #tpu.memory_space<vmem_shared>> -> memref<10240x128xf32, #tpu.memory_space<vmem_shared>>
      tpu.wait_indirect_dma semaphore(%arg18 : memref<!tpu.dma_semaphore, #tpu.memory_space<semaphore_mem>>) src(%arg13 : memref<128x128xf32, #tpu.memory_space<vmem>>) dst(%dma_wait3A_186 : memref<10240x128xf32, #tpu.memory_space<vmem_shared>>)
      %lt3A_187 = arith.constant 19 : i32
      %lt3A_188 = arith.cmpi slt, %scan3A_117, %lt3A_187 : i32
      %convert_element_type3A_189 = arith.extui %lt3A_188 : i1 to i32
      %cond3A_190 = arith.constant 0 : i32
      %cond3A_191 = arith.cmpi ne, %convert_element_type3A_189, %cond3A_190 : i32
      scf.if %cond3A_191 {
        %add3A_192 = arith.constant 3 : i32
        %add3A_193 = arith.addi %mul3A_119, %add3A_192 : i32
        %mul3A_194 = arith.constant 1 : i32
        %mul3A_195 = arith.muli %add3A_193, %mul3A_194 : i32
        %add3A_196 = arith.constant 0 : i32
        %add3A_197 = arith.addi %mul3A_195, %add3A_196 : i32
        %dma_start3A_198 = arith.constant 0 : i32
        %dma_start3A_199 = tpu.memref_slice %arg10[%add3A_197, %dma_start3A_198] : memref<40x128xi32, #tpu.memory_space<vmem>> -> memref<1x128xi32, #tpu.memory_space<vmem>>
        %dma_start3A_200 = tpu.memref_squeeze %dma_start3A_199 : memref<1x128xi32, #tpu.memory_space<vmem>> -> memref<128xi32, #tpu.memory_space<vmem>>
        %dma_start3A_201 = arith.constant 0 : i32
        %dma_start3A_202 = arith.constant 0 : i32
        %dma_start3A_203 = tpu.memref_slice %arg7[%dma_start3A_201, %dma_start3A_202] : memref<10000x128xf32, #tpu.memory_space<hbm>> -> memref<10000x128xf32, #tpu.memory_space<hbm>>
        tpu.enqueue_indirect_dma source(%dma_start3A_203 : memref<10000x128xf32, #tpu.memory_space<hbm>>) target(%arg13 : memref<128x128xf32, #tpu.memory_space<vmem>>) offsets(%dma_start3A_200 : memref<128xi32, #tpu.memory_space<vmem>>) semaphore(%arg16 : memref<!tpu.dma_semaphore, #tpu.memory_space<semaphore_mem>>)
      } else {
      }
    }
    %scan3A_80 = arith.constant 20 : i32
    %barrier3A_81 = arith.constant 0 : index
    tpu.barrier barrier_id(%barrier3A_81)
    %mul3A_82 = arith.constant 640 : i32
    %mul3A_83 = arith.muli %arg1, %mul3A_82 : i32
    %mul3A_84 = arith.constant 640 : i32
    %mul3A_85 = arith.muli %arg1, %mul3A_84 : i32
    %run_scoped3A_86 = arith.constant 2 : i32
    "tpu.region"() ({
      %run_scoped3A_117 = tpu.sem_alloc : memref<!tpu.dma_semaphore, #tpu.memory_space<semaphore_mem>>
      %dma_start3A_118 = arith.constant 0 : i32
      %dma_start3A_119 = tpu.memref_slice %arg9[%arg0, %run_scoped3A_86, %mul3A_85, %dma_start3A_118] : memref<2x4x10240x128xf32, #tpu.memory_space<hbm>> -> memref<1x1x640x128xf32, #tpu.memory_space<hbm>>
      %dma_start3A_120 = tpu.memref_squeeze %dma_start3A_119 : memref<1x1x640x128xf32, #tpu.memory_space<hbm>> -> memref<640x128xf32, #tpu.memory_space<hbm>>
      %dma_start3A_121 = arith.constant 0 : i32
      %dma_start3A_122 = tpu.memref_slice %arg14[%mul3A_83, %dma_start3A_121] : memref<10240x128xf32, #tpu.memory_space<vmem_shared>> -> memref<640x128xf32, #tpu.memory_space<vmem_shared>>
      tpu.enqueue_dma source(%dma_start3A_122 : memref<640x128xf32, #tpu.memory_space<vmem_shared>>) target(%dma_start3A_120 : memref<640x128xf32, #tpu.memory_space<hbm>>) target_semaphore(%run_scoped3A_117 : memref<!tpu.dma_semaphore, #tpu.memory_space<semaphore_mem>>)
      %dma_wait3A = arith.constant 0 : i32
      %dma_wait3A_123 = tpu.memref_slice %arg9[%arg0, %run_scoped3A_86, %mul3A_85, %dma_wait3A] : memref<2x4x10240x128xf32, #tpu.memory_space<hbm>> -> memref<1x1x640x128xf32, #tpu.memory_space<hbm>>
      %dma_wait3A_124 = tpu.memref_squeeze %dma_wait3A_123 : memref<1x1x640x128xf32, #tpu.memory_space<hbm>> -> memref<640x128xf32, #tpu.memory_space<hbm>>
      %dma_wait3A_125 = arith.constant 0 : i32
      %dma_wait3A_126 = tpu.memref_slice %arg14[%mul3A_83, %dma_wait3A_125] : memref<10240x128xf32, #tpu.memory_space<vmem_shared>> -> memref<640x128xf32, #tpu.memory_space<vmem_shared>>
      tpu.wait_dma2 semaphore(%run_scoped3A_117 : memref<!tpu.dma_semaphore, #tpu.memory_space<semaphore_mem>>) src(%dma_wait3A_126 : memref<640x128xf32, #tpu.memory_space<vmem_shared>>) dst(%dma_wait3A_124 : memref<640x128xf32, #tpu.memory_space<hbm>>)
      tpu.yield
    }) : () -> ()
    %barrier3A_87 = arith.constant 0 : index
    tpu.barrier barrier_id(%barrier3A_87)
    %mul3A_88 = arith.constant 640 : i32
    %mul3A_89 = arith.muli %arg1, %mul3A_88 : i32
    "tpu.region"() ({
      %run_scoped3A_117 = tpu.sem_alloc : memref<!tpu.dma_semaphore, #tpu.memory_space<semaphore_mem>>
      %dma_start3A_118 = arith.constant 0 : i32
      %dma_start3A_119 = tpu.memref_slice %arg14[%mul3A_89, %dma_start3A_118] : memref<10240x128xf32, #tpu.memory_space<vmem_shared>> -> memref<640x128xf32, #tpu.memory_space<vmem_shared>>
      tpu.enqueue_dma source(%arg4 : memref<640x128xf32, #tpu.memory_space<hbm>>) target(%dma_start3A_119 : memref<640x128xf32, #tpu.memory_space<vmem_shared>>) target_semaphore(%run_scoped3A_117 : memref<!tpu.dma_semaphore, #tpu.memory_space<semaphore_mem>>)
      %dma_wait3A = arith.constant 0 : i32
      %dma_wait3A_120 = tpu.memref_slice %arg14[%mul3A_89, %dma_wait3A] : memref<10240x128xf32, #tpu.memory_space<vmem_shared>> -> memref<640x128xf32, #tpu.memory_space<vmem_shared>>
      tpu.wait_dma2 semaphore(%run_scoped3A_117 : memref<!tpu.dma_semaphore, #tpu.memory_space<semaphore_mem>>) src(%arg4 : memref<640x128xf32, #tpu.memory_space<hbm>>) dst(%dma_wait3A_120 : memref<640x128xf32, #tpu.memory_space<vmem_shared>>)
      tpu.yield
    }) : () -> ()
    %barrier3A_90 = arith.constant 0 : index
    tpu.barrier barrier_id(%barrier3A_90)
    %dma_start3A_91 = arith.constant 0 : i32
    %dma_start3A_92 = arith.constant 0 : i32
    %dma_start3A_93 = tpu.memref_slice %arg10[%dma_start3A_91, %dma_start3A_92] : memref<40x128xi32, #tpu.memory_space<vmem>> -> memref<1x128xi32, #tpu.memory_space<vmem>>
    %dma_start3A_94 = tpu.memref_squeeze %dma_start3A_93 : memref<1x128xi32, #tpu.memory_space<vmem>> -> memref<128xi32, #tpu.memory_space<vmem>>
    %dma_start3A_95 = arith.constant 0 : i32
    %dma_start3A_96 = arith.constant 0 : i32
    %dma_start3A_97 = tpu.memref_slice %arg8[%dma_start3A_95, %dma_start3A_96] : memref<10000x128xf32, #tpu.memory_space<hbm>> -> memref<10000x128xf32, #tpu.memory_space<hbm>>
    tpu.enqueue_indirect_dma source(%dma_start3A_97 : memref<10000x128xf32, #tpu.memory_space<hbm>>) target(%arg12 : memref<128x128xf32, #tpu.memory_space<vmem>>) offsets(%dma_start3A_94 : memref<128xi32, #tpu.memory_space<vmem>>) semaphore(%arg15 : memref<!tpu.dma_semaphore, #tpu.memory_space<semaphore_mem>>)
    %dma_start3A_98 = arith.constant 1 : i32
    %dma_start3A_99 = arith.constant 0 : i32
    %dma_start3A_100 = tpu.memref_slice %arg10[%dma_start3A_98, %dma_start3A_99] : memref<40x128xi32, #tpu.memory_space<vmem>> -> memref<1x128xi32, #tpu.memory_space<vmem>>
    %dma_start3A_101 = tpu.memref_squeeze %dma_start3A_100 : memref<1x128xi32, #tpu.memory_space<vmem>> -> memref<128xi32, #tpu.memory_space<vmem>>
    %dma_start3A_102 = arith.constant 0 : i32
    %dma_start3A_103 = arith.constant 0 : i32
    %dma_start3A_104 = tpu.memref_slice %arg8[%dma_start3A_102, %dma_start3A_103] : memref<10000x128xf32, #tpu.memory_space<hbm>> -> memref<10000x128xf32, #tpu.memory_space<hbm>>
    tpu.enqueue_indirect_dma source(%dma_start3A_104 : memref<10000x128xf32, #tpu.memory_space<hbm>>) target(%arg13 : memref<128x128xf32, #tpu.memory_space<vmem>>) offsets(%dma_start3A_101 : memref<128xi32, #tpu.memory_space<vmem>>) semaphore(%arg16 : memref<!tpu.dma_semaphore, #tpu.memory_space<semaphore_mem>>)
    %scan3A_105 = arith.constant 0 : i32
    %scan3A_106 = arith.constant 0 : i32
    %scan3A_107 = arith.constant 20 : i32
    %scan3A_108 = arith.addi %scan3A_106, %scan3A_107 : i32
    %scan3A_109 = arith.constant 1 : i32
    scf.for %scan3A_117 = %scan3A_106 to %scan3A_108 step %scan3A_109  : i32 {
      %mul3A_118 = arith.constant 2 : i32
      %mul3A_119 = arith.muli %mul3A_118, %scan3A_117 : i32
      %mul3A_120 = arith.constant 1 : i32
      %mul3A_121 = arith.muli %mul3A_119, %mul3A_120 : i32
      %add3A_122 = arith.constant 0 : i32
      %add3A_123 = arith.addi %mul3A_121, %add3A_122 : i32
      %dma_wait3A = arith.constant 0 : i32
      %dma_wait3A_124 = tpu.memref_slice %arg10[%add3A_123, %dma_wait3A] : memref<40x128xi32, #tpu.memory_space<vmem>> -> memref<1x128xi32, #tpu.memory_space<vmem>>
      %dma_wait3A_125 = tpu.memref_squeeze %dma_wait3A_124 : memref<1x128xi32, #tpu.memory_space<vmem>> -> memref<128xi32, #tpu.memory_space<vmem>>
      %dma_wait3A_126 = arith.constant 0 : i32
      %dma_wait3A_127 = arith.constant 0 : i32
      %dma_wait3A_128 = tpu.memref_slice %arg8[%dma_wait3A_126, %dma_wait3A_127] : memref<10000x128xf32, #tpu.memory_space<hbm>> -> memref<10000x128xf32, #tpu.memory_space<hbm>>
      tpu.wait_indirect_dma semaphore(%arg15 : memref<!tpu.dma_semaphore, #tpu.memory_space<semaphore_mem>>) src(%dma_wait3A_128 : memref<10000x128xf32, #tpu.memory_space<hbm>>) dst(%arg12 : memref<128x128xf32, #tpu.memory_space<vmem>>)
      %mul3A_129 = arith.constant 1 : i32
      %mul3A_130 = arith.muli %mul3A_119, %mul3A_129 : i32
      %add3A_131 = arith.constant 0 : i32
      %add3A_132 = arith.addi %mul3A_130, %add3A_131 : i32
      %dma_start3A_133 = arith.constant 0 : i32
      %dma_start3A_134 = tpu.memref_slice %arg11[%add3A_132, %dma_start3A_133] : memref<40x128xi32, #tpu.memory_space<vmem>> -> memref<1x128xi32, #tpu.memory_space<vmem>>
      %dma_start3A_135 = tpu.memref_squeeze %dma_start3A_134 : memref<1x128xi32, #tpu.memory_space<vmem>> -> memref<128xi32, #tpu.memory_space<vmem>>
      %dma_start3A_136 = arith.constant 0 : i32
      %dma_start3A_137 = arith.constant 0 : i32
      %dma_start3A_138 = tpu.memref_slice %arg14[%dma_start3A_136, %dma_start3A_137] : memref<10240x128xf32, #tpu.memory_space<vmem_shared>> -> memref<10240x128xf32, #tpu.memory_space<vmem_shared>>
      tpu.enqueue_indirect_dma source(%arg12 : memref<128x128xf32, #tpu.memory_space<vmem>>) target(%dma_start3A_138 : memref<10240x128xf32, #tpu.memory_space<vmem_shared>>) offsets(%dma_start3A_135 : memref<128xi32, #tpu.memory_space<vmem>>) semaphore(%arg17 : memref<!tpu.dma_semaphore, #tpu.memory_space<semaphore_mem>>) {add = true}
      %mul3A_139 = arith.constant 1 : i32
      %mul3A_140 = arith.muli %mul3A_119, %mul3A_139 : i32
      %add3A_141 = arith.constant 0 : i32
      %add3A_142 = arith.addi %mul3A_140, %add3A_141 : i32
      %dma_wait3A_143 = arith.constant 0 : i32
      %dma_wait3A_144 = tpu.memref_slice %arg11[%add3A_142, %dma_wait3A_143] : memref<40x128xi32, #tpu.memory_space<vmem>> -> memref<1x128xi32, #tpu.memory_space<vmem>>
      %dma_wait3A_145 = tpu.memref_squeeze %dma_wait3A_144 : memref<1x128xi32, #tpu.memory_space<vmem>> -> memref<128xi32, #tpu.memory_space<vmem>>
      %dma_wait3A_146 = arith.constant 0 : i32
      %dma_wait3A_147 = arith.constant 0 : i32
      %dma_wait3A_148 = tpu.memref_slice %arg14[%dma_wait3A_146, %dma_wait3A_147] : memref<10240x128xf32, #tpu.memory_space<vmem_shared>> -> memref<10240x128xf32, #tpu.memory_space<vmem_shared>>
      tpu.wait_indirect_dma semaphore(%arg17 : memref<!tpu.dma_semaphore, #tpu.memory_space<semaphore_mem>>) src(%arg12 : memref<128x128xf32, #tpu.memory_space<vmem>>) dst(%dma_wait3A_148 : memref<10240x128xf32, #tpu.memory_space<vmem_shared>>)
      %lt3A = arith.constant 19 : i32
      %lt3A_149 = arith.cmpi slt, %scan3A_117, %lt3A : i32
      %convert_element_type3A = arith.extui %lt3A_149 : i1 to i32
      %cond3A = arith.constant 0 : i32
      %cond3A_150 = arith.cmpi ne, %convert_element_type3A, %cond3A : i32
      scf.if %cond3A_150 {
        %add3A_192 = arith.constant 2 : i32
        %add3A_193 = arith.addi %mul3A_119, %add3A_192 : i32
        %mul3A_194 = arith.constant 1 : i32
        %mul3A_195 = arith.muli %add3A_193, %mul3A_194 : i32
        %add3A_196 = arith.constant 0 : i32
        %add3A_197 = arith.addi %mul3A_195, %add3A_196 : i32
        %dma_start3A_198 = arith.constant 0 : i32
        %dma_start3A_199 = tpu.memref_slice %arg10[%add3A_197, %dma_start3A_198] : memref<40x128xi32, #tpu.memory_space<vmem>> -> memref<1x128xi32, #tpu.memory_space<vmem>>
        %dma_start3A_200 = tpu.memref_squeeze %dma_start3A_199 : memref<1x128xi32, #tpu.memory_space<vmem>> -> memref<128xi32, #tpu.memory_space<vmem>>
        %dma_start3A_201 = arith.constant 0 : i32
        %dma_start3A_202 = arith.constant 0 : i32
        %dma_start3A_203 = tpu.memref_slice %arg8[%dma_start3A_201, %dma_start3A_202] : memref<10000x128xf32, #tpu.memory_space<hbm>> -> memref<10000x128xf32, #tpu.memory_space<hbm>>
        tpu.enqueue_indirect_dma source(%dma_start3A_203 : memref<10000x128xf32, #tpu.memory_space<hbm>>) target(%arg12 : memref<128x128xf32, #tpu.memory_space<vmem>>) offsets(%dma_start3A_200 : memref<128xi32, #tpu.memory_space<vmem>>) semaphore(%arg15 : memref<!tpu.dma_semaphore, #tpu.memory_space<semaphore_mem>>)
      } else {
      }
      %add3A_151 = arith.constant 1 : i32
      %add3A_152 = arith.addi %mul3A_119, %add3A_151 : i32
      %mul3A_153 = arith.constant 1 : i32
      %mul3A_154 = arith.muli %add3A_152, %mul3A_153 : i32
      %add3A_155 = arith.constant 0 : i32
      %add3A_156 = arith.addi %mul3A_154, %add3A_155 : i32
      %dma_wait3A_157 = arith.constant 0 : i32
      %dma_wait3A_158 = tpu.memref_slice %arg10[%add3A_156, %dma_wait3A_157] : memref<40x128xi32, #tpu.memory_space<vmem>> -> memref<1x128xi32, #tpu.memory_space<vmem>>
      %dma_wait3A_159 = tpu.memref_squeeze %dma_wait3A_158 : memref<1x128xi32, #tpu.memory_space<vmem>> -> memref<128xi32, #tpu.memory_space<vmem>>
      %dma_wait3A_160 = arith.constant 0 : i32
      %dma_wait3A_161 = arith.constant 0 : i32
      %dma_wait3A_162 = tpu.memref_slice %arg8[%dma_wait3A_160, %dma_wait3A_161] : memref<10000x128xf32, #tpu.memory_space<hbm>> -> memref<10000x128xf32, #tpu.memory_space<hbm>>
      tpu.wait_indirect_dma semaphore(%arg16 : memref<!tpu.dma_semaphore, #tpu.memory_space<semaphore_mem>>) src(%dma_wait3A_162 : memref<10000x128xf32, #tpu.memory_space<hbm>>) dst(%arg13 : memref<128x128xf32, #tpu.memory_space<vmem>>)
      %add3A_163 = arith.constant 1 : i32
      %add3A_164 = arith.addi %mul3A_119, %add3A_163 : i32
      %mul3A_165 = arith.constant 1 : i32
      %mul3A_166 = arith.muli %add3A_164, %mul3A_165 : i32
      %add3A_167 = arith.constant 0 : i32
      %add3A_168 = arith.addi %mul3A_166, %add3A_167 : i32
      %dma_start3A_169 = arith.constant 0 : i32
      %dma_start3A_170 = tpu.memref_slice %arg11[%add3A_168, %dma_start3A_169] : memref<40x128xi32, #tpu.memory_space<vmem>> -> memref<1x128xi32, #tpu.memory_space<vmem>>
      %dma_start3A_171 = tpu.memref_squeeze %dma_start3A_170 : memref<1x128xi32, #tpu.memory_space<vmem>> -> memref<128xi32, #tpu.memory_space<vmem>>
      %dma_start3A_172 = arith.constant 0 : i32
      %dma_start3A_173 = arith.constant 0 : i32
      %dma_start3A_174 = tpu.memref_slice %arg14[%dma_start3A_172, %dma_start3A_173] : memref<10240x128xf32, #tpu.memory_space<vmem_shared>> -> memref<10240x128xf32, #tpu.memory_space<vmem_shared>>
      tpu.enqueue_indirect_dma source(%arg13 : memref<128x128xf32, #tpu.memory_space<vmem>>) target(%dma_start3A_174 : memref<10240x128xf32, #tpu.memory_space<vmem_shared>>) offsets(%dma_start3A_171 : memref<128xi32, #tpu.memory_space<vmem>>) semaphore(%arg18 : memref<!tpu.dma_semaphore, #tpu.memory_space<semaphore_mem>>) {add = true}
      %add3A_175 = arith.constant 1 : i32
      %add3A_176 = arith.addi %mul3A_119, %add3A_175 : i32
      %mul3A_177 = arith.constant 1 : i32
      %mul3A_178 = arith.muli %add3A_176, %mul3A_177 : i32
      %add3A_179 = arith.constant 0 : i32
      %add3A_180 = arith.addi %mul3A_178, %add3A_179 : i32
      %dma_wait3A_181 = arith.constant 0 : i32
      %dma_wait3A_182 = tpu.memref_slice %arg11[%add3A_180, %dma_wait3A_181] : memref<40x128xi32, #tpu.memory_space<vmem>> -> memref<1x128xi32, #tpu.memory_space<vmem>>
      %dma_wait3A_183 = tpu.memref_squeeze %dma_wait3A_182 : memref<1x128xi32, #tpu.memory_space<vmem>> -> memref<128xi32, #tpu.memory_space<vmem>>
      %dma_wait3A_184 = arith.constant 0 : i32
      %dma_wait3A_185 = arith.constant 0 : i32
      %dma_wait3A_186 = tpu.memref_slice %arg14[%dma_wait3A_184, %dma_wait3A_185] : memref<10240x128xf32, #tpu.memory_space<vmem_shared>> -> memref<10240x128xf32, #tpu.memory_space<vmem_shared>>
      tpu.wait_indirect_dma semaphore(%arg18 : memref<!tpu.dma_semaphore, #tpu.memory_space<semaphore_mem>>) src(%arg13 : memref<128x128xf32, #tpu.memory_space<vmem>>) dst(%dma_wait3A_186 : memref<10240x128xf32, #tpu.memory_space<vmem_shared>>)
      %lt3A_187 = arith.constant 19 : i32
      %lt3A_188 = arith.cmpi slt, %scan3A_117, %lt3A_187 : i32
      %convert_element_type3A_189 = arith.extui %lt3A_188 : i1 to i32
      %cond3A_190 = arith.constant 0 : i32
      %cond3A_191 = arith.cmpi ne, %convert_element_type3A_189, %cond3A_190 : i32
      scf.if %cond3A_191 {
        %add3A_192 = arith.constant 3 : i32
        %add3A_193 = arith.addi %mul3A_119, %add3A_192 : i32
        %mul3A_194 = arith.constant 1 : i32
        %mul3A_195 = arith.muli %add3A_193, %mul3A_194 : i32
        %add3A_196 = arith.constant 0 : i32
        %add3A_197 = arith.addi %mul3A_195, %add3A_196 : i32
        %dma_start3A_198 = arith.constant 0 : i32
        %dma_start3A_199 = tpu.memref_slice %arg10[%add3A_197, %dma_start3A_198] : memref<40x128xi32, #tpu.memory_space<vmem>> -> memref<1x128xi32, #tpu.memory_space<vmem>>
        %dma_start3A_200 = tpu.memref_squeeze %dma_start3A_199 : memref<1x128xi32, #tpu.memory_space<vmem>> -> memref<128xi32, #tpu.memory_space<vmem>>
        %dma_start3A_201 = arith.constant 0 : i32
        %dma_start3A_202 = arith.constant 0 : i32
        %dma_start3A_203 = tpu.memref_slice %arg8[%dma_start3A_201, %dma_start3A_202] : memref<10000x128xf32, #tpu.memory_space<hbm>> -> memref<10000x128xf32, #tpu.memory_space<hbm>>
        tpu.enqueue_indirect_dma source(%dma_start3A_203 : memref<10000x128xf32, #tpu.memory_space<hbm>>) target(%arg13 : memref<128x128xf32, #tpu.memory_space<vmem>>) offsets(%dma_start3A_200 : memref<128xi32, #tpu.memory_space<vmem>>) semaphore(%arg16 : memref<!tpu.dma_semaphore, #tpu.memory_space<semaphore_mem>>)
      } else {
      }
    }
    %scan3A_110 = arith.constant 20 : i32
    %barrier3A_111 = arith.constant 0 : index
    tpu.barrier barrier_id(%barrier3A_111)
    %mul3A_112 = arith.constant 640 : i32
    %mul3A_113 = arith.muli %arg1, %mul3A_112 : i32
    %mul3A_114 = arith.constant 640 : i32
    %mul3A_115 = arith.muli %arg1, %mul3A_114 : i32
    %run_scoped3A_116 = arith.constant 3 : i32
    "tpu.region"() ({
      %run_scoped3A_117 = tpu.sem_alloc : memref<!tpu.dma_semaphore, #tpu.memory_space<semaphore_mem>>
      %dma_start3A_118 = arith.constant 0 : i32
      %dma_start3A_119 = tpu.memref_slice %arg9[%arg0, %run_scoped3A_116, %mul3A_115, %dma_start3A_118] : memref<2x4x10240x128xf32, #tpu.memory_space<hbm>> -> memref<1x1x640x128xf32, #tpu.memory_space<hbm>>
      %dma_start3A_120 = tpu.memref_squeeze %dma_start3A_119 : memref<1x1x640x128xf32, #tpu.memory_space<hbm>> -> memref<640x128xf32, #tpu.memory_space<hbm>>
      %dma_start3A_121 = arith.constant 0 : i32
      %dma_start3A_122 = tpu.memref_slice %arg14[%mul3A_113, %dma_start3A_121] : memref<10240x128xf32, #tpu.memory_space<vmem_shared>> -> memref<640x128xf32, #tpu.memory_space<vmem_shared>>
      tpu.enqueue_dma source(%dma_start3A_122 : memref<640x128xf32, #tpu.memory_space<vmem_shared>>) target(%dma_start3A_120 : memref<640x128xf32, #tpu.memory_space<hbm>>) target_semaphore(%run_scoped3A_117 : memref<!tpu.dma_semaphore, #tpu.memory_space<semaphore_mem>>)
      %dma_wait3A = arith.constant 0 : i32
      %dma_wait3A_123 = tpu.memref_slice %arg9[%arg0, %run_scoped3A_116, %mul3A_115, %dma_wait3A] : memref<2x4x10240x128xf32, #tpu.memory_space<hbm>> -> memref<1x1x640x128xf32, #tpu.memory_space<hbm>>
      %dma_wait3A_124 = tpu.memref_squeeze %dma_wait3A_123 : memref<1x1x640x128xf32, #tpu.memory_space<hbm>> -> memref<640x128xf32, #tpu.memory_space<hbm>>
      %dma_wait3A_125 = arith.constant 0 : i32
      %dma_wait3A_126 = tpu.memref_slice %arg14[%mul3A_113, %dma_wait3A_125] : memref<10240x128xf32, #tpu.memory_space<vmem_shared>> -> memref<640x128xf32, #tpu.memory_space<vmem_shared>>
      tpu.wait_dma2 semaphore(%run_scoped3A_117 : memref<!tpu.dma_semaphore, #tpu.memory_space<semaphore_mem>>) src(%dma_wait3A_126 : memref<640x128xf32, #tpu.memory_space<vmem_shared>>) dst(%dma_wait3A_124 : memref<640x128xf32, #tpu.memory_space<hbm>>)
      tpu.yield
    }) : () -> ()
    return
  }
}

#map = affine_map<(d0, d1) -> (0, 0, 0)>
#map1 = affine_map<(d0, d1) -> (0, 0)>
#map2 = affine_map<(d0, d1) -> (0, 0, 0, 0)>
module attributes {stable_mosaic.version = 14 : i64} {
  func.func @body(%arg0: i32, %arg1: i32, %arg2: memref<32x40x128xi32, #tpu.memory_space<hbm>>, %arg3: memref<32x40x128xi32, #tpu.memory_space<hbm>>, %arg4: memref<640x128xf32, #tpu.memory_space<hbm>>, %arg5: memref<10000x128xf32, #tpu.memory_space<hbm>>, %arg6: memref<2x2x10240x128xf32, #tpu.memory_space<hbm>>, %arg7: memref<40x128xi32, #tpu.memory_space<vmem>>, %arg8: memref<40x128xi32, #tpu.memory_space<vmem>>, %arg9: memref<128x128xf32, #tpu.memory_space<vmem>>, %arg10: memref<128x128xf32, #tpu.memory_space<vmem>>, %arg11: memref<10240x128xf32, #tpu.memory_space<vmem_shared>>, %arg12: memref<!tpu.dma_semaphore, #tpu.memory_space<semaphore_mem>>, %arg13: memref<!tpu.dma_semaphore, #tpu.memory_space<semaphore_mem>>, %arg14: memref<!tpu.dma_semaphore, #tpu.memory_space<semaphore_mem>>, %arg15: memref<!tpu.dma_semaphore, #tpu.memory_space<semaphore_mem>>) attributes {dimension_semantics = [#tpu.dimension_semantics<core_parallel>, #tpu.dimension_semantics<subcore_parallel>], iteration_bounds = array<i64: 2, 16>, scalar_prefetch = 0 : i64, scratch_operands = 9 : i64, tpu.core_type = #tpu.core_type<sc_vector_subcore>, window_params = [{transform_indices = #map}, {transform_indices = #map}, {transform_indices = #map1}, {transform_indices = #map1}, {transform_indices = #map2}]} {
    %mul3A = arith.constant 2 : i32
    %mul3A_0 = arith.muli %arg1, %mul3A : i32
    %add3A = arith.addi %mul3A_0, %arg0 : i32
    "tpu.region"() ({
      %run_scoped3A_49 = tpu.sem_alloc : memref<!tpu.dma_semaphore, #tpu.memory_space<semaphore_mem>>
      %dma_start3A_50 = arith.constant 0 : i32
      %dma_start3A_51 = arith.constant 0 : i32
      %dma_start3A_52 = tpu.memref_slice %arg2[%add3A, %dma_start3A_50, %dma_start3A_51] : memref<32x40x128xi32, #tpu.memory_space<hbm>> -> memref<1x40x128xi32, #tpu.memory_space<hbm>>
      %dma_start3A_53 = tpu.memref_squeeze %dma_start3A_52 : memref<1x40x128xi32, #tpu.memory_space<hbm>> -> memref<40x128xi32, #tpu.memory_space<hbm>>
      %dma_start3A_54 = arith.constant 0 : i32
      %dma_start3A_55 = arith.constant 0 : i32
      %dma_start3A_56 = tpu.memref_slice %arg2[%add3A, %dma_start3A_54, %dma_start3A_55] : memref<32x40x128xi32, #tpu.memory_space<hbm>> -> memref<1x40x128xi32, #tpu.memory_space<hbm>>
      %dma_start3A_57 = tpu.memref_squeeze %dma_start3A_56 : memref<1x40x128xi32, #tpu.memory_space<hbm>> -> memref<40x128xi32, #tpu.memory_space<hbm>>
      tpu.enqueue_dma source(%dma_start3A_57 : memref<40x128xi32, #tpu.memory_space<hbm>>) target(%arg7 : memref<40x128xi32, #tpu.memory_space<vmem>>) target_semaphore(%run_scoped3A_49 : memref<!tpu.dma_semaphore, #tpu.memory_space<semaphore_mem>>)
      %dma_wait3A = arith.constant 0 : i32
      %dma_wait3A_58 = arith.constant 0 : i32
      %dma_wait3A_59 = tpu.memref_slice %arg2[%add3A, %dma_wait3A, %dma_wait3A_58] : memref<32x40x128xi32, #tpu.memory_space<hbm>> -> memref<1x40x128xi32, #tpu.memory_space<hbm>>
      %dma_wait3A_60 = tpu.memref_squeeze %dma_wait3A_59 : memref<1x40x128xi32, #tpu.memory_space<hbm>> -> memref<40x128xi32, #tpu.memory_space<hbm>>
      %dma_wait3A_61 = arith.constant 0 : i32
      %dma_wait3A_62 = arith.constant 0 : i32
      %dma_wait3A_63 = tpu.memref_slice %arg2[%add3A, %dma_wait3A_61, %dma_wait3A_62] : memref<32x40x128xi32, #tpu.memory_space<hbm>> -> memref<1x40x128xi32, #tpu.memory_space<hbm>>
      %dma_wait3A_64 = tpu.memref_squeeze %dma_wait3A_63 : memref<1x40x128xi32, #tpu.memory_space<hbm>> -> memref<40x128xi32, #tpu.memory_space<hbm>>
      tpu.wait_dma2 semaphore(%run_scoped3A_49 : memref<!tpu.dma_semaphore, #tpu.memory_space<semaphore_mem>>) src(%dma_wait3A_64 : memref<40x128xi32, #tpu.memory_space<hbm>>) dst(%arg7 : memref<40x128xi32, #tpu.memory_space<vmem>>)
      tpu.yield
    }) : () -> ()
    "tpu.region"() ({
      %run_scoped3A_49 = tpu.sem_alloc : memref<!tpu.dma_semaphore, #tpu.memory_space<semaphore_mem>>
      %dma_start3A_50 = arith.constant 0 : i32
      %dma_start3A_51 = arith.constant 0 : i32
      %dma_start3A_52 = tpu.memref_slice %arg3[%add3A, %dma_start3A_50, %dma_start3A_51] : memref<32x40x128xi32, #tpu.memory_space<hbm>> -> memref<1x40x128xi32, #tpu.memory_space<hbm>>
      %dma_start3A_53 = tpu.memref_squeeze %dma_start3A_52 : memref<1x40x128xi32, #tpu.memory_space<hbm>> -> memref<40x128xi32, #tpu.memory_space<hbm>>
      %dma_start3A_54 = arith.constant 0 : i32
      %dma_start3A_55 = arith.constant 0 : i32
      %dma_start3A_56 = tpu.memref_slice %arg3[%add3A, %dma_start3A_54, %dma_start3A_55] : memref<32x40x128xi32, #tpu.memory_space<hbm>> -> memref<1x40x128xi32, #tpu.memory_space<hbm>>
      %dma_start3A_57 = tpu.memref_squeeze %dma_start3A_56 : memref<1x40x128xi32, #tpu.memory_space<hbm>> -> memref<40x128xi32, #tpu.memory_space<hbm>>
      tpu.enqueue_dma source(%dma_start3A_57 : memref<40x128xi32, #tpu.memory_space<hbm>>) target(%arg8 : memref<40x128xi32, #tpu.memory_space<vmem>>) target_semaphore(%run_scoped3A_49 : memref<!tpu.dma_semaphore, #tpu.memory_space<semaphore_mem>>)
      %dma_wait3A = arith.constant 0 : i32
      %dma_wait3A_58 = arith.constant 0 : i32
      %dma_wait3A_59 = tpu.memref_slice %arg3[%add3A, %dma_wait3A, %dma_wait3A_58] : memref<32x40x128xi32, #tpu.memory_space<hbm>> -> memref<1x40x128xi32, #tpu.memory_space<hbm>>
      %dma_wait3A_60 = tpu.memref_squeeze %dma_wait3A_59 : memref<1x40x128xi32, #tpu.memory_space<hbm>> -> memref<40x128xi32, #tpu.memory_space<hbm>>
      %dma_wait3A_61 = arith.constant 0 : i32
      %dma_wait3A_62 = arith.constant 0 : i32
      %dma_wait3A_63 = tpu.memref_slice %arg3[%add3A, %dma_wait3A_61, %dma_wait3A_62] : memref<32x40x128xi32, #tpu.memory_space<hbm>> -> memref<1x40x128xi32, #tpu.memory_space<hbm>>
      %dma_wait3A_64 = tpu.memref_squeeze %dma_wait3A_63 : memref<1x40x128xi32, #tpu.memory_space<hbm>> -> memref<40x128xi32, #tpu.memory_space<hbm>>
      tpu.wait_dma2 semaphore(%run_scoped3A_49 : memref<!tpu.dma_semaphore, #tpu.memory_space<semaphore_mem>>) src(%dma_wait3A_64 : memref<40x128xi32, #tpu.memory_space<hbm>>) dst(%arg8 : memref<40x128xi32, #tpu.memory_space<vmem>>)
      tpu.yield
    }) : () -> ()
    %barrier3A = arith.constant 0 : index
    tpu.barrier barrier_id(%barrier3A)
    %mul3A_1 = arith.constant 640 : i32
    %mul3A_2 = arith.muli %arg1, %mul3A_1 : i32
    "tpu.region"() ({
      %run_scoped3A_49 = tpu.sem_alloc : memref<!tpu.dma_semaphore, #tpu.memory_space<semaphore_mem>>
      %dma_start3A_50 = arith.constant 0 : i32
      %dma_start3A_51 = tpu.memref_slice %arg11[%mul3A_2, %dma_start3A_50] : memref<10240x128xf32, #tpu.memory_space<vmem_shared>> -> memref<640x128xf32, #tpu.memory_space<vmem_shared>>
      tpu.enqueue_dma source(%arg4 : memref<640x128xf32, #tpu.memory_space<hbm>>) target(%dma_start3A_51 : memref<640x128xf32, #tpu.memory_space<vmem_shared>>) target_semaphore(%run_scoped3A_49 : memref<!tpu.dma_semaphore, #tpu.memory_space<semaphore_mem>>)
      %dma_wait3A = arith.constant 0 : i32
      %dma_wait3A_52 = tpu.memref_slice %arg11[%mul3A_2, %dma_wait3A] : memref<10240x128xf32, #tpu.memory_space<vmem_shared>> -> memref<640x128xf32, #tpu.memory_space<vmem_shared>>
      tpu.wait_dma2 semaphore(%run_scoped3A_49 : memref<!tpu.dma_semaphore, #tpu.memory_space<semaphore_mem>>) src(%arg4 : memref<640x128xf32, #tpu.memory_space<hbm>>) dst(%dma_wait3A_52 : memref<640x128xf32, #tpu.memory_space<vmem_shared>>)
      tpu.yield
    }) : () -> ()
    %barrier3A_3 = arith.constant 0 : index
    tpu.barrier barrier_id(%barrier3A_3)
    %dma_start3A = arith.constant 0 : i32
    %dma_start3A_4 = arith.constant 0 : i32
    %dma_start3A_5 = tpu.memref_slice %arg7[%dma_start3A, %dma_start3A_4] : memref<40x128xi32, #tpu.memory_space<vmem>> -> memref<1x128xi32, #tpu.memory_space<vmem>>
    %dma_start3A_6 = tpu.memref_squeeze %dma_start3A_5 : memref<1x128xi32, #tpu.memory_space<vmem>> -> memref<128xi32, #tpu.memory_space<vmem>>
    %dma_start3A_7 = arith.constant 0 : i32
    %dma_start3A_8 = arith.constant 0 : i32
    %dma_start3A_9 = tpu.memref_slice %arg5[%dma_start3A_7, %dma_start3A_8] : memref<10000x128xf32, #tpu.memory_space<hbm>> -> memref<10000x128xf32, #tpu.memory_space<hbm>>
    tpu.enqueue_indirect_dma source(%dma_start3A_9 : memref<10000x128xf32, #tpu.memory_space<hbm>>) target(%arg9 : memref<128x128xf32, #tpu.memory_space<vmem>>) offsets(%dma_start3A_6 : memref<128xi32, #tpu.memory_space<vmem>>) semaphore(%arg12 : memref<!tpu.dma_semaphore, #tpu.memory_space<semaphore_mem>>)
    %dma_start3A_10 = arith.constant 1 : i32
    %dma_start3A_11 = arith.constant 0 : i32
    %dma_start3A_12 = tpu.memref_slice %arg7[%dma_start3A_10, %dma_start3A_11] : memref<40x128xi32, #tpu.memory_space<vmem>> -> memref<1x128xi32, #tpu.memory_space<vmem>>
    %dma_start3A_13 = tpu.memref_squeeze %dma_start3A_12 : memref<1x128xi32, #tpu.memory_space<vmem>> -> memref<128xi32, #tpu.memory_space<vmem>>
    %dma_start3A_14 = arith.constant 0 : i32
    %dma_start3A_15 = arith.constant 0 : i32
    %dma_start3A_16 = tpu.memref_slice %arg5[%dma_start3A_14, %dma_start3A_15] : memref<10000x128xf32, #tpu.memory_space<hbm>> -> memref<10000x128xf32, #tpu.memory_space<hbm>>
    tpu.enqueue_indirect_dma source(%dma_start3A_16 : memref<10000x128xf32, #tpu.memory_space<hbm>>) target(%arg10 : memref<128x128xf32, #tpu.memory_space<vmem>>) offsets(%dma_start3A_13 : memref<128xi32, #tpu.memory_space<vmem>>) semaphore(%arg13 : memref<!tpu.dma_semaphore, #tpu.memory_space<semaphore_mem>>)
    %scan3A = arith.constant 0 : i32
    %scan3A_17 = arith.constant 0 : i32
    %scan3A_18 = arith.constant 20 : i32
    %scan3A_19 = arith.addi %scan3A_17, %scan3A_18 : i32
    %scan3A_20 = arith.constant 1 : i32
    scf.for %scan3A_49 = %scan3A_17 to %scan3A_19 step %scan3A_20  : i32 {
      %mul3A_50 = arith.constant 2 : i32
      %mul3A_51 = arith.muli %mul3A_50, %scan3A_49 : i32
      %mul3A_52 = arith.constant 1 : i32
      %mul3A_53 = arith.muli %mul3A_51, %mul3A_52 : i32
      %add3A_54 = arith.constant 0 : i32
      %add3A_55 = arith.addi %mul3A_53, %add3A_54 : i32
      %dma_wait3A = arith.constant 0 : i32
      %dma_wait3A_56 = tpu.memref_slice %arg7[%add3A_55, %dma_wait3A] : memref<40x128xi32, #tpu.memory_space<vmem>> -> memref<1x128xi32, #tpu.memory_space<vmem>>
      %dma_wait3A_57 = tpu.memref_squeeze %dma_wait3A_56 : memref<1x128xi32, #tpu.memory_space<vmem>> -> memref<128xi32, #tpu.memory_space<vmem>>
      %dma_wait3A_58 = arith.constant 0 : i32
      %dma_wait3A_59 = arith.constant 0 : i32
      %dma_wait3A_60 = tpu.memref_slice %arg5[%dma_wait3A_58, %dma_wait3A_59] : memref<10000x128xf32, #tpu.memory_space<hbm>> -> memref<10000x128xf32, #tpu.memory_space<hbm>>
      tpu.wait_indirect_dma semaphore(%arg12 : memref<!tpu.dma_semaphore, #tpu.memory_space<semaphore_mem>>) src(%dma_wait3A_60 : memref<10000x128xf32, #tpu.memory_space<hbm>>) dst(%arg9 : memref<128x128xf32, #tpu.memory_space<vmem>>)
      %mul3A_61 = arith.constant 1 : i32
      %mul3A_62 = arith.muli %mul3A_51, %mul3A_61 : i32
      %add3A_63 = arith.constant 0 : i32
      %add3A_64 = arith.addi %mul3A_62, %add3A_63 : i32
      %dma_start3A_65 = arith.constant 0 : i32
      %dma_start3A_66 = tpu.memref_slice %arg8[%add3A_64, %dma_start3A_65] : memref<40x128xi32, #tpu.memory_space<vmem>> -> memref<1x128xi32, #tpu.memory_space<vmem>>
      %dma_start3A_67 = tpu.memref_squeeze %dma_start3A_66 : memref<1x128xi32, #tpu.memory_space<vmem>> -> memref<128xi32, #tpu.memory_space<vmem>>
      %dma_start3A_68 = arith.constant 0 : i32
      %dma_start3A_69 = arith.constant 0 : i32
      %dma_start3A_70 = tpu.memref_slice %arg11[%dma_start3A_68, %dma_start3A_69] : memref<10240x128xf32, #tpu.memory_space<vmem_shared>> -> memref<10240x128xf32, #tpu.memory_space<vmem_shared>>
      tpu.enqueue_indirect_dma source(%arg9 : memref<128x128xf32, #tpu.memory_space<vmem>>) target(%dma_start3A_70 : memref<10240x128xf32, #tpu.memory_space<vmem_shared>>) offsets(%dma_start3A_67 : memref<128xi32, #tpu.memory_space<vmem>>) semaphore(%arg14 : memref<!tpu.dma_semaphore, #tpu.memory_space<semaphore_mem>>) {add = true}
      %mul3A_71 = arith.constant 1 : i32
      %mul3A_72 = arith.muli %mul3A_51, %mul3A_71 : i32
      %add3A_73 = arith.constant 0 : i32
      %add3A_74 = arith.addi %mul3A_72, %add3A_73 : i32
      %dma_wait3A_75 = arith.constant 0 : i32
      %dma_wait3A_76 = tpu.memref_slice %arg8[%add3A_74, %dma_wait3A_75] : memref<40x128xi32, #tpu.memory_space<vmem>> -> memref<1x128xi32, #tpu.memory_space<vmem>>
      %dma_wait3A_77 = tpu.memref_squeeze %dma_wait3A_76 : memref<1x128xi32, #tpu.memory_space<vmem>> -> memref<128xi32, #tpu.memory_space<vmem>>
      %dma_wait3A_78 = arith.constant 0 : i32
      %dma_wait3A_79 = arith.constant 0 : i32
      %dma_wait3A_80 = tpu.memref_slice %arg11[%dma_wait3A_78, %dma_wait3A_79] : memref<10240x128xf32, #tpu.memory_space<vmem_shared>> -> memref<10240x128xf32, #tpu.memory_space<vmem_shared>>
      tpu.wait_indirect_dma semaphore(%arg14 : memref<!tpu.dma_semaphore, #tpu.memory_space<semaphore_mem>>) src(%arg9 : memref<128x128xf32, #tpu.memory_space<vmem>>) dst(%dma_wait3A_80 : memref<10240x128xf32, #tpu.memory_space<vmem_shared>>)
      %lt3A = arith.constant 19 : i32
      %lt3A_81 = arith.cmpi slt, %scan3A_49, %lt3A : i32
      %convert_element_type3A = arith.extui %lt3A_81 : i1 to i32
      %cond3A = arith.constant 0 : i32
      %cond3A_82 = arith.cmpi ne, %convert_element_type3A, %cond3A : i32
      scf.if %cond3A_82 {
        %add3A_124 = arith.constant 2 : i32
        %add3A_125 = arith.addi %mul3A_51, %add3A_124 : i32
        %mul3A_126 = arith.constant 1 : i32
        %mul3A_127 = arith.muli %add3A_125, %mul3A_126 : i32
        %add3A_128 = arith.constant 0 : i32
        %add3A_129 = arith.addi %mul3A_127, %add3A_128 : i32
        %dma_start3A_130 = arith.constant 0 : i32
        %dma_start3A_131 = tpu.memref_slice %arg7[%add3A_129, %dma_start3A_130] : memref<40x128xi32, #tpu.memory_space<vmem>> -> memref<1x128xi32, #tpu.memory_space<vmem>>
        %dma_start3A_132 = tpu.memref_squeeze %dma_start3A_131 : memref<1x128xi32, #tpu.memory_space<vmem>> -> memref<128xi32, #tpu.memory_space<vmem>>
        %dma_start3A_133 = arith.constant 0 : i32
        %dma_start3A_134 = arith.constant 0 : i32
        %dma_start3A_135 = tpu.memref_slice %arg5[%dma_start3A_133, %dma_start3A_134] : memref<10000x128xf32, #tpu.memory_space<hbm>> -> memref<10000x128xf32, #tpu.memory_space<hbm>>
        tpu.enqueue_indirect_dma source(%dma_start3A_135 : memref<10000x128xf32, #tpu.memory_space<hbm>>) target(%arg9 : memref<128x128xf32, #tpu.memory_space<vmem>>) offsets(%dma_start3A_132 : memref<128xi32, #tpu.memory_space<vmem>>) semaphore(%arg12 : memref<!tpu.dma_semaphore, #tpu.memory_space<semaphore_mem>>)
      } else {
      }
      %add3A_83 = arith.constant 1 : i32
      %add3A_84 = arith.addi %mul3A_51, %add3A_83 : i32
      %mul3A_85 = arith.constant 1 : i32
      %mul3A_86 = arith.muli %add3A_84, %mul3A_85 : i32
      %add3A_87 = arith.constant 0 : i32
      %add3A_88 = arith.addi %mul3A_86, %add3A_87 : i32
      %dma_wait3A_89 = arith.constant 0 : i32
      %dma_wait3A_90 = tpu.memref_slice %arg7[%add3A_88, %dma_wait3A_89] : memref<40x128xi32, #tpu.memory_space<vmem>> -> memref<1x128xi32, #tpu.memory_space<vmem>>
      %dma_wait3A_91 = tpu.memref_squeeze %dma_wait3A_90 : memref<1x128xi32, #tpu.memory_space<vmem>> -> memref<128xi32, #tpu.memory_space<vmem>>
      %dma_wait3A_92 = arith.constant 0 : i32
      %dma_wait3A_93 = arith.constant 0 : i32
      %dma_wait3A_94 = tpu.memref_slice %arg5[%dma_wait3A_92, %dma_wait3A_93] : memref<10000x128xf32, #tpu.memory_space<hbm>> -> memref<10000x128xf32, #tpu.memory_space<hbm>>
      tpu.wait_indirect_dma semaphore(%arg13 : memref<!tpu.dma_semaphore, #tpu.memory_space<semaphore_mem>>) src(%dma_wait3A_94 : memref<10000x128xf32, #tpu.memory_space<hbm>>) dst(%arg10 : memref<128x128xf32, #tpu.memory_space<vmem>>)
      %add3A_95 = arith.constant 1 : i32
      %add3A_96 = arith.addi %mul3A_51, %add3A_95 : i32
      %mul3A_97 = arith.constant 1 : i32
      %mul3A_98 = arith.muli %add3A_96, %mul3A_97 : i32
      %add3A_99 = arith.constant 0 : i32
      %add3A_100 = arith.addi %mul3A_98, %add3A_99 : i32
      %dma_start3A_101 = arith.constant 0 : i32
      %dma_start3A_102 = tpu.memref_slice %arg8[%add3A_100, %dma_start3A_101] : memref<40x128xi32, #tpu.memory_space<vmem>> -> memref<1x128xi32, #tpu.memory_space<vmem>>
      %dma_start3A_103 = tpu.memref_squeeze %dma_start3A_102 : memref<1x128xi32, #tpu.memory_space<vmem>> -> memref<128xi32, #tpu.memory_space<vmem>>
      %dma_start3A_104 = arith.constant 0 : i32
      %dma_start3A_105 = arith.constant 0 : i32
      %dma_start3A_106 = tpu.memref_slice %arg11[%dma_start3A_104, %dma_start3A_105] : memref<10240x128xf32, #tpu.memory_space<vmem_shared>> -> memref<10240x128xf32, #tpu.memory_space<vmem_shared>>
      tpu.enqueue_indirect_dma source(%arg10 : memref<128x128xf32, #tpu.memory_space<vmem>>) target(%dma_start3A_106 : memref<10240x128xf32, #tpu.memory_space<vmem_shared>>) offsets(%dma_start3A_103 : memref<128xi32, #tpu.memory_space<vmem>>) semaphore(%arg15 : memref<!tpu.dma_semaphore, #tpu.memory_space<semaphore_mem>>) {add = true}
      %add3A_107 = arith.constant 1 : i32
      %add3A_108 = arith.addi %mul3A_51, %add3A_107 : i32
      %mul3A_109 = arith.constant 1 : i32
      %mul3A_110 = arith.muli %add3A_108, %mul3A_109 : i32
      %add3A_111 = arith.constant 0 : i32
      %add3A_112 = arith.addi %mul3A_110, %add3A_111 : i32
      %dma_wait3A_113 = arith.constant 0 : i32
      %dma_wait3A_114 = tpu.memref_slice %arg8[%add3A_112, %dma_wait3A_113] : memref<40x128xi32, #tpu.memory_space<vmem>> -> memref<1x128xi32, #tpu.memory_space<vmem>>
      %dma_wait3A_115 = tpu.memref_squeeze %dma_wait3A_114 : memref<1x128xi32, #tpu.memory_space<vmem>> -> memref<128xi32, #tpu.memory_space<vmem>>
      %dma_wait3A_116 = arith.constant 0 : i32
      %dma_wait3A_117 = arith.constant 0 : i32
      %dma_wait3A_118 = tpu.memref_slice %arg11[%dma_wait3A_116, %dma_wait3A_117] : memref<10240x128xf32, #tpu.memory_space<vmem_shared>> -> memref<10240x128xf32, #tpu.memory_space<vmem_shared>>
      tpu.wait_indirect_dma semaphore(%arg15 : memref<!tpu.dma_semaphore, #tpu.memory_space<semaphore_mem>>) src(%arg10 : memref<128x128xf32, #tpu.memory_space<vmem>>) dst(%dma_wait3A_118 : memref<10240x128xf32, #tpu.memory_space<vmem_shared>>)
      %lt3A_119 = arith.constant 19 : i32
      %lt3A_120 = arith.cmpi slt, %scan3A_49, %lt3A_119 : i32
      %convert_element_type3A_121 = arith.extui %lt3A_120 : i1 to i32
      %cond3A_122 = arith.constant 0 : i32
      %cond3A_123 = arith.cmpi ne, %convert_element_type3A_121, %cond3A_122 : i32
      scf.if %cond3A_123 {
        %add3A_124 = arith.constant 3 : i32
        %add3A_125 = arith.addi %mul3A_51, %add3A_124 : i32
        %mul3A_126 = arith.constant 1 : i32
        %mul3A_127 = arith.muli %add3A_125, %mul3A_126 : i32
        %add3A_128 = arith.constant 0 : i32
        %add3A_129 = arith.addi %mul3A_127, %add3A_128 : i32
        %dma_start3A_130 = arith.constant 0 : i32
        %dma_start3A_131 = tpu.memref_slice %arg7[%add3A_129, %dma_start3A_130] : memref<40x128xi32, #tpu.memory_space<vmem>> -> memref<1x128xi32, #tpu.memory_space<vmem>>
        %dma_start3A_132 = tpu.memref_squeeze %dma_start3A_131 : memref<1x128xi32, #tpu.memory_space<vmem>> -> memref<128xi32, #tpu.memory_space<vmem>>
        %dma_start3A_133 = arith.constant 0 : i32
        %dma_start3A_134 = arith.constant 0 : i32
        %dma_start3A_135 = tpu.memref_slice %arg5[%dma_start3A_133, %dma_start3A_134] : memref<10000x128xf32, #tpu.memory_space<hbm>> -> memref<10000x128xf32, #tpu.memory_space<hbm>>
        tpu.enqueue_indirect_dma source(%dma_start3A_135 : memref<10000x128xf32, #tpu.memory_space<hbm>>) target(%arg10 : memref<128x128xf32, #tpu.memory_space<vmem>>) offsets(%dma_start3A_132 : memref<128xi32, #tpu.memory_space<vmem>>) semaphore(%arg13 : memref<!tpu.dma_semaphore, #tpu.memory_space<semaphore_mem>>)
      } else {
      }
    }
    %scan3A_21 = arith.constant 20 : i32
    %barrier3A_22 = arith.constant 0 : index
    tpu.barrier barrier_id(%barrier3A_22)
    %mul3A_23 = arith.constant 640 : i32
    %mul3A_24 = arith.muli %arg1, %mul3A_23 : i32
    %mul3A_25 = arith.constant 640 : i32
    %mul3A_26 = arith.muli %arg1, %mul3A_25 : i32
    %run_scoped3A = arith.constant 0 : i32
    "tpu.region"() ({
      %run_scoped3A_49 = tpu.sem_alloc : memref<!tpu.dma_semaphore, #tpu.memory_space<semaphore_mem>>
      %dma_start3A_50 = arith.constant 0 : i32
      %dma_start3A_51 = tpu.memref_slice %arg6[%arg0, %run_scoped3A, %mul3A_26, %dma_start3A_50] : memref<2x2x10240x128xf32, #tpu.memory_space<hbm>> -> memref<1x1x640x128xf32, #tpu.memory_space<hbm>>
      %dma_start3A_52 = tpu.memref_squeeze %dma_start3A_51 : memref<1x1x640x128xf32, #tpu.memory_space<hbm>> -> memref<640x128xf32, #tpu.memory_space<hbm>>
      %dma_start3A_53 = arith.constant 0 : i32
      %dma_start3A_54 = tpu.memref_slice %arg11[%mul3A_24, %dma_start3A_53] : memref<10240x128xf32, #tpu.memory_space<vmem_shared>> -> memref<640x128xf32, #tpu.memory_space<vmem_shared>>
      tpu.enqueue_dma source(%dma_start3A_54 : memref<640x128xf32, #tpu.memory_space<vmem_shared>>) target(%dma_start3A_52 : memref<640x128xf32, #tpu.memory_space<hbm>>) target_semaphore(%run_scoped3A_49 : memref<!tpu.dma_semaphore, #tpu.memory_space<semaphore_mem>>)
      %dma_wait3A = arith.constant 0 : i32
      %dma_wait3A_55 = tpu.memref_slice %arg6[%arg0, %run_scoped3A, %mul3A_26, %dma_wait3A] : memref<2x2x10240x128xf32, #tpu.memory_space<hbm>> -> memref<1x1x640x128xf32, #tpu.memory_space<hbm>>
      %dma_wait3A_56 = tpu.memref_squeeze %dma_wait3A_55 : memref<1x1x640x128xf32, #tpu.memory_space<hbm>> -> memref<640x128xf32, #tpu.memory_space<hbm>>
      %dma_wait3A_57 = arith.constant 0 : i32
      %dma_wait3A_58 = tpu.memref_slice %arg11[%mul3A_24, %dma_wait3A_57] : memref<10240x128xf32, #tpu.memory_space<vmem_shared>> -> memref<640x128xf32, #tpu.memory_space<vmem_shared>>
      tpu.wait_dma2 semaphore(%run_scoped3A_49 : memref<!tpu.dma_semaphore, #tpu.memory_space<semaphore_mem>>) src(%dma_wait3A_58 : memref<640x128xf32, #tpu.memory_space<vmem_shared>>) dst(%dma_wait3A_56 : memref<640x128xf32, #tpu.memory_space<hbm>>)
      tpu.yield
    }) : () -> ()
    %barrier3A_27 = arith.constant 0 : index
    tpu.barrier barrier_id(%barrier3A_27)
    %mul3A_28 = arith.constant 640 : i32
    %mul3A_29 = arith.muli %arg1, %mul3A_28 : i32
    "tpu.region"() ({
      %run_scoped3A_49 = tpu.sem_alloc : memref<!tpu.dma_semaphore, #tpu.memory_space<semaphore_mem>>
      %dma_start3A_50 = arith.constant 0 : i32
      %dma_start3A_51 = tpu.memref_slice %arg11[%mul3A_29, %dma_start3A_50] : memref<10240x128xf32, #tpu.memory_space<vmem_shared>> -> memref<640x128xf32, #tpu.memory_space<vmem_shared>>
      tpu.enqueue_dma source(%arg4 : memref<640x128xf32, #tpu.memory_space<hbm>>) target(%dma_start3A_51 : memref<640x128xf32, #tpu.memory_space<vmem_shared>>) target_semaphore(%run_scoped3A_49 : memref<!tpu.dma_semaphore, #tpu.memory_space<semaphore_mem>>)
      %dma_wait3A = arith.constant 0 : i32
      %dma_wait3A_52 = tpu.memref_slice %arg11[%mul3A_29, %dma_wait3A] : memref<10240x128xf32, #tpu.memory_space<vmem_shared>> -> memref<640x128xf32, #tpu.memory_space<vmem_shared>>
      tpu.wait_dma2 semaphore(%run_scoped3A_49 : memref<!tpu.dma_semaphore, #tpu.memory_space<semaphore_mem>>) src(%arg4 : memref<640x128xf32, #tpu.memory_space<hbm>>) dst(%dma_wait3A_52 : memref<640x128xf32, #tpu.memory_space<vmem_shared>>)
      tpu.yield
    }) : () -> ()
    %scan3A_30 = arith.constant 0 : i32
    %scan3A_31 = arith.constant 0 : i32
    %scan3A_32 = arith.constant 128 : i32
    %scan3A_33 = arith.addi %scan3A_31, %scan3A_32 : i32
    %scan3A_34 = arith.constant 1 : i32
    scf.for %scan3A_49 = %scan3A_31 to %scan3A_33 step %scan3A_34  : i32 {
      %broadcast_in_dim3A = arith.constant 1.000000e+00 : f32
      %broadcast_in_dim3A_50 = vector.broadcast %broadcast_in_dim3A : f32 to vector<16xf32>
      %swap3A = arith.index_cast %scan3A_49 : i32 to index
      %swap3A_51 = arith.constant 0 : index
      %swap3A_52 = tpu.vector_load %arg9[%swap3A, %swap3A_51] {strides = array<i32>} : memref<128x128xf32, #tpu.memory_space<vmem>>, vector<1x16xf32>,
      %swap3A_53 = vector.shape_cast %swap3A_52 : vector<1x16xf32> to vector<16xf32>
      %swap3A_54 = vector.shape_cast %broadcast_in_dim3A_50 : vector<16xf32> to vector<1x16xf32>
      tpu.vector_store %arg9[%swap3A, %swap3A_51], %swap3A_54 {strides = array<i32>} : memref<128x128xf32, #tpu.memory_space<vmem>>, vector<1x16xf32>,
      %broadcast_in_dim3A_55 = arith.constant 1.000000e+00 : f32
      %broadcast_in_dim3A_56 = vector.broadcast %broadcast_in_dim3A_55 : f32 to vector<16xf32>
      %swap3A_57 = arith.index_cast %scan3A_49 : i32 to index
      %swap3A_58 = arith.constant 16 : index
      %swap3A_59 = tpu.vector_load %arg9[%swap3A_57, %swap3A_58] {strides = array<i32>} : memref<128x128xf32, #tpu.memory_space<vmem>>, vector<1x16xf32>,
      %swap3A_60 = vector.shape_cast %swap3A_59 : vector<1x16xf32> to vector<16xf32>
      %swap3A_61 = vector.shape_cast %broadcast_in_dim3A_56 : vector<16xf32> to vector<1x16xf32>
      tpu.vector_store %arg9[%swap3A_57, %swap3A_58], %swap3A_61 {strides = array<i32>} : memref<128x128xf32, #tpu.memory_space<vmem>>, vector<1x16xf32>,
      %broadcast_in_dim3A_62 = arith.constant 1.000000e+00 : f32
      %broadcast_in_dim3A_63 = vector.broadcast %broadcast_in_dim3A_62 : f32 to vector<16xf32>
      %swap3A_64 = arith.index_cast %scan3A_49 : i32 to index
      %swap3A_65 = arith.constant 32 : index
      %swap3A_66 = tpu.vector_load %arg9[%swap3A_64, %swap3A_65] {strides = array<i32>} : memref<128x128xf32, #tpu.memory_space<vmem>>, vector<1x16xf32>,
      %swap3A_67 = vector.shape_cast %swap3A_66 : vector<1x16xf32> to vector<16xf32>
      %swap3A_68 = vector.shape_cast %broadcast_in_dim3A_63 : vector<16xf32> to vector<1x16xf32>
      tpu.vector_store %arg9[%swap3A_64, %swap3A_65], %swap3A_68 {strides = array<i32>} : memref<128x128xf32, #tpu.memory_space<vmem>>, vector<1x16xf32>,
      %broadcast_in_dim3A_69 = arith.constant 1.000000e+00 : f32
      %broadcast_in_dim3A_70 = vector.broadcast %broadcast_in_dim3A_69 : f32 to vector<16xf32>
      %swap3A_71 = arith.index_cast %scan3A_49 : i32 to index
      %swap3A_72 = arith.constant 48 : index
      %swap3A_73 = tpu.vector_load %arg9[%swap3A_71, %swap3A_72] {strides = array<i32>} : memref<128x128xf32, #tpu.memory_space<vmem>>, vector<1x16xf32>,
      %swap3A_74 = vector.shape_cast %swap3A_73 : vector<1x16xf32> to vector<16xf32>
      %swap3A_75 = vector.shape_cast %broadcast_in_dim3A_70 : vector<16xf32> to vector<1x16xf32>
      tpu.vector_store %arg9[%swap3A_71, %swap3A_72], %swap3A_75 {strides = array<i32>} : memref<128x128xf32, #tpu.memory_space<vmem>>, vector<1x16xf32>,
      %broadcast_in_dim3A_76 = arith.constant 1.000000e+00 : f32
      %broadcast_in_dim3A_77 = vector.broadcast %broadcast_in_dim3A_76 : f32 to vector<16xf32>
      %swap3A_78 = arith.index_cast %scan3A_49 : i32 to index
      %swap3A_79 = arith.constant 64 : index
      %swap3A_80 = tpu.vector_load %arg9[%swap3A_78, %swap3A_79] {strides = array<i32>} : memref<128x128xf32, #tpu.memory_space<vmem>>, vector<1x16xf32>,
      %swap3A_81 = vector.shape_cast %swap3A_80 : vector<1x16xf32> to vector<16xf32>
      %swap3A_82 = vector.shape_cast %broadcast_in_dim3A_77 : vector<16xf32> to vector<1x16xf32>
      tpu.vector_store %arg9[%swap3A_78, %swap3A_79], %swap3A_82 {strides = array<i32>} : memref<128x128xf32, #tpu.memory_space<vmem>>, vector<1x16xf32>,
      %broadcast_in_dim3A_83 = arith.constant 1.000000e+00 : f32
      %broadcast_in_dim3A_84 = vector.broadcast %broadcast_in_dim3A_83 : f32 to vector<16xf32>
      %swap3A_85 = arith.index_cast %scan3A_49 : i32 to index
      %swap3A_86 = arith.constant 80 : index
      %swap3A_87 = tpu.vector_load %arg9[%swap3A_85, %swap3A_86] {strides = array<i32>} : memref<128x128xf32, #tpu.memory_space<vmem>>, vector<1x16xf32>,
      %swap3A_88 = vector.shape_cast %swap3A_87 : vector<1x16xf32> to vector<16xf32>
      %swap3A_89 = vector.shape_cast %broadcast_in_dim3A_84 : vector<16xf32> to vector<1x16xf32>
      tpu.vector_store %arg9[%swap3A_85, %swap3A_86], %swap3A_89 {strides = array<i32>} : memref<128x128xf32, #tpu.memory_space<vmem>>, vector<1x16xf32>,
      %broadcast_in_dim3A_90 = arith.constant 1.000000e+00 : f32
      %broadcast_in_dim3A_91 = vector.broadcast %broadcast_in_dim3A_90 : f32 to vector<16xf32>
      %swap3A_92 = arith.index_cast %scan3A_49 : i32 to index
      %swap3A_93 = arith.constant 96 : index
      %swap3A_94 = tpu.vector_load %arg9[%swap3A_92, %swap3A_93] {strides = array<i32>} : memref<128x128xf32, #tpu.memory_space<vmem>>, vector<1x16xf32>,
      %swap3A_95 = vector.shape_cast %swap3A_94 : vector<1x16xf32> to vector<16xf32>
      %swap3A_96 = vector.shape_cast %broadcast_in_dim3A_91 : vector<16xf32> to vector<1x16xf32>
      tpu.vector_store %arg9[%swap3A_92, %swap3A_93], %swap3A_96 {strides = array<i32>} : memref<128x128xf32, #tpu.memory_space<vmem>>, vector<1x16xf32>,
      %broadcast_in_dim3A_97 = arith.constant 1.000000e+00 : f32
      %broadcast_in_dim3A_98 = vector.broadcast %broadcast_in_dim3A_97 : f32 to vector<16xf32>
      %swap3A_99 = arith.index_cast %scan3A_49 : i32 to index
      %swap3A_100 = arith.constant 112 : index
      %swap3A_101 = tpu.vector_load %arg9[%swap3A_99, %swap3A_100] {strides = array<i32>} : memref<128x128xf32, #tpu.memory_space<vmem>>, vector<1x16xf32>,
      %swap3A_102 = vector.shape_cast %swap3A_101 : vector<1x16xf32> to vector<16xf32>
      %swap3A_103 = vector.shape_cast %broadcast_in_dim3A_98 : vector<16xf32> to vector<1x16xf32>
      tpu.vector_store %arg9[%swap3A_99, %swap3A_100], %swap3A_103 {strides = array<i32>} : memref<128x128xf32, #tpu.memory_space<vmem>>, vector<1x16xf32>,
    }
    %scan3A_35 = arith.constant 128 : i32
    %barrier3A_36 = arith.constant 0 : index
    tpu.barrier barrier_id(%barrier3A_36)
    %scan3A_37 = arith.constant 0 : i32
    %scan3A_38 = arith.constant 0 : i32
    %scan3A_39 = arith.constant 40 : i32
    %scan3A_40 = arith.addi %scan3A_38, %scan3A_39 : i32
    %scan3A_41 = arith.constant 1 : i32
    scf.for %scan3A_49 = %scan3A_38 to %scan3A_40 step %scan3A_41  : i32 {
      %mul3A_50 = arith.constant 1 : i32
      %mul3A_51 = arith.muli %scan3A_49, %mul3A_50 : i32
      %add3A_52 = arith.constant 0 : i32
      %add3A_53 = arith.addi %mul3A_51, %add3A_52 : i32
      %dma_start3A_54 = arith.constant 0 : i32
      %dma_start3A_55 = tpu.memref_slice %arg8[%add3A_53, %dma_start3A_54] : memref<40x128xi32, #tpu.memory_space<vmem>> -> memref<1x128xi32, #tpu.memory_space<vmem>>
      %dma_start3A_56 = tpu.memref_squeeze %dma_start3A_55 : memref<1x128xi32, #tpu.memory_space<vmem>> -> memref<128xi32, #tpu.memory_space<vmem>>
      %dma_start3A_57 = arith.constant 0 : i32
      %dma_start3A_58 = arith.constant 0 : i32
      %dma_start3A_59 = tpu.memref_slice %arg11[%dma_start3A_57, %dma_start3A_58] : memref<10240x128xf32, #tpu.memory_space<vmem_shared>> -> memref<10240x128xf32, #tpu.memory_space<vmem_shared>>
      tpu.enqueue_indirect_dma source(%arg9 : memref<128x128xf32, #tpu.memory_space<vmem>>) target(%dma_start3A_59 : memref<10240x128xf32, #tpu.memory_space<vmem_shared>>) offsets(%dma_start3A_56 : memref<128xi32, #tpu.memory_space<vmem>>) semaphore(%arg14 : memref<!tpu.dma_semaphore, #tpu.memory_space<semaphore_mem>>) {add = true}
      %mul3A_60 = arith.constant 1 : i32
      %mul3A_61 = arith.muli %scan3A_49, %mul3A_60 : i32
      %add3A_62 = arith.constant 0 : i32
      %add3A_63 = arith.addi %mul3A_61, %add3A_62 : i32
      %dma_wait3A = arith.constant 0 : i32
      %dma_wait3A_64 = tpu.memref_slice %arg8[%add3A_63, %dma_wait3A] : memref<40x128xi32, #tpu.memory_space<vmem>> -> memref<1x128xi32, #tpu.memory_space<vmem>>
      %dma_wait3A_65 = tpu.memref_squeeze %dma_wait3A_64 : memref<1x128xi32, #tpu.memory_space<vmem>> -> memref<128xi32, #tpu.memory_space<vmem>>
      %dma_wait3A_66 = arith.constant 0 : i32
      %dma_wait3A_67 = arith.constant 0 : i32
      %dma_wait3A_68 = tpu.memref_slice %arg11[%dma_wait3A_66, %dma_wait3A_67] : memref<10240x128xf32, #tpu.memory_space<vmem_shared>> -> memref<10240x128xf32, #tpu.memory_space<vmem_shared>>
      tpu.wait_indirect_dma semaphore(%arg14 : memref<!tpu.dma_semaphore, #tpu.memory_space<semaphore_mem>>) src(%arg9 : memref<128x128xf32, #tpu.memory_space<vmem>>) dst(%dma_wait3A_68 : memref<10240x128xf32, #tpu.memory_space<vmem_shared>>)
    }
    %scan3A_42 = arith.constant 40 : i32
    %barrier3A_43 = arith.constant 0 : index
    tpu.barrier barrier_id(%barrier3A_43)
    %mul3A_44 = arith.constant 640 : i32
    %mul3A_45 = arith.muli %arg1, %mul3A_44 : i32
    %mul3A_46 = arith.constant 640 : i32
    %mul3A_47 = arith.muli %arg1, %mul3A_46 : i32
    %run_scoped3A_48 = arith.constant 1 : i32
    "tpu.region"() ({
      %run_scoped3A_49 = tpu.sem_alloc : memref<!tpu.dma_semaphore, #tpu.memory_space<semaphore_mem>>
      %dma_start3A_50 = arith.constant 0 : i32
      %dma_start3A_51 = tpu.memref_slice %arg6[%arg0, %run_scoped3A_48, %mul3A_47, %dma_start3A_50] : memref<2x2x10240x128xf32, #tpu.memory_space<hbm>> -> memref<1x1x640x128xf32, #tpu.memory_space<hbm>>
      %dma_start3A_52 = tpu.memref_squeeze %dma_start3A_51 : memref<1x1x640x128xf32, #tpu.memory_space<hbm>> -> memref<640x128xf32, #tpu.memory_space<hbm>>
      %dma_start3A_53 = arith.constant 0 : i32
      %dma_start3A_54 = tpu.memref_slice %arg11[%mul3A_45, %dma_start3A_53] : memref<10240x128xf32, #tpu.memory_space<vmem_shared>> -> memref<640x128xf32, #tpu.memory_space<vmem_shared>>
      tpu.enqueue_dma source(%dma_start3A_54 : memref<640x128xf32, #tpu.memory_space<vmem_shared>>) target(%dma_start3A_52 : memref<640x128xf32, #tpu.memory_space<hbm>>) target_semaphore(%run_scoped3A_49 : memref<!tpu.dma_semaphore, #tpu.memory_space<semaphore_mem>>)
      %dma_wait3A = arith.constant 0 : i32
      %dma_wait3A_55 = tpu.memref_slice %arg6[%arg0, %run_scoped3A_48, %mul3A_47, %dma_wait3A] : memref<2x2x10240x128xf32, #tpu.memory_space<hbm>> -> memref<1x1x640x128xf32, #tpu.memory_space<hbm>>
      %dma_wait3A_56 = tpu.memref_squeeze %dma_wait3A_55 : memref<1x1x640x128xf32, #tpu.memory_space<hbm>> -> memref<640x128xf32, #tpu.memory_space<hbm>>
      %dma_wait3A_57 = arith.constant 0 : i32
      %dma_wait3A_58 = tpu.memref_slice %arg11[%mul3A_45, %dma_wait3A_57] : memref<10240x128xf32, #tpu.memory_space<vmem_shared>> -> memref<640x128xf32, #tpu.memory_space<vmem_shared>>
      tpu.wait_dma2 semaphore(%run_scoped3A_49 : memref<!tpu.dma_semaphore, #tpu.memory_space<semaphore_mem>>) src(%dma_wait3A_58 : memref<640x128xf32, #tpu.memory_space<vmem_shared>>) dst(%dma_wait3A_56 : memref<640x128xf32, #tpu.memory_space<hbm>>)
      tpu.yield
    }) : () -> ()
    return
  }
}

module attributes {stable_mosaic.version = 14 : i64} {
  func.func @_fc1_body(%arg0: i32, %arg1: memref<1000x8xf32, #tpu.memory_space<vmem>>, %arg2: memref<128x8xf32, #tpu.memory_space<vmem>>, %arg3: memref<1x128xf32, #tpu.memory_space<vmem>>, %arg4: memref<1x1000x128xf32, #tpu.memory_space<vmem>>) attributes {dimension_semantics = [#tpu.dimension_semantics<arbitrary>], iteration_bounds = array<i64: 10>, scalar_prefetch = 0 : i64, scratch_operands = 0 : i64, tpu.core_type = #tpu.core_type<tc>, window_params = [{transform_indices = @transform_0, window_bounds = array<i64: 1000, 8>}, {pipeline_mode = #tpu.pipeline_mode<synchronous>, transform_indices = @transform_1, window_bounds = array<i64: 128, 8>}, {pipeline_mode = #tpu.pipeline_mode<synchronous>, transform_indices = @transform_2, window_bounds = array<i64: 1, 128>}, {transform_indices = @transform_3, window_bounds = array<i64: 1, 1000, 128>}]} {
    %get3A = arith.constant 0 : index
    %get3A_0 = arith.constant 0 : index
    %get3A_1 = vector.load %arg1[%get3A, %get3A_0] : memref<1000x8xf32, #tpu.memory_space<vmem>>, vector<1000x8xf32>
    %get3A_2 = arith.constant 0 : index
    %get3A_3 = arith.constant 0 : index
    %get3A_4 = vector.load %arg2[%get3A_2, %get3A_3] : memref<128x8xf32, #tpu.memory_space<vmem>>, vector<128x8xf32>
    %dot_general3A = arith.constant dense<0.000000e+00> : vector<1000x128xf32>
    %dot_general3A_5 = tpu.matmul %get3A_1, %get3A_4, %dot_general3A {dimension_numbers = #tpu.dot_dimension_numbers<[1], [1], [0], [0], [0, 0, 1, 0], [], []>, transpose_lhs_hint = false} : vector<1000x8xf32>, vector<128x8xf32>, vector<1000x128xf32> -> vector<1000x128xf32>
    %get3A_6 = arith.constant 0 : index
    %get3A_7 = arith.constant 0 : index
    %get3A_8 = vector.load %arg3[%get3A_6, %get3A_7] : memref<1x128xf32, #tpu.memory_space<vmem>>, vector<1x128xf32>
    %add3A = vector.broadcast %get3A_8 : vector<1x128xf32> to vector<1000x128xf32>
    %add3A_9 = arith.addf %dot_general3A_5, %add3A : vector<1000x128xf32>
    %max3A = arith.constant 0.000000e+00 : f32
    %max3A_10 = vector.broadcast %max3A : f32 to vector<1000x128xf32>
    %max3A_11 = arith.maximumf %add3A_9, %max3A_10 : vector<1000x128xf32>
    %broadcast_in_dim3A = vector.shape_cast %max3A_11 : vector<1000x128xf32> to vector<1x1000x128xf32>
    %swap3A = arith.constant 0 : index
    %swap3A_12 = arith.constant 0 : index
    %swap3A_13 = arith.constant 0 : index
    %swap3A_14 = vector.load %arg4[%swap3A, %swap3A_12, %swap3A_13] : memref<1x1000x128xf32, #tpu.memory_space<vmem>>, vector<1x1000x128xf32>
    tpu.vector_store %arg4[%swap3A, %swap3A_12, %swap3A_13], %broadcast_in_dim3A {strides = array<i32>} : memref<1x1000x128xf32, #tpu.memory_space<vmem>>, vector<1x1000x128xf32>,
    return
  }
  func.func @transform_0(%arg0: i32) -> (i32, i32) {
    %c0_i32 = arith.constant 0 : i32
    %c0_i32_0 = arith.constant 0 : i32
    return %arg0, %c0_i32 : i32, i32
  }
  func.func @transform_1(%arg0: i32) -> (i32, i32) {
    %c0_i32 = arith.constant 0 : i32
    %c0_i32_0 = arith.constant 0 : i32
    %c0_i32_1 = arith.constant 0 : i32
    return %c0_i32, %c0_i32_0 : i32, i32
  }
  func.func @transform_2(%arg0: i32) -> (i32, i32) {
    %c0_i32 = arith.constant 0 : i32
    %c0_i32_0 = arith.constant 0 : i32
    %c0_i32_1 = arith.constant 0 : i32
    return %c0_i32, %c0_i32_0 : i32, i32
  }
  func.func @transform_3(%arg0: i32) -> (i32, i32, i32) {
    %c0_i32 = arith.constant 0 : i32
    %c0_i32_0 = arith.constant 0 : i32
    %c0_i32_1 = arith.constant 0 : i32
    return %c0_i32, %arg0, %c0_i32_0 : i32, i32, i32
  }
}

module attributes {stable_mosaic.version = 14 : i64} {
  func.func @_invdeg_body(%arg0: i32, %arg1: memref<2x1x1000x128xf32, #tpu.memory_space<vmem>>, %arg2: memref<1000x16xf32, #tpu.memory_space<vmem>>) attributes {dimension_semantics = [#tpu.dimension_semantics<arbitrary>], iteration_bounds = array<i64: 10>, scalar_prefetch = 0 : i64, scratch_operands = 0 : i64, tpu.core_type = #tpu.core_type<tc>, window_params = [{transform_indices = @transform_0, window_bounds = array<i64: 2, 1, 1000, 128>}, {transform_indices = @transform_1, window_bounds = array<i64: 1000, 16>}]} {
    %get3A = arith.constant 0 : index
    %get3A_0 = arith.constant 0 : index
    %get3A_1 = arith.constant 0 : index
    %get3A_2 = arith.constant 0 : index
    %get3A_3 = vector.load %arg1[%get3A, %get3A_0, %get3A_1, %get3A_2] : memref<2x1x1000x128xf32, #tpu.memory_space<vmem>>, vector<1x1x1000x1xf32>
    %get3A_4 = vector.shape_cast %get3A_3 : vector<1x1x1000x1xf32> to vector<1000x1xf32>
    %get3A_5 = arith.constant 1 : index
    %get3A_6 = arith.constant 0 : index
    %get3A_7 = arith.constant 0 : index
    %get3A_8 = arith.constant 0 : index
    %get3A_9 = vector.load %arg1[%get3A_5, %get3A_6, %get3A_7, %get3A_8] : memref<2x1x1000x128xf32, #tpu.memory_space<vmem>>, vector<1x1x1000x1xf32>
    %get3A_10 = vector.shape_cast %get3A_9 : vector<1x1x1000x1xf32> to vector<1000x1xf32>
    %add3A = arith.addf %get3A_4, %get3A_10 : vector<1000x1xf32>
    %max3A = arith.constant 1.000000e+00 : f32
    %max3A_11 = vector.broadcast %max3A : f32 to vector<1000x1xf32>
    %max3A_12 = arith.maximumf %add3A, %max3A_11 : vector<1000x1xf32>
    %div3A = arith.constant 1.000000e+00 : f32
    %div3A_13 = vector.broadcast %div3A : f32 to vector<1000x1xf32>
    %div3A_14 = arith.divf %div3A_13, %max3A_12 : vector<1000x1xf32>
    %broadcast_in_dim3A = vector.shape_cast %div3A_14 : vector<1000x1xf32> to vector<1000x1xf32>
    %broadcast_in_dim3A_15 = vector.broadcast %broadcast_in_dim3A : vector<1000x1xf32> to vector<1000x16xf32>
    %swap3A = arith.constant 0 : index
    %swap3A_16 = arith.constant 0 : index
    %swap3A_17 = vector.load %arg2[%swap3A, %swap3A_16] : memref<1000x16xf32, #tpu.memory_space<vmem>>, vector<1000x16xf32>
    tpu.vector_store %arg2[%swap3A, %swap3A_16], %broadcast_in_dim3A_15 {strides = array<i32>} : memref<1000x16xf32, #tpu.memory_space<vmem>>, vector<1000x16xf32>,
    return
  }
  func.func @transform_0(%arg0: i32) -> (i32, i32, i32, i32) {
    %c0_i32 = arith.constant 0 : i32
    %c1_i32 = arith.constant 1 : i32
    %c0_i32_0 = arith.constant 0 : i32
    %c0_i32_1 = arith.constant 0 : i32
    return %c0_i32, %c1_i32, %arg0, %c0_i32_0 : i32, i32, i32, i32
  }
  func.func @transform_1(%arg0: i32) -> (i32, i32) {
    %c0_i32 = arith.constant 0 : i32
    %c0_i32_0 = arith.constant 0 : i32
    return %arg0, %c0_i32 : i32, i32
  }
}

module attributes {stable_mosaic.version = 14 : i64} {
  func.func @_mm_stats_body(%arg0: i32, %arg1: i32, %arg2: i32, %arg3: memref<2x1x1000x128xf32, #tpu.memory_space<vmem>>, %arg4: memref<1000x16xf32, #tpu.memory_space<vmem>>, %arg5: memref<1x1000x128xf32, #tpu.memory_space<vmem>>, %arg6: memref<128x128xf32, #tpu.memory_space<vmem>>, %arg7: memref<128x128xf32, #tpu.memory_space<vmem>>, %arg8: memref<1x1x128xf32, #tpu.memory_space<vmem>>, %arg9: memref<1x1000x128xf32, #tpu.memory_space<vmem>>, %arg10: memref<1x8x128xf32, #tpu.memory_space<vmem>>, %arg11: memref<1000x128xf32, #tpu.memory_space<vmem>>, %arg12: memref<8x128xf32, #tpu.memory_space<vmem>>) attributes {dimension_semantics = [#tpu.dimension_semantics<arbitrary>, #tpu.dimension_semantics<arbitrary>, #tpu.dimension_semantics<arbitrary>], iteration_bounds = array<i64: 4, 10, 1>, scalar_prefetch = 0 : i64, scratch_operands = 2 : i64, tpu.core_type = #tpu.core_type<tc>, window_params = [{transform_indices = @transform_0, window_bounds = array<i64: 2, 1, 1000, 128>}, {transform_indices = @transform_1, window_bounds = array<i64: 1000, 16>}, {transform_indices = @transform_2, window_bounds = array<i64: 1, 1000, 128>}, {transform_indices = @transform_3, window_bounds = array<i64: 128, 128>}, {transform_indices = @transform_4, window_bounds = array<i64: 128, 128>}, {transform_indices = @transform_5, window_bounds = array<i64: 1, 1, 128>}, {transform_indices = @transform_6, window_bounds = array<i64: 1, 1000, 128>}, {transform_indices = @transform_7, window_bounds = array<i64: 1, 8, 128>}]} {
    %get3A = arith.constant 0 : index
    %get3A_0 = arith.constant 0 : index
    %get3A_1 = arith.constant 0 : index
    %get3A_2 = vector.load %arg5[%get3A, %get3A_0, %get3A_1] : memref<1x1000x128xf32, #tpu.memory_space<vmem>>, vector<1x1000x128xf32>
    %get3A_3 = vector.shape_cast %get3A_2 : vector<1x1000x128xf32> to vector<1000x128xf32>
    %get3A_4 = arith.constant 0 : index
    %get3A_5 = arith.constant 0 : index
    %get3A_6 = vector.load %arg7[%get3A_4, %get3A_5] : memref<128x128xf32, #tpu.memory_space<vmem>>, vector<128x128xf32>
    %dot_general3A = arith.constant dense<0.000000e+00> : vector<1000x128xf32>
    %dot_general3A_7 = tpu.matmul %get3A_3, %get3A_6, %dot_general3A {dimension_numbers = #tpu.dot_dimension_numbers<[1], [1], [0], [0], [0, 0, 1, 0], [], []>, transpose_lhs_hint = false} : vector<1000x128xf32>, vector<128x128xf32>, vector<1000x128xf32> -> vector<1000x128xf32>
    %get3A_8 = arith.constant 0 : index
    %get3A_9 = arith.constant 0 : index
    %get3A_10 = arith.constant 0 : index
    %get3A_11 = arith.constant 0 : index
    %get3A_12 = vector.load %arg3[%get3A_8, %get3A_9, %get3A_10, %get3A_11] : memref<2x1x1000x128xf32, #tpu.memory_space<vmem>>, vector<1x1x1000x128xf32>
    %get3A_13 = vector.shape_cast %get3A_12 : vector<1x1x1000x128xf32> to vector<1000x128xf32>
    %get3A_14 = arith.constant 1 : index
    %get3A_15 = arith.constant 0 : index
    %get3A_16 = arith.constant 0 : index
    %get3A_17 = arith.constant 0 : index
    %get3A_18 = vector.load %arg3[%get3A_14, %get3A_15, %get3A_16, %get3A_17] : memref<2x1x1000x128xf32, #tpu.memory_space<vmem>>, vector<1x1x1000x128xf32>
    %get3A_19 = vector.shape_cast %get3A_18 : vector<1x1x1000x128xf32> to vector<1000x128xf32>
    %add3A = arith.addf %get3A_13, %get3A_19 : vector<1000x128xf32>
    %get3A_20 = arith.constant 0 : index
    %get3A_21 = arith.constant 0 : index
    %get3A_22 = vector.load %arg4[%get3A_20, %get3A_21] : memref<1000x16xf32, #tpu.memory_space<vmem>>, vector<1000x1xf32>
    %mul3A = vector.broadcast %get3A_22 : vector<1000x1xf32> to vector<1000x128xf32>
    %mul3A_23 = arith.mulf %add3A, %mul3A : vector<1000x128xf32>
    %get3A_24 = arith.constant 0 : index
    %get3A_25 = arith.constant 0 : index
    %get3A_26 = vector.load %arg6[%get3A_24, %get3A_25] : memref<128x128xf32, #tpu.memory_space<vmem>>, vector<128x128xf32>
    %dot_general3A_27 = arith.constant dense<0.000000e+00> : vector<1000x128xf32>
    %dot_general3A_28 = tpu.matmul %mul3A_23, %get3A_26, %dot_general3A_27 {dimension_numbers = #tpu.dot_dimension_numbers<[1], [1], [0], [0], [0, 0, 1, 0], [], []>, transpose_lhs_hint = false} : vector<1000x128xf32>, vector<128x128xf32>, vector<1000x128xf32> -> vector<1000x128xf32>
    %add3A_29 = arith.addf %dot_general3A_7, %dot_general3A_28 : vector<1000x128xf32>
    %eq3A = arith.constant 0 : i32
    %eq3A_30 = arith.cmpi eq, %arg2, %eq3A : i32
    %convert_element_type3A = arith.extui %eq3A_30 : i1 to i32
    %cond3A = arith.constant 0 : i32
    %cond3A_31 = arith.cmpi ne, %convert_element_type3A, %cond3A : i32
    scf.if %cond3A_31 {
      %swap3A = arith.constant 0 : index
      %swap3A_41 = arith.constant 0 : index
      %swap3A_42 = vector.load %arg11[%swap3A, %swap3A_41] : memref<1000x128xf32, #tpu.memory_space<vmem>>, vector<1000x128xf32>
      tpu.vector_store %arg11[%swap3A, %swap3A_41], %add3A_29 {strides = array<i32>} : memref<1000x128xf32, #tpu.memory_space<vmem>>, vector<1000x128xf32>,
    } else {
    }
    %gt3A = arith.constant 0 : i32
    %gt3A_32 = arith.cmpi sgt, %arg2, %gt3A : i32
    %convert_element_type3A_33 = arith.extui %gt3A_32 : i1 to i32
    %cond3A_34 = arith.constant 0 : i32
    %cond3A_35 = arith.cmpi ne, %convert_element_type3A_33, %cond3A_34 : i32
    scf.if %cond3A_35 {
      %get3A_41 = arith.constant 0 : index
      %get3A_42 = arith.constant 0 : index
      %get3A_43 = vector.load %arg11[%get3A_41, %get3A_42] : memref<1000x128xf32, #tpu.memory_space<vmem>>, vector<1000x128xf32>
      %add3A_44 = arith.addf %get3A_43, %add3A_29 : vector<1000x128xf32>
      %swap3A = arith.constant 0 : index
      %swap3A_45 = arith.constant 0 : index
      %swap3A_46 = vector.load %arg11[%swap3A, %swap3A_45] : memref<1000x128xf32, #tpu.memory_space<vmem>>, vector<1000x128xf32>
      tpu.vector_store %arg11[%swap3A, %swap3A_45], %add3A_44 {strides = array<i32>} : memref<1000x128xf32, #tpu.memory_space<vmem>>, vector<1000x128xf32>,
    } else {
    }
    %eq3A_36 = arith.constant 0 : i32
    %eq3A_37 = arith.cmpi eq, %arg2, %eq3A_36 : i32
    %convert_element_type3A_38 = arith.extui %eq3A_37 : i1 to i32
    %cond3A_39 = arith.constant 0 : i32
    %cond3A_40 = arith.cmpi ne, %convert_element_type3A_38, %cond3A_39 : i32
    scf.if %cond3A_40 {
      %get3A_41 = arith.constant 0 : index
      %get3A_42 = arith.constant 0 : index
      %get3A_43 = vector.load %arg11[%get3A_41, %get3A_42] : memref<1000x128xf32, #tpu.memory_space<vmem>>, vector<1000x128xf32>
      %get3A_44 = arith.constant 0 : index
      %get3A_45 = arith.constant 0 : index
      %get3A_46 = arith.constant 0 : index
      %get3A_47 = vector.load %arg8[%get3A_44, %get3A_45, %get3A_46] : memref<1x1x128xf32, #tpu.memory_space<vmem>>, vector<1x1x128xf32>
      %get3A_48 = vector.shape_cast %get3A_47 : vector<1x1x128xf32> to vector<1x128xf32>
      %add3A_49 = vector.broadcast %get3A_48 : vector<1x128xf32> to vector<1000x128xf32>
      %add3A_50 = arith.addf %get3A_43, %add3A_49 : vector<1000x128xf32>
      %broadcast_in_dim3A = vector.shape_cast %add3A_50 : vector<1000x128xf32> to vector<1x1000x128xf32>
      %swap3A = arith.constant 0 : index
      %swap3A_51 = arith.constant 0 : index
      %swap3A_52 = arith.constant 0 : index
      %swap3A_53 = vector.load %arg9[%swap3A, %swap3A_51, %swap3A_52] : memref<1x1000x128xf32, #tpu.memory_space<vmem>>, vector<1x1000x128xf32>
      tpu.vector_store %arg9[%swap3A, %swap3A_51, %swap3A_52], %broadcast_in_dim3A {strides = array<i32>} : memref<1x1000x128xf32, #tpu.memory_space<vmem>>, vector<1x1000x128xf32>,
      %reduce_sum3A = arith.constant dense<0.000000e+00> : vector<128xf32>
      %reduce_sum3A_54 = vector.multi_reduction <add>, %add3A_50, %reduce_sum3A [0] : vector<1000x128xf32> to vector<128xf32>
      %broadcast_in_dim3A_55 = vector.shape_cast %reduce_sum3A_54 : vector<128xf32> to vector<1x128xf32>
      %mul3A_56 = arith.mulf %add3A_50, %add3A_50 : vector<1000x128xf32>
      %reduce_sum3A_57 = arith.constant dense<0.000000e+00> : vector<128xf32>
      %reduce_sum3A_58 = vector.multi_reduction <add>, %mul3A_56, %reduce_sum3A_57 [0] : vector<1000x128xf32> to vector<128xf32>
      %broadcast_in_dim3A_59 = vector.shape_cast %reduce_sum3A_58 : vector<128xf32> to vector<1x128xf32>
      %broadcast_in_dim3A_60 = arith.constant 0.000000e+00 : f32
      %broadcast_in_dim3A_61 = vector.broadcast %broadcast_in_dim3A_60 : f32 to vector<6x128xf32>
      %concatenate3A = tpu.concatenate %broadcast_in_dim3A_55, %broadcast_in_dim3A_59, %broadcast_in_dim3A_61 in 0 : vector<1x128xf32>, vector<1x128xf32>, vector<6x128xf32> -> vector<8x128xf32>
      %eq3A_62 = arith.constant 0 : i32
      %eq3A_63 = arith.cmpi eq, %arg1, %eq3A_62 : i32
      %convert_element_type3A_64 = arith.extui %eq3A_63 : i1 to i32
      %cond3A_65 = arith.constant 0 : i32
      %cond3A_66 = arith.cmpi ne, %convert_element_type3A_64, %cond3A_65 : i32
      scf.if %cond3A_66 {
        %swap3A_77 = arith.constant 0 : index
        %swap3A_78 = arith.constant 0 : index
        %swap3A_79 = vector.load %arg12[%swap3A_77, %swap3A_78] : memref<8x128xf32, #tpu.memory_space<vmem>>, vector<8x128xf32>
        tpu.vector_store %arg12[%swap3A_77, %swap3A_78], %concatenate3A {strides = array<i32>} : memref<8x128xf32, #tpu.memory_space<vmem>>, vector<8x128xf32>,
      } else {
      }
      %gt3A_67 = arith.constant 0 : i32
      %gt3A_68 = arith.cmpi sgt, %arg1, %gt3A_67 : i32
      %convert_element_type3A_69 = arith.extui %gt3A_68 : i1 to i32
      %cond3A_70 = arith.constant 0 : i32
      %cond3A_71 = arith.cmpi ne, %convert_element_type3A_69, %cond3A_70 : i32
      scf.if %cond3A_71 {
        %get3A_77 = arith.constant 0 : index
        %get3A_78 = arith.constant 0 : index
        %get3A_79 = vector.load %arg12[%get3A_77, %get3A_78] : memref<8x128xf32, #tpu.memory_space<vmem>>, vector<8x128xf32>
        %add3A_80 = arith.addf %get3A_79, %concatenate3A : vector<8x128xf32>
        %swap3A_81 = arith.constant 0 : index
        %swap3A_82 = arith.constant 0 : index
        %swap3A_83 = vector.load %arg12[%swap3A_81, %swap3A_82] : memref<8x128xf32, #tpu.memory_space<vmem>>, vector<8x128xf32>
        tpu.vector_store %arg12[%swap3A_81, %swap3A_82], %add3A_80 {strides = array<i32>} : memref<8x128xf32, #tpu.memory_space<vmem>>, vector<8x128xf32>,
      } else {
      }
      %eq3A_72 = arith.constant 9 : i32
      %eq3A_73 = arith.cmpi eq, %arg1, %eq3A_72 : i32
      %convert_element_type3A_74 = arith.extui %eq3A_73 : i1 to i32
      %cond3A_75 = arith.constant 0 : i32
      %cond3A_76 = arith.cmpi ne, %convert_element_type3A_74, %cond3A_75 : i32
      scf.if %cond3A_76 {
        %get3A_77 = arith.constant 0 : index
        %get3A_78 = arith.constant 0 : index
        %get3A_79 = vector.load %arg12[%get3A_77, %get3A_78] : memref<8x128xf32, #tpu.memory_space<vmem>>, vector<8x128xf32>
        %broadcast_in_dim3A_80 = vector.shape_cast %get3A_79 : vector<8x128xf32> to vector<1x8x128xf32>
        %swap3A_81 = arith.constant 0 : index
        %swap3A_82 = arith.constant 0 : index
        %swap3A_83 = arith.constant 0 : index
        %swap3A_84 = vector.load %arg10[%swap3A_81, %swap3A_82, %swap3A_83] : memref<1x8x128xf32, #tpu.memory_space<vmem>>, vector<1x8x128xf32>
        tpu.vector_store %arg10[%swap3A_81, %swap3A_82, %swap3A_83], %broadcast_in_dim3A_80 {strides = array<i32>} : memref<1x8x128xf32, #tpu.memory_space<vmem>>, vector<1x8x128xf32>,
      } else {
      }
    } else {
    }
    return
  }
  func.func @transform_0(%arg0: i32, %arg1: i32, %arg2: i32) -> (i32, i32, i32, i32) {
    %c0_i32 = arith.constant 0 : i32
    %c0_i32_0 = arith.constant 0 : i32
    %c0_i32_1 = arith.constant 0 : i32
    return %c0_i32, %arg2, %arg1, %c0_i32_0 : i32, i32, i32, i32
  }
  func.func @transform_1(%arg0: i32, %arg1: i32, %arg2: i32) -> (i32, i32) {
    %c0_i32 = arith.constant 0 : i32
    %c0_i32_0 = arith.constant 0 : i32
    return %arg1, %c0_i32 : i32, i32
  }
  func.func @transform_2(%arg0: i32, %arg1: i32, %arg2: i32) -> (i32, i32, i32) {
    %c0_i32 = arith.constant 0 : i32
    %c0_i32_0 = arith.constant 0 : i32
    return %arg2, %arg1, %c0_i32 : i32, i32, i32
  }
  func.func @transform_3(%arg0: i32, %arg1: i32, %arg2: i32) -> (i32, i32) {
    %c0_i32 = arith.constant 0 : i32
    return %arg0, %arg2 : i32, i32
  }
  func.func @transform_4(%arg0: i32, %arg1: i32, %arg2: i32) -> (i32, i32) {
    %c0_i32 = arith.constant 0 : i32
    return %arg0, %arg2 : i32, i32
  }
  func.func @transform_5(%arg0: i32, %arg1: i32, %arg2: i32) -> (i32, i32, i32) {
    %c0_i32 = arith.constant 0 : i32
    %c0_i32_0 = arith.constant 0 : i32
    %c0_i32_1 = arith.constant 0 : i32
    return %arg0, %c0_i32, %c0_i32_0 : i32, i32, i32
  }
  func.func @transform_6(%arg0: i32, %arg1: i32, %arg2: i32) -> (i32, i32, i32) {
    %c0_i32 = arith.constant 0 : i32
    %c0_i32_0 = arith.constant 0 : i32
    return %arg0, %arg1, %c0_i32 : i32, i32, i32
  }
  func.func @transform_7(%arg0: i32, %arg1: i32, %arg2: i32) -> (i32, i32, i32) {
    %c0_i32 = arith.constant 0 : i32
    %c0_i32_0 = arith.constant 0 : i32
    %c0_i32_1 = arith.constant 0 : i32
    return %arg0, %c0_i32, %c0_i32_0 : i32, i32, i32
  }
}

module attributes {stable_mosaic.version = 14 : i64} {
  func.func @_bn_relu_body(%arg0: i32, %arg1: i32, %arg2: memref<1x1000x128xf32, #tpu.memory_space<vmem>>, %arg3: memref<1x8x128xf32, #tpu.memory_space<vmem>>, %arg4: memref<1x1x128xf32, #tpu.memory_space<vmem>>, %arg5: memref<1x1x128xf32, #tpu.memory_space<vmem>>, %arg6: memref<1x1000x128xf32, #tpu.memory_space<vmem>>) attributes {dimension_semantics = [#tpu.dimension_semantics<arbitrary>, #tpu.dimension_semantics<arbitrary>], iteration_bounds = array<i64: 4, 10>, scalar_prefetch = 0 : i64, scratch_operands = 0 : i64, tpu.core_type = #tpu.core_type<tc>, window_params = [{transform_indices = @transform_0, window_bounds = array<i64: 1, 1000, 128>}, {transform_indices = @transform_1, window_bounds = array<i64: 1, 8, 128>}, {transform_indices = @transform_2, window_bounds = array<i64: 1, 1, 128>}, {transform_indices = @transform_3, window_bounds = array<i64: 1, 1, 128>}, {transform_indices = @transform_4, window_bounds = array<i64: 1, 1000, 128>}]} {
    %get3A = arith.constant 0 : index
    %get3A_0 = arith.constant 0 : index
    %get3A_1 = arith.constant 0 : index
    %get3A_2 = vector.load %arg3[%get3A, %get3A_0, %get3A_1] : memref<1x8x128xf32, #tpu.memory_space<vmem>>, vector<1x8x128xf32>
    %get3A_3 = vector.shape_cast %get3A_2 : vector<1x8x128xf32> to vector<8x128xf32>
    %get3A_4 = arith.constant 0 : index
    %get3A_5 = arith.constant 0 : index
    %get3A_6 = arith.constant 0 : index
    %get3A_7 = vector.load %arg4[%get3A_4, %get3A_5, %get3A_6] : memref<1x1x128xf32, #tpu.memory_space<vmem>>, vector<1x1x128xf32>
    %get3A_8 = vector.shape_cast %get3A_7 : vector<1x1x128xf32> to vector<1x128xf32>
    %get3A_9 = arith.constant 0 : index
    %get3A_10 = arith.constant 0 : index
    %get3A_11 = arith.constant 0 : index
    %get3A_12 = vector.load %arg5[%get3A_9, %get3A_10, %get3A_11] : memref<1x1x128xf32, #tpu.memory_space<vmem>>, vector<1x1x128xf32>
    %get3A_13 = vector.shape_cast %get3A_12 : vector<1x1x128xf32> to vector<1x128xf32>
    %slice3A = vector.extract_strided_slice %get3A_3 {offsets = [0, 0], sizes = [1, 128], strides = [1, 1]} : vector<8x128xf32> to vector<1x128xf32>
    %div3A = arith.constant 1.000000e+04 : f32
    %div3A_14 = vector.broadcast %div3A : f32 to vector<1x128xf32>
    %div3A_15 = arith.divf %slice3A, %div3A_14 : vector<1x128xf32>
    %slice3A_16 = vector.extract_strided_slice %get3A_3 {offsets = [1, 0], sizes = [1, 128], strides = [1, 1]} : vector<8x128xf32> to vector<1x128xf32>
    %div3A_17 = arith.constant 1.000000e+04 : f32
    %div3A_18 = vector.broadcast %div3A_17 : f32 to vector<1x128xf32>
    %div3A_19 = arith.divf %slice3A_16, %div3A_18 : vector<1x128xf32>
    %mul3A = arith.mulf %div3A_15, %div3A_15 : vector<1x128xf32>
    %sub3A = arith.subf %div3A_19, %mul3A : vector<1x128xf32>
    %add3A = arith.constant 9.99999974E-6 : f32
    %add3A_20 = vector.broadcast %add3A : f32 to vector<1x128xf32>
    %add3A_21 = arith.addf %sub3A, %add3A_20 : vector<1x128xf32>
    %sqrt3A = math.sqrt %add3A_21 : vector<1x128xf32>
    %div3A_22 = arith.divf %get3A_8, %sqrt3A : vector<1x128xf32>
    %mul3A_23 = arith.mulf %div3A_15, %div3A_22 : vector<1x128xf32>
    %sub3A_24 = arith.subf %get3A_13, %mul3A_23 : vector<1x128xf32>
    %get3A_25 = arith.constant 0 : index
    %get3A_26 = arith.constant 0 : index
    %get3A_27 = arith.constant 0 : index
    %get3A_28 = vector.load %arg2[%get3A_25, %get3A_26, %get3A_27] : memref<1x1000x128xf32, #tpu.memory_space<vmem>>, vector<1x1000x128xf32>
    %get3A_29 = vector.shape_cast %get3A_28 : vector<1x1000x128xf32> to vector<1000x128xf32>
    %mul3A_30 = vector.broadcast %div3A_22 : vector<1x128xf32> to vector<1000x128xf32>
    %mul3A_31 = arith.mulf %get3A_29, %mul3A_30 : vector<1000x128xf32>
    %add3A_32 = vector.broadcast %sub3A_24 : vector<1x128xf32> to vector<1000x128xf32>
    %add3A_33 = arith.addf %mul3A_31, %add3A_32 : vector<1000x128xf32>
    %max3A = arith.constant 0.000000e+00 : f32
    %max3A_34 = vector.broadcast %max3A : f32 to vector<1000x128xf32>
    %max3A_35 = arith.maximumf %add3A_33, %max3A_34 : vector<1000x128xf32>
    %broadcast_in_dim3A = vector.shape_cast %max3A_35 : vector<1000x128xf32> to vector<1x1000x128xf32>
    %swap3A = arith.constant 0 : index
    %swap3A_36 = arith.constant 0 : index
    %swap3A_37 = arith.constant 0 : index
    %swap3A_38 = vector.load %arg6[%swap3A, %swap3A_36, %swap3A_37] : memref<1x1000x128xf32, #tpu.memory_space<vmem>>, vector<1x1000x128xf32>
    tpu.vector_store %arg6[%swap3A, %swap3A_36, %swap3A_37], %broadcast_in_dim3A {strides = array<i32>} : memref<1x1000x128xf32, #tpu.memory_space<vmem>>, vector<1x1000x128xf32>,
    return
  }
  func.func @transform_0(%arg0: i32, %arg1: i32) -> (i32, i32, i32) {
    %c0_i32 = arith.constant 0 : i32
    %c0_i32_0 = arith.constant 0 : i32
    return %arg0, %arg1, %c0_i32 : i32, i32, i32
  }
  func.func @transform_1(%arg0: i32, %arg1: i32) -> (i32, i32, i32) {
    %c0_i32 = arith.constant 0 : i32
    %c0_i32_0 = arith.constant 0 : i32
    %c0_i32_1 = arith.constant 0 : i32
    return %arg0, %c0_i32, %c0_i32_0 : i32, i32, i32
  }
  func.func @transform_2(%arg0: i32, %arg1: i32) -> (i32, i32, i32) {
    %c0_i32 = arith.constant 0 : i32
    %c0_i32_0 = arith.constant 0 : i32
    %c0_i32_1 = arith.constant 0 : i32
    return %arg0, %c0_i32, %c0_i32_0 : i32, i32, i32
  }
  func.func @transform_3(%arg0: i32, %arg1: i32) -> (i32, i32, i32) {
    %c0_i32 = arith.constant 0 : i32
    %c0_i32_0 = arith.constant 0 : i32
    %c0_i32_1 = arith.constant 0 : i32
    return %arg0, %c0_i32, %c0_i32_0 : i32, i32, i32
  }
  func.func @transform_4(%arg0: i32, %arg1: i32) -> (i32, i32, i32) {
    %c0_i32 = arith.constant 0 : i32
    %c0_i32_0 = arith.constant 0 : i32
    return %arg0, %arg1, %c0_i32 : i32, i32, i32
  }
}

module attributes {stable_mosaic.version = 14 : i64} {
  func.func @_mm_stats_body(%arg0: i32, %arg1: i32, %arg2: i32, %arg3: memref<2x1x1000x128xf32, #tpu.memory_space<vmem>>, %arg4: memref<1000x16xf32, #tpu.memory_space<vmem>>, %arg5: memref<1x1000x128xf32, #tpu.memory_space<vmem>>, %arg6: memref<128x128xf32, #tpu.memory_space<vmem>>, %arg7: memref<128x128xf32, #tpu.memory_space<vmem>>, %arg8: memref<1x1x128xf32, #tpu.memory_space<vmem>>, %arg9: memref<1x1000x128xf32, #tpu.memory_space<vmem>>, %arg10: memref<1x8x128xf32, #tpu.memory_space<vmem>>, %arg11: memref<1000x128xf32, #tpu.memory_space<vmem>>, %arg12: memref<8x128xf32, #tpu.memory_space<vmem>>) attributes {dimension_semantics = [#tpu.dimension_semantics<arbitrary>, #tpu.dimension_semantics<arbitrary>, #tpu.dimension_semantics<arbitrary>], iteration_bounds = array<i64: 4, 10, 4>, scalar_prefetch = 0 : i64, scratch_operands = 2 : i64, tpu.core_type = #tpu.core_type<tc>, window_params = [{transform_indices = @transform_0, window_bounds = array<i64: 2, 1, 1000, 128>}, {transform_indices = @transform_1, window_bounds = array<i64: 1000, 16>}, {transform_indices = @transform_2, window_bounds = array<i64: 1, 1000, 128>}, {transform_indices = @transform_3, window_bounds = array<i64: 128, 128>}, {transform_indices = @transform_4, window_bounds = array<i64: 128, 128>}, {transform_indices = @transform_5, window_bounds = array<i64: 1, 1, 128>}, {transform_indices = @transform_6, window_bounds = array<i64: 1, 1000, 128>}, {transform_indices = @transform_7, window_bounds = array<i64: 1, 8, 128>}]} {
    %get3A = arith.constant 0 : index
    %get3A_0 = arith.constant 0 : index
    %get3A_1 = arith.constant 0 : index
    %get3A_2 = vector.load %arg5[%get3A, %get3A_0, %get3A_1] : memref<1x1000x128xf32, #tpu.memory_space<vmem>>, vector<1x1000x128xf32>
    %get3A_3 = vector.shape_cast %get3A_2 : vector<1x1000x128xf32> to vector<1000x128xf32>
    %get3A_4 = arith.constant 0 : index
    %get3A_5 = arith.constant 0 : index
    %get3A_6 = vector.load %arg7[%get3A_4, %get3A_5] : memref<128x128xf32, #tpu.memory_space<vmem>>, vector<128x128xf32>
    %dot_general3A = arith.constant dense<0.000000e+00> : vector<1000x128xf32>
    %dot_general3A_7 = tpu.matmul %get3A_3, %get3A_6, %dot_general3A {dimension_numbers = #tpu.dot_dimension_numbers<[1], [1], [0], [0], [0, 0, 1, 0], [], []>, transpose_lhs_hint = false} : vector<1000x128xf32>, vector<128x128xf32>, vector<1000x128xf32> -> vector<1000x128xf32>
    %get3A_8 = arith.constant 0 : index
    %get3A_9 = arith.constant 0 : index
    %get3A_10 = arith.constant 0 : index
    %get3A_11 = arith.constant 0 : index
    %get3A_12 = vector.load %arg3[%get3A_8, %get3A_9, %get3A_10, %get3A_11] : memref<2x1x1000x128xf32, #tpu.memory_space<vmem>>, vector<1x1x1000x128xf32>
    %get3A_13 = vector.shape_cast %get3A_12 : vector<1x1x1000x128xf32> to vector<1000x128xf32>
    %get3A_14 = arith.constant 1 : index
    %get3A_15 = arith.constant 0 : index
    %get3A_16 = arith.constant 0 : index
    %get3A_17 = arith.constant 0 : index
    %get3A_18 = vector.load %arg3[%get3A_14, %get3A_15, %get3A_16, %get3A_17] : memref<2x1x1000x128xf32, #tpu.memory_space<vmem>>, vector<1x1x1000x128xf32>
    %get3A_19 = vector.shape_cast %get3A_18 : vector<1x1x1000x128xf32> to vector<1000x128xf32>
    %add3A = arith.addf %get3A_13, %get3A_19 : vector<1000x128xf32>
    %get3A_20 = arith.constant 0 : index
    %get3A_21 = arith.constant 0 : index
    %get3A_22 = vector.load %arg4[%get3A_20, %get3A_21] : memref<1000x16xf32, #tpu.memory_space<vmem>>, vector<1000x1xf32>
    %mul3A = vector.broadcast %get3A_22 : vector<1000x1xf32> to vector<1000x128xf32>
    %mul3A_23 = arith.mulf %add3A, %mul3A : vector<1000x128xf32>
    %get3A_24 = arith.constant 0 : index
    %get3A_25 = arith.constant 0 : index
    %get3A_26 = vector.load %arg6[%get3A_24, %get3A_25] : memref<128x128xf32, #tpu.memory_space<vmem>>, vector<128x128xf32>
    %dot_general3A_27 = arith.constant dense<0.000000e+00> : vector<1000x128xf32>
    %dot_general3A_28 = tpu.matmul %mul3A_23, %get3A_26, %dot_general3A_27 {dimension_numbers = #tpu.dot_dimension_numbers<[1], [1], [0], [0], [0, 0, 1, 0], [], []>, transpose_lhs_hint = false} : vector<1000x128xf32>, vector<128x128xf32>, vector<1000x128xf32> -> vector<1000x128xf32>
    %add3A_29 = arith.addf %dot_general3A_7, %dot_general3A_28 : vector<1000x128xf32>
    %eq3A = arith.constant 0 : i32
    %eq3A_30 = arith.cmpi eq, %arg2, %eq3A : i32
    %convert_element_type3A = arith.extui %eq3A_30 : i1 to i32
    %cond3A = arith.constant 0 : i32
    %cond3A_31 = arith.cmpi ne, %convert_element_type3A, %cond3A : i32
    scf.if %cond3A_31 {
      %swap3A = arith.constant 0 : index
      %swap3A_41 = arith.constant 0 : index
      %swap3A_42 = vector.load %arg11[%swap3A, %swap3A_41] : memref<1000x128xf32, #tpu.memory_space<vmem>>, vector<1000x128xf32>
      tpu.vector_store %arg11[%swap3A, %swap3A_41], %add3A_29 {strides = array<i32>} : memref<1000x128xf32, #tpu.memory_space<vmem>>, vector<1000x128xf32>,
    } else {
    }
    %gt3A = arith.constant 0 : i32
    %gt3A_32 = arith.cmpi sgt, %arg2, %gt3A : i32
    %convert_element_type3A_33 = arith.extui %gt3A_32 : i1 to i32
    %cond3A_34 = arith.constant 0 : i32
    %cond3A_35 = arith.cmpi ne, %convert_element_type3A_33, %cond3A_34 : i32
    scf.if %cond3A_35 {
      %get3A_41 = arith.constant 0 : index
      %get3A_42 = arith.constant 0 : index
      %get3A_43 = vector.load %arg11[%get3A_41, %get3A_42] : memref<1000x128xf32, #tpu.memory_space<vmem>>, vector<1000x128xf32>
      %add3A_44 = arith.addf %get3A_43, %add3A_29 : vector<1000x128xf32>
      %swap3A = arith.constant 0 : index
      %swap3A_45 = arith.constant 0 : index
      %swap3A_46 = vector.load %arg11[%swap3A, %swap3A_45] : memref<1000x128xf32, #tpu.memory_space<vmem>>, vector<1000x128xf32>
      tpu.vector_store %arg11[%swap3A, %swap3A_45], %add3A_44 {strides = array<i32>} : memref<1000x128xf32, #tpu.memory_space<vmem>>, vector<1000x128xf32>,
    } else {
    }
    %eq3A_36 = arith.constant 3 : i32
    %eq3A_37 = arith.cmpi eq, %arg2, %eq3A_36 : i32
    %convert_element_type3A_38 = arith.extui %eq3A_37 : i1 to i32
    %cond3A_39 = arith.constant 0 : i32
    %cond3A_40 = arith.cmpi ne, %convert_element_type3A_38, %cond3A_39 : i32
    scf.if %cond3A_40 {
      %get3A_41 = arith.constant 0 : index
      %get3A_42 = arith.constant 0 : index
      %get3A_43 = vector.load %arg11[%get3A_41, %get3A_42] : memref<1000x128xf32, #tpu.memory_space<vmem>>, vector<1000x128xf32>
      %get3A_44 = arith.constant 0 : index
      %get3A_45 = arith.constant 0 : index
      %get3A_46 = arith.constant 0 : index
      %get3A_47 = vector.load %arg8[%get3A_44, %get3A_45, %get3A_46] : memref<1x1x128xf32, #tpu.memory_space<vmem>>, vector<1x1x128xf32>
      %get3A_48 = vector.shape_cast %get3A_47 : vector<1x1x128xf32> to vector<1x128xf32>
      %add3A_49 = vector.broadcast %get3A_48 : vector<1x128xf32> to vector<1000x128xf32>
      %add3A_50 = arith.addf %get3A_43, %add3A_49 : vector<1000x128xf32>
      %broadcast_in_dim3A = vector.shape_cast %add3A_50 : vector<1000x128xf32> to vector<1x1000x128xf32>
      %swap3A = arith.constant 0 : index
      %swap3A_51 = arith.constant 0 : index
      %swap3A_52 = arith.constant 0 : index
      %swap3A_53 = vector.load %arg9[%swap3A, %swap3A_51, %swap3A_52] : memref<1x1000x128xf32, #tpu.memory_space<vmem>>, vector<1x1000x128xf32>
      tpu.vector_store %arg9[%swap3A, %swap3A_51, %swap3A_52], %broadcast_in_dim3A {strides = array<i32>} : memref<1x1000x128xf32, #tpu.memory_space<vmem>>, vector<1x1000x128xf32>,
      %reduce_sum3A = arith.constant dense<0.000000e+00> : vector<128xf32>
      %reduce_sum3A_54 = vector.multi_reduction <add>, %add3A_50, %reduce_sum3A [0] : vector<1000x128xf32> to vector<128xf32>
      %broadcast_in_dim3A_55 = vector.shape_cast %reduce_sum3A_54 : vector<128xf32> to vector<1x128xf32>
      %mul3A_56 = arith.mulf %add3A_50, %add3A_50 : vector<1000x128xf32>
      %reduce_sum3A_57 = arith.constant dense<0.000000e+00> : vector<128xf32>
      %reduce_sum3A_58 = vector.multi_reduction <add>, %mul3A_56, %reduce_sum3A_57 [0] : vector<1000x128xf32> to vector<128xf32>
      %broadcast_in_dim3A_59 = vector.shape_cast %reduce_sum3A_58 : vector<128xf32> to vector<1x128xf32>
      %broadcast_in_dim3A_60 = arith.constant 0.000000e+00 : f32
      %broadcast_in_dim3A_61 = vector.broadcast %broadcast_in_dim3A_60 : f32 to vector<6x128xf32>
      %concatenate3A = tpu.concatenate %broadcast_in_dim3A_55, %broadcast_in_dim3A_59, %broadcast_in_dim3A_61 in 0 : vector<1x128xf32>, vector<1x128xf32>, vector<6x128xf32> -> vector<8x128xf32>
      %eq3A_62 = arith.constant 0 : i32
      %eq3A_63 = arith.cmpi eq, %arg1, %eq3A_62 : i32
      %convert_element_type3A_64 = arith.extui %eq3A_63 : i1 to i32
      %cond3A_65 = arith.constant 0 : i32
      %cond3A_66 = arith.cmpi ne, %convert_element_type3A_64, %cond3A_65 : i32
      scf.if %cond3A_66 {
        %swap3A_77 = arith.constant 0 : index
        %swap3A_78 = arith.constant 0 : index
        %swap3A_79 = vector.load %arg12[%swap3A_77, %swap3A_78] : memref<8x128xf32, #tpu.memory_space<vmem>>, vector<8x128xf32>
        tpu.vector_store %arg12[%swap3A_77, %swap3A_78], %concatenate3A {strides = array<i32>} : memref<8x128xf32, #tpu.memory_space<vmem>>, vector<8x128xf32>,
      } else {
      }
      %gt3A_67 = arith.constant 0 : i32
      %gt3A_68 = arith.cmpi sgt, %arg1, %gt3A_67 : i32
      %convert_element_type3A_69 = arith.extui %gt3A_68 : i1 to i32
      %cond3A_70 = arith.constant 0 : i32
      %cond3A_71 = arith.cmpi ne, %convert_element_type3A_69, %cond3A_70 : i32
      scf.if %cond3A_71 {
        %get3A_77 = arith.constant 0 : index
        %get3A_78 = arith.constant 0 : index
        %get3A_79 = vector.load %arg12[%get3A_77, %get3A_78] : memref<8x128xf32, #tpu.memory_space<vmem>>, vector<8x128xf32>
        %add3A_80 = arith.addf %get3A_79, %concatenate3A : vector<8x128xf32>
        %swap3A_81 = arith.constant 0 : index
        %swap3A_82 = arith.constant 0 : index
        %swap3A_83 = vector.load %arg12[%swap3A_81, %swap3A_82] : memref<8x128xf32, #tpu.memory_space<vmem>>, vector<8x128xf32>
        tpu.vector_store %arg12[%swap3A_81, %swap3A_82], %add3A_80 {strides = array<i32>} : memref<8x128xf32, #tpu.memory_space<vmem>>, vector<8x128xf32>,
      } else {
      }
      %eq3A_72 = arith.constant 9 : i32
      %eq3A_73 = arith.cmpi eq, %arg1, %eq3A_72 : i32
      %convert_element_type3A_74 = arith.extui %eq3A_73 : i1 to i32
      %cond3A_75 = arith.constant 0 : i32
      %cond3A_76 = arith.cmpi ne, %convert_element_type3A_74, %cond3A_75 : i32
      scf.if %cond3A_76 {
        %get3A_77 = arith.constant 0 : index
        %get3A_78 = arith.constant 0 : index
        %get3A_79 = vector.load %arg12[%get3A_77, %get3A_78] : memref<8x128xf32, #tpu.memory_space<vmem>>, vector<8x128xf32>
        %broadcast_in_dim3A_80 = vector.shape_cast %get3A_79 : vector<8x128xf32> to vector<1x8x128xf32>
        %swap3A_81 = arith.constant 0 : index
        %swap3A_82 = arith.constant 0 : index
        %swap3A_83 = arith.constant 0 : index
        %swap3A_84 = vector.load %arg10[%swap3A_81, %swap3A_82, %swap3A_83] : memref<1x8x128xf32, #tpu.memory_space<vmem>>, vector<1x8x128xf32>
        tpu.vector_store %arg10[%swap3A_81, %swap3A_82, %swap3A_83], %broadcast_in_dim3A_80 {strides = array<i32>} : memref<1x8x128xf32, #tpu.memory_space<vmem>>, vector<1x8x128xf32>,
      } else {
      }
    } else {
    }
    return
  }
  func.func @transform_0(%arg0: i32, %arg1: i32, %arg2: i32) -> (i32, i32, i32, i32) {
    %c0_i32 = arith.constant 0 : i32
    %c0_i32_0 = arith.constant 0 : i32
    %c0_i32_1 = arith.constant 0 : i32
    return %c0_i32, %arg2, %arg1, %c0_i32_0 : i32, i32, i32, i32
  }
  func.func @transform_1(%arg0: i32, %arg1: i32, %arg2: i32) -> (i32, i32) {
    %c0_i32 = arith.constant 0 : i32
    %c0_i32_0 = arith.constant 0 : i32
    return %arg1, %c0_i32 : i32, i32
  }
  func.func @transform_2(%arg0: i32, %arg1: i32, %arg2: i32) -> (i32, i32, i32) {
    %c0_i32 = arith.constant 0 : i32
    %c0_i32_0 = arith.constant 0 : i32
    return %arg2, %arg1, %c0_i32 : i32, i32, i32
  }
  func.func @transform_3(%arg0: i32, %arg1: i32, %arg2: i32) -> (i32, i32) {
    %c0_i32 = arith.constant 0 : i32
    return %arg0, %arg2 : i32, i32
  }
  func.func @transform_4(%arg0: i32, %arg1: i32, %arg2: i32) -> (i32, i32) {
    %c0_i32 = arith.constant 0 : i32
    return %arg0, %arg2 : i32, i32
  }
  func.func @transform_5(%arg0: i32, %arg1: i32, %arg2: i32) -> (i32, i32, i32) {
    %c0_i32 = arith.constant 0 : i32
    %c0_i32_0 = arith.constant 0 : i32
    %c0_i32_1 = arith.constant 0 : i32
    return %arg0, %c0_i32, %c0_i32_0 : i32, i32, i32
  }
  func.func @transform_6(%arg0: i32, %arg1: i32, %arg2: i32) -> (i32, i32, i32) {
    %c0_i32 = arith.constant 0 : i32
    %c0_i32_0 = arith.constant 0 : i32
    return %arg0, %arg1, %c0_i32 : i32, i32, i32
  }
  func.func @transform_7(%arg0: i32, %arg1: i32, %arg2: i32) -> (i32, i32, i32) {
    %c0_i32 = arith.constant 0 : i32
    %c0_i32_0 = arith.constant 0 : i32
    %c0_i32_1 = arith.constant 0 : i32
    return %arg0, %c0_i32, %c0_i32_0 : i32, i32, i32
  }
}

module attributes {stable_mosaic.version = 14 : i64} {
  func.func @_mm_stats_body(%arg0: i32, %arg1: i32, %arg2: i32, %arg3: memref<1x1000x128xf32, #tpu.memory_space<vmem>>, %arg4: memref<128x128xf32, #tpu.memory_space<vmem>>, %arg5: memref<1x1x128xf32, #tpu.memory_space<vmem>>, %arg6: memref<1x1000x128xf32, #tpu.memory_space<vmem>>, %arg7: memref<1x8x128xf32, #tpu.memory_space<vmem>>, %arg8: memref<1000x128xf32, #tpu.memory_space<vmem>>, %arg9: memref<8x128xf32, #tpu.memory_space<vmem>>) attributes {dimension_semantics = [#tpu.dimension_semantics<arbitrary>, #tpu.dimension_semantics<arbitrary>, #tpu.dimension_semantics<arbitrary>], iteration_bounds = array<i64: 4, 10, 4>, scalar_prefetch = 0 : i64, scratch_operands = 2 : i64, tpu.core_type = #tpu.core_type<tc>, window_params = [{transform_indices = @transform_0, window_bounds = array<i64: 1, 1000, 128>}, {transform_indices = @transform_1, window_bounds = array<i64: 128, 128>}, {transform_indices = @transform_2, window_bounds = array<i64: 1, 1, 128>}, {transform_indices = @transform_3, window_bounds = array<i64: 1, 1000, 128>}, {transform_indices = @transform_4, window_bounds = array<i64: 1, 8, 128>}]} {
    %get3A = arith.constant 0 : index
    %get3A_0 = arith.constant 0 : index
    %get3A_1 = arith.constant 0 : index
    %get3A_2 = vector.load %arg3[%get3A, %get3A_0, %get3A_1] : memref<1x1000x128xf32, #tpu.memory_space<vmem>>, vector<1x1000x128xf32>
    %get3A_3 = vector.shape_cast %get3A_2 : vector<1x1000x128xf32> to vector<1000x128xf32>
    %get3A_4 = arith.constant 0 : index
    %get3A_5 = arith.constant 0 : index
    %get3A_6 = vector.load %arg4[%get3A_4, %get3A_5] : memref<128x128xf32, #tpu.memory_space<vmem>>, vector<128x128xf32>
    %dot_general3A = arith.constant dense<0.000000e+00> : vector<1000x128xf32>
    %dot_general3A_7 = tpu.matmul %get3A_3, %get3A_6, %dot_general3A {dimension_numbers = #tpu.dot_dimension_numbers<[1], [1], [0], [0], [0, 0, 1, 0], [], []>, transpose_lhs_hint = false} : vector<1000x128xf32>, vector<128x128xf32>, vector<1000x128xf32> -> vector<1000x128xf32>
    %eq3A = arith.constant 0 : i32
    %eq3A_8 = arith.cmpi eq, %arg2, %eq3A : i32
    %convert_element_type3A = arith.extui %eq3A_8 : i1 to i32
    %cond3A = arith.constant 0 : i32
    %cond3A_9 = arith.cmpi ne, %convert_element_type3A, %cond3A : i32
    scf.if %cond3A_9 {
      %swap3A = arith.constant 0 : index
      %swap3A_19 = arith.constant 0 : index
      %swap3A_20 = vector.load %arg8[%swap3A, %swap3A_19] : memref<1000x128xf32, #tpu.memory_space<vmem>>, vector<1000x128xf32>
      tpu.vector_store %arg8[%swap3A, %swap3A_19], %dot_general3A_7 {strides = array<i32>} : memref<1000x128xf32, #tpu.memory_space<vmem>>, vector<1000x128xf32>,
    } else {
    }
    %gt3A = arith.constant 0 : i32
    %gt3A_10 = arith.cmpi sgt, %arg2, %gt3A : i32
    %convert_element_type3A_11 = arith.extui %gt3A_10 : i1 to i32
    %cond3A_12 = arith.constant 0 : i32
    %cond3A_13 = arith.cmpi ne, %convert_element_type3A_11, %cond3A_12 : i32
    scf.if %cond3A_13 {
      %get3A_19 = arith.constant 0 : index
      %get3A_20 = arith.constant 0 : index
      %get3A_21 = vector.load %arg8[%get3A_19, %get3A_20] : memref<1000x128xf32, #tpu.memory_space<vmem>>, vector<1000x128xf32>
      %add3A = arith.addf %get3A_21, %dot_general3A_7 : vector<1000x128xf32>
      %swap3A = arith.constant 0 : index
      %swap3A_22 = arith.constant 0 : index
      %swap3A_23 = vector.load %arg8[%swap3A, %swap3A_22] : memref<1000x128xf32, #tpu.memory_space<vmem>>, vector<1000x128xf32>
      tpu.vector_store %arg8[%swap3A, %swap3A_22], %add3A {strides = array<i32>} : memref<1000x128xf32, #tpu.memory_space<vmem>>, vector<1000x128xf32>,
    } else {
    }
    %eq3A_14 = arith.constant 3 : i32
    %eq3A_15 = arith.cmpi eq, %arg2, %eq3A_14 : i32
    %convert_element_type3A_16 = arith.extui %eq3A_15 : i1 to i32
    %cond3A_17 = arith.constant 0 : i32
    %cond3A_18 = arith.cmpi ne, %convert_element_type3A_16, %cond3A_17 : i32
    scf.if %cond3A_18 {
      %get3A_19 = arith.constant 0 : index
      %get3A_20 = arith.constant 0 : index
      %get3A_21 = vector.load %arg8[%get3A_19, %get3A_20] : memref<1000x128xf32, #tpu.memory_space<vmem>>, vector<1000x128xf32>
      %get3A_22 = arith.constant 0 : index
      %get3A_23 = arith.constant 0 : index
      %get3A_24 = arith.constant 0 : index
      %get3A_25 = vector.load %arg5[%get3A_22, %get3A_23, %get3A_24] : memref<1x1x128xf32, #tpu.memory_space<vmem>>, vector<1x1x128xf32>
      %get3A_26 = vector.shape_cast %get3A_25 : vector<1x1x128xf32> to vector<1x128xf32>
      %add3A = vector.broadcast %get3A_26 : vector<1x128xf32> to vector<1000x128xf32>
      %add3A_27 = arith.addf %get3A_21, %add3A : vector<1000x128xf32>
      %broadcast_in_dim3A = vector.shape_cast %add3A_27 : vector<1000x128xf32> to vector<1x1000x128xf32>
      %swap3A = arith.constant 0 : index
      %swap3A_28 = arith.constant 0 : index
      %swap3A_29 = arith.constant 0 : index
      %swap3A_30 = vector.load %arg6[%swap3A, %swap3A_28, %swap3A_29] : memref<1x1000x128xf32, #tpu.memory_space<vmem>>, vector<1x1000x128xf32>
      tpu.vector_store %arg6[%swap3A, %swap3A_28, %swap3A_29], %broadcast_in_dim3A {strides = array<i32>} : memref<1x1000x128xf32, #tpu.memory_space<vmem>>, vector<1x1000x128xf32>,
      %reduce_sum3A = arith.constant dense<0.000000e+00> : vector<128xf32>
      %reduce_sum3A_31 = vector.multi_reduction <add>, %add3A_27, %reduce_sum3A [0] : vector<1000x128xf32> to vector<128xf32>
      %broadcast_in_dim3A_32 = vector.shape_cast %reduce_sum3A_31 : vector<128xf32> to vector<1x128xf32>
      %mul3A = arith.mulf %add3A_27, %add3A_27 : vector<1000x128xf32>
      %reduce_sum3A_33 = arith.constant dense<0.000000e+00> : vector<128xf32>
      %reduce_sum3A_34 = vector.multi_reduction <add>, %mul3A, %reduce_sum3A_33 [0] : vector<1000x128xf32> to vector<128xf32>
      %broadcast_in_dim3A_35 = vector.shape_cast %reduce_sum3A_34 : vector<128xf32> to vector<1x128xf32>
      %broadcast_in_dim3A_36 = arith.constant 0.000000e+00 : f32
      %broadcast_in_dim3A_37 = vector.broadcast %broadcast_in_dim3A_36 : f32 to vector<6x128xf32>
      %concatenate3A = tpu.concatenate %broadcast_in_dim3A_32, %broadcast_in_dim3A_35, %broadcast_in_dim3A_37 in 0 : vector<1x128xf32>, vector<1x128xf32>, vector<6x128xf32> -> vector<8x128xf32>
      %eq3A_38 = arith.constant 0 : i32
      %eq3A_39 = arith.cmpi eq, %arg1, %eq3A_38 : i32
      %convert_element_type3A_40 = arith.extui %eq3A_39 : i1 to i32
      %cond3A_41 = arith.constant 0 : i32
      %cond3A_42 = arith.cmpi ne, %convert_element_type3A_40, %cond3A_41 : i32
      scf.if %cond3A_42 {
        %swap3A_53 = arith.constant 0 : index
        %swap3A_54 = arith.constant 0 : index
        %swap3A_55 = vector.load %arg9[%swap3A_53, %swap3A_54] : memref<8x128xf32, #tpu.memory_space<vmem>>, vector<8x128xf32>
        tpu.vector_store %arg9[%swap3A_53, %swap3A_54], %concatenate3A {strides = array<i32>} : memref<8x128xf32, #tpu.memory_space<vmem>>, vector<8x128xf32>,
      } else {
      }
      %gt3A_43 = arith.constant 0 : i32
      %gt3A_44 = arith.cmpi sgt, %arg1, %gt3A_43 : i32
      %convert_element_type3A_45 = arith.extui %gt3A_44 : i1 to i32
      %cond3A_46 = arith.constant 0 : i32
      %cond3A_47 = arith.cmpi ne, %convert_element_type3A_45, %cond3A_46 : i32
      scf.if %cond3A_47 {
        %get3A_53 = arith.constant 0 : index
        %get3A_54 = arith.constant 0 : index
        %get3A_55 = vector.load %arg9[%get3A_53, %get3A_54] : memref<8x128xf32, #tpu.memory_space<vmem>>, vector<8x128xf32>
        %add3A_56 = arith.addf %get3A_55, %concatenate3A : vector<8x128xf32>
        %swap3A_57 = arith.constant 0 : index
        %swap3A_58 = arith.constant 0 : index
        %swap3A_59 = vector.load %arg9[%swap3A_57, %swap3A_58] : memref<8x128xf32, #tpu.memory_space<vmem>>, vector<8x128xf32>
        tpu.vector_store %arg9[%swap3A_57, %swap3A_58], %add3A_56 {strides = array<i32>} : memref<8x128xf32, #tpu.memory_space<vmem>>, vector<8x128xf32>,
      } else {
      }
      %eq3A_48 = arith.constant 9 : i32
      %eq3A_49 = arith.cmpi eq, %arg1, %eq3A_48 : i32
      %convert_element_type3A_50 = arith.extui %eq3A_49 : i1 to i32
      %cond3A_51 = arith.constant 0 : i32
      %cond3A_52 = arith.cmpi ne, %convert_element_type3A_50, %cond3A_51 : i32
      scf.if %cond3A_52 {
        %get3A_53 = arith.constant 0 : index
        %get3A_54 = arith.constant 0 : index
        %get3A_55 = vector.load %arg9[%get3A_53, %get3A_54] : memref<8x128xf32, #tpu.memory_space<vmem>>, vector<8x128xf32>
        %broadcast_in_dim3A_56 = vector.shape_cast %get3A_55 : vector<8x128xf32> to vector<1x8x128xf32>
        %swap3A_57 = arith.constant 0 : index
        %swap3A_58 = arith.constant 0 : index
        %swap3A_59 = arith.constant 0 : index
        %swap3A_60 = vector.load %arg7[%swap3A_57, %swap3A_58, %swap3A_59] : memref<1x8x128xf32, #tpu.memory_space<vmem>>, vector<1x8x128xf32>
        tpu.vector_store %arg7[%swap3A_57, %swap3A_58, %swap3A_59], %broadcast_in_dim3A_56 {strides = array<i32>} : memref<1x8x128xf32, #tpu.memory_space<vmem>>, vector<1x8x128xf32>,
      } else {
      }
    } else {
    }
    return
  }
  func.func @transform_0(%arg0: i32, %arg1: i32, %arg2: i32) -> (i32, i32, i32) {
    %c0_i32 = arith.constant 0 : i32
    %c0_i32_0 = arith.constant 0 : i32
    return %arg2, %arg1, %c0_i32 : i32, i32, i32
  }
  func.func @transform_1(%arg0: i32, %arg1: i32, %arg2: i32) -> (i32, i32) {
    %c0_i32 = arith.constant 0 : i32
    return %arg0, %arg2 : i32, i32
  }
  func.func @transform_2(%arg0: i32, %arg1: i32, %arg2: i32) -> (i32, i32, i32) {
    %c0_i32 = arith.constant 0 : i32
    %c0_i32_0 = arith.constant 0 : i32
    %c0_i32_1 = arith.constant 0 : i32
    return %arg0, %c0_i32, %c0_i32_0 : i32, i32, i32
  }
  func.func @transform_3(%arg0: i32, %arg1: i32, %arg2: i32) -> (i32, i32, i32) {
    %c0_i32 = arith.constant 0 : i32
    %c0_i32_0 = arith.constant 0 : i32
    return %arg0, %arg1, %c0_i32 : i32, i32, i32
  }
  func.func @transform_4(%arg0: i32, %arg1: i32, %arg2: i32) -> (i32, i32, i32) {
    %c0_i32 = arith.constant 0 : i32
    %c0_i32_0 = arith.constant 0 : i32
    %c0_i32_1 = arith.constant 0 : i32
    return %arg0, %c0_i32, %c0_i32_0 : i32, i32, i32
  }
}

module attributes {stable_mosaic.version = 14 : i64} {
  func.func @_mm_stats_body(%arg0: i32, %arg1: i32, %arg2: i32, %arg3: memref<1x1000x128xf32, #tpu.memory_space<vmem>>, %arg4: memref<128x128xf32, #tpu.memory_space<vmem>>, %arg5: memref<1x1x128xf32, #tpu.memory_space<vmem>>, %arg6: memref<1x1000x128xf32, #tpu.memory_space<vmem>>, %arg7: memref<1x8x128xf32, #tpu.memory_space<vmem>>, %arg8: memref<1000x128xf32, #tpu.memory_space<vmem>>, %arg9: memref<8x128xf32, #tpu.memory_space<vmem>>) attributes {dimension_semantics = [#tpu.dimension_semantics<arbitrary>, #tpu.dimension_semantics<arbitrary>, #tpu.dimension_semantics<arbitrary>], iteration_bounds = array<i64: 2, 10, 4>, scalar_prefetch = 0 : i64, scratch_operands = 2 : i64, tpu.core_type = #tpu.core_type<tc>, window_params = [{transform_indices = @transform_0, window_bounds = array<i64: 1, 1000, 128>}, {transform_indices = @transform_1, window_bounds = array<i64: 128, 128>}, {transform_indices = @transform_2, window_bounds = array<i64: 1, 1, 128>}, {transform_indices = @transform_3, window_bounds = array<i64: 1, 1000, 128>}, {transform_indices = @transform_4, window_bounds = array<i64: 1, 8, 128>}]} {
    %get3A = arith.constant 0 : index
    %get3A_0 = arith.constant 0 : index
    %get3A_1 = arith.constant 0 : index
    %get3A_2 = vector.load %arg3[%get3A, %get3A_0, %get3A_1] : memref<1x1000x128xf32, #tpu.memory_space<vmem>>, vector<1x1000x128xf32>
    %get3A_3 = vector.shape_cast %get3A_2 : vector<1x1000x128xf32> to vector<1000x128xf32>
    %get3A_4 = arith.constant 0 : index
    %get3A_5 = arith.constant 0 : index
    %get3A_6 = vector.load %arg4[%get3A_4, %get3A_5] : memref<128x128xf32, #tpu.memory_space<vmem>>, vector<128x128xf32>
    %dot_general3A = arith.constant dense<0.000000e+00> : vector<1000x128xf32>
    %dot_general3A_7 = tpu.matmul %get3A_3, %get3A_6, %dot_general3A {dimension_numbers = #tpu.dot_dimension_numbers<[1], [1], [0], [0], [0, 0, 1, 0], [], []>, transpose_lhs_hint = false} : vector<1000x128xf32>, vector<128x128xf32>, vector<1000x128xf32> -> vector<1000x128xf32>
    %eq3A = arith.constant 0 : i32
    %eq3A_8 = arith.cmpi eq, %arg2, %eq3A : i32
    %convert_element_type3A = arith.extui %eq3A_8 : i1 to i32
    %cond3A = arith.constant 0 : i32
    %cond3A_9 = arith.cmpi ne, %convert_element_type3A, %cond3A : i32
    scf.if %cond3A_9 {
      %swap3A = arith.constant 0 : index
      %swap3A_19 = arith.constant 0 : index
      %swap3A_20 = vector.load %arg8[%swap3A, %swap3A_19] : memref<1000x128xf32, #tpu.memory_space<vmem>>, vector<1000x128xf32>
      tpu.vector_store %arg8[%swap3A, %swap3A_19], %dot_general3A_7 {strides = array<i32>} : memref<1000x128xf32, #tpu.memory_space<vmem>>, vector<1000x128xf32>,
    } else {
    }
    %gt3A = arith.constant 0 : i32
    %gt3A_10 = arith.cmpi sgt, %arg2, %gt3A : i32
    %convert_element_type3A_11 = arith.extui %gt3A_10 : i1 to i32
    %cond3A_12 = arith.constant 0 : i32
    %cond3A_13 = arith.cmpi ne, %convert_element_type3A_11, %cond3A_12 : i32
    scf.if %cond3A_13 {
      %get3A_19 = arith.constant 0 : index
      %get3A_20 = arith.constant 0 : index
      %get3A_21 = vector.load %arg8[%get3A_19, %get3A_20] : memref<1000x128xf32, #tpu.memory_space<vmem>>, vector<1000x128xf32>
      %add3A = arith.addf %get3A_21, %dot_general3A_7 : vector<1000x128xf32>
      %swap3A = arith.constant 0 : index
      %swap3A_22 = arith.constant 0 : index
      %swap3A_23 = vector.load %arg8[%swap3A, %swap3A_22] : memref<1000x128xf32, #tpu.memory_space<vmem>>, vector<1000x128xf32>
      tpu.vector_store %arg8[%swap3A, %swap3A_22], %add3A {strides = array<i32>} : memref<1000x128xf32, #tpu.memory_space<vmem>>, vector<1000x128xf32>,
    } else {
    }
    %eq3A_14 = arith.constant 3 : i32
    %eq3A_15 = arith.cmpi eq, %arg2, %eq3A_14 : i32
    %convert_element_type3A_16 = arith.extui %eq3A_15 : i1 to i32
    %cond3A_17 = arith.constant 0 : i32
    %cond3A_18 = arith.cmpi ne, %convert_element_type3A_16, %cond3A_17 : i32
    scf.if %cond3A_18 {
      %get3A_19 = arith.constant 0 : index
      %get3A_20 = arith.constant 0 : index
      %get3A_21 = vector.load %arg8[%get3A_19, %get3A_20] : memref<1000x128xf32, #tpu.memory_space<vmem>>, vector<1000x128xf32>
      %get3A_22 = arith.constant 0 : index
      %get3A_23 = arith.constant 0 : index
      %get3A_24 = arith.constant 0 : index
      %get3A_25 = vector.load %arg5[%get3A_22, %get3A_23, %get3A_24] : memref<1x1x128xf32, #tpu.memory_space<vmem>>, vector<1x1x128xf32>
      %get3A_26 = vector.shape_cast %get3A_25 : vector<1x1x128xf32> to vector<1x128xf32>
      %add3A = vector.broadcast %get3A_26 : vector<1x128xf32> to vector<1000x128xf32>
      %add3A_27 = arith.addf %get3A_21, %add3A : vector<1000x128xf32>
      %broadcast_in_dim3A = vector.shape_cast %add3A_27 : vector<1000x128xf32> to vector<1x1000x128xf32>
      %swap3A = arith.constant 0 : index
      %swap3A_28 = arith.constant 0 : index
      %swap3A_29 = arith.constant 0 : index
      %swap3A_30 = vector.load %arg6[%swap3A, %swap3A_28, %swap3A_29] : memref<1x1000x128xf32, #tpu.memory_space<vmem>>, vector<1x1000x128xf32>
      tpu.vector_store %arg6[%swap3A, %swap3A_28, %swap3A_29], %broadcast_in_dim3A {strides = array<i32>} : memref<1x1000x128xf32, #tpu.memory_space<vmem>>, vector<1x1000x128xf32>,
      %reduce_sum3A = arith.constant dense<0.000000e+00> : vector<128xf32>
      %reduce_sum3A_31 = vector.multi_reduction <add>, %add3A_27, %reduce_sum3A [0] : vector<1000x128xf32> to vector<128xf32>
      %broadcast_in_dim3A_32 = vector.shape_cast %reduce_sum3A_31 : vector<128xf32> to vector<1x128xf32>
      %mul3A = arith.mulf %add3A_27, %add3A_27 : vector<1000x128xf32>
      %reduce_sum3A_33 = arith.constant dense<0.000000e+00> : vector<128xf32>
      %reduce_sum3A_34 = vector.multi_reduction <add>, %mul3A, %reduce_sum3A_33 [0] : vector<1000x128xf32> to vector<128xf32>
      %broadcast_in_dim3A_35 = vector.shape_cast %reduce_sum3A_34 : vector<128xf32> to vector<1x128xf32>
      %broadcast_in_dim3A_36 = arith.constant 0.000000e+00 : f32
      %broadcast_in_dim3A_37 = vector.broadcast %broadcast_in_dim3A_36 : f32 to vector<6x128xf32>
      %concatenate3A = tpu.concatenate %broadcast_in_dim3A_32, %broadcast_in_dim3A_35, %broadcast_in_dim3A_37 in 0 : vector<1x128xf32>, vector<1x128xf32>, vector<6x128xf32> -> vector<8x128xf32>
      %eq3A_38 = arith.constant 0 : i32
      %eq3A_39 = arith.cmpi eq, %arg1, %eq3A_38 : i32
      %convert_element_type3A_40 = arith.extui %eq3A_39 : i1 to i32
      %cond3A_41 = arith.constant 0 : i32
      %cond3A_42 = arith.cmpi ne, %convert_element_type3A_40, %cond3A_41 : i32
      scf.if %cond3A_42 {
        %swap3A_53 = arith.constant 0 : index
        %swap3A_54 = arith.constant 0 : index
        %swap3A_55 = vector.load %arg9[%swap3A_53, %swap3A_54] : memref<8x128xf32, #tpu.memory_space<vmem>>, vector<8x128xf32>
        tpu.vector_store %arg9[%swap3A_53, %swap3A_54], %concatenate3A {strides = array<i32>} : memref<8x128xf32, #tpu.memory_space<vmem>>, vector<8x128xf32>,
      } else {
      }
      %gt3A_43 = arith.constant 0 : i32
      %gt3A_44 = arith.cmpi sgt, %arg1, %gt3A_43 : i32
      %convert_element_type3A_45 = arith.extui %gt3A_44 : i1 to i32
      %cond3A_46 = arith.constant 0 : i32
      %cond3A_47 = arith.cmpi ne, %convert_element_type3A_45, %cond3A_46 : i32
      scf.if %cond3A_47 {
        %get3A_53 = arith.constant 0 : index
        %get3A_54 = arith.constant 0 : index
        %get3A_55 = vector.load %arg9[%get3A_53, %get3A_54] : memref<8x128xf32, #tpu.memory_space<vmem>>, vector<8x128xf32>
        %add3A_56 = arith.addf %get3A_55, %concatenate3A : vector<8x128xf32>
        %swap3A_57 = arith.constant 0 : index
        %swap3A_58 = arith.constant 0 : index
        %swap3A_59 = vector.load %arg9[%swap3A_57, %swap3A_58] : memref<8x128xf32, #tpu.memory_space<vmem>>, vector<8x128xf32>
        tpu.vector_store %arg9[%swap3A_57, %swap3A_58], %add3A_56 {strides = array<i32>} : memref<8x128xf32, #tpu.memory_space<vmem>>, vector<8x128xf32>,
      } else {
      }
      %eq3A_48 = arith.constant 9 : i32
      %eq3A_49 = arith.cmpi eq, %arg1, %eq3A_48 : i32
      %convert_element_type3A_50 = arith.extui %eq3A_49 : i1 to i32
      %cond3A_51 = arith.constant 0 : i32
      %cond3A_52 = arith.cmpi ne, %convert_element_type3A_50, %cond3A_51 : i32
      scf.if %cond3A_52 {
        %get3A_53 = arith.constant 0 : index
        %get3A_54 = arith.constant 0 : index
        %get3A_55 = vector.load %arg9[%get3A_53, %get3A_54] : memref<8x128xf32, #tpu.memory_space<vmem>>, vector<8x128xf32>
        %broadcast_in_dim3A_56 = vector.shape_cast %get3A_55 : vector<8x128xf32> to vector<1x8x128xf32>
        %swap3A_57 = arith.constant 0 : index
        %swap3A_58 = arith.constant 0 : index
        %swap3A_59 = arith.constant 0 : index
        %swap3A_60 = vector.load %arg7[%swap3A_57, %swap3A_58, %swap3A_59] : memref<1x8x128xf32, #tpu.memory_space<vmem>>, vector<1x8x128xf32>
        tpu.vector_store %arg7[%swap3A_57, %swap3A_58, %swap3A_59], %broadcast_in_dim3A_56 {strides = array<i32>} : memref<1x8x128xf32, #tpu.memory_space<vmem>>, vector<1x8x128xf32>,
      } else {
      }
    } else {
    }
    return
  }
  func.func @transform_0(%arg0: i32, %arg1: i32, %arg2: i32) -> (i32, i32, i32) {
    %c0_i32 = arith.constant 0 : i32
    %c0_i32_0 = arith.constant 0 : i32
    return %arg2, %arg1, %c0_i32 : i32, i32, i32
  }
  func.func @transform_1(%arg0: i32, %arg1: i32, %arg2: i32) -> (i32, i32) {
    %c0_i32 = arith.constant 0 : i32
    return %arg0, %arg2 : i32, i32
  }
  func.func @transform_2(%arg0: i32, %arg1: i32, %arg2: i32) -> (i32, i32, i32) {
    %c0_i32 = arith.constant 0 : i32
    %c0_i32_0 = arith.constant 0 : i32
    %c0_i32_1 = arith.constant 0 : i32
    return %arg0, %c0_i32, %c0_i32_0 : i32, i32, i32
  }
  func.func @transform_3(%arg0: i32, %arg1: i32, %arg2: i32) -> (i32, i32, i32) {
    %c0_i32 = arith.constant 0 : i32
    %c0_i32_0 = arith.constant 0 : i32
    return %arg0, %arg1, %c0_i32 : i32, i32, i32
  }
  func.func @transform_4(%arg0: i32, %arg1: i32, %arg2: i32) -> (i32, i32, i32) {
    %c0_i32 = arith.constant 0 : i32
    %c0_i32_0 = arith.constant 0 : i32
    %c0_i32_1 = arith.constant 0 : i32
    return %arg0, %c0_i32, %c0_i32_0 : i32, i32, i32
  }
}

module attributes {stable_mosaic.version = 14 : i64} {
  func.func @_node_head_body(%arg0: i32, %arg1: memref<2x1000x128xf32, #tpu.memory_space<vmem>>, %arg2: memref<2x8x128xf32, #tpu.memory_space<vmem>>, %arg3: memref<2x1x128xf32, #tpu.memory_space<vmem>>, %arg4: memref<2x1x128xf32, #tpu.memory_space<vmem>>, %arg5: memref<8x256xf32, #tpu.memory_space<vmem>>, %arg6: memref<1x8xf32, #tpu.memory_space<vmem>>, %arg7: memref<1000x8xf32, #tpu.memory_space<vmem>>) attributes {dimension_semantics = [#tpu.dimension_semantics<arbitrary>], iteration_bounds = array<i64: 10>, scalar_prefetch = 0 : i64, scratch_operands = 0 : i64, tpu.core_type = #tpu.core_type<tc>, window_params = [{transform_indices = @transform_0, window_bounds = array<i64: 2, 1000, 128>}, {pipeline_mode = #tpu.pipeline_mode<synchronous>, transform_indices = @transform_1, window_bounds = array<i64: 2, 8, 128>}, {pipeline_mode = #tpu.pipeline_mode<synchronous>, transform_indices = @transform_2, window_bounds = array<i64: 2, 1, 128>}, {pipeline_mode = #tpu.pipeline_mode<synchronous>, transform_indices = @transform_3, window_bounds = array<i64: 2, 1, 128>}, {pipeline_mode = #tpu.pipeline_mode<synchronous>, transform_indices = @transform_4, window_bounds = array<i64: 8, 256>}, {pipeline_mode = #tpu.pipeline_mode<synchronous>, transform_indices = @transform_5, window_bounds = array<i64: 1, 8>}, {transform_indices = @transform_6, window_bounds = array<i64: 1000, 8>}]} {
    %broadcast_in_dim3A = arith.constant 0.000000e+00 : f32
    %broadcast_in_dim3A_0 = vector.broadcast %broadcast_in_dim3A : f32 to vector<1000x8xf32>
    %get3A = arith.constant 0 : index
    %get3A_1 = arith.constant 0 : index
    %get3A_2 = arith.constant 0 : index
    %get3A_3 = vector.load %arg2[%get3A, %get3A_1, %get3A_2] : memref<2x8x128xf32, #tpu.memory_space<vmem>>, vector<1x8x128xf32>
    %get3A_4 = vector.shape_cast %get3A_3 : vector<1x8x128xf32> to vector<8x128xf32>
    %get3A_5 = arith.constant 0 : index
    %get3A_6 = arith.constant 0 : index
    %get3A_7 = arith.constant 0 : index
    %get3A_8 = vector.load %arg3[%get3A_5, %get3A_6, %get3A_7] : memref<2x1x128xf32, #tpu.memory_space<vmem>>, vector<1x1x128xf32>
    %get3A_9 = vector.shape_cast %get3A_8 : vector<1x1x128xf32> to vector<1x128xf32>
    %get3A_10 = arith.constant 0 : index
    %get3A_11 = arith.constant 0 : index
    %get3A_12 = arith.constant 0 : index
    %get3A_13 = vector.load %arg4[%get3A_10, %get3A_11, %get3A_12] : memref<2x1x128xf32, #tpu.memory_space<vmem>>, vector<1x1x128xf32>
    %get3A_14 = vector.shape_cast %get3A_13 : vector<1x1x128xf32> to vector<1x128xf32>
    %slice3A = vector.extract_strided_slice %get3A_4 {offsets = [0, 0], sizes = [1, 128], strides = [1, 1]} : vector<8x128xf32> to vector<1x128xf32>
    %div3A = arith.constant 1.000000e+04 : f32
    %div3A_15 = vector.broadcast %div3A : f32 to vector<1x128xf32>
    %div3A_16 = arith.divf %slice3A, %div3A_15 : vector<1x128xf32>
    %slice3A_17 = vector.extract_strided_slice %get3A_4 {offsets = [1, 0], sizes = [1, 128], strides = [1, 1]} : vector<8x128xf32> to vector<1x128xf32>
    %div3A_18 = arith.constant 1.000000e+04 : f32
    %div3A_19 = vector.broadcast %div3A_18 : f32 to vector<1x128xf32>
    %div3A_20 = arith.divf %slice3A_17, %div3A_19 : vector<1x128xf32>
    %mul3A = arith.mulf %div3A_16, %div3A_16 : vector<1x128xf32>
    %sub3A = arith.subf %div3A_20, %mul3A : vector<1x128xf32>
    %add3A = arith.constant 9.99999974E-6 : f32
    %add3A_21 = vector.broadcast %add3A : f32 to vector<1x128xf32>
    %add3A_22 = arith.addf %sub3A, %add3A_21 : vector<1x128xf32>
    %sqrt3A = math.sqrt %add3A_22 : vector<1x128xf32>
    %div3A_23 = arith.divf %get3A_9, %sqrt3A : vector<1x128xf32>
    %mul3A_24 = arith.mulf %div3A_16, %div3A_23 : vector<1x128xf32>
    %sub3A_25 = arith.subf %get3A_14, %mul3A_24 : vector<1x128xf32>
    %get3A_26 = arith.constant 0 : index
    %get3A_27 = arith.constant 0 : index
    %get3A_28 = arith.constant 0 : index
    %get3A_29 = vector.load %arg1[%get3A_26, %get3A_27, %get3A_28] : memref<2x1000x128xf32, #tpu.memory_space<vmem>>, vector<1x1000x128xf32>
    %get3A_30 = vector.shape_cast %get3A_29 : vector<1x1000x128xf32> to vector<1000x128xf32>
    %mul3A_31 = vector.broadcast %div3A_23 : vector<1x128xf32> to vector<1000x128xf32>
    %mul3A_32 = arith.mulf %get3A_30, %mul3A_31 : vector<1000x128xf32>
    %add3A_33 = vector.broadcast %sub3A_25 : vector<1x128xf32> to vector<1000x128xf32>
    %add3A_34 = arith.addf %mul3A_32, %add3A_33 : vector<1000x128xf32>
    %max3A = arith.constant 0.000000e+00 : f32
    %max3A_35 = vector.broadcast %max3A : f32 to vector<1000x128xf32>
    %max3A_36 = arith.maximumf %add3A_34, %max3A_35 : vector<1000x128xf32>
    %get3A_37 = arith.constant 0 : index
    %get3A_38 = arith.constant 0 : index
    %get3A_39 = vector.load %arg5[%get3A_37, %get3A_38] : memref<8x256xf32, #tpu.memory_space<vmem>>, vector<8x128xf32>
    %dot_general3A = arith.constant dense<0.000000e+00> : vector<1000x8xf32>
    %dot_general3A_40 = tpu.matmul %max3A_36, %get3A_39, %dot_general3A {dimension_numbers = #tpu.dot_dimension_numbers<[1], [1], [0], [0], [0, 0, 1, 0], [], []>, transpose_lhs_hint = false} : vector<1000x128xf32>, vector<8x128xf32>, vector<1000x8xf32> -> vector<1000x8xf32>
    %add3A_41 = arith.addf %broadcast_in_dim3A_0, %dot_general3A_40 : vector<1000x8xf32>
    %get3A_42 = arith.constant 1 : index
    %get3A_43 = arith.constant 0 : index
    %get3A_44 = arith.constant 0 : index
    %get3A_45 = vector.load %arg2[%get3A_42, %get3A_43, %get3A_44] : memref<2x8x128xf32, #tpu.memory_space<vmem>>, vector<1x8x128xf32>
    %get3A_46 = vector.shape_cast %get3A_45 : vector<1x8x128xf32> to vector<8x128xf32>
    %get3A_47 = arith.constant 1 : index
    %get3A_48 = arith.constant 0 : index
    %get3A_49 = arith.constant 0 : index
    %get3A_50 = vector.load %arg3[%get3A_47, %get3A_48, %get3A_49] : memref<2x1x128xf32, #tpu.memory_space<vmem>>, vector<1x1x128xf32>
    %get3A_51 = vector.shape_cast %get3A_50 : vector<1x1x128xf32> to vector<1x128xf32>
    %get3A_52 = arith.constant 1 : index
    %get3A_53 = arith.constant 0 : index
    %get3A_54 = arith.constant 0 : index
    %get3A_55 = vector.load %arg4[%get3A_52, %get3A_53, %get3A_54] : memref<2x1x128xf32, #tpu.memory_space<vmem>>, vector<1x1x128xf32>
    %get3A_56 = vector.shape_cast %get3A_55 : vector<1x1x128xf32> to vector<1x128xf32>
    %slice3A_57 = vector.extract_strided_slice %get3A_46 {offsets = [0, 0], sizes = [1, 128], strides = [1, 1]} : vector<8x128xf32> to vector<1x128xf32>
    %div3A_58 = arith.constant 1.000000e+04 : f32
    %div3A_59 = vector.broadcast %div3A_58 : f32 to vector<1x128xf32>
    %div3A_60 = arith.divf %slice3A_57, %div3A_59 : vector<1x128xf32>
    %slice3A_61 = vector.extract_strided_slice %get3A_46 {offsets = [1, 0], sizes = [1, 128], strides = [1, 1]} : vector<8x128xf32> to vector<1x128xf32>
    %div3A_62 = arith.constant 1.000000e+04 : f32
    %div3A_63 = vector.broadcast %div3A_62 : f32 to vector<1x128xf32>
    %div3A_64 = arith.divf %slice3A_61, %div3A_63 : vector<1x128xf32>
    %mul3A_65 = arith.mulf %div3A_60, %div3A_60 : vector<1x128xf32>
    %sub3A_66 = arith.subf %div3A_64, %mul3A_65 : vector<1x128xf32>
    %add3A_67 = arith.constant 9.99999974E-6 : f32
    %add3A_68 = vector.broadcast %add3A_67 : f32 to vector<1x128xf32>
    %add3A_69 = arith.addf %sub3A_66, %add3A_68 : vector<1x128xf32>
    %sqrt3A_70 = math.sqrt %add3A_69 : vector<1x128xf32>
    %div3A_71 = arith.divf %get3A_51, %sqrt3A_70 : vector<1x128xf32>
    %mul3A_72 = arith.mulf %div3A_60, %div3A_71 : vector<1x128xf32>
    %sub3A_73 = arith.subf %get3A_56, %mul3A_72 : vector<1x128xf32>
    %get3A_74 = arith.constant 1 : index
    %get3A_75 = arith.constant 0 : index
    %get3A_76 = arith.constant 0 : index
    %get3A_77 = vector.load %arg1[%get3A_74, %get3A_75, %get3A_76] : memref<2x1000x128xf32, #tpu.memory_space<vmem>>, vector<1x1000x128xf32>
    %get3A_78 = vector.shape_cast %get3A_77 : vector<1x1000x128xf32> to vector<1000x128xf32>
    %mul3A_79 = vector.broadcast %div3A_71 : vector<1x128xf32> to vector<1000x128xf32>
    %mul3A_80 = arith.mulf %get3A_78, %mul3A_79 : vector<1000x128xf32>
    %add3A_81 = vector.broadcast %sub3A_73 : vector<1x128xf32> to vector<1000x128xf32>
    %add3A_82 = arith.addf %mul3A_80, %add3A_81 : vector<1000x128xf32>
    %max3A_83 = arith.constant 0.000000e+00 : f32
    %max3A_84 = vector.broadcast %max3A_83 : f32 to vector<1000x128xf32>
    %max3A_85 = arith.maximumf %add3A_82, %max3A_84 : vector<1000x128xf32>
    %get3A_86 = arith.constant 0 : index
    %get3A_87 = arith.constant 128 : index
    %get3A_88 = vector.load %arg5[%get3A_86, %get3A_87] : memref<8x256xf32, #tpu.memory_space<vmem>>, vector<8x128xf32>
    %dot_general3A_89 = arith.constant dense<0.000000e+00> : vector<1000x8xf32>
    %dot_general3A_90 = tpu.matmul %max3A_85, %get3A_88, %dot_general3A_89 {dimension_numbers = #tpu.dot_dimension_numbers<[1], [1], [0], [0], [0, 0, 1, 0], [], []>, transpose_lhs_hint = false} : vector<1000x128xf32>, vector<8x128xf32>, vector<1000x8xf32> -> vector<1000x8xf32>
    %add3A_91 = arith.addf %add3A_41, %dot_general3A_90 : vector<1000x8xf32>
    %get3A_92 = arith.constant 0 : index
    %get3A_93 = arith.constant 0 : index
    %get3A_94 = vector.load %arg6[%get3A_92, %get3A_93] : memref<1x8xf32, #tpu.memory_space<vmem>>, vector<1x8xf32>
    %add3A_95 = vector.broadcast %get3A_94 : vector<1x8xf32> to vector<1000x8xf32>
    %add3A_96 = arith.addf %add3A_91, %add3A_95 : vector<1000x8xf32>
    %swap3A = arith.constant 0 : index
    %swap3A_97 = arith.constant 0 : index
    %swap3A_98 = vector.load %arg7[%swap3A, %swap3A_97] : memref<1000x8xf32, #tpu.memory_space<vmem>>, vector<1000x8xf32>
    tpu.vector_store %arg7[%swap3A, %swap3A_97], %add3A_96 {strides = array<i32>} : memref<1000x8xf32, #tpu.memory_space<vmem>>, vector<1000x8xf32>,
    return
  }
  func.func @transform_0(%arg0: i32) -> (i32, i32, i32) {
    %c0_i32 = arith.constant 0 : i32
    %c0_i32_0 = arith.constant 0 : i32
    %c0_i32_1 = arith.constant 0 : i32
    return %c0_i32, %arg0, %c0_i32_0 : i32, i32, i32
  }
  func.func @transform_1(%arg0: i32) -> (i32, i32, i32) {
    %c0_i32 = arith.constant 0 : i32
    %c0_i32_0 = arith.constant 0 : i32
    %c0_i32_1 = arith.constant 0 : i32
    %c0_i32_2 = arith.constant 0 : i32
    return %c0_i32, %c0_i32_0, %c0_i32_1 : i32, i32, i32
  }
  func.func @transform_2(%arg0: i32) -> (i32, i32, i32) {
    %c0_i32 = arith.constant 0 : i32
    %c0_i32_0 = arith.constant 0 : i32
    %c0_i32_1 = arith.constant 0 : i32
    %c0_i32_2 = arith.constant 0 : i32
    return %c0_i32, %c0_i32_0, %c0_i32_1 : i32, i32, i32
  }
  func.func @transform_3(%arg0: i32) -> (i32, i32, i32) {
    %c0_i32 = arith.constant 0 : i32
    %c0_i32_0 = arith.constant 0 : i32
    %c0_i32_1 = arith.constant 0 : i32
    %c0_i32_2 = arith.constant 0 : i32
    return %c0_i32, %c0_i32_0, %c0_i32_1 : i32, i32, i32
  }
  func.func @transform_4(%arg0: i32) -> (i32, i32) {
    %c0_i32 = arith.constant 0 : i32
    %c0_i32_0 = arith.constant 0 : i32
    %c0_i32_1 = arith.constant 0 : i32
    return %c0_i32, %c0_i32_0 : i32, i32
  }
  func.func @transform_5(%arg0: i32) -> (i32, i32) {
    %c0_i32 = arith.constant 0 : i32
    %c0_i32_0 = arith.constant 0 : i32
    %c0_i32_1 = arith.constant 0 : i32
    return %c0_i32, %c0_i32_0 : i32, i32
  }
  func.func @transform_6(%arg0: i32) -> (i32, i32) {
    %c0_i32 = arith.constant 0 : i32
    %c0_i32_0 = arith.constant 0 : i32
    return %arg0, %c0_i32 : i32, i32
  }
}

module attributes {stable_mosaic.version = 14 : i64} {
  func.func @_pool_head_body(%arg0: i32, %arg1: memref<4x1000x128xf32, #tpu.memory_space<vmem>>, %arg2: memref<1000x1xi32, #tpu.memory_space<vmem>>, %arg3: memref<8x512xf32, #tpu.memory_space<vmem>>, %arg4: memref<1x8xf32, #tpu.memory_space<vmem>>, %arg5: memref<128x8xf32, #tpu.memory_space<vmem>>, %arg6: memref<4x128x128xf32, #tpu.memory_space<vmem>>, %arg7: memref<128x8xf32, #tpu.memory_space<vmem>>) attributes {dimension_semantics = [#tpu.dimension_semantics<arbitrary>], iteration_bounds = array<i64: 10>, scalar_prefetch = 0 : i64, scratch_operands = 2 : i64, tpu.core_type = #tpu.core_type<tc>, window_params = [{transform_indices = @transform_0, window_bounds = array<i64: 4, 1000, 128>}, {transform_indices = @transform_1, window_bounds = array<i64: 1000, 1>}, {pipeline_mode = #tpu.pipeline_mode<synchronous>, transform_indices = @transform_2, window_bounds = array<i64: 8, 512>}, {pipeline_mode = #tpu.pipeline_mode<synchronous>, transform_indices = @transform_3, window_bounds = array<i64: 1, 8>}, {pipeline_mode = #tpu.pipeline_mode<synchronous>, transform_indices = @transform_4, window_bounds = array<i64: 128, 8>}]} {
    %get3A = arith.constant 0 : index
    %get3A_0 = arith.constant 0 : index
    %get3A_1 = vector.load %arg2[%get3A, %get3A_0] : memref<1000x1xi32, #tpu.memory_space<vmem>>, vector<1000x1xi32>
    %iota3A = tpu.iota {dimensions = array<i32: 1>} : vector<1000x128xi32>
    %eq3A = vector.broadcast %get3A_1 : vector<1000x1xi32> to vector<1000x128xi32>
    %eq3A_2 = arith.cmpi eq, %iota3A, %eq3A : vector<1000x128xi32>
    %jit3A = arith.constant 1.000000e+00 : f32
    %jit3A_3 = arith.constant 0.000000e+00 : f32
    %broadcast_in_dim3A = vector.broadcast %jit3A : f32 to vector<1000x128xf32>
    %broadcast_in_dim3A_4 = vector.broadcast %jit3A_3 : f32 to vector<1000x128xf32>
    %select_n3A = arith.select %eq3A_2, %broadcast_in_dim3A, %broadcast_in_dim3A_4 : vector<1000x128xi1>, vector<1000x128xf32>
    %broadcast_in_dim3A_5 = arith.constant 0.000000e+00 : f32
    %broadcast_in_dim3A_6 = vector.broadcast %broadcast_in_dim3A_5 : f32 to vector<1000x8xf32>
    %add3A = arith.constant 1.000000e+00 : f32
    %add3A_7 = vector.broadcast %add3A : f32 to vector<1000x8xf32>
    %add3A_8 = arith.addf %broadcast_in_dim3A_6, %add3A_7 : vector<1000x8xf32>
    %dot_general3A = arith.constant dense<0.000000e+00> : vector<128x8xf32>
    %dot_general3A_9 = tpu.matmul %select_n3A, %add3A_8, %dot_general3A {dimension_numbers = #tpu.dot_dimension_numbers<[0], [0], [1], [1], [0, 1, 1, 1], [], []>, transpose_lhs_hint = false} : vector<1000x128xf32>, vector<1000x8xf32>, vector<128x8xf32> -> vector<128x8xf32>
    %eq3A_10 = arith.constant 0 : i32
    %eq3A_11 = arith.cmpi eq, %arg0, %eq3A_10 : i32
    %convert_element_type3A = arith.extui %eq3A_11 : i1 to i32
    %cond3A = arith.constant 0 : i32
    %cond3A_12 = arith.cmpi ne, %convert_element_type3A, %cond3A : i32
    scf.if %cond3A_12 {
      %swap3A = arith.constant 0 : index
      %swap3A_22 = arith.constant 0 : index
      %swap3A_23 = vector.load %arg7[%swap3A, %swap3A_22] : memref<128x8xf32, #tpu.memory_space<vmem>>, vector<128x8xf32>
      tpu.vector_store %arg7[%swap3A, %swap3A_22], %dot_general3A_9 {strides = array<i32>} : memref<128x8xf32, #tpu.memory_space<vmem>>, vector<128x8xf32>,
      %get3A_24 = arith.constant 0 : index
      %get3A_25 = arith.constant 0 : index
      %get3A_26 = arith.constant 0 : index
      %get3A_27 = vector.load %arg1[%get3A_24, %get3A_25, %get3A_26] : memref<4x1000x128xf32, #tpu.memory_space<vmem>>, vector<1x1000x128xf32>
      %get3A_28 = vector.shape_cast %get3A_27 : vector<1x1000x128xf32> to vector<1000x128xf32>
      %dot_general3A_29 = arith.constant dense<0.000000e+00> : vector<128x128xf32>
      %dot_general3A_30 = tpu.matmul %select_n3A, %get3A_28, %dot_general3A_29 {dimension_numbers = #tpu.dot_dimension_numbers<[0], [0], [1], [1], [0, 1, 1, 1], [], []>, transpose_lhs_hint = false} : vector<1000x128xf32>, vector<1000x128xf32>, vector<128x128xf32> -> vector<128x128xf32>
      %swap3A_31 = arith.constant 0 : index
      %swap3A_32 = arith.constant 0 : index
      %swap3A_33 = arith.constant 0 : index
      %swap3A_34 = vector.load %arg6[%swap3A_31, %swap3A_32, %swap3A_33] : memref<4x128x128xf32, #tpu.memory_space<vmem>>, vector<1x128x128xf32>
      %swap3A_35 = vector.shape_cast %swap3A_34 : vector<1x128x128xf32> to vector<128x128xf32>
      %swap3A_36 = vector.shape_cast %dot_general3A_30 : vector<128x128xf32> to vector<1x128x128xf32>
      tpu.vector_store %arg6[%swap3A_31, %swap3A_32, %swap3A_33], %swap3A_36 {strides = array<i32>} : memref<4x128x128xf32, #tpu.memory_space<vmem>>, vector<1x128x128xf32>,
      %get3A_37 = arith.constant 1 : index
      %get3A_38 = arith.constant 0 : index
      %get3A_39 = arith.constant 0 : index
      %get3A_40 = vector.load %arg1[%get3A_37, %get3A_38, %get3A_39] : memref<4x1000x128xf32, #tpu.memory_space<vmem>>, vector<1x1000x128xf32>
      %get3A_41 = vector.shape_cast %get3A_40 : vector<1x1000x128xf32> to vector<1000x128xf32>
      %dot_general3A_42 = arith.constant dense<0.000000e+00> : vector<128x128xf32>
      %dot_general3A_43 = tpu.matmul %select_n3A, %get3A_41, %dot_general3A_42 {dimension_numbers = #tpu.dot_dimension_numbers<[0], [0], [1], [1], [0, 1, 1, 1], [], []>, transpose_lhs_hint = false} : vector<1000x128xf32>, vector<1000x128xf32>, vector<128x128xf32> -> vector<128x128xf32>
      %swap3A_44 = arith.constant 1 : index
      %swap3A_45 = arith.constant 0 : index
      %swap3A_46 = arith.constant 0 : index
      %swap3A_47 = vector.load %arg6[%swap3A_44, %swap3A_45, %swap3A_46] : memref<4x128x128xf32, #tpu.memory_space<vmem>>, vector<1x128x128xf32>
      %swap3A_48 = vector.shape_cast %swap3A_47 : vector<1x128x128xf32> to vector<128x128xf32>
      %swap3A_49 = vector.shape_cast %dot_general3A_43 : vector<128x128xf32> to vector<1x128x128xf32>
      tpu.vector_store %arg6[%swap3A_44, %swap3A_45, %swap3A_46], %swap3A_49 {strides = array<i32>} : memref<4x128x128xf32, #tpu.memory_space<vmem>>, vector<1x128x128xf32>,
      %get3A_50 = arith.constant 2 : index
      %get3A_51 = arith.constant 0 : index
      %get3A_52 = arith.constant 0 : index
      %get3A_53 = vector.load %arg1[%get3A_50, %get3A_51, %get3A_52] : memref<4x1000x128xf32, #tpu.memory_space<vmem>>, vector<1x1000x128xf32>
      %get3A_54 = vector.shape_cast %get3A_53 : vector<1x1000x128xf32> to vector<1000x128xf32>
      %dot_general3A_55 = arith.constant dense<0.000000e+00> : vector<128x128xf32>
      %dot_general3A_56 = tpu.matmul %select_n3A, %get3A_54, %dot_general3A_55 {dimension_numbers = #tpu.dot_dimension_numbers<[0], [0], [1], [1], [0, 1, 1, 1], [], []>, transpose_lhs_hint = false} : vector<1000x128xf32>, vector<1000x128xf32>, vector<128x128xf32> -> vector<128x128xf32>
      %swap3A_57 = arith.constant 2 : index
      %swap3A_58 = arith.constant 0 : index
      %swap3A_59 = arith.constant 0 : index
      %swap3A_60 = vector.load %arg6[%swap3A_57, %swap3A_58, %swap3A_59] : memref<4x128x128xf32, #tpu.memory_space<vmem>>, vector<1x128x128xf32>
      %swap3A_61 = vector.shape_cast %swap3A_60 : vector<1x128x128xf32> to vector<128x128xf32>
      %swap3A_62 = vector.shape_cast %dot_general3A_56 : vector<128x128xf32> to vector<1x128x128xf32>
      tpu.vector_store %arg6[%swap3A_57, %swap3A_58, %swap3A_59], %swap3A_62 {strides = array<i32>} : memref<4x128x128xf32, #tpu.memory_space<vmem>>, vector<1x128x128xf32>,
      %get3A_63 = arith.constant 3 : index
      %get3A_64 = arith.constant 0 : index
      %get3A_65 = arith.constant 0 : index
      %get3A_66 = vector.load %arg1[%get3A_63, %get3A_64, %get3A_65] : memref<4x1000x128xf32, #tpu.memory_space<vmem>>, vector<1x1000x128xf32>
      %get3A_67 = vector.shape_cast %get3A_66 : vector<1x1000x128xf32> to vector<1000x128xf32>
      %dot_general3A_68 = arith.constant dense<0.000000e+00> : vector<128x128xf32>
      %dot_general3A_69 = tpu.matmul %select_n3A, %get3A_67, %dot_general3A_68 {dimension_numbers = #tpu.dot_dimension_numbers<[0], [0], [1], [1], [0, 1, 1, 1], [], []>, transpose_lhs_hint = false} : vector<1000x128xf32>, vector<1000x128xf32>, vector<128x128xf32> -> vector<128x128xf32>
      %swap3A_70 = arith.constant 3 : index
      %swap3A_71 = arith.constant 0 : index
      %swap3A_72 = arith.constant 0 : index
      %swap3A_73 = vector.load %arg6[%swap3A_70, %swap3A_71, %swap3A_72] : memref<4x128x128xf32, #tpu.memory_space<vmem>>, vector<1x128x128xf32>
      %swap3A_74 = vector.shape_cast %swap3A_73 : vector<1x128x128xf32> to vector<128x128xf32>
      %swap3A_75 = vector.shape_cast %dot_general3A_69 : vector<128x128xf32> to vector<1x128x128xf32>
      tpu.vector_store %arg6[%swap3A_70, %swap3A_71, %swap3A_72], %swap3A_75 {strides = array<i32>} : memref<4x128x128xf32, #tpu.memory_space<vmem>>, vector<1x128x128xf32>,
    } else {
    }
    %gt3A = arith.constant 0 : i32
    %gt3A_13 = arith.cmpi sgt, %arg0, %gt3A : i32
    %convert_element_type3A_14 = arith.extui %gt3A_13 : i1 to i32
    %cond3A_15 = arith.constant 0 : i32
    %cond3A_16 = arith.cmpi ne, %convert_element_type3A_14, %cond3A_15 : i32
    scf.if %cond3A_16 {
      %get3A_22 = arith.constant 0 : index
      %get3A_23 = arith.constant 0 : index
      %get3A_24 = vector.load %arg7[%get3A_22, %get3A_23] : memref<128x8xf32, #tpu.memory_space<vmem>>, vector<128x8xf32>
      %add3A_25 = arith.addf %get3A_24, %dot_general3A_9 : vector<128x8xf32>
      %swap3A = arith.constant 0 : index
      %swap3A_26 = arith.constant 0 : index
      %swap3A_27 = vector.load %arg7[%swap3A, %swap3A_26] : memref<128x8xf32, #tpu.memory_space<vmem>>, vector<128x8xf32>
      tpu.vector_store %arg7[%swap3A, %swap3A_26], %add3A_25 {strides = array<i32>} : memref<128x8xf32, #tpu.memory_space<vmem>>, vector<128x8xf32>,
      %get3A_28 = arith.constant 0 : index
      %get3A_29 = arith.constant 0 : index
      %get3A_30 = arith.constant 0 : index
      %get3A_31 = vector.load %arg6[%get3A_28, %get3A_29, %get3A_30] : memref<4x128x128xf32, #tpu.memory_space<vmem>>, vector<1x128x128xf32>
      %get3A_32 = vector.shape_cast %get3A_31 : vector<1x128x128xf32> to vector<128x128xf32>
      %get3A_33 = arith.constant 0 : index
      %get3A_34 = arith.constant 0 : index
      %get3A_35 = arith.constant 0 : index
      %get3A_36 = vector.load %arg1[%get3A_33, %get3A_34, %get3A_35] : memref<4x1000x128xf32, #tpu.memory_space<vmem>>, vector<1x1000x128xf32>
      %get3A_37 = vector.shape_cast %get3A_36 : vector<1x1000x128xf32> to vector<1000x128xf32>
      %dot_general3A_38 = arith.constant dense<0.000000e+00> : vector<128x128xf32>
      %dot_general3A_39 = tpu.matmul %select_n3A, %get3A_37, %dot_general3A_38 {dimension_numbers = #tpu.dot_dimension_numbers<[0], [0], [1], [1], [0, 1, 1, 1], [], []>, transpose_lhs_hint = false} : vector<1000x128xf32>, vector<1000x128xf32>, vector<128x128xf32> -> vector<128x128xf32>
      %add3A_40 = arith.addf %get3A_32, %dot_general3A_39 : vector<128x128xf32>
      %swap3A_41 = arith.constant 0 : index
      %swap3A_42 = arith.constant 0 : index
      %swap3A_43 = arith.constant 0 : index
      %swap3A_44 = vector.load %arg6[%swap3A_41, %swap3A_42, %swap3A_43] : memref<4x128x128xf32, #tpu.memory_space<vmem>>, vector<1x128x128xf32>
      %swap3A_45 = vector.shape_cast %swap3A_44 : vector<1x128x128xf32> to vector<128x128xf32>
      %swap3A_46 = vector.shape_cast %add3A_40 : vector<128x128xf32> to vector<1x128x128xf32>
      tpu.vector_store %arg6[%swap3A_41, %swap3A_42, %swap3A_43], %swap3A_46 {strides = array<i32>} : memref<4x128x128xf32, #tpu.memory_space<vmem>>, vector<1x128x128xf32>,
      %get3A_47 = arith.constant 1 : index
      %get3A_48 = arith.constant 0 : index
      %get3A_49 = arith.constant 0 : index
      %get3A_50 = vector.load %arg6[%get3A_47, %get3A_48, %get3A_49] : memref<4x128x128xf32, #tpu.memory_space<vmem>>, vector<1x128x128xf32>
      %get3A_51 = vector.shape_cast %get3A_50 : vector<1x128x128xf32> to vector<128x128xf32>
      %get3A_52 = arith.constant 1 : index
      %get3A_53 = arith.constant 0 : index
      %get3A_54 = arith.constant 0 : index
      %get3A_55 = vector.load %arg1[%get3A_52, %get3A_53, %get3A_54] : memref<4x1000x128xf32, #tpu.memory_space<vmem>>, vector<1x1000x128xf32>
      %get3A_56 = vector.shape_cast %get3A_55 : vector<1x1000x128xf32> to vector<1000x128xf32>
      %dot_general3A_57 = arith.constant dense<0.000000e+00> : vector<128x128xf32>
      %dot_general3A_58 = tpu.matmul %select_n3A, %get3A_56, %dot_general3A_57 {dimension_numbers = #tpu.dot_dimension_numbers<[0], [0], [1], [1], [0, 1, 1, 1], [], []>, transpose_lhs_hint = false} : vector<1000x128xf32>, vector<1000x128xf32>, vector<128x128xf32> -> vector<128x128xf32>
      %add3A_59 = arith.addf %get3A_51, %dot_general3A_58 : vector<128x128xf32>
      %swap3A_60 = arith.constant 1 : index
      %swap3A_61 = arith.constant 0 : index
      %swap3A_62 = arith.constant 0 : index
      %swap3A_63 = vector.load %arg6[%swap3A_60, %swap3A_61, %swap3A_62] : memref<4x128x128xf32, #tpu.memory_space<vmem>>, vector<1x128x128xf32>
      %swap3A_64 = vector.shape_cast %swap3A_63 : vector<1x128x128xf32> to vector<128x128xf32>
      %swap3A_65 = vector.shape_cast %add3A_59 : vector<128x128xf32> to vector<1x128x128xf32>
      tpu.vector_store %arg6[%swap3A_60, %swap3A_61, %swap3A_62], %swap3A_65 {strides = array<i32>} : memref<4x128x128xf32, #tpu.memory_space<vmem>>, vector<1x128x128xf32>,
      %get3A_66 = arith.constant 2 : index
      %get3A_67 = arith.constant 0 : index
      %get3A_68 = arith.constant 0 : index
      %get3A_69 = vector.load %arg6[%get3A_66, %get3A_67, %get3A_68] : memref<4x128x128xf32, #tpu.memory_space<vmem>>, vector<1x128x128xf32>
      %get3A_70 = vector.shape_cast %get3A_69 : vector<1x128x128xf32> to vector<128x128xf32>
      %get3A_71 = arith.constant 2 : index
      %get3A_72 = arith.constant 0 : index
      %get3A_73 = arith.constant 0 : index
      %get3A_74 = vector.load %arg1[%get3A_71, %get3A_72, %get3A_73] : memref<4x1000x128xf32, #tpu.memory_space<vmem>>, vector<1x1000x128xf32>
      %get3A_75 = vector.shape_cast %get3A_74 : vector<1x1000x128xf32> to vector<1000x128xf32>
      %dot_general3A_76 = arith.constant dense<0.000000e+00> : vector<128x128xf32>
      %dot_general3A_77 = tpu.matmul %select_n3A, %get3A_75, %dot_general3A_76 {dimension_numbers = #tpu.dot_dimension_numbers<[0], [0], [1], [1], [0, 1, 1, 1], [], []>, transpose_lhs_hint = false} : vector<1000x128xf32>, vector<1000x128xf32>, vector<128x128xf32> -> vector<128x128xf32>
      %add3A_78 = arith.addf %get3A_70, %dot_general3A_77 : vector<128x128xf32>
      %swap3A_79 = arith.constant 2 : index
      %swap3A_80 = arith.constant 0 : index
      %swap3A_81 = arith.constant 0 : index
      %swap3A_82 = vector.load %arg6[%swap3A_79, %swap3A_80, %swap3A_81] : memref<4x128x128xf32, #tpu.memory_space<vmem>>, vector<1x128x128xf32>
      %swap3A_83 = vector.shape_cast %swap3A_82 : vector<1x128x128xf32> to vector<128x128xf32>
      %swap3A_84 = vector.shape_cast %add3A_78 : vector<128x128xf32> to vector<1x128x128xf32>
      tpu.vector_store %arg6[%swap3A_79, %swap3A_80, %swap3A_81], %swap3A_84 {strides = array<i32>} : memref<4x128x128xf32, #tpu.memory_space<vmem>>, vector<1x128x128xf32>,
      %get3A_85 = arith.constant 3 : index
      %get3A_86 = arith.constant 0 : index
      %get3A_87 = arith.constant 0 : index
      %get3A_88 = vector.load %arg6[%get3A_85, %get3A_86, %get3A_87] : memref<4x128x128xf32, #tpu.memory_space<vmem>>, vector<1x128x128xf32>
      %get3A_89 = vector.shape_cast %get3A_88 : vector<1x128x128xf32> to vector<128x128xf32>
      %get3A_90 = arith.constant 3 : index
      %get3A_91 = arith.constant 0 : index
      %get3A_92 = arith.constant 0 : index
      %get3A_93 = vector.load %arg1[%get3A_90, %get3A_91, %get3A_92] : memref<4x1000x128xf32, #tpu.memory_space<vmem>>, vector<1x1000x128xf32>
      %get3A_94 = vector.shape_cast %get3A_93 : vector<1x1000x128xf32> to vector<1000x128xf32>
      %dot_general3A_95 = arith.constant dense<0.000000e+00> : vector<128x128xf32>
      %dot_general3A_96 = tpu.matmul %select_n3A, %get3A_94, %dot_general3A_95 {dimension_numbers = #tpu.dot_dimension_numbers<[0], [0], [1], [1], [0, 1, 1, 1], [], []>, transpose_lhs_hint = false} : vector<1000x128xf32>, vector<1000x128xf32>, vector<128x128xf32> -> vector<128x128xf32>
      %add3A_97 = arith.addf %get3A_89, %dot_general3A_96 : vector<128x128xf32>
      %swap3A_98 = arith.constant 3 : index
      %swap3A_99 = arith.constant 0 : index
      %swap3A_100 = arith.constant 0 : index
      %swap3A_101 = vector.load %arg6[%swap3A_98, %swap3A_99, %swap3A_100] : memref<4x128x128xf32, #tpu.memory_space<vmem>>, vector<1x128x128xf32>
      %swap3A_102 = vector.shape_cast %swap3A_101 : vector<1x128x128xf32> to vector<128x128xf32>
      %swap3A_103 = vector.shape_cast %add3A_97 : vector<128x128xf32> to vector<1x128x128xf32>
      tpu.vector_store %arg6[%swap3A_98, %swap3A_99, %swap3A_100], %swap3A_103 {strides = array<i32>} : memref<4x128x128xf32, #tpu.memory_space<vmem>>, vector<1x128x128xf32>,
    } else {
    }
    %eq3A_17 = arith.constant 9 : i32
    %eq3A_18 = arith.cmpi eq, %arg0, %eq3A_17 : i32
    %convert_element_type3A_19 = arith.extui %eq3A_18 : i1 to i32
    %cond3A_20 = arith.constant 0 : i32
    %cond3A_21 = arith.cmpi ne, %convert_element_type3A_19, %cond3A_20 : i32
    scf.if %cond3A_21 {
      %get3A_22 = arith.constant 0 : index
      %get3A_23 = arith.constant 0 : index
      %get3A_24 = vector.load %arg7[%get3A_22, %get3A_23] : memref<128x8xf32, #tpu.memory_space<vmem>>, vector<128x8xf32>
      %slice3A = vector.extract_strided_slice %get3A_24 {offsets = [0, 0], sizes = [128, 1], strides = [1, 1]} : vector<128x8xf32> to vector<128x1xf32>
      %max3A = arith.constant 1.000000e+00 : f32
      %max3A_25 = vector.broadcast %max3A : f32 to vector<128x1xf32>
      %max3A_26 = arith.maximumf %slice3A, %max3A_25 : vector<128x1xf32>
      %div3A = arith.constant 1.000000e+00 : f32
      %div3A_27 = vector.broadcast %div3A : f32 to vector<128x1xf32>
      %div3A_28 = arith.divf %div3A_27, %max3A_26 : vector<128x1xf32>
      %broadcast_in_dim3A_29 = arith.constant 0.000000e+00 : f32
      %broadcast_in_dim3A_30 = vector.broadcast %broadcast_in_dim3A_29 : f32 to vector<128x8xf32>
      %get3A_31 = arith.constant 0 : index
      %get3A_32 = arith.constant 0 : index
      %get3A_33 = arith.constant 0 : index
      %get3A_34 = vector.load %arg6[%get3A_31, %get3A_32, %get3A_33] : memref<4x128x128xf32, #tpu.memory_space<vmem>>, vector<1x128x128xf32>
      %get3A_35 = vector.shape_cast %get3A_34 : vector<1x128x128xf32> to vector<128x128xf32>
      %mul3A = vector.broadcast %div3A_28 : vector<128x1xf32> to vector<128x128xf32>
      %mul3A_36 = arith.mulf %get3A_35, %mul3A : vector<128x128xf32>
      %get3A_37 = arith.constant 0 : index
      %get3A_38 = arith.constant 0 : index
      %get3A_39 = vector.load %arg3[%get3A_37, %get3A_38] : memref<8x512xf32, #tpu.memory_space<vmem>>, vector<8x128xf32>
      %dot_general3A_40 = arith.constant dense<0.000000e+00> : vector<128x8xf32>
      %dot_general3A_41 = tpu.matmul %mul3A_36, %get3A_39, %dot_general3A_40 {dimension_numbers = #tpu.dot_dimension_numbers<[1], [1], [0], [0], [0, 0, 1, 0], [], []>, transpose_lhs_hint = false} : vector<128x128xf32>, vector<8x128xf32>, vector<128x8xf32> -> vector<128x8xf32>
      %add3A_42 = arith.addf %broadcast_in_dim3A_30, %dot_general3A_41 : vector<128x8xf32>
      %get3A_43 = arith.constant 1 : index
      %get3A_44 = arith.constant 0 : index
      %get3A_45 = arith.constant 0 : index
      %get3A_46 = vector.load %arg6[%get3A_43, %get3A_44, %get3A_45] : memref<4x128x128xf32, #tpu.memory_space<vmem>>, vector<1x128x128xf32>
      %get3A_47 = vector.shape_cast %get3A_46 : vector<1x128x128xf32> to vector<128x128xf32>
      %mul3A_48 = vector.broadcast %div3A_28 : vector<128x1xf32> to vector<128x128xf32>
      %mul3A_49 = arith.mulf %get3A_47, %mul3A_48 : vector<128x128xf32>
      %get3A_50 = arith.constant 0 : index
      %get3A_51 = arith.constant 128 : index
      %get3A_52 = vector.load %arg3[%get3A_50, %get3A_51] : memref<8x512xf32, #tpu.memory_space<vmem>>, vector<8x128xf32>
      %dot_general3A_53 = arith.constant dense<0.000000e+00> : vector<128x8xf32>
      %dot_general3A_54 = tpu.matmul %mul3A_49, %get3A_52, %dot_general3A_53 {dimension_numbers = #tpu.dot_dimension_numbers<[1], [1], [0], [0], [0, 0, 1, 0], [], []>, transpose_lhs_hint = false} : vector<128x128xf32>, vector<8x128xf32>, vector<128x8xf32> -> vector<128x8xf32>
      %add3A_55 = arith.addf %add3A_42, %dot_general3A_54 : vector<128x8xf32>
      %get3A_56 = arith.constant 2 : index
      %get3A_57 = arith.constant 0 : index
      %get3A_58 = arith.constant 0 : index
      %get3A_59 = vector.load %arg6[%get3A_56, %get3A_57, %get3A_58] : memref<4x128x128xf32, #tpu.memory_space<vmem>>, vector<1x128x128xf32>
      %get3A_60 = vector.shape_cast %get3A_59 : vector<1x128x128xf32> to vector<128x128xf32>
      %mul3A_61 = vector.broadcast %div3A_28 : vector<128x1xf32> to vector<128x128xf32>
      %mul3A_62 = arith.mulf %get3A_60, %mul3A_61 : vector<128x128xf32>
      %get3A_63 = arith.constant 0 : index
      %get3A_64 = arith.constant 256 : index
      %get3A_65 = vector.load %arg3[%get3A_63, %get3A_64] : memref<8x512xf32, #tpu.memory_space<vmem>>, vector<8x128xf32>
      %dot_general3A_66 = arith.constant dense<0.000000e+00> : vector<128x8xf32>
      %dot_general3A_67 = tpu.matmul %mul3A_62, %get3A_65, %dot_general3A_66 {dimension_numbers = #tpu.dot_dimension_numbers<[1], [1], [0], [0], [0, 0, 1, 0], [], []>, transpose_lhs_hint = false} : vector<128x128xf32>, vector<8x128xf32>, vector<128x8xf32> -> vector<128x8xf32>
      %add3A_68 = arith.addf %add3A_55, %dot_general3A_67 : vector<128x8xf32>
      %get3A_69 = arith.constant 3 : index
      %get3A_70 = arith.constant 0 : index
      %get3A_71 = arith.constant 0 : index
      %get3A_72 = vector.load %arg6[%get3A_69, %get3A_70, %get3A_71] : memref<4x128x128xf32, #tpu.memory_space<vmem>>, vector<1x128x128xf32>
      %get3A_73 = vector.shape_cast %get3A_72 : vector<1x128x128xf32> to vector<128x128xf32>
      %mul3A_74 = vector.broadcast %div3A_28 : vector<128x1xf32> to vector<128x128xf32>
      %mul3A_75 = arith.mulf %get3A_73, %mul3A_74 : vector<128x128xf32>
      %get3A_76 = arith.constant 0 : index
      %get3A_77 = arith.constant 384 : index
      %get3A_78 = vector.load %arg3[%get3A_76, %get3A_77] : memref<8x512xf32, #tpu.memory_space<vmem>>, vector<8x128xf32>
      %dot_general3A_79 = arith.constant dense<0.000000e+00> : vector<128x8xf32>
      %dot_general3A_80 = tpu.matmul %mul3A_75, %get3A_78, %dot_general3A_79 {dimension_numbers = #tpu.dot_dimension_numbers<[1], [1], [0], [0], [0, 0, 1, 0], [], []>, transpose_lhs_hint = false} : vector<128x128xf32>, vector<8x128xf32>, vector<128x8xf32> -> vector<128x8xf32>
      %add3A_81 = arith.addf %add3A_68, %dot_general3A_80 : vector<128x8xf32>
      %get3A_82 = arith.constant 0 : index
      %get3A_83 = arith.constant 0 : index
      %get3A_84 = vector.load %arg4[%get3A_82, %get3A_83] : memref<1x8xf32, #tpu.memory_space<vmem>>, vector<1x8xf32>
      %add3A_85 = vector.broadcast %get3A_84 : vector<1x8xf32> to vector<128x8xf32>
      %add3A_86 = arith.addf %add3A_81, %add3A_85 : vector<128x8xf32>
      %swap3A = arith.constant 0 : index
      %swap3A_87 = arith.constant 0 : index
      %swap3A_88 = vector.load %arg5[%swap3A, %swap3A_87] : memref<128x8xf32, #tpu.memory_space<vmem>>, vector<128x8xf32>
      tpu.vector_store %arg5[%swap3A, %swap3A_87], %add3A_86 {strides = array<i32>} : memref<128x8xf32, #tpu.memory_space<vmem>>, vector<128x8xf32>,
    } else {
    }
    return
  }
  func.func @transform_0(%arg0: i32) -> (i32, i32, i32) {
    %c0_i32 = arith.constant 0 : i32
    %c0_i32_0 = arith.constant 0 : i32
    %c0_i32_1 = arith.constant 0 : i32
    return %c0_i32, %arg0, %c0_i32_0 : i32, i32, i32
  }
  func.func @transform_1(%arg0: i32) -> (i32, i32) {
    %c0_i32 = arith.constant 0 : i32
    %c0_i32_0 = arith.constant 0 : i32
    return %arg0, %c0_i32 : i32, i32
  }
  func.func @transform_2(%arg0: i32) -> (i32, i32) {
    %c0_i32 = arith.constant 0 : i32
    %c0_i32_0 = arith.constant 0 : i32
    %c0_i32_1 = arith.constant 0 : i32
    return %c0_i32, %c0_i32_0 : i32, i32
  }
  func.func @transform_3(%arg0: i32) -> (i32, i32) {
    %c0_i32 = arith.constant 0 : i32
    %c0_i32_0 = arith.constant 0 : i32
    %c0_i32_1 = arith.constant 0 : i32
    return %c0_i32, %c0_i32_0 : i32, i32
  }
  func.func @transform_4(%arg0: i32) -> (i32, i32) {
    %c0_i32 = arith.constant 0 : i32
    %c0_i32_0 = arith.constant 0 : i32
    %c0_i32_1 = arith.constant 0 : i32
    return %c0_i32, %c0_i32_0 : i32, i32
  }
}

</mosaic_0001>

<sc_bundles>
// kernel: kernel.18.cloned.1.call-start
scs
__scs_entry_jumppad:
0x0: {  	(pc) =	sbr.rel $0x88, $3  }
0x1: {  	(tag) =	ssettag $0x0;
	lr =	simm.s32 $0x1  }
0x2: {  	[smem:$0x3F81] =	sst lr;
	_ =	strace $0xD0000000  }
0x3: {  	_ = 	snop  }
0x4: {  	_ = 	snop  }
0x5: {  	_ = 	snop  }
0x6: {  	_ = 	snop  }
0x7: {  	_ = 	snop  }
__scs_overlays_trampoline_lowered:
0x8: {  	[smem:$0x3F90] =	sst s0  }
0x9: {  	[smem:$0x3F91] =	sst s1  }
0xa: {  	[smem:$0x3F92] =	sst s2  }
0xb: {  	[smem:$0x3F93] =	sst s3  }
0xc: {  	[smem:$0x3F94] =	sst s4  }
0xd: {  	[smem:$0x3F95] =	sst s5  }
0xe: {  	[smem:$0x3F96] =	sst s6  }
0xf: {  	[smem:$0x3F97] =	sst s7  }
0x10: {  	[smem:$0x3F98] =	sst s8  }
0x11: {  	[smem:$0x3F99] =	sst s9;
	s0 =	simm.s32 @!p0 $0x0  }
0x12: {  	s1 =	sld [smem:$0x3F7F];
	s0 =	simm.s32 @p0 $0x1  }
0x13: {  	[smem:$0x3F9A] =	sst s0;
	s0 =	simm.s32 @!p1 $0x0  }
0x14: {  	s2 =	sld [smem:$0x3F7E];
	s0 =	simm.s32 @p1 $0x1  }
0x15: {  	[smem:$0x3F9B] =	sst s0;
	s0 =	simm.s32 @!p2 $0x0  }
0x16: {  	s3 =	sld [smem:$0x3FDB];
	s0 =	simm.s32 @p2 $0x1  }
0x17: {  	s4 =	simm.s32 $0x1BF5;
	[smem:$0x3F9D] =	sst s0  }
0x18: {  	s0 =	sld [smem:$0x3F80];
	_ =	swait.ge [sflag:s4], $0x0  }
0x19: {  	s7 =	sld [smem:$0x3F81]  }
0x1a: {  	s8 =	sadd.s32 $0xFFFFE003, lr  }
0x1b: {  	s9 =	sadd.s32 $0xFFFFFEF7, lr;
	s5 =	simm.s32 $0xFFFFFFFF;
	p2 =	slt.u32 s8, $0xFFFFF086  }
0x1c: {  	p1 =	slt.u32 s9, $0xF7A;
	s5 =	simm.s32 @!p2 $0x0  }
0x1d: {  	s5 =	simm.s32 @p1 $0x1;
	p0 =	seq.s32 s7, s2  }
0x1e: {  	s7 =	smul.u32 @!p0 $0xF7A, s2;
	p2 =	seq.s32 @!p0 s5, $0x0  }
0x1f: {  	s9 =	smul.u32 $0xF7A, s1;
	s8 =	simm.s32 @!p0 $0x1BF5;
	p2 =	por !p2, p0  }
0x20: {  	[sflag:s8] =	ssyncset.s32 @!p0 $0xFFFFF086;
	s6 =	sadd.s32 @!p0 s3, s7;
	s7 =	simm.s32 @!p0 $0x108  }
0x21: {  	s3 =	sadd.s32 s3, s9;
	s6 =	sadd.s32 @!p0 $0x88, s6;
	s7 =	simm.s32 @p2 $0x1082  }
0x22: {  	[simem:s7], [sflag:s8] =	dma.local @!p0 [hbm:s6], $0xF7A  }
0x23: {  	s9 =	sor.u32 $0xD0000000, s2;
	s6 =	simm.s32 $0x108;
	_ =	swait.ge @!p0 [sflag:s8], $0x0  }
0x24: {  	s3 =	sadd.s32 $0x88, s3;
	s6 =	simm.s32 @!p1 $0x1082;
	[sflag:s4] =	ssyncset.s32 $0xFFFFF086  }
0x25: {  	[simem:s6], [sflag:s4] =	dma.local [hbm:s3], $0xF7A  }
0x26: {  	[smem:$0x3F81] =	sst s1;
	(tag) =	ssettag s2;
	_ =	strace s9  }
0x27: {  	s1 =	sld [smem:$0x3F91]  }
0x28: {  	s2 =	sld [smem:$0x3F92]  }
0x29: {  	s4 =	sld [smem:$0x3F94]  }
0x2a: {  	p0 =	seq.s32 s5, $0x0;
	s5 =	sld [smem:$0x3F95]  }
0x2b: {  	s6 =	sld [smem:$0x3F96]  }
0x2c: {  	s7 =	sld [smem:$0x3F97]  }
0x2d: {  	s3 =	simm.s32 $0x108;
	s8 =	sld [smem:$0x3F98]  }
0x2e: {  	s3 =	simm.s32 @!p0 $0x1082;
	s9 =	sld [smem:$0x3F99]  }
0x2f: {  	lr =	sadd.s32 s0, s3;
	s0 =	sld [smem:$0x3F90]  }
0x30: {  	s3 =	sld [smem:$0x3F93]  }
0x31: {  	[smem:$0x3F9C] =	sst s10  }
0x32: {  	s10 =	sld [smem:$0x3F9A];
	_ =	sdelay $0x3  }
0x33: {  	p0 =	seq.s32 s10, $0x1;
	s10 =	sld [smem:$0x3F9C];
	_ =	sdelay $0x3  }
0x34: {  	[smem:$0x3F9C] =	sst s10  }
0x35: {  	s10 =	sld [smem:$0x3F9B];
	_ =	sdelay $0x3  }
0x36: {  	p1 =	seq.s32 s10, $0x1;
	s10 =	sld [smem:$0x3F9C];
	_ =	sdelay $0x3  }
0x37: {  	[smem:$0x3F9C] =	sst s10  }
0x38: {  	s10 =	sld [smem:$0x3F9D]  }
0x39: {  	_ = 	snop;
	(pc) =	sbr.ind lr, $3  }
0x3a: {  	_ = 	snop  }
0x3b: {  	_ = 	snop  }
0x3c: {  	p2 =	seq.s32 s10, $0x1;
	s10 =	sld [smem:$0x3F9C]  }
0x3d: {  	_ =	shalt  }
0x3e: {  	_ =	shalt  }
0x3f: {  	_ =	shalt  }
0x40: {  	_ =	shalt  }
0x41: {  	_ =	shalt  }
0x42: {  	_ =	shalt  }
0x43: {  	_ =	shalt  }
0x44: {  	_ =	shalt  }
0x45: {  	_ =	shalt  }
0x46: {  	_ =	shalt  }
0x47: {  	_ =	shalt  }
0x48: {  	_ =	shalt  }
0x49: {  	_ =	shalt  }
0x4a: {  	_ =	shalt  }
0x4b: {  	_ =	shalt  }
0x4c: {  	_ =	shalt  }
0x4d: {  	_ =	shalt  }
0x4e: {  	_ =	shalt  }
0x4f: {  	_ =	shalt  }
0x50: {  	_ =	shalt  }
0x51: {  	_ =	shalt  }
0x52: {  	_ =	shalt  }
0x53: {  	_ =	shalt  }
0x54: {  	_ =	shalt  }
0x55: {  	_ =	shalt  }
0x56: {  	_ =	shalt  }
0x57: {  	_ =	shalt  }
0x58: {  	_ =	shalt  }
0x59: {  	_ =	shalt  }
0x5a: {  	_ =	shalt  }
0x5b: {  	_ =	shalt  }
0x5c: {  	_ =	shalt  }
0x5d: {  	_ =	shalt  }
0x5e: {  	_ =	shalt  }
0x5f: {  	_ =	shalt  }
0x60: {  	_ =	shalt  }
0x61: {  	_ =	shalt  }
0x62: {  	_ =	shalt  }
0x63: {  	_ =	shalt  }
0x64: {  	_ =	shalt  }
0x65: {  	_ =	shalt  }
0x66: {  	_ =	shalt  }
0x67: {  	_ =	shalt  }
0x68: {  	_ =	shalt  }
0x69: {  	_ =	shalt  }
0x6a: {  	_ =	shalt  }
0x6b: {  	_ =	shalt  }
0x6c: {  	_ =	shalt  }
0x6d: {  	_ =	shalt  }
0x6e: {  	_ =	shalt  }
0x6f: {  	_ =	shalt  }
0x70: {  	_ =	shalt  }
0x71: {  	_ =	shalt  }
0x72: {  	_ =	shalt  }
0x73: {  	_ =	shalt  }
0x74: {  	_ =	shalt  }
0x75: {  	_ =	shalt  }
0x76: {  	_ =	shalt  }
0x77: {  	_ =	shalt  }
0x78: {  	_ =	shalt  }
0x79: {  	_ =	shalt  }
0x7a: {  	_ =	shalt  }
0x7b: {  	_ =	shalt  }
0x7c: {  	_ =	shalt  }
0x7d: {  	_ =	shalt  }
0x7e: {  	_ =	shalt  }
0x7f: {  	_ =	shalt  }
0x80: {  	_ =	shalt  }
0x81: {  	_ =	shalt  }
0x82: {  	_ =	shalt  }
0x83: {  	_ =	shalt  }
0x84: {  	_ =	shalt  }
0x85: {  	_ =	shalt  }
0x86: {  	_ =	shalt  }
0x87: {  	_ =	shalt  }
.Lfunc_end0:
.L_simem_size_0:
called_computation_lowered:
.L_overlay_start_0:
0x88: {  	s2 =	sld [smem:$0x3FD9]  }
0x89: {  	s3 =	sld [smem:$0x3FFE];
	_ =	sdelay $0x1  }
0x8a: {  	s1 =	srdreg.scid  }
0x8b: {  	s0 =	sand.u32 $0x1, s1  }
0x8c: {  	s16 =	sshll.u32 s0, $0xA;
	s2 =	sadd.s32 s3, s2  }
0x8d: {  	s2 =	sadd.s32 s2, s16  }
0x8e: {  	[smem:$0x3FA8] =	sst s2  }
0x8f: {  	_ = 	snop  }
0x90: {  	(tm) =	ssettm $0x1  }
0x91: {  	s17 =	sld [smem:$0x3FFB];
	_ =	sdelay $0x3  }
0x92: {  	_ =	strace s17  }
0x93: {  	s2 =	sld [smem:$0x3FFC];
	_ =	sdelay $0x3  }
0x94: {  	_ =	strace s2  }
0x95: {  	s2 =	sld [smem:$0x3FFD];
	_ =	sdelay $0x3  }
0x96: {  	_ =	strace s2  }
0x97: {  	_ =	strace $0x8FFFFFFF  }
0x98: {  	s18 =	sld [smem:$0x3FDB];
	_ =	sdelay $0x1  }
0x99: {  	s19 =	simm.s32 $_scs_section_size  }
0x9a: {  	s4 =	simm.s32 $_size__tile_overlayer_lowered;
	s5 =	simm.s32 $_tile_overlayer_lowered  }
0x9b: {  	s22 =	simm.s32 $0x1BFF;
	s21 =	sshll.u32 s5, $0x1;
	s2 =	sadd.s32 s19, s18  }
0x9c: {  	s6 =	simm.s32 $0x0;
	s20 =	sshll.u32 s4, $0x1;
	s4 =	sadd.s32 s21, s2  }
0x9d: {  	[timem:s6], [sflag:s22] =	dma.local [hbm:s4], s20  }
0x9e: {  	_ =	swait.ge [sflag:s22], s20  }
0x9f: {  	s3 =	ssub.s32 $0x0, s20;
	[sflag:s22] =	ssyncset.done $0x0  }
0xa0: {  	[sflag:s22] =	ssyncadd.s32 s3;
	_ =	sdelay $0x1  }
0xa1: {  	s23 =	simm.s32 $0x1B8B  }
0xa2: {  	_ =	swait.ge [sflag:s23], $0x1  }
0xa3: {  	[sflag:s23] =	ssyncset.done $0x0  }
0xa4: {  	s25 =	simm.s32 $0x1B8E;
	s24 =	sld [smem:$0x3FFE];
	[sflag:s23] =	ssyncadd.s32 $0xFFFFFFFF  }
0xa5: {  	s26 =	simm.s32 $execute0_lowered;
	[smem:$0x3FD2] =	sst s25  }
0xa6: {  	s4 =	sshll.u32 s26, $0x1;
	_ =	strace $0x80000046;
	[dreg:$0x1] =	wrdreg $0xFFFFFFFF  }
0xa7: {  	s28 =	simm.s32 $_size_execute0_lowered;
	s2 =	sadd.s32 s2, s4;
	[dreg:$0x0] =	wrdreg $0x0  }
0xa8: {  	s4 =	sshll.u32 s28, $0x1;
	[dreg:$0x2] =	wrdreg s2  }
0xa9: {  	[dreg:$0x3] =	wrdreg s4  }
0xaa: {  	[dreg:$0x4] =	wrdreg $0xC0  }
0xab: {  	_ =	task [dreg:s6], $0x5FFFF  }
0xac: {  	[dreg:$0x1] =	wrdreg $0xFFFFFFFF  }
0xad: {  	[dreg:$0x0] =	wrdreg $0x60  }
0xae: {  	[dreg:$0x2] =	wrdreg s24  }
0xaf: {  	[dreg:$0x3] =	wrdreg $0xA8000  }
0xb0: {  	[dreg:$0x4] =	wrdreg $0x9  }
0xb1: {  	_ =	task.clear_ibuf [dreg:s6], $0x5FFFF;
	_ =	strace $0x90000046  }
0xb2: {  	s29 =	simm.s32 $0x9;
	_ =	strace $0x80000048  }
0xb3: {  	_ =	swait.ge [sflag:s29], $0x1  }
0xb4: {  	[sflag:s29] =	ssyncadd.s32 $0xFFFFFFFF  }
0xb5: {  	_ =	strace $0x90000048  }
0xb6: {  	_ =	sfence  }
0xb7: {  	s30 =	sld [smem:$0x0];
	_ =	sdelay $0x2  }
0xb8: {  	s31 =	sshll.u32 s1, $0xD;
	s1 =	sshrl.u32 s1, $0x2  }
0xb9: {  	s3 =	sand.u32 $0x4000, s31;
	s1 =	sadd.s32 s1, s30  }
0xba: {  	s0 =	sor.u32 s3, s0;
	s1 =	sshll.u32 s1, $0x11  }
0xbb: {  	s0 =	sor.u32 s1, s0  }
0xbc: {  	s0 =	sadd.s32 $0x8F2B, s0  }
0xbd: {  	[sflag:s0] =	ssyncadd.remote.s32 $0x1  }
0xbe: {  	_ =	sfence.sel $0xFFFF  }
0xbf: {  	[dreg:$0x0] =	wrdreg $0xFFFFFFFF;
	(pc) =	sbr.abs _section_cstart, $3  }
0xc0: {  	[dreg:$0x1] =	wrdreg $0xFFFFFFFF  }
0xc1: {  	_ =	task.clear_ibuf [dreg:s6], $0x2FFFF;
	_ =	strace $0x9FFFFFFF  }
0xc2: {  	(tm) =	ssettm $0x7FFFFFFF  }
0xc3: {  	_ =	shalt  }
tec
execute0_lowered:
.L_overlay_start_1:
0x0: {  	(tag) =	ssettag $0x1  }
0x1: {  	s1 =	srdreg.scid;
	s6 =	rddreg [dreg:$0x0]  }
0x2: {  	s0 =	stileid.u32;
	s2 =	rddreg [dreg:$0x1]  }
0x3: {  	s3 =	simm.s32 $0x0;
	s15 =	simm.s32 $0x80;
	s16 =	simm.s32 $0x2800  }
0x4: {  	s17 =	simm.s32 $0x6800;
	s18 =	simm.s32 $0x1;
	s19 =	simm.s32 $0x3  }
0x5: {  	s20 =	simm.s32 $0x2;
	s21 =	simm.s32 $0x4;
	s22 =	simm.s32 $0x2700  }
0x6: {  	s23 =	simm.s32 $0x2780;
	s24 =	simm.s32 $0x0;
	s5 =	sand.u32 $0x1, s1  }
0x7: {  	s29 =	sshll.u32 s0, $0x1;
	[smem:$0x7FF] =	sst s3;
	s8 =	smul.u32 $0x14000, s0  }
0x8: {  	s10 =	smul.u32 $0x50000, s0;
	s13 =	sshll.u32 s0, $0x6;
	s1 =	sor.u32 s5, s29  }
0x9: {  	s7 =	smul.u32 $0x280000, s5;
	s30 =	ssub.s32 $0x2, s5;
	s5 =	sadd.s32 $0x10600, s6  }
0xa: {  	s13 =	sor.u32 $0x1C05, s13;
	s4 =	smul.u32 $0x280, s1;
	s1 =	rddreg [dreg:$0x2]  }
0xb: {  	_ =	strace $0x80000047;
	s11 =	sshrl.u32 s30, $0x1;
	s31 =	sshrl.u32 s10, $0x2  }
0xc: {  	s7 =	sadd.s32 s8, s7;
	s11 =	ssub.s32 s30, s11;
	s14 =	sadd.s32 s31, s2  }
0xd: {  	s9 =	sadd.s32 s4, s6;
	s4 =	sadd.s32 $0x37800, s6;
	s7 =	sshrl.u32 s7, $0x3  }
0xe: {  	s10 =	smax.u32 s11, $0x1;
	s11 =	simm.s32 $0x5;
	s14 =	sshrl.u32 s14, $0x3  }
0xf: {  	s12 =	sadd.s32 s7, s6;
	s6 =	sadd.s32 $0x6600, s9;
	s7 =	sadd.s32 $0xB600, s9  }
0x10: {  	v0 =	vimm.f32 $1.000000000e+00;
	s8 =	sadd.s32 $0x3A000, s12;
	s9 =	sadd.s32 $0x62000, s12;
	s12 =	simm.s32 $0x1400  }
.LBB2_1:
0x11: {  	[tilespmem:s3], [sflag:$0x5] =	stream.linear.gather [hbm4b:s6+s3], $0x1400, $0x38;
	[tilespmem:$0x1E800] =	vst v63  }
0x12: {  	_ =	swait.ge [sflag:s11], $0x1400  }
0x13: {  	[sflag:s11] =	ssyncset.done $0x0  }
0x14: {  	[sflag:s11] =	ssyncadd.s32 $0xFFFFEC00  }
0x15: {  	[tilespmem:s12], [sflag:$0x5] =	stream.linear.gather [hbm4b:s7+s3], $0x1400, $0x38;
	[tilespmem:$0x1E800] =	vst v63  }
0x16: {  	_ =	swait.ge [sflag:s11], $0x1400  }
0x17: {  	[sflag:s11] =	ssyncset.done $0x0  }
0x18: {  	[sflag:s11] =	ssyncadd.s32 $0xFFFFEC00  }
0x19: {  	[bflag:$0x0] =	sbarrier.arrive $0xFFFF  }
0x1a: {  	[spmem:s14], [sflag:s13] =	dma.local [hbm:s4], $0x2800  }
0x1b: {  	_ =	swait.ge [sflag:s11], $0x2800  }
0x1c: {  	[sflag:s11] =	ssyncset.done $0x0  }
0x1d: {  	[sflag:s11] =	ssyncadd.s32 $0xFFFFD800  }
0x1e: {  	[bflag:$0x0] =	sbarrier.arrive $0xFFFF  }
0x1f: {  	[tilespmem:s16], [sflag:$0x1] =	stream.indirect.gather [hbm4b:s5+s15], $0x80, s3, s15, $0xb8;
	[tilespmem:$0x1E800] =	vst v63  }
0x20: {  	_ = 	snop  }
0x21: {  	[tilespmem:s17], [sflag:$0x2] =	stream.indirect.gather [hbm4b:s5+s15], $0x80, s15, s15, $0xb8;
	[tilespmem:$0x1E800] =	vst v63  }
0x22: {  	_ =	swait.ge [sflag:s18], $0x4000  }
0x23: {  	[sflag:s18] =	ssyncset.done $0x0  }
0x24: {  	s25 =	simm.s32 $0x1400;
	[sflag:s18] =	ssyncadd.s32 $0xFFFFC000  }
0x25: {  	[spmem:s2] =	stream.indirect.scatter.add.f32 [tilespmem:s16], [sflag:$0x3], $0x80, s25, s15, $0xb8;
	[tilespmem:$0x1E800] =	vst v63  }
0x26: {  	_ =	swait.ge [sflag:s19], $0x4000  }
0x27: {  	[sflag:s19] =	ssyncset.done $0x0  }
0x28: {  	s30 =	simm.s32 $0x100;
	[sflag:s19] =	ssyncadd.s32 $0xFFFFC000  }
0x29: {  	[tilespmem:s16], [sflag:$0x1] =	stream.indirect.gather [hbm4b:s5+s15], $0x80, s30, s15, $0xb8;
	[tilespmem:$0x1E800] =	vst v63  }
0x2a: {  	_ =	swait.ge [sflag:s20], $0x4000  }
0x2b: {  	[sflag:s20] =	ssyncset.done $0x0  }
0x2c: {  	s31 =	simm.s32 $0x1480;
	[sflag:s20] =	ssyncadd.s32 $0xFFFFC000  }
0x2d: {  	[spmem:s2] =	stream.indirect.scatter.add.f32 [tilespmem:s17], [sflag:$0x4], $0x80, s31, s15, $0xb8;
	[tilespmem:$0x1E800] =	vst v63  }
0x2e: {  	_ =	swait.ge [sflag:s21], $0x4000  }
0x2f: {  	[sflag:s21] =	ssyncset.done $0x0  }
0x30: {  	s26 =	simm.s32 $0x180;
	s25 =	simm.s32 $0x400;
	[sflag:s21] =	ssyncadd.s32 $0xFFFFC000  }
.LBB2_2:
0x31: {  	[tilespmem:s17], [sflag:$0x2] =	stream.indirect.gather [hbm4b:s5+s15], $0x80, s26, s15, $0xb8;
	[tilespmem:$0x1E800] =	vst v63  }
0x32: {  	s26 =	smov.u32 s25  }
0x33: {  	p0 =	sne.s32 s25, $0x4800;
	s25 =	sadd.s32 $0x400, s25;
	_ =	swait.ge [sflag:s18], $0x4000  }
0x34: {  	s26 =	sshra.s32 s26, $0x2;
	[sflag:s18] =	ssyncset.done $0x0  }
0x35: {  	s28 =	sadd.s32 $0x1400, s26;
	[sflag:s18] =	ssyncadd.s32 $0xFFFFC000  }
0x36: {  	[spmem:s2] =	stream.indirect.scatter.add.f32 [tilespmem:s16], [sflag:$0x3], $0x80, s28, s15, $0xb8;
	[tilespmem:$0x1E800] =	vst v63  }
0x37: {  	_ =	swait.ge [sflag:s19], $0x4000  }
0x38: {  	[sflag:s19] =	ssyncset.done $0x0  }
0x39: {  	s28 =	sadd.s32 $0x100, s26;
	[sflag:s19] =	ssyncadd.s32 $0xFFFFC000  }
0x3a: {  	[tilespmem:s16], [sflag:$0x1] =	stream.indirect.gather [hbm4b:s5+s15], $0x80, s28, s15, $0xb8;
	[tilespmem:$0x1E800] =	vst v63  }
0x3b: {  	_ =	swait.ge [sflag:s20], $0x4000  }
0x3c: {  	[sflag:s20] =	ssyncset.done $0x0  }
.Ltmp0:
0x3d: {  	s28 =	sadd.s32 $0x1480, s26;
	[sflag:s20] =	ssyncadd.s32 $0xFFFFC000;
	(pc) =	sbr.rel @p0 .LBB2_2-.Ltmp0, $4  }
0x3e: {  	[spmem:s2] =	stream.indirect.scatter.add.f32 [tilespmem:s17], [sflag:$0x4], $0x80, s28, s15, $0xb8;
	[tilespmem:$0x1E800] =	vst v63  }
0x3f: {  	_ =	swait.ge [sflag:s21], $0x4000  }
0x40: {  	[sflag:s21] =	ssyncset.done $0x0  }
0x41: {  	s26 =	sadd.s32 $0x180, s26;
	[sflag:s21] =	ssyncadd.s32 $0xFFFFC000  }
0x42: {  	[tilespmem:s17], [sflag:$0x2] =	stream.indirect.gather [hbm4b:s5+s15], $0x80, s26, s15, $0xb8;
	[tilespmem:$0x1E800] =	vst v63  }
0x43: {  	_ =	swait.ge [sflag:s18], $0x4000  }
0x44: {  	[sflag:s18] =	ssyncset.done $0x0  }
0x45: {  	[sflag:s18] =	ssyncadd.s32 $0xFFFFC000  }
0x46: {  	[spmem:s2] =	stream.indirect.scatter.add.f32 [tilespmem:s16], [sflag:$0x3], $0x80, s22, s15, $0xb8;
	[tilespmem:$0x1E800] =	vst v63  }
0x47: {  	_ =	swait.ge [sflag:s19], $0x4000  }
0x48: {  	[sflag:s19] =	ssyncset.done $0x0  }
0x49: {  	[sflag:s19] =	ssyncadd.s32 $0xFFFFC000  }
0x4a: {  	_ =	swait.ge [sflag:s20], $0x4000  }
0x4b: {  	[sflag:s20] =	ssyncset.done $0x0  }
0x4c: {  	[sflag:s20] =	ssyncadd.s32 $0xFFFFC000  }
0x4d: {  	[spmem:s2] =	stream.indirect.scatter.add.f32 [tilespmem:s17], [sflag:$0x4], $0x80, s23, s15, $0xb8;
	[tilespmem:$0x1E800] =	vst v63  }
0x4e: {  	_ =	swait.ge [sflag:s21], $0x4000  }
0x4f: {  	[sflag:s21] =	ssyncset.done $0x0  }
0x50: {  	[sflag:s21] =	ssyncadd.s32 $0xFFFFC000  }
0x51: {  	[bflag:$0x0] =	sbarrier.arrive $0xFFFF  }
0x52: {  	[hbm:s8], [sflag:s13] =	dma.local [spmem:s14], $0x2800  }
0x53: {  	_ =	swait.ge [sflag:s11], $0x2800  }
0x54: {  	[sflag:s11] =	ssyncset.done $0x0  }
0x55: {  	[sflag:s11] =	ssyncadd.s32 $0xFFFFD800  }
0x56: {  	[bflag:$0x0] =	sbarrier.arrive $0xFFFF  }
0x57: {  	[spmem:s14], [sflag:s13] =	dma.local [hbm:s4], $0x2800  }
0x58: {  	_ =	swait.ge [sflag:s11], $0x2800  }
0x59: {  	[sflag:s11] =	ssyncset.done $0x0  }
0x5a: {  	s25 =	simm.s32 $0x0;
	s26 =	simm.s32 $0x200;
	[sflag:s11] =	ssyncadd.s32 $0xFFFFD800  }
.LBB2_4:
0x5b: {  	p0 =	sne.s32 s26, $0xFE00;
	[tilespmem:s25+$0x2870] =	vst v0  }
0x5c: {  	[tilespmem:s25+$0x2800] =	vst v0  }
0x5d: {  	[tilespmem:s25+$0x2810] =	vst v0  }
.Ltmp1:
0x5e: {  	[tilespmem:s25+$0x2820] =	vst v0;
	(pc) =	sbr.rel @p0 .LBB2_4-.Ltmp1, $4  }
0x5f: {  	[tilespmem:s25+$0x2830] =	vst v0  }
0x60: {  	[tilespmem:s25+$0x2840] =	vst v0  }
0x61: {  	[tilespmem:s25+$0x2850] =	vst v0  }
0x62: {  	[tilespmem:s25+$0x2860] =	vst v0;
	s25 =	sshra.s32 s26, $0x2;
	s26 =	sadd.s32 $0x200, s26  }
0x63: {  	[tilespmem:s25+$0x2870] =	vst v0  }
0x64: {  	[tilespmem:s25+$0x2800] =	vst v0  }
0x65: {  	[tilespmem:s25+$0x2810] =	vst v0  }
0x66: {  	[tilespmem:s25+$0x2820] =	vst v0  }
0x67: {  	[tilespmem:s25+$0x2830] =	vst v0  }
0x68: {  	[tilespmem:s25+$0x2840] =	vst v0  }
0x69: {  	[tilespmem:s25+$0x2850] =	vst v0  }
0x6a: {  	[tilespmem:s25+$0x2860] =	vst v0  }
0x6b: {  	s31 =	simm.s32 $0x1400;
	[bflag:$0x0] =	sbarrier.arrive $0xFFFF  }
0x6c: {  	[spmem:s2] =	stream.indirect.scatter.add.f32 [tilespmem:s16], [sflag:$0x3], $0x80, s31, s15, $0xb8;
	[tilespmem:$0x1E800] =	vst v63  }
0x6d: {  	s25 =	simm.s32 $0x200;
	_ =	swait.ge [sflag:s19], $0x4000  }
.LBB2_6:
0x6e: {  	s26 =	sshra.s32 s25, $0x2;
	[sflag:s19] =	ssyncset.done $0x0;
	p0 =	sne.s32 s25, $0x4E00  }
.Ltmp2:
0x6f: {  	s26 =	sadd.s32 $0x1400, s26;
	[sflag:s19] =	ssyncadd.s32 $0xFFFFC000;
	(pc) =	sbr.rel @p0 .LBB2_6-.Ltmp2, $3  }
0x70: {  	[spmem:s2] =	stream.indirect.scatter.add.f32 [tilespmem:s16], [sflag:$0x3], $0x80, s26, s15, $0xb8;
	[tilespmem:$0x1E800] =	vst v63  }
0x71: {  	s25 =	sadd.s32 $0x200, s25;
	_ =	sdelay $0x1  }
0x72: {  	_ =	swait.ge [sflag:s19], $0x4000  }
0x73: {  	[sflag:s19] =	ssyncset.done $0x0;
	s24 =	sadd.s32 $0x1, s24  }
0x74: {  	[sflag:s19] =	ssyncadd.s32 $0xFFFFC000;
	p0 =	sne.s32 s24, s10  }
.Ltmp3:
0x75: {  	[bflag:$0x0] =	sbarrier.arrive $0xFFFF;
	(pc) =	sbr.rel @p0 .LBB2_1-.Ltmp3, $4  }
0x76: {  	[hbm:s9], [sflag:s13] =	dma.local [spmem:s14], $0x2800  }
0x77: {  	_ =	swait.ge [sflag:s11], $0x2800  }
0x78: {  	[sflag:s11] =	ssyncset.done $0x0  }
0x79: {  	[sflag:s11] =	ssyncadd.s32 $0xFFFFD800  }
0x7a: {  	_ =	sfence.sel $0x180000  }
0x7b: {  	[bflag:$0x0] =	sbarrier.arrive $0xFFFF  }
0x7c: {  	p0 =	sne.s32 s0, $0x0;
	_ =	strace $0x90000047  }
0x7d: {  	s0 =	sadd.s32 @!p0 $0x100000, s1;
	[bflag:$0x2] =	sbarrier.arrive $0xFFFF  }
0x7e: {  	[sflag:s0] =	ssyncadd.tile.s32 @!p0 $0x1;
	_ =	shalt  }
.Lfunc_end2:
_tile_overlayer_lowered:
.L_overlay_start_2:
0x7f: {  	(tag) =	ssettag $0x2  }
0x80: {  	s0 =	rddreg [dreg:$0x0];
	s2 =	stileid.u32  }
0x81: {  	s1 =	rddreg [dreg:$0x1];
	p0 =	sne.s32 s2, $0x0  }
0x82: {  	s3 =	rddreg [dreg:$0x2];
	[bflag:$0x3] =	sbarrier.arrive $0xFFFF;
	s2 =	simm.s32 @!p0 $0x1C05  }
0x83: {  	[timem:s3], [sflag:s2] =	dma.local @!p0 [hbm:s0], s1  }
0x84: {  	s0 =	simm.s32 @!p0 $0x5  }
0x85: {  	_ =	swait.ge @!p0 [sflag:s0], s1  }
0x86: {  	s1 =	ssub.s32 @!p0 $0x0, s1;
	[sflag:s0] =	ssyncset.done @!p0 $0x0  }
0x87: {  	[sflag:s0] =	ssyncadd.s32 @!p0 s1  }
0x88: {  	[bflag:$0x3] =	sbarrier.arrive $0xFFFF  }
0x89: {  	_ =	shalt  }

// kernel: kernel.21.cloned.1.call-start
scs
__scs_entry_jumppad:
0x0: {  	(pc) =	sbr.rel $0x88, $3  }
0x1: {  	(tag) =	ssettag $0x0;
	lr =	simm.s32 $0x1  }
0x2: {  	[smem:$0x3F81] =	sst lr;
	_ =	strace $0xD0000000  }
0x3: {  	_ = 	snop  }
0x4: {  	_ = 	snop  }
0x5: {  	_ = 	snop  }
0x6: {  	_ = 	snop  }
0x7: {  	_ = 	snop  }
__scs_overlays_trampoline_lowered:
0x8: {  	[smem:$0x3F90] =	sst s0  }
0x9: {  	[smem:$0x3F91] =	sst s1  }
0xa: {  	[smem:$0x3F92] =	sst s2  }
0xb: {  	[smem:$0x3F93] =	sst s3  }
0xc: {  	[smem:$0x3F94] =	sst s4  }
0xd: {  	[smem:$0x3F95] =	sst s5  }
0xe: {  	[smem:$0x3F96] =	sst s6  }
0xf: {  	[smem:$0x3F97] =	sst s7  }
0x10: {  	[smem:$0x3F98] =	sst s8  }
0x11: {  	[smem:$0x3F99] =	sst s9;
	s0 =	simm.s32 @!p0 $0x0  }
0x12: {  	s1 =	sld [smem:$0x3F7F];
	s0 =	simm.s32 @p0 $0x1  }
0x13: {  	[smem:$0x3F9A] =	sst s0;
	s0 =	simm.s32 @!p1 $0x0  }
0x14: {  	s2 =	sld [smem:$0x3F7E];
	s0 =	simm.s32 @p1 $0x1  }
0x15: {  	[smem:$0x3F9B] =	sst s0;
	s0 =	simm.s32 @!p2 $0x0  }
0x16: {  	s3 =	sld [smem:$0x3FDB];
	s0 =	simm.s32 @p2 $0x1  }
0x17: {  	s4 =	simm.s32 $0x1BF5;
	[smem:$0x3F9D] =	sst s0  }
0x18: {  	s0 =	sld [smem:$0x3F80];
	_ =	swait.ge [sflag:s4], $0x0  }
0x19: {  	s7 =	sld [smem:$0x3F81]  }
0x1a: {  	s8 =	sadd.s32 $0xFFFFE003, lr  }
0x1b: {  	s9 =	sadd.s32 $0xFFFFFEF7, lr;
	s5 =	simm.s32 $0xFFFFFFFF;
	p2 =	slt.u32 s8, $0xFFFFF086  }
0x1c: {  	p1 =	slt.u32 s9, $0xF7A;
	s5 =	simm.s32 @!p2 $0x0  }
0x1d: {  	s5 =	simm.s32 @p1 $0x1;
	p0 =	seq.s32 s7, s2  }
0x1e: {  	s7 =	smul.u32 @!p0 $0xF7A, s2;
	p2 =	seq.s32 @!p0 s5, $0x0  }
0x1f: {  	s9 =	smul.u32 $0xF7A, s1;
	s8 =	simm.s32 @!p0 $0x1BF5;
	p2 =	por !p2, p0  }
0x20: {  	[sflag:s8] =	ssyncset.s32 @!p0 $0xFFFFF086;
	s6 =	sadd.s32 @!p0 s3, s7;
	s7 =	simm.s32 @!p0 $0x108  }
0x21: {  	s3 =	sadd.s32 s3, s9;
	s6 =	sadd.s32 @!p0 $0x88, s6;
	s7 =	simm.s32 @p2 $0x1082  }
0x22: {  	[simem:s7], [sflag:s8] =	dma.local @!p0 [hbm:s6], $0xF7A  }
0x23: {  	s9 =	sor.u32 $0xD0000000, s2;
	s6 =	simm.s32 $0x108;
	_ =	swait.ge @!p0 [sflag:s8], $0x0  }
0x24: {  	s3 =	sadd.s32 $0x88, s3;
	s6 =	simm.s32 @!p1 $0x1082;
	[sflag:s4] =	ssyncset.s32 $0xFFFFF086  }
0x25: {  	[simem:s6], [sflag:s4] =	dma.local [hbm:s3], $0xF7A  }
0x26: {  	[smem:$0x3F81] =	sst s1;
	(tag) =	ssettag s2;
	_ =	strace s9  }
0x27: {  	s1 =	sld [smem:$0x3F91]  }
0x28: {  	s2 =	sld [smem:$0x3F92]  }
0x29: {  	s4 =	sld [smem:$0x3F94]  }
0x2a: {  	p0 =	seq.s32 s5, $0x0;
	s5 =	sld [smem:$0x3F95]  }
0x2b: {  	s6 =	sld [smem:$0x3F96]  }
0x2c: {  	s7 =	sld [smem:$0x3F97]  }
0x2d: {  	s3 =	simm.s32 $0x108;
	s8 =	sld [smem:$0x3F98]  }
0x2e: {  	s3 =	simm.s32 @!p0 $0x1082;
	s9 =	sld [smem:$0x3F99]  }
0x2f: {  	lr =	sadd.s32 s0, s3;
	s0 =	sld [smem:$0x3F90]  }
0x30: {  	s3 =	sld [smem:$0x3F93]  }
0x31: {  	[smem:$0x3F9C] =	sst s10  }
0x32: {  	s10 =	sld [smem:$0x3F9A];
	_ =	sdelay $0x3  }
0x33: {  	p0 =	seq.s32 s10, $0x1;
	s10 =	sld [smem:$0x3F9C];
	_ =	sdelay $0x3  }
0x34: {  	[smem:$0x3F9C] =	sst s10  }
0x35: {  	s10 =	sld [smem:$0x3F9B];
	_ =	sdelay $0x3  }
0x36: {  	p1 =	seq.s32 s10, $0x1;
	s10 =	sld [smem:$0x3F9C];
	_ =	sdelay $0x3  }
0x37: {  	[smem:$0x3F9C] =	sst s10  }
0x38: {  	s10 =	sld [smem:$0x3F9D]  }
0x39: {  	_ = 	snop;
	(pc) =	sbr.ind lr, $3  }
0x3a: {  	_ = 	snop  }
0x3b: {  	_ = 	snop  }
0x3c: {  	p2 =	seq.s32 s10, $0x1;
	s10 =	sld [smem:$0x3F9C]  }
0x3d: {  	_ =	shalt  }
0x3e: {  	_ =	shalt  }
0x3f: {  	_ =	shalt  }
0x40: {  	_ =	shalt  }
0x41: {  	_ =	shalt  }
0x42: {  	_ =	shalt  }
0x43: {  	_ =	shalt  }
0x44: {  	_ =	shalt  }
0x45: {  	_ =	shalt  }
0x46: {  	_ =	shalt  }
0x47: {  	_ =	shalt  }
0x48: {  	_ =	shalt  }
0x49: {  	_ =	shalt  }
0x4a: {  	_ =	shalt  }
0x4b: {  	_ =	shalt  }
0x4c: {  	_ =	shalt  }
0x4d: {  	_ =	shalt  }
0x4e: {  	_ =	shalt  }
0x4f: {  	_ =	shalt  }
0x50: {  	_ =	shalt  }
0x51: {  	_ =	shalt  }
0x52: {  	_ =	shalt  }
0x53: {  	_ =	shalt  }
0x54: {  	_ =	shalt  }
0x55: {  	_ =	shalt  }
0x56: {  	_ =	shalt  }
0x57: {  	_ =	shalt  }
0x58: {  	_ =	shalt  }
0x59: {  	_ =	shalt  }
0x5a: {  	_ =	shalt  }
0x5b: {  	_ =	shalt  }
0x5c: {  	_ =	shalt  }
0x5d: {  	_ =	shalt  }
0x5e: {  	_ =	shalt  }
0x5f: {  	_ =	shalt  }
0x60: {  	_ =	shalt  }
0x61: {  	_ =	shalt  }
0x62: {  	_ =	shalt  }
0x63: {  	_ =	shalt  }
0x64: {  	_ =	shalt  }
0x65: {  	_ =	shalt  }
0x66: {  	_ =	shalt  }
0x67: {  	_ =	shalt  }
0x68: {  	_ =	shalt  }
0x69: {  	_ =	shalt  }
0x6a: {  	_ =	shalt  }
0x6b: {  	_ =	shalt  }
0x6c: {  	_ =	shalt  }
0x6d: {  	_ =	shalt  }
0x6e: {  	_ =	shalt  }
0x6f: {  	_ =	shalt  }
0x70: {  	_ =	shalt  }
0x71: {  	_ =	shalt  }
0x72: {  	_ =	shalt  }
0x73: {  	_ =	shalt  }
0x74: {  	_ =	shalt  }
0x75: {  	_ =	shalt  }
0x76: {  	_ =	shalt  }
0x77: {  	_ =	shalt  }
0x78: {  	_ =	shalt  }
0x79: {  	_ =	shalt  }
0x7a: {  	_ =	shalt  }
0x7b: {  	_ =	shalt  }
0x7c: {  	_ =	shalt  }
0x7d: {  	_ =	shalt  }
0x7e: {  	_ =	shalt  }
0x7f: {  	_ =	shalt  }
0x80: {  	_ =	shalt  }
0x81: {  	_ =	shalt  }
0x82: {  	_ =	shalt  }
0x83: {  	_ =	shalt  }
0x84: {  	_ =	shalt  }
0x85: {  	_ =	shalt  }
0x86: {  	_ =	shalt  }
0x87: {  	_ =	shalt  }
.Lfunc_end0:
.L_simem_size_0:
called_computation.1_lowered:
.L_overlay_start_0:
0x88: {  	s2 =	sld [smem:$0x3FD9]  }
0x89: {  	s3 =	sld [smem:$0x3FFE];
	_ =	sdelay $0x1  }
0x8a: {  	s1 =	srdreg.scid  }
0x8b: {  	s0 =	sand.u32 $0x1, s1  }
0x8c: {  	s16 =	sshll.u32 s0, $0xA;
	s2 =	sadd.s32 s3, s2  }
0x8d: {  	s2 =	sadd.s32 s2, s16  }
0x8e: {  	[smem:$0x3FA8] =	sst s2  }
0x8f: {  	_ = 	snop  }
0x90: {  	(tm) =	ssettm $0x1  }
0x91: {  	s17 =	sld [smem:$0x3FFB];
	_ =	sdelay $0x3  }
0x92: {  	_ =	strace s17  }
0x93: {  	s2 =	sld [smem:$0x3FFC];
	_ =	sdelay $0x3  }
0x94: {  	_ =	strace s2  }
0x95: {  	s2 =	sld [smem:$0x3FFD];
	_ =	sdelay $0x3  }
0x96: {  	_ =	strace s2  }
0x97: {  	_ =	strace $0x8FFFFFFF  }
0x98: {  	s18 =	sld [smem:$0x3FDB];
	_ =	sdelay $0x1  }
0x99: {  	s19 =	simm.s32 $_scs_section_size  }
0x9a: {  	s4 =	simm.s32 $_size__tile_overlayer_lowered;
	s5 =	simm.s32 $_tile_overlayer_lowered  }
0x9b: {  	s22 =	simm.s32 $0x1BFF;
	s21 =	sshll.u32 s5, $0x1;
	s2 =	sadd.s32 s19, s18  }
0x9c: {  	s6 =	simm.s32 $0x0;
	s20 =	sshll.u32 s4, $0x1;
	s4 =	sadd.s32 s21, s2  }
0x9d: {  	[timem:s6], [sflag:s22] =	dma.local [hbm:s4], s20  }
0x9e: {  	_ =	swait.ge [sflag:s22], s20  }
0x9f: {  	s3 =	ssub.s32 $0x0, s20;
	[sflag:s22] =	ssyncset.done $0x0  }
0xa0: {  	[sflag:s22] =	ssyncadd.s32 s3;
	_ =	sdelay $0x1  }
0xa1: {  	s23 =	simm.s32 $0x1B8B  }
0xa2: {  	_ =	swait.ge [sflag:s23], $0x1  }
0xa3: {  	[sflag:s23] =	ssyncset.done $0x0  }
0xa4: {  	s25 =	simm.s32 $0x1B8E;
	s24 =	sld [smem:$0x3FFE];
	[sflag:s23] =	ssyncadd.s32 $0xFFFFFFFF  }
0xa5: {  	s26 =	simm.s32 $execute0_lowered;
	[smem:$0x3FD2] =	sst s25  }
0xa6: {  	s4 =	sshll.u32 s26, $0x1;
	_ =	strace $0x80000049;
	[dreg:$0x1] =	wrdreg $0xFFFFFFFF  }
0xa7: {  	s28 =	simm.s32 $_size_execute0_lowered;
	s2 =	sadd.s32 s2, s4;
	[dreg:$0x0] =	wrdreg $0x0  }
0xa8: {  	s4 =	sshll.u32 s28, $0x1;
	[dreg:$0x2] =	wrdreg s2  }
0xa9: {  	[dreg:$0x3] =	wrdreg s4  }
0xaa: {  	[dreg:$0x4] =	wrdreg $0xC0  }
0xab: {  	_ =	task [dreg:s6], $0x5FFFF  }
0xac: {  	[dreg:$0x1] =	wrdreg $0xFFFFFFFF  }
0xad: {  	[dreg:$0x0] =	wrdreg $0x60  }
0xae: {  	[dreg:$0x2] =	wrdreg s24  }
0xaf: {  	[dreg:$0x3] =	wrdreg $0xA8000  }
0xb0: {  	[dreg:$0x4] =	wrdreg $0x9  }
0xb1: {  	_ =	task.clear_ibuf [dreg:s6], $0x5FFFF;
	_ =	strace $0x90000049  }
0xb2: {  	s29 =	simm.s32 $0x9;
	_ =	strace $0x8000004B  }
0xb3: {  	_ =	swait.ge [sflag:s29], $0x1  }
0xb4: {  	[sflag:s29] =	ssyncadd.s32 $0xFFFFFFFF  }
0xb5: {  	_ =	strace $0x9000004B  }
0xb6: {  	_ =	sfence  }
0xb7: {  	s30 =	sld [smem:$0x0];
	_ =	sdelay $0x2  }
0xb8: {  	s31 =	sshll.u32 s1, $0xD;
	s1 =	sshrl.u32 s1, $0x2  }
0xb9: {  	s3 =	sand.u32 $0x4000, s31;
	s1 =	sadd.s32 s1, s30  }
0xba: {  	s0 =	sor.u32 s3, s0;
	s1 =	sshll.u32 s1, $0x11  }
0xbb: {  	s0 =	sor.u32 s1, s0  }
0xbc: {  	s0 =	sadd.s32 $0x8F2B, s0  }
0xbd: {  	[sflag:s0] =	ssyncadd.remote.s32 $0x1  }
0xbe: {  	_ =	sfence.sel $0xFFFF  }
0xbf: {  	[dreg:$0x0] =	wrdreg $0xFFFFFFFF;
	(pc) =	sbr.abs _section_cstart, $3  }
0xc0: {  	[dreg:$0x1] =	wrdreg $0xFFFFFFFF  }
0xc1: {  	_ =	task.clear_ibuf [dreg:s6], $0x2FFFF;
	_ =	strace $0x9FFFFFFF  }
0xc2: {  	(tm) =	ssettm $0x7FFFFFFF  }
0xc3: {  	_ =	shalt  }
tec
execute0_lowered:
.L_overlay_start_1:
0x0: {  	(tag) =	ssettag $0x1  }
0x1: {  	s1 =	srdreg.scid;
	s9 =	rddreg [dreg:$0x0]  }
0x2: {  	s0 =	stileid.u32;
	s2 =	rddreg [dreg:$0x1];
	s16 =	simm.s32 $0x5  }
0x3: {  	s17 =	simm.s32 $0x1400;
	s20 =	simm.s32 $0x80;
	s21 =	simm.s32 $0x2800  }
0x4: {  	s22 =	simm.s32 $0x6800;
	s23 =	simm.s32 $0x1;
	s24 =	simm.s32 $0x3  }
0x5: {  	s25 =	simm.s32 $0x2;
	s28 =	simm.s32 $0x2700;
	s29 =	simm.s32 $0x2780  }
0x6: {  	s30 =	simm.s32 $0x0;
	s1 =	sand.u32 $0x1, s1;
	s3 =	sshll.u32 s0, $0x1  }
0x7: {  	s11 =	smul.u32 $0x14000, s0;
	s5 =	sadd.s32 $0x124800, s9;
	s6 =	sadd.s32 $0xFD600, s9  }
0x8: {  	s7 =	sadd.s32 $0xD6400, s9;
	s13 =	smul.u32 $0x50000, s0;
	s31 =	sshll.u32 s0, $0x6  }
0x9: {  	s4 =	sor.u32 s1, s3;
	s3 =	simm.s32 $0x0;
	s8 =	smul.u32 $0x500000, s1  }
0xa: {  	s1 =	ssub.s32 $0x2, s1;
	s18 =	sor.u32 $0x1C05, s31;
	s4 =	smul.u32 $0x280, s4  }
0xb: {  	[smem:$0x7FF] =	sst s3;
	s12 =	sshrl.u32 s1, $0x1;
	s26 =	sshrl.u32 s13, $0x2  }
0xc: {  	_ =	strace $0x8000004A;
	s8 =	sadd.s32 s11, s8;
	s1 =	ssub.s32 s1, s12  }
0xd: {  	s19 =	sadd.s32 s26, s2;
	s26 =	simm.s32 $0x4;
	s10 =	sadd.s32 s4, s9  }
0xe: {  	s4 =	sadd.s32 $0x37800, s9;
	s11 =	sshrl.u32 s8, $0x3;
	s8 =	sadd.s32 $0x10600, s9  }
0xf: {  	s14 =	sadd.s32 s11, s9;
	s9 =	sadd.s32 $0x6600, s10;
	s10 =	sadd.s32 $0xB600, s10  }
0x10: {  	s15 =	smax.u32 s1, $0x1;
	s11 =	sadd.s32 $0x14BA00, s14;
	s12 =	sadd.s32 $0x173A00, s14  }
0x11: {  	s19 =	sshrl.u32 s19, $0x3;
	s13 =	sadd.s32 $0x19BA00, s14;
	s14 =	sadd.s32 $0x1C3A00, s14  }
.LBB2_1:
0x12: {  	[tilespmem:s3], [sflag:$0x5] =	stream.linear.gather [hbm4b:s9+s3], $0x1400, $0x38;
	[tilespmem:$0x1E800] =	vst v63  }
0x13: {  	_ =	swait.ge [sflag:s16], $0x1400  }
0x14: {  	[sflag:s16] =	ssyncset.done $0x0  }
0x15: {  	[sflag:s16] =	ssyncadd.s32 $0xFFFFEC00  }
0x16: {  	[tilespmem:s17], [sflag:$0x5] =	stream.linear.gather [hbm4b:s10+s3], $0x1400, $0x38;
	[tilespmem:$0x1E800] =	vst v63  }
0x17: {  	_ =	swait.ge [sflag:s16], $0x1400  }
0x18: {  	[sflag:s16] =	ssyncset.done $0x0  }
0x19: {  	[sflag:s16] =	ssyncadd.s32 $0xFFFFEC00  }
0x1a: {  	[bflag:$0x0] =	sbarrier.arrive $0xFFFF  }
0x1b: {  	[spmem:s19], [sflag:s18] =	dma.local [hbm:s4], $0x2800  }
0x1c: {  	_ =	swait.ge [sflag:s16], $0x2800  }
0x1d: {  	[sflag:s16] =	ssyncset.done $0x0  }
0x1e: {  	[sflag:s16] =	ssyncadd.s32 $0xFFFFD800  }
0x1f: {  	[bflag:$0x0] =	sbarrier.arrive $0xFFFF  }
0x20: {  	[tilespmem:s21], [sflag:$0x1] =	stream.indirect.gather [hbm4b:s5+s20], $0x80, s3, s20, $0xb8;
	[tilespmem:$0x1E800] =	vst v63  }
0x21: {  	_ = 	snop  }
0x22: {  	[tilespmem:s22], [sflag:$0x2] =	stream.indirect.gather [hbm4b:s5+s20], $0x80, s20, s20, $0xb8;
	[tilespmem:$0x1E800] =	vst v63  }
0x23: {  	_ =	swait.ge [sflag:s23], $0x4000  }
0x24: {  	[sflag:s23] =	ssyncset.done $0x0  }
0x25: {  	s1 =	simm.s32 $0x1400;
	[sflag:s23] =	ssyncadd.s32 $0xFFFFC000  }
0x26: {  	[spmem:s2] =	stream.indirect.scatter.add.f32 [tilespmem:s21], [sflag:$0x3], $0x80, s1, s20, $0xb8;
	[tilespmem:$0x1E800] =	vst v63  }
0x27: {  	_ =	swait.ge [sflag:s24], $0x4000  }
0x28: {  	[sflag:s24] =	ssyncset.done $0x0  }
0x29: {  	s0 =	simm.s32 $0x100;
	[sflag:s24] =	ssyncadd.s32 $0xFFFFC000  }
0x2a: {  	[tilespmem:s21], [sflag:$0x1] =	stream.indirect.gather [hbm4b:s5+s20], $0x80, s0, s20, $0xb8;
	[tilespmem:$0x1E800] =	vst v63  }
0x2b: {  	_ =	swait.ge [sflag:s25], $0x4000  }
0x2c: {  	[sflag:s25] =	ssyncset.done $0x0  }
0x2d: {  	s0 =	simm.s32 $0x1480;
	[sflag:s25] =	ssyncadd.s32 $0xFFFFC000  }
0x2e: {  	[spmem:s2] =	stream.indirect.scatter.add.f32 [tilespmem:s22], [sflag:$0x4], $0x80, s0, s20, $0xb8;
	[tilespmem:$0x1E800] =	vst v63  }
0x2f: {  	_ =	swait.ge [sflag:s26], $0x4000  }
0x30: {  	[sflag:s26] =	ssyncset.done $0x0  }
0x31: {  	s31 =	simm.s32 $0x400;
	s1 =	simm.s32 $0x180;
	[sflag:s26] =	ssyncadd.s32 $0xFFFFC000  }
.LBB2_2:
0x32: {  	[tilespmem:s22], [sflag:$0x2] =	stream.indirect.gather [hbm4b:s5+s20], $0x80, s1, s20, $0xb8;
	[tilespmem:$0x1E800] =	vst v63  }
0x33: {  	s1 =	smov.u32 s31  }
0x34: {  	p0 =	sne.s32 s31, $0x4800;
	s31 =	sadd.s32 $0x400, s31;
	_ =	swait.ge [sflag:s23], $0x4000  }
0x35: {  	s1 =	sshra.s32 s1, $0x2;
	[sflag:s23] =	ssyncset.done $0x0  }
0x36: {  	s0 =	sadd.s32 $0x1400, s1;
	[sflag:s23] =	ssyncadd.s32 $0xFFFFC000  }
0x37: {  	[spmem:s2] =	stream.indirect.scatter.add.f32 [tilespmem:s21], [sflag:$0x3], $0x80, s0, s20, $0xb8;
	[tilespmem:$0x1E800] =	vst v63  }
0x38: {  	_ =	swait.ge [sflag:s24], $0x4000  }
0x39: {  	[sflag:s24] =	ssyncset.done $0x0  }
0x3a: {  	s0 =	sadd.s32 $0x100, s1;
	[sflag:s24] =	ssyncadd.s32 $0xFFFFC000  }
0x3b: {  	[tilespmem:s21], [sflag:$0x1] =	stream.indirect.gather [hbm4b:s5+s20], $0x80, s0, s20, $0xb8;
	[tilespmem:$0x1E800] =	vst v63  }
0x3c: {  	_ =	swait.ge [sflag:s25], $0x4000  }
0x3d: {  	[sflag:s25] =	ssyncset.done $0x0  }
.Ltmp0:
0x3e: {  	s0 =	sadd.s32 $0x1480, s1;
	[sflag:s25] =	ssyncadd.s32 $0xFFFFC000;
	(pc) =	sbr.rel @p0 .LBB2_2-.Ltmp0, $4  }
0x3f: {  	[spmem:s2] =	stream.indirect.scatter.add.f32 [tilespmem:s22], [sflag:$0x4], $0x80, s0, s20, $0xb8;
	[tilespmem:$0x1E800] =	vst v63  }
0x40: {  	_ =	swait.ge [sflag:s26], $0x4000  }
0x41: {  	[sflag:s26] =	ssyncset.done $0x0  }
0x42: {  	s1 =	sadd.s32 $0x180, s1;
	[sflag:s26] =	ssyncadd.s32 $0xFFFFC000  }
0x43: {  	[tilespmem:s22], [sflag:$0x2] =	stream.indirect.gather [hbm4b:s5+s20], $0x80, s1, s20, $0xb8;
	[tilespmem:$0x1E800] =	vst v63  }
0x44: {  	_ =	swait.ge [sflag:s23], $0x4000  }
0x45: {  	[sflag:s23] =	ssyncset.done $0x0  }
0x46: {  	[sflag:s23] =	ssyncadd.s32 $0xFFFFC000  }
0x47: {  	[spmem:s2] =	stream.indirect.scatter.add.f32 [tilespmem:s21], [sflag:$0x3], $0x80, s28, s20, $0xb8;
	[tilespmem:$0x1E800] =	vst v63  }
0x48: {  	_ =	swait.ge [sflag:s24], $0x4000  }
0x49: {  	[sflag:s24] =	ssyncset.done $0x0  }
0x4a: {  	[sflag:s24] =	ssyncadd.s32 $0xFFFFC000  }
0x4b: {  	_ =	swait.ge [sflag:s25], $0x4000  }
0x4c: {  	[sflag:s25] =	ssyncset.done $0x0  }
0x4d: {  	[sflag:s25] =	ssyncadd.s32 $0xFFFFC000  }
0x4e: {  	[spmem:s2] =	stream.indirect.scatter.add.f32 [tilespmem:s22], [sflag:$0x4], $0x80, s29, s20, $0xb8;
	[tilespmem:$0x1E800] =	vst v63  }
0x4f: {  	_ =	swait.ge [sflag:s26], $0x4000  }
0x50: {  	[sflag:s26] =	ssyncset.done $0x0  }
0x51: {  	[sflag:s26] =	ssyncadd.s32 $0xFFFFC000  }
0x52: {  	[bflag:$0x0] =	sbarrier.arrive $0xFFFF  }
0x53: {  	[hbm:s11], [sflag:s18] =	dma.local [spmem:s19], $0x2800  }
0x54: {  	_ =	swait.ge [sflag:s16], $0x2800  }
0x55: {  	[sflag:s16] =	ssyncset.done $0x0  }
0x56: {  	[sflag:s16] =	ssyncadd.s32 $0xFFFFD800  }
0x57: {  	[bflag:$0x0] =	sbarrier.arrive $0xFFFF  }
0x58: {  	[spmem:s19], [sflag:s18] =	dma.local [hbm:s4], $0x2800  }
0x59: {  	_ =	swait.ge [sflag:s16], $0x2800  }
0x5a: {  	[sflag:s16] =	ssyncset.done $0x0  }
0x5b: {  	[sflag:s16] =	ssyncadd.s32 $0xFFFFD800  }
0x5c: {  	s0 =	simm.s32 $0x0;
	[bflag:$0x0] =	sbarrier.arrive $0xFFFF  }
0x5d: {  	[tilespmem:s21], [sflag:$0x1] =	stream.indirect.gather [hbm4b:s6+s20], $0x80, s0, s20, $0xb8;
	[tilespmem:$0x1E800] =	vst v63  }
0x5e: {  	_ = 	snop  }
0x5f: {  	[tilespmem:s22], [sflag:$0x2] =	stream.indirect.gather [hbm4b:s6+s20], $0x80, s20, s20, $0xb8;
	[tilespmem:$0x1E800] =	vst v63  }
0x60: {  	_ =	swait.ge [sflag:s23], $0x4000  }
0x61: {  	[sflag:s23] =	ssyncset.done $0x0  }
0x62: {  	s1 =	simm.s32 $0x1400;
	[sflag:s23] =	ssyncadd.s32 $0xFFFFC000  }
0x63: {  	[spmem:s2] =	stream.indirect.scatter.add.f32 [tilespmem:s21], [sflag:$0x3], $0x80, s1, s20, $0xb8;
	[tilespmem:$0x1E800] =	vst v63  }
0x64: {  	_ =	swait.ge [sflag:s24], $0x4000  }
0x65: {  	[sflag:s24] =	ssyncset.done $0x0  }
0x66: {  	s1 =	simm.s32 $0x100;
	[sflag:s24] =	ssyncadd.s32 $0xFFFFC000  }
0x67: {  	[tilespmem:s21], [sflag:$0x1] =	stream.indirect.gather [hbm4b:s6+s20], $0x80, s1, s20, $0xb8;
	[tilespmem:$0x1E800] =	vst v63  }
0x68: {  	_ =	swait.ge [sflag:s25], $0x4000  }
0x69: {  	[sflag:s25] =	ssyncset.done $0x0  }
0x6a: {  	s1 =	simm.s32 $0x1480;
	[sflag:s25] =	ssyncadd.s32 $0xFFFFC000  }
0x6b: {  	[spmem:s2] =	stream.indirect.scatter.add.f32 [tilespmem:s22], [sflag:$0x4], $0x80, s1, s20, $0xb8;
	[tilespmem:$0x1E800] =	vst v63  }
0x6c: {  	_ =	swait.ge [sflag:s26], $0x4000  }
0x6d: {  	[sflag:s26] =	ssyncset.done $0x0  }
0x6e: {  	s31 =	simm.s32 $0x400;
	s1 =	simm.s32 $0x180;
	[sflag:s26] =	ssyncadd.s32 $0xFFFFC000  }
.LBB2_4:
0x6f: {  	[tilespmem:s22], [sflag:$0x2] =	stream.indirect.gather [hbm4b:s6+s20], $0x80, s1, s20, $0xb8;
	[tilespmem:$0x1E800] =	vst v63  }
0x70: {  	s0 =	smov.u32 s31  }
0x71: {  	p0 =	sne.s32 s31, $0x4800;
	s31 =	sadd.s32 $0x400, s31;
	_ =	swait.ge [sflag:s23], $0x4000  }
0x72: {  	s0 =	sshra.s32 s0, $0x2;
	[sflag:s23] =	ssyncset.done $0x0  }
0x73: {  	s1 =	sadd.s32 $0x1400, s0;
	[sflag:s23] =	ssyncadd.s32 $0xFFFFC000  }
0x74: {  	[spmem:s2] =	stream.indirect.scatter.add.f32 [tilespmem:s21], [sflag:$0x3], $0x80, s1, s20, $0xb8;
	[tilespmem:$0x1E800] =	vst v63  }
0x75: {  	_ =	swait.ge [sflag:s24], $0x4000  }
0x76: {  	[sflag:s24] =	ssyncset.done $0x0  }
0x77: {  	s1 =	sadd.s32 $0x100, s0;
	[sflag:s24] =	ssyncadd.s32 $0xFFFFC000  }
0x78: {  	[tilespmem:s21], [sflag:$0x1] =	stream.indirect.gather [hbm4b:s6+s20], $0x80, s1, s20, $0xb8;
	[tilespmem:$0x1E800] =	vst v63  }
0x79: {  	_ =	swait.ge [sflag:s25], $0x4000  }
0x7a: {  	[sflag:s25] =	ssyncset.done $0x0  }
.Ltmp1:
0x7b: {  	s1 =	sadd.s32 $0x1480, s0;
	[sflag:s25] =	ssyncadd.s32 $0xFFFFC000;
	(pc) =	sbr.rel @p0 .LBB2_4-.Ltmp1, $4  }
0x7c: {  	[spmem:s2] =	stream.indirect.scatter.add.f32 [tilespmem:s22], [sflag:$0x4], $0x80, s1, s20, $0xb8;
	[tilespmem:$0x1E800] =	vst v63  }
0x7d: {  	_ =	swait.ge [sflag:s26], $0x4000  }
0x7e: {  	[sflag:s26] =	ssyncset.done $0x0  }
0x7f: {  	s1 =	sadd.s32 $0x180, s0;
	[sflag:s26] =	ssyncadd.s32 $0xFFFFC000  }
0x80: {  	[tilespmem:s22], [sflag:$0x2] =	stream.indirect.gather [hbm4b:s6+s20], $0x80, s1, s20, $0xb8;
	[tilespmem:$0x1E800] =	vst v63  }
0x81: {  	_ =	swait.ge [sflag:s23], $0x4000  }
0x82: {  	[sflag:s23] =	ssyncset.done $0x0  }
0x83: {  	[sflag:s23] =	ssyncadd.s32 $0xFFFFC000  }
0x84: {  	[spmem:s2] =	stream.indirect.scatter.add.f32 [tilespmem:s21], [sflag:$0x3], $0x80, s28, s20, $0xb8;
	[tilespmem:$0x1E800] =	vst v63  }
0x85: {  	_ =	swait.ge [sflag:s24], $0x4000  }
0x86: {  	[sflag:s24] =	ssyncset.done $0x0  }
0x87: {  	[sflag:s24] =	ssyncadd.s32 $0xFFFFC000  }
0x88: {  	_ =	swait.ge [sflag:s25], $0x4000  }
0x89: {  	[sflag:s25] =	ssyncset.done $0x0  }
0x8a: {  	[sflag:s25] =	ssyncadd.s32 $0xFFFFC000  }
0x8b: {  	[spmem:s2] =	stream.indirect.scatter.add.f32 [tilespmem:s22], [sflag:$0x4], $0x80, s29, s20, $0xb8;
	[tilespmem:$0x1E800] =	vst v63  }
0x8c: {  	_ =	swait.ge [sflag:s26], $0x4000  }
0x8d: {  	[sflag:s26] =	ssyncset.done $0x0  }
0x8e: {  	[sflag:s26] =	ssyncadd.s32 $0xFFFFC000  }
0x8f: {  	[bflag:$0x0] =	sbarrier.arrive $0xFFFF  }
0x90: {  	[hbm:s12], [sflag:s18] =	dma.local [spmem:s19], $0x2800  }
0x91: {  	_ =	swait.ge [sflag:s16], $0x2800  }
0x92: {  	[sflag:s16] =	ssyncset.done $0x0  }
0x93: {  	[sflag:s16] =	ssyncadd.s32 $0xFFFFD800  }
0x94: {  	[bflag:$0x0] =	sbarrier.arrive $0xFFFF  }
0x95: {  	[spmem:s19], [sflag:s18] =	dma.local [hbm:s4], $0x2800  }
0x96: {  	_ =	swait.ge [sflag:s16], $0x2800  }
0x97: {  	[sflag:s16] =	ssyncset.done $0x0  }
0x98: {  	[sflag:s16] =	ssyncadd.s32 $0xFFFFD800  }
0x99: {  	s0 =	simm.s32 $0x0;
	[bflag:$0x0] =	sbarrier.arrive $0xFFFF  }
0x9a: {  	[tilespmem:s21], [sflag:$0x1] =	stream.indirect.gather [hbm4b:s7+s20], $0x80, s0, s20, $0xb8;
	[tilespmem:$0x1E800] =	vst v63  }
0x9b: {  	_ = 	snop  }
0x9c: {  	[tilespmem:s22], [sflag:$0x2] =	stream.indirect.gather [hbm4b:s7+s20], $0x80, s20, s20, $0xb8;
	[tilespmem:$0x1E800] =	vst v63  }
0x9d: {  	_ =	swait.ge [sflag:s23], $0x4000  }
0x9e: {  	[sflag:s23] =	ssyncset.done $0x0  }
0x9f: {  	s1 =	simm.s32 $0x1400;
	[sflag:s23] =	ssyncadd.s32 $0xFFFFC000  }
0xa0: {  	[spmem:s2] =	stream.indirect.scatter.add.f32 [tilespmem:s21], [sflag:$0x3], $0x80, s1, s20, $0xb8;
	[tilespmem:$0x1E800] =	vst v63  }
0xa1: {  	_ =	swait.ge [sflag:s24], $0x4000  }
0xa2: {  	[sflag:s24] =	ssyncset.done $0x0  }
0xa3: {  	s1 =	simm.s32 $0x100;
	[sflag:s24] =	ssyncadd.s32 $0xFFFFC000  }
0xa4: {  	[tilespmem:s21], [sflag:$0x1] =	stream.indirect.gather [hbm4b:s7+s20], $0x80, s1, s20, $0xb8;
	[tilespmem:$0x1E800] =	vst v63  }
0xa5: {  	_ =	swait.ge [sflag:s25], $0x4000  }
0xa6: {  	[sflag:s25] =	ssyncset.done $0x0  }
0xa7: {  	s1 =	simm.s32 $0x1480;
	[sflag:s25] =	ssyncadd.s32 $0xFFFFC000  }
0xa8: {  	[spmem:s2] =	stream.indirect.scatter.add.f32 [tilespmem:s22], [sflag:$0x4], $0x80, s1, s20, $0xb8;
	[tilespmem:$0x1E800] =	vst v63  }
0xa9: {  	_ =	swait.ge [sflag:s26], $0x4000  }
0xaa: {  	[sflag:s26] =	ssyncset.done $0x0  }
0xab: {  	s31 =	simm.s32 $0x400;
	s1 =	simm.s32 $0x180;
	[sflag:s26] =	ssyncadd.s32 $0xFFFFC000  }
.LBB2_6:
0xac: {  	[tilespmem:s22], [sflag:$0x2] =	stream.indirect.gather [hbm4b:s7+s20], $0x80, s1, s20, $0xb8;
	[tilespmem:$0x1E800] =	vst v63  }
0xad: {  	s0 =	smov.u32 s31  }
0xae: {  	p0 =	sne.s32 s31, $0x4800;
	s31 =	sadd.s32 $0x400, s31;
	_ =	swait.ge [sflag:s23], $0x4000  }
0xaf: {  	s0 =	sshra.s32 s0, $0x2;
	[sflag:s23] =	ssyncset.done $0x0  }
0xb0: {  	s1 =	sadd.s32 $0x1400, s0;
	[sflag:s23] =	ssyncadd.s32 $0xFFFFC000  }
0xb1: {  	[spmem:s2] =	stream.indirect.scatter.add.f32 [tilespmem:s21], [sflag:$0x3], $0x80, s1, s20, $0xb8;
	[tilespmem:$0x1E800] =	vst v63  }
0xb2: {  	_ =	swait.ge [sflag:s24], $0x4000  }
0xb3: {  	[sflag:s24] =	ssyncset.done $0x0  }
0xb4: {  	s1 =	sadd.s32 $0x100, s0;
	[sflag:s24] =	ssyncadd.s32 $0xFFFFC000  }
0xb5: {  	[tilespmem:s21], [sflag:$0x1] =	stream.indirect.gather [hbm4b:s7+s20], $0x80, s1, s20, $0xb8;
	[tilespmem:$0x1E800] =	vst v63  }
0xb6: {  	_ =	swait.ge [sflag:s25], $0x4000  }
0xb7: {  	[sflag:s25] =	ssyncset.done $0x0  }
.Ltmp2:
0xb8: {  	s1 =	sadd.s32 $0x1480, s0;
	[sflag:s25] =	ssyncadd.s32 $0xFFFFC000;
	(pc) =	sbr.rel @p0 .LBB2_6-.Ltmp2, $4  }
0xb9: {  	[spmem:s2] =	stream.indirect.scatter.add.f32 [tilespmem:s22], [sflag:$0x4], $0x80, s1, s20, $0xb8;
	[tilespmem:$0x1E800] =	vst v63  }
0xba: {  	_ =	swait.ge [sflag:s26], $0x4000  }
0xbb: {  	[sflag:s26] =	ssyncset.done $0x0  }
0xbc: {  	s1 =	sadd.s32 $0x180, s0;
	[sflag:s26] =	ssyncadd.s32 $0xFFFFC000  }
0xbd: {  	[tilespmem:s22], [sflag:$0x2] =	stream.indirect.gather [hbm4b:s7+s20], $0x80, s1, s20, $0xb8;
	[tilespmem:$0x1E800] =	vst v63  }
0xbe: {  	_ =	swait.ge [sflag:s23], $0x4000  }
0xbf: {  	[sflag:s23] =	ssyncset.done $0x0  }
0xc0: {  	[sflag:s23] =	ssyncadd.s32 $0xFFFFC000  }
0xc1: {  	[spmem:s2] =	stream.indirect.scatter.add.f32 [tilespmem:s21], [sflag:$0x3], $0x80, s28, s20, $0xb8;
	[tilespmem:$0x1E800] =	vst v63  }
0xc2: {  	_ =	swait.ge [sflag:s24], $0x4000  }
0xc3: {  	[sflag:s24] =	ssyncset.done $0x0  }
0xc4: {  	[sflag:s24] =	ssyncadd.s32 $0xFFFFC000  }
0xc5: {  	_ =	swait.ge [sflag:s25], $0x4000  }
0xc6: {  	[sflag:s25] =	ssyncset.done $0x0  }
0xc7: {  	[sflag:s25] =	ssyncadd.s32 $0xFFFFC000  }
0xc8: {  	[spmem:s2] =	stream.indirect.scatter.add.f32 [tilespmem:s22], [sflag:$0x4], $0x80, s29, s20, $0xb8;
	[tilespmem:$0x1E800] =	vst v63  }
0xc9: {  	_ =	swait.ge [sflag:s26], $0x4000  }
0xca: {  	[sflag:s26] =	ssyncset.done $0x0  }
0xcb: {  	[sflag:s26] =	ssyncadd.s32 $0xFFFFC000  }
0xcc: {  	[bflag:$0x0] =	sbarrier.arrive $0xFFFF  }
0xcd: {  	[hbm:s13], [sflag:s18] =	dma.local [spmem:s19], $0x2800  }
0xce: {  	_ =	swait.ge [sflag:s16], $0x2800  }
0xcf: {  	[sflag:s16] =	ssyncset.done $0x0  }
0xd0: {  	[sflag:s16] =	ssyncadd.s32 $0xFFFFD800  }
0xd1: {  	[bflag:$0x0] =	sbarrier.arrive $0xFFFF  }
0xd2: {  	[spmem:s19], [sflag:s18] =	dma.local [hbm:s4], $0x2800  }
0xd3: {  	_ =	swait.ge [sflag:s16], $0x2800  }
0xd4: {  	[sflag:s16] =	ssyncset.done $0x0  }
0xd5: {  	[sflag:s16] =	ssyncadd.s32 $0xFFFFD800  }
0xd6: {  	s0 =	simm.s32 $0x0;
	[bflag:$0x0] =	sbarrier.arrive $0xFFFF  }
0xd7: {  	[tilespmem:s21], [sflag:$0x1] =	stream.indirect.gather [hbm4b:s8+s20], $0x80, s0, s20, $0xb8;
	[tilespmem:$0x1E800] =	vst v63  }
0xd8: {  	_ = 	snop  }
0xd9: {  	[tilespmem:s22], [sflag:$0x2] =	stream.indirect.gather [hbm4b:s8+s20], $0x80, s20, s20, $0xb8;
	[tilespmem:$0x1E800] =	vst v63  }
0xda: {  	_ =	swait.ge [sflag:s23], $0x4000  }
0xdb: {  	[sflag:s23] =	ssyncset.done $0x0  }
0xdc: {  	s1 =	simm.s32 $0x1400;
	[sflag:s23] =	ssyncadd.s32 $0xFFFFC000  }
0xdd: {  	[spmem:s2] =	stream.indirect.scatter.add.f32 [tilespmem:s21], [sflag:$0x3], $0x80, s1, s20, $0xb8;
	[tilespmem:$0x1E800] =	vst v63  }
0xde: {  	_ =	swait.ge [sflag:s24], $0x4000  }
0xdf: {  	[sflag:s24] =	ssyncset.done $0x0  }
0xe0: {  	s1 =	simm.s32 $0x100;
	[sflag:s24] =	ssyncadd.s32 $0xFFFFC000  }
0xe1: {  	[tilespmem:s21], [sflag:$0x1] =	stream.indirect.gather [hbm4b:s8+s20], $0x80, s1, s20, $0xb8;
	[tilespmem:$0x1E800] =	vst v63  }
0xe2: {  	_ =	swait.ge [sflag:s25], $0x4000  }
0xe3: {  	[sflag:s25] =	ssyncset.done $0x0  }
0xe4: {  	s1 =	simm.s32 $0x1480;
	[sflag:s25] =	ssyncadd.s32 $0xFFFFC000  }
0xe5: {  	[spmem:s2] =	stream.indirect.scatter.add.f32 [tilespmem:s22], [sflag:$0x4], $0x80, s1, s20, $0xb8;
	[tilespmem:$0x1E800] =	vst v63  }
0xe6: {  	_ =	swait.ge [sflag:s26], $0x4000  }
0xe7: {  	[sflag:s26] =	ssyncset.done $0x0  }
0xe8: {  	s31 =	simm.s32 $0x400;
	s1 =	simm.s32 $0x180;
	[sflag:s26] =	ssyncadd.s32 $0xFFFFC000  }
.LBB2_8:
0xe9: {  	[tilespmem:s22], [sflag:$0x2] =	stream.indirect.gather [hbm4b:s8+s20], $0x80, s1, s20, $0xb8;
	[tilespmem:$0x1E800] =	vst v63  }
0xea: {  	s0 =	smov.u32 s31  }
0xeb: {  	p0 =	sne.s32 s31, $0x4800;
	s31 =	sadd.s32 $0x400, s31;
	_ =	swait.ge [sflag:s23], $0x4000  }
0xec: {  	s0 =	sshra.s32 s0, $0x2;
	[sflag:s23] =	ssyncset.done $0x0  }
0xed: {  	s1 =	sadd.s32 $0x1400, s0;
	[sflag:s23] =	ssyncadd.s32 $0xFFFFC000  }
0xee: {  	[spmem:s2] =	stream.indirect.scatter.add.f32 [tilespmem:s21], [sflag:$0x3], $0x80, s1, s20, $0xb8;
	[tilespmem:$0x1E800] =	vst v63  }
0xef: {  	_ =	swait.ge [sflag:s24], $0x4000  }
0xf0: {  	[sflag:s24] =	ssyncset.done $0x0  }
0xf1: {  	s1 =	sadd.s32 $0x100, s0;
	[sflag:s24] =	ssyncadd.s32 $0xFFFFC000  }
0xf2: {  	[tilespmem:s21], [sflag:$0x1] =	stream.indirect.gather [hbm4b:s8+s20], $0x80, s1, s20, $0xb8;
	[tilespmem:$0x1E800] =	vst v63  }
0xf3: {  	_ =	swait.ge [sflag:s25], $0x4000  }
0xf4: {  	[sflag:s25] =	ssyncset.done $0x0  }
.Ltmp3:
0xf5: {  	s1 =	sadd.s32 $0x1480, s0;
	[sflag:s25] =	ssyncadd.s32 $0xFFFFC000;
	(pc) =	sbr.rel @p0 .LBB2_8-.Ltmp3, $4  }
0xf6: {  	[spmem:s2] =	stream.indirect.scatter.add.f32 [tilespmem:s22], [sflag:$0x4], $0x80, s1, s20, $0xb8;
	[tilespmem:$0x1E800] =	vst v63  }
0xf7: {  	_ =	swait.ge [sflag:s26], $0x4000  }
0xf8: {  	[sflag:s26] =	ssyncset.done $0x0  }
0xf9: {  	s1 =	sadd.s32 $0x180, s0;
	[sflag:s26] =	ssyncadd.s32 $0xFFFFC000  }
0xfa: {  	[tilespmem:s22], [sflag:$0x2] =	stream.indirect.gather [hbm4b:s8+s20], $0x80, s1, s20, $0xb8;
	[tilespmem:$0x1E800] =	vst v63  }
0xfb: {  	_ =	swait.ge [sflag:s23], $0x4000  }
0xfc: {  	[sflag:s23] =	ssyncset.done $0x0  }
0xfd: {  	[sflag:s23] =	ssyncadd.s32 $0xFFFFC000  }
0xfe: {  	[spmem:s2] =	stream.indirect.scatter.add.f32 [tilespmem:s21], [sflag:$0x3], $0x80, s28, s20, $0xb8;
	[tilespmem:$0x1E800] =	vst v63  }
0xff: {  	_ =	swait.ge [sflag:s24], $0x4000  }
0x100: {  	[sflag:s24] =	ssyncset.done $0x0  }
0x101: {  	[sflag:s24] =	ssyncadd.s32 $0xFFFFC000  }
0x102: {  	_ =	swait.ge [sflag:s25], $0x4000  }
0x103: {  	[sflag:s25] =	ssyncset.done $0x0  }
0x104: {  	[sflag:s25] =	ssyncadd.s32 $0xFFFFC000  }
0x105: {  	[spmem:s2] =	stream.indirect.scatter.add.f32 [tilespmem:s22], [sflag:$0x4], $0x80, s29, s20, $0xb8;
	[tilespmem:$0x1E800] =	vst v63  }
0x106: {  	_ =	swait.ge [sflag:s26], $0x4000  }
0x107: {  	s30 =	sadd.s32 $0x1, s30;
	[sflag:s26] =	ssyncset.done $0x0  }
0x108: {  	p0 =	sne.s32 s30, s15;
	[sflag:s26] =	ssyncadd.s32 $0xFFFFC000  }
.Ltmp4:
0x109: {  	[bflag:$0x0] =	sbarrier.arrive $0xFFFF;
	(pc) =	sbr.rel @p0 .LBB2_1-.Ltmp4, $4  }
0x10a: {  	[hbm:s14], [sflag:s18] =	dma.local [spmem:s19], $0x2800  }
0x10b: {  	_ =	swait.ge [sflag:s16], $0x2800  }
0x10c: {  	[sflag:s16] =	ssyncset.done $0x0  }
0x10d: {  	[sflag:s16] =	ssyncadd.s32 $0xFFFFD800  }
0x10e: {  	_ =	sfence.sel $0x180000  }
0x10f: {  	[bflag:$0x0] =	sbarrier.arrive $0xFFFF  }
0x110: {  	_ =	strace $0x9000004A  }
0x111: {  	s0 =	stileid.u32;
	[bflag:$0x2] =	sbarrier.arrive $0xFFFF  }
0x112: {  	p0 =	sne.s32 s0, $0x0;
	s0 =	rddreg [dreg:$0x2]  }
0x113: {  	s0 =	sadd.s32 @!p0 $0x100000, s0  }
0x114: {  	[sflag:s0] =	ssyncadd.tile.s32 @!p0 $0x1;
	_ =	shalt  }
.Lfunc_end2:
_tile_overlayer_lowered:
.L_overlay_start_2:
0x115: {  	(tag) =	ssettag $0x2  }
0x116: {  	s0 =	rddreg [dreg:$0x0];
	s2 =	stileid.u32  }
0x117: {  	s1 =	rddreg [dreg:$0x1];
	p0 =	sne.s32 s2, $0x0  }
0x118: {  	s3 =	rddreg [dreg:$0x2];
	[bflag:$0x3] =	sbarrier.arrive $0xFFFF;
	s2 =	simm.s32 @!p0 $0x1C05  }
0x119: {  	[timem:s3], [sflag:s2] =	dma.local @!p0 [hbm:s0], s1  }
0x11a: {  	s0 =	simm.s32 @!p0 $0x5  }
0x11b: {  	_ =	swait.ge @!p0 [sflag:s0], s1  }
0x11c: {  	s1 =	ssub.s32 @!p0 $0x0, s1;
	[sflag:s0] =	ssyncset.done @!p0 $0x0  }
0x11d: {  	[sflag:s0] =	ssyncadd.s32 @!p0 s1  }
0x11e: {  	[bflag:$0x3] =	sbarrier.arrive $0xFFFF  }
0x11f: {  	_ =	shalt  }

// kernel: kernel.24.cloned.1.call-start
scs
__scs_entry_jumppad:
0x0: {  	(pc) =	sbr.rel $0x88, $3  }
0x1: {  	(tag) =	ssettag $0x0;
	lr =	simm.s32 $0x1  }
0x2: {  	[smem:$0x3F81] =	sst lr;
	_ =	strace $0xD0000000  }
0x3: {  	_ = 	snop  }
0x4: {  	_ = 	snop  }
0x5: {  	_ = 	snop  }
0x6: {  	_ = 	snop  }
0x7: {  	_ = 	snop  }
__scs_overlays_trampoline_lowered:
0x8: {  	[smem:$0x3F90] =	sst s0  }
0x9: {  	[smem:$0x3F91] =	sst s1  }
0xa: {  	[smem:$0x3F92] =	sst s2  }
0xb: {  	[smem:$0x3F93] =	sst s3  }
0xc: {  	[smem:$0x3F94] =	sst s4  }
0xd: {  	[smem:$0x3F95] =	sst s5  }
0xe: {  	[smem:$0x3F96] =	sst s6  }
0xf: {  	[smem:$0x3F97] =	sst s7  }
0x10: {  	[smem:$0x3F98] =	sst s8  }
0x11: {  	[smem:$0x3F99] =	sst s9;
	s0 =	simm.s32 @!p0 $0x0  }
0x12: {  	s1 =	sld [smem:$0x3F7F];
	s0 =	simm.s32 @p0 $0x1  }
0x13: {  	[smem:$0x3F9A] =	sst s0;
	s0 =	simm.s32 @!p1 $0x0  }
0x14: {  	s2 =	sld [smem:$0x3F7E];
	s0 =	simm.s32 @p1 $0x1  }
0x15: {  	[smem:$0x3F9B] =	sst s0;
	s0 =	simm.s32 @!p2 $0x0  }
0x16: {  	s3 =	sld [smem:$0x3FDB];
	s0 =	simm.s32 @p2 $0x1  }
0x17: {  	s4 =	simm.s32 $0x1BF5;
	[smem:$0x3F9D] =	sst s0  }
0x18: {  	s0 =	sld [smem:$0x3F80];
	_ =	swait.ge [sflag:s4], $0x0  }
0x19: {  	s7 =	sld [smem:$0x3F81]  }
0x1a: {  	s8 =	sadd.s32 $0xFFFFE003, lr  }
0x1b: {  	s9 =	sadd.s32 $0xFFFFFEF7, lr;
	s5 =	simm.s32 $0xFFFFFFFF;
	p2 =	slt.u32 s8, $0xFFFFF086  }
0x1c: {  	p1 =	slt.u32 s9, $0xF7A;
	s5 =	simm.s32 @!p2 $0x0  }
0x1d: {  	s5 =	simm.s32 @p1 $0x1;
	p0 =	seq.s32 s7, s2  }
0x1e: {  	s7 =	smul.u32 @!p0 $0xF7A, s2;
	p2 =	seq.s32 @!p0 s5, $0x0  }
0x1f: {  	s9 =	smul.u32 $0xF7A, s1;
	s8 =	simm.s32 @!p0 $0x1BF5;
	p2 =	por !p2, p0  }
0x20: {  	[sflag:s8] =	ssyncset.s32 @!p0 $0xFFFFF086;
	s6 =	sadd.s32 @!p0 s3, s7;
	s7 =	simm.s32 @!p0 $0x108  }
0x21: {  	s3 =	sadd.s32 s3, s9;
	s6 =	sadd.s32 @!p0 $0x88, s6;
	s7 =	simm.s32 @p2 $0x1082  }
0x22: {  	[simem:s7], [sflag:s8] =	dma.local @!p0 [hbm:s6], $0xF7A  }
0x23: {  	s9 =	sor.u32 $0xD0000000, s2;
	s6 =	simm.s32 $0x108;
	_ =	swait.ge @!p0 [sflag:s8], $0x0  }
0x24: {  	s3 =	sadd.s32 $0x88, s3;
	s6 =	simm.s32 @!p1 $0x1082;
	[sflag:s4] =	ssyncset.s32 $0xFFFFF086  }
0x25: {  	[simem:s6], [sflag:s4] =	dma.local [hbm:s3], $0xF7A  }
0x26: {  	[smem:$0x3F81] =	sst s1;
	(tag) =	ssettag s2;
	_ =	strace s9  }
0x27: {  	s1 =	sld [smem:$0x3F91]  }
0x28: {  	s2 =	sld [smem:$0x3F92]  }
0x29: {  	s4 =	sld [smem:$0x3F94]  }
0x2a: {  	p0 =	seq.s32 s5, $0x0;
	s5 =	sld [smem:$0x3F95]  }
0x2b: {  	s6 =	sld [smem:$0x3F96]  }
0x2c: {  	s7 =	sld [smem:$0x3F97]  }
0x2d: {  	s3 =	simm.s32 $0x108;
	s8 =	sld [smem:$0x3F98]  }
0x2e: {  	s3 =	simm.s32 @!p0 $0x1082;
	s9 =	sld [smem:$0x3F99]  }
0x2f: {  	lr =	sadd.s32 s0, s3;
	s0 =	sld [smem:$0x3F90]  }
0x30: {  	s3 =	sld [smem:$0x3F93]  }
0x31: {  	[smem:$0x3F9C] =	sst s10  }
0x32: {  	s10 =	sld [smem:$0x3F9A];
	_ =	sdelay $0x3  }
0x33: {  	p0 =	seq.s32 s10, $0x1;
	s10 =	sld [smem:$0x3F9C];
	_ =	sdelay $0x3  }
0x34: {  	[smem:$0x3F9C] =	sst s10  }
0x35: {  	s10 =	sld [smem:$0x3F9B];
	_ =	sdelay $0x3  }
0x36: {  	p1 =	seq.s32 s10, $0x1;
	s10 =	sld [smem:$0x3F9C];
	_ =	sdelay $0x3  }
0x37: {  	[smem:$0x3F9C] =	sst s10  }
0x38: {  	s10 =	sld [smem:$0x3F9D]  }
0x39: {  	_ = 	snop;
	(pc) =	sbr.ind lr, $3  }
0x3a: {  	_ = 	snop  }
0x3b: {  	_ = 	snop  }
0x3c: {  	p2 =	seq.s32 s10, $0x1;
	s10 =	sld [smem:$0x3F9C]  }
0x3d: {  	_ =	shalt  }
0x3e: {  	_ =	shalt  }
0x3f: {  	_ =	shalt  }
0x40: {  	_ =	shalt  }
0x41: {  	_ =	shalt  }
0x42: {  	_ =	shalt  }
0x43: {  	_ =	shalt  }
0x44: {  	_ =	shalt  }
0x45: {  	_ =	shalt  }
0x46: {  	_ =	shalt  }
0x47: {  	_ =	shalt  }
0x48: {  	_ =	shalt  }
0x49: {  	_ =	shalt  }
0x4a: {  	_ =	shalt  }
0x4b: {  	_ =	shalt  }
0x4c: {  	_ =	shalt  }
0x4d: {  	_ =	shalt  }
0x4e: {  	_ =	shalt  }
0x4f: {  	_ =	shalt  }
0x50: {  	_ =	shalt  }
0x51: {  	_ =	shalt  }
0x52: {  	_ =	shalt  }
0x53: {  	_ =	shalt  }
0x54: {  	_ =	shalt  }
0x55: {  	_ =	shalt  }
0x56: {  	_ =	shalt  }
0x57: {  	_ =	shalt  }
0x58: {  	_ =	shalt  }
0x59: {  	_ =	shalt  }
0x5a: {  	_ =	shalt  }
0x5b: {  	_ =	shalt  }
0x5c: {  	_ =	shalt  }
0x5d: {  	_ =	shalt  }
0x5e: {  	_ =	shalt  }
0x5f: {  	_ =	shalt  }
0x60: {  	_ =	shalt  }
0x61: {  	_ =	shalt  }
0x62: {  	_ =	shalt  }
0x63: {  	_ =	shalt  }
0x64: {  	_ =	shalt  }
0x65: {  	_ =	shalt  }
0x66: {  	_ =	shalt  }
0x67: {  	_ =	shalt  }
0x68: {  	_ =	shalt  }
0x69: {  	_ =	shalt  }
0x6a: {  	_ =	shalt  }
0x6b: {  	_ =	shalt  }
0x6c: {  	_ =	shalt  }
0x6d: {  	_ =	shalt  }
0x6e: {  	_ =	shalt  }
0x6f: {  	_ =	shalt  }
0x70: {  	_ =	shalt  }
0x71: {  	_ =	shalt  }
0x72: {  	_ =	shalt  }
0x73: {  	_ =	shalt  }
0x74: {  	_ =	shalt  }
0x75: {  	_ =	shalt  }
0x76: {  	_ =	shalt  }
0x77: {  	_ =	shalt  }
0x78: {  	_ =	shalt  }
0x79: {  	_ =	shalt  }
0x7a: {  	_ =	shalt  }
0x7b: {  	_ =	shalt  }
0x7c: {  	_ =	shalt  }
0x7d: {  	_ =	shalt  }
0x7e: {  	_ =	shalt  }
0x7f: {  	_ =	shalt  }
0x80: {  	_ =	shalt  }
0x81: {  	_ =	shalt  }
0x82: {  	_ =	shalt  }
0x83: {  	_ =	shalt  }
0x84: {  	_ =	shalt  }
0x85: {  	_ =	shalt  }
0x86: {  	_ =	shalt  }
0x87: {  	_ =	shalt  }
.Lfunc_end0:
.L_simem_size_0:
called_computation.2_lowered:
.L_overlay_start_0:
0x88: {  	s2 =	sld [smem:$0x3FD9]  }
0x89: {  	s3 =	sld [smem:$0x3FFE];
	_ =	sdelay $0x1  }
0x8a: {  	s1 =	srdreg.scid  }
0x8b: {  	s0 =	sand.u32 $0x1, s1  }
0x8c: {  	s16 =	sshll.u32 s0, $0xA;
	s2 =	sadd.s32 s3, s2  }
0x8d: {  	s2 =	sadd.s32 s2, s16  }
0x8e: {  	[smem:$0x3FA8] =	sst s2  }
0x8f: {  	_ = 	snop  }
0x90: {  	(tm) =	ssettm $0x1  }
0x91: {  	s17 =	sld [smem:$0x3FFB];
	_ =	sdelay $0x3  }
0x92: {  	_ =	strace s17  }
0x93: {  	s2 =	sld [smem:$0x3FFC];
	_ =	sdelay $0x3  }
0x94: {  	_ =	strace s2  }
0x95: {  	s2 =	sld [smem:$0x3FFD];
	_ =	sdelay $0x3  }
0x96: {  	_ =	strace s2  }
0x97: {  	_ =	strace $0x8FFFFFFF  }
0x98: {  	s18 =	sld [smem:$0x3FDB];
	_ =	sdelay $0x1  }
0x99: {  	s19 =	simm.s32 $_scs_section_size  }
0x9a: {  	s4 =	simm.s32 $_size__tile_overlayer_lowered;
	s5 =	simm.s32 $_tile_overlayer_lowered  }
0x9b: {  	s22 =	simm.s32 $0x1BFF;
	s21 =	sshll.u32 s5, $0x1;
	s2 =	sadd.s32 s19, s18  }
0x9c: {  	s6 =	simm.s32 $0x0;
	s20 =	sshll.u32 s4, $0x1;
	s4 =	sadd.s32 s21, s2  }
0x9d: {  	[timem:s6], [sflag:s22] =	dma.local [hbm:s4], s20  }
0x9e: {  	_ =	swait.ge [sflag:s22], s20  }
0x9f: {  	s3 =	ssub.s32 $0x0, s20;
	[sflag:s22] =	ssyncset.done $0x0  }
0xa0: {  	[sflag:s22] =	ssyncadd.s32 s3;
	_ =	sdelay $0x1  }
0xa1: {  	s23 =	simm.s32 $0x1B8B  }
0xa2: {  	_ =	swait.ge [sflag:s23], $0x1  }
0xa3: {  	[sflag:s23] =	ssyncset.done $0x0  }
0xa4: {  	s25 =	simm.s32 $0x1B8E;
	s24 =	sld [smem:$0x3FFE];
	[sflag:s23] =	ssyncadd.s32 $0xFFFFFFFF  }
0xa5: {  	s26 =	simm.s32 $execute0_lowered;
	[smem:$0x3FD2] =	sst s25  }
0xa6: {  	s4 =	sshll.u32 s26, $0x1;
	_ =	strace $0x8000004C;
	[dreg:$0x1] =	wrdreg $0xFFFFFFFF  }
0xa7: {  	s28 =	simm.s32 $_size_execute0_lowered;
	s2 =	sadd.s32 s2, s4;
	[dreg:$0x0] =	wrdreg $0x0  }
0xa8: {  	s4 =	sshll.u32 s28, $0x1;
	[dreg:$0x2] =	wrdreg s2  }
0xa9: {  	[dreg:$0x3] =	wrdreg s4  }
0xaa: {  	[dreg:$0x4] =	wrdreg $0xC0  }
0xab: {  	_ =	task [dreg:s6], $0x5FFFF  }
0xac: {  	[dreg:$0x1] =	wrdreg $0xFFFFFFFF  }
0xad: {  	[dreg:$0x0] =	wrdreg $0x60  }
0xae: {  	[dreg:$0x2] =	wrdreg s24  }
0xaf: {  	[dreg:$0x3] =	wrdreg $0xA8000  }
0xb0: {  	[dreg:$0x4] =	wrdreg $0x9  }
0xb1: {  	_ =	task.clear_ibuf [dreg:s6], $0x5FFFF;
	_ =	strace $0x9000004C  }
0xb2: {  	s29 =	simm.s32 $0x9;
	_ =	strace $0x8000004E  }
0xb3: {  	_ =	swait.ge [sflag:s29], $0x1  }
0xb4: {  	[sflag:s29] =	ssyncadd.s32 $0xFFFFFFFF  }
0xb5: {  	_ =	strace $0x9000004E  }
0xb6: {  	_ =	sfence  }
0xb7: {  	s30 =	sld [smem:$0x0];
	_ =	sdelay $0x2  }
0xb8: {  	s31 =	sshll.u32 s1, $0xD;
	s1 =	sshrl.u32 s1, $0x2  }
0xb9: {  	s3 =	sand.u32 $0x4000, s31;
	s1 =	sadd.s32 s1, s30  }
0xba: {  	s0 =	sor.u32 s3, s0;
	s1 =	sshll.u32 s1, $0x11  }
0xbb: {  	s0 =	sor.u32 s1, s0  }
0xbc: {  	s0 =	sadd.s32 $0x8F2B, s0  }
0xbd: {  	[sflag:s0] =	ssyncadd.remote.s32 $0x1  }
0xbe: {  	_ =	sfence.sel $0xFFFF  }
0xbf: {  	[dreg:$0x0] =	wrdreg $0xFFFFFFFF;
	(pc) =	sbr.abs _section_cstart, $3  }
0xc0: {  	[dreg:$0x1] =	wrdreg $0xFFFFFFFF  }
0xc1: {  	_ =	task.clear_ibuf [dreg:s6], $0x2FFFF;
	_ =	strace $0x9FFFFFFF  }
0xc2: {  	(tm) =	ssettm $0x7FFFFFFF  }
0xc3: {  	_ =	shalt  }
tec
execute0_lowered:
.L_overlay_start_1:
0x0: {  	(tag) =	ssettag $0x1  }
0x1: {  	s1 =	srdreg.scid;
	s9 =	rddreg [dreg:$0x0]  }
0x2: {  	s0 =	stileid.u32;
	s2 =	rddreg [dreg:$0x1];
	s16 =	simm.s32 $0x5  }
0x3: {  	s17 =	simm.s32 $0x1400;
	s20 =	simm.s32 $0x80;
	s21 =	simm.s32 $0x2800  }
0x4: {  	s22 =	simm.s32 $0x6800;
	s23 =	simm.s32 $0x1;
	s24 =	simm.s32 $0x3  }
0x5: {  	s25 =	simm.s32 $0x2;
	s28 =	simm.s32 $0x2700;
	s29 =	simm.s32 $0x2780  }
0x6: {  	s30 =	simm.s32 $0x0;
	s1 =	sand.u32 $0x1, s1;
	s3 =	sshll.u32 s0, $0x1  }
0x7: {  	s11 =	smul.u32 $0x14000, s0;
	s5 =	sadd.s32 $0x124800, s9;
	s6 =	sadd.s32 $0xFD600, s9  }
0x8: {  	s7 =	sadd.s32 $0xD6400, s9;
	s13 =	smul.u32 $0x50000, s0;
	s31 =	sshll.u32 s0, $0x6  }
0x9: {  	s4 =	sor.u32 s1, s3;
	s3 =	simm.s32 $0x0;
	s8 =	smul.u32 $0x500000, s1  }
0xa: {  	s1 =	ssub.s32 $0x2, s1;
	s18 =	sor.u32 $0x1C05, s31;
	s4 =	smul.u32 $0x280, s4  }
0xb: {  	[smem:$0x7FF] =	sst s3;
	s12 =	sshrl.u32 s1, $0x1;
	s26 =	sshrl.u32 s13, $0x2  }
0xc: {  	_ =	strace $0x8000004D;
	s8 =	sadd.s32 s11, s8;
	s1 =	ssub.s32 s1, s12  }
0xd: {  	s19 =	sadd.s32 s26, s2;
	s26 =	simm.s32 $0x4;
	s10 =	sadd.s32 s4, s9  }
0xe: {  	s4 =	sadd.s32 $0x37800, s9;
	s11 =	sshrl.u32 s8, $0x3;
	s8 =	sadd.s32 $0x10600, s9  }
0xf: {  	s14 =	sadd.s32 s11, s9;
	s9 =	sadd.s32 $0x6600, s10;
	s10 =	sadd.s32 $0xB600, s10  }
0x10: {  	s15 =	smax.u32 s1, $0x1;
	s11 =	sadd.s32 $0x14BA00, s14;
	s12 =	sadd.s32 $0x173A00, s14  }
0x11: {  	s19 =	sshrl.u32 s19, $0x3;
	s13 =	sadd.s32 $0x19BA00, s14;
	s14 =	sadd.s32 $0x1C3A00, s14  }
.LBB2_1:
0x12: {  	[tilespmem:s3], [sflag:$0x5] =	stream.linear.gather [hbm4b:s9+s3], $0x1400, $0x38;
	[tilespmem:$0x1E800] =	vst v63  }
0x13: {  	_ =	swait.ge [sflag:s16], $0x1400  }
0x14: {  	[sflag:s16] =	ssyncset.done $0x0  }
0x15: {  	[sflag:s16] =	ssyncadd.s32 $0xFFFFEC00  }
0x16: {  	[tilespmem:s17], [sflag:$0x5] =	stream.linear.gather [hbm4b:s10+s3], $0x1400, $0x38;
	[tilespmem:$0x1E800] =	vst v63  }
0x17: {  	_ =	swait.ge [sflag:s16], $0x1400  }
0x18: {  	[sflag:s16] =	ssyncset.done $0x0  }
0x19: {  	[sflag:s16] =	ssyncadd.s32 $0xFFFFEC00  }
0x1a: {  	[bflag:$0x0] =	sbarrier.arrive $0xFFFF  }
0x1b: {  	[spmem:s19], [sflag:s18] =	dma.local [hbm:s4], $0x2800  }
0x1c: {  	_ =	swait.ge [sflag:s16], $0x2800  }
0x1d: {  	[sflag:s16] =	ssyncset.done $0x0  }
0x1e: {  	[sflag:s16] =	ssyncadd.s32 $0xFFFFD800  }
0x1f: {  	[bflag:$0x0] =	sbarrier.arrive $0xFFFF  }
0x20: {  	[tilespmem:s21], [sflag:$0x1] =	stream.indirect.gather [hbm4b:s5+s20], $0x80, s3, s20, $0xb8;
	[tilespmem:$0x1E800] =	vst v63  }
0x21: {  	_ = 	snop  }
0x22: {  	[tilespmem:s22], [sflag:$0x2] =	stream.indirect.gather [hbm4b:s5+s20], $0x80, s20, s20, $0xb8;
	[tilespmem:$0x1E800] =	vst v63  }
0x23: {  	_ =	swait.ge [sflag:s23], $0x4000  }
0x24: {  	[sflag:s23] =	ssyncset.done $0x0  }
0x25: {  	s1 =	simm.s32 $0x1400;
	[sflag:s23] =	ssyncadd.s32 $0xFFFFC000  }
0x26: {  	[spmem:s2] =	stream.indirect.scatter.add.f32 [tilespmem:s21], [sflag:$0x3], $0x80, s1, s20, $0xb8;
	[tilespmem:$0x1E800] =	vst v63  }
0x27: {  	_ =	swait.ge [sflag:s24], $0x4000  }
0x28: {  	[sflag:s24] =	ssyncset.done $0x0  }
0x29: {  	s0 =	simm.s32 $0x100;
	[sflag:s24] =	ssyncadd.s32 $0xFFFFC000  }
0x2a: {  	[tilespmem:s21], [sflag:$0x1] =	stream.indirect.gather [hbm4b:s5+s20], $0x80, s0, s20, $0xb8;
	[tilespmem:$0x1E800] =	vst v63  }
0x2b: {  	_ =	swait.ge [sflag:s25], $0x4000  }
0x2c: {  	[sflag:s25] =	ssyncset.done $0x0  }
0x2d: {  	s0 =	simm.s32 $0x1480;
	[sflag:s25] =	ssyncadd.s32 $0xFFFFC000  }
0x2e: {  	[spmem:s2] =	stream.indirect.scatter.add.f32 [tilespmem:s22], [sflag:$0x4], $0x80, s0, s20, $0xb8;
	[tilespmem:$0x1E800] =	vst v63  }
0x2f: {  	_ =	swait.ge [sflag:s26], $0x4000  }
0x30: {  	[sflag:s26] =	ssyncset.done $0x0  }
0x31: {  	s31 =	simm.s32 $0x400;
	s1 =	simm.s32 $0x180;
	[sflag:s26] =	ssyncadd.s32 $0xFFFFC000  }
.LBB2_2:
0x32: {  	[tilespmem:s22], [sflag:$0x2] =	stream.indirect.gather [hbm4b:s5+s20], $0x80, s1, s20, $0xb8;
	[tilespmem:$0x1E800] =	vst v63  }
0x33: {  	s1 =	smov.u32 s31  }
0x34: {  	p0 =	sne.s32 s31, $0x4800;
	s31 =	sadd.s32 $0x400, s31;
	_ =	swait.ge [sflag:s23], $0x4000  }
0x35: {  	s1 =	sshra.s32 s1, $0x2;
	[sflag:s23] =	ssyncset.done $0x0  }
0x36: {  	s0 =	sadd.s32 $0x1400, s1;
	[sflag:s23] =	ssyncadd.s32 $0xFFFFC000  }
0x37: {  	[spmem:s2] =	stream.indirect.scatter.add.f32 [tilespmem:s21], [sflag:$0x3], $0x80, s0, s20, $0xb8;
	[tilespmem:$0x1E800] =	vst v63  }
0x38: {  	_ =	swait.ge [sflag:s24], $0x4000  }
0x39: {  	[sflag:s24] =	ssyncset.done $0x0  }
0x3a: {  	s0 =	sadd.s32 $0x100, s1;
	[sflag:s24] =	ssyncadd.s32 $0xFFFFC000  }
0x3b: {  	[tilespmem:s21], [sflag:$0x1] =	stream.indirect.gather [hbm4b:s5+s20], $0x80, s0, s20, $0xb8;
	[tilespmem:$0x1E800] =	vst v63  }
0x3c: {  	_ =	swait.ge [sflag:s25], $0x4000  }
0x3d: {  	[sflag:s25] =	ssyncset.done $0x0  }
.Ltmp0:
0x3e: {  	s0 =	sadd.s32 $0x1480, s1;
	[sflag:s25] =	ssyncadd.s32 $0xFFFFC000;
	(pc) =	sbr.rel @p0 .LBB2_2-.Ltmp0, $4  }
0x3f: {  	[spmem:s2] =	stream.indirect.scatter.add.f32 [tilespmem:s22], [sflag:$0x4], $0x80, s0, s20, $0xb8;
	[tilespmem:$0x1E800] =	vst v63  }
0x40: {  	_ =	swait.ge [sflag:s26], $0x4000  }
0x41: {  	[sflag:s26] =	ssyncset.done $0x0  }
0x42: {  	s1 =	sadd.s32 $0x180, s1;
	[sflag:s26] =	ssyncadd.s32 $0xFFFFC000  }
0x43: {  	[tilespmem:s22], [sflag:$0x2] =	stream.indirect.gather [hbm4b:s5+s20], $0x80, s1, s20, $0xb8;
	[tilespmem:$0x1E800] =	vst v63  }
0x44: {  	_ =	swait.ge [sflag:s23], $0x4000  }
0x45: {  	[sflag:s23] =	ssyncset.done $0x0  }
0x46: {  	[sflag:s23] =	ssyncadd.s32 $0xFFFFC000  }
0x47: {  	[spmem:s2] =	stream.indirect.scatter.add.f32 [tilespmem:s21], [sflag:$0x3], $0x80, s28, s20, $0xb8;
	[tilespmem:$0x1E800] =	vst v63  }
0x48: {  	_ =	swait.ge [sflag:s24], $0x4000  }
0x49: {  	[sflag:s24] =	ssyncset.done $0x0  }
0x4a: {  	[sflag:s24] =	ssyncadd.s32 $0xFFFFC000  }
0x4b: {  	_ =	swait.ge [sflag:s25], $0x4000  }
0x4c: {  	[sflag:s25] =	ssyncset.done $0x0  }
0x4d: {  	[sflag:s25] =	ssyncadd.s32 $0xFFFFC000  }
0x4e: {  	[spmem:s2] =	stream.indirect.scatter.add.f32 [tilespmem:s22], [sflag:$0x4], $0x80, s29, s20, $0xb8;
	[tilespmem:$0x1E800] =	vst v63  }
0x4f: {  	_ =	swait.ge [sflag:s26], $0x4000  }
0x50: {  	[sflag:s26] =	ssyncset.done $0x0  }
0x51: {  	[sflag:s26] =	ssyncadd.s32 $0xFFFFC000  }
0x52: {  	[bflag:$0x0] =	sbarrier.arrive $0xFFFF  }
0x53: {  	[hbm:s11], [sflag:s18] =	dma.local [spmem:s19], $0x2800  }
0x54: {  	_ =	swait.ge [sflag:s16], $0x2800  }
0x55: {  	[sflag:s16] =	ssyncset.done $0x0  }
0x56: {  	[sflag:s16] =	ssyncadd.s32 $0xFFFFD800  }
0x57: {  	[bflag:$0x0] =	sbarrier.arrive $0xFFFF  }
0x58: {  	[spmem:s19], [sflag:s18] =	dma.local [hbm:s4], $0x2800  }
0x59: {  	_ =	swait.ge [sflag:s16], $0x2800  }
0x5a: {  	[sflag:s16] =	ssyncset.done $0x0  }
0x5b: {  	[sflag:s16] =	ssyncadd.s32 $0xFFFFD800  }
0x5c: {  	s0 =	simm.s32 $0x0;
	[bflag:$0x0] =	sbarrier.arrive $0xFFFF  }
0x5d: {  	[tilespmem:s21], [sflag:$0x1] =	stream.indirect.gather [hbm4b:s6+s20], $0x80, s0, s20, $0xb8;
	[tilespmem:$0x1E800] =	vst v63  }
0x5e: {  	_ = 	snop  }
0x5f: {  	[tilespmem:s22], [sflag:$0x2] =	stream.indirect.gather [hbm4b:s6+s20], $0x80, s20, s20, $0xb8;
	[tilespmem:$0x1E800] =	vst v63  }
0x60: {  	_ =	swait.ge [sflag:s23], $0x4000  }
0x61: {  	[sflag:s23] =	ssyncset.done $0x0  }
0x62: {  	s1 =	simm.s32 $0x1400;
	[sflag:s23] =	ssyncadd.s32 $0xFFFFC000  }
0x63: {  	[spmem:s2] =	stream.indirect.scatter.add.f32 [tilespmem:s21], [sflag:$0x3], $0x80, s1, s20, $0xb8;
	[tilespmem:$0x1E800] =	vst v63  }
0x64: {  	_ =	swait.ge [sflag:s24], $0x4000  }
0x65: {  	[sflag:s24] =	ssyncset.done $0x0  }
0x66: {  	s1 =	simm.s32 $0x100;
	[sflag:s24] =	ssyncadd.s32 $0xFFFFC000  }
0x67: {  	[tilespmem:s21], [sflag:$0x1] =	stream.indirect.gather [hbm4b:s6+s20], $0x80, s1, s20, $0xb8;
	[tilespmem:$0x1E800] =	vst v63  }
0x68: {  	_ =	swait.ge [sflag:s25], $0x4000  }
0x69: {  	[sflag:s25] =	ssyncset.done $0x0  }
0x6a: {  	s1 =	simm.s32 $0x1480;
	[sflag:s25] =	ssyncadd.s32 $0xFFFFC000  }
0x6b: {  	[spmem:s2] =	stream.indirect.scatter.add.f32 [tilespmem:s22], [sflag:$0x4], $0x80, s1, s20, $0xb8;
	[tilespmem:$0x1E800] =	vst v63  }
0x6c: {  	_ =	swait.ge [sflag:s26], $0x4000  }
0x6d: {  	[sflag:s26] =	ssyncset.done $0x0  }
0x6e: {  	s31 =	simm.s32 $0x400;
	s1 =	simm.s32 $0x180;
	[sflag:s26] =	ssyncadd.s32 $0xFFFFC000  }
.LBB2_4:
0x6f: {  	[tilespmem:s22], [sflag:$0x2] =	stream.indirect.gather [hbm4b:s6+s20], $0x80, s1, s20, $0xb8;
	[tilespmem:$0x1E800] =	vst v63  }
0x70: {  	s0 =	smov.u32 s31  }
0x71: {  	p0 =	sne.s32 s31, $0x4800;
	s31 =	sadd.s32 $0x400, s31;
	_ =	swait.ge [sflag:s23], $0x4000  }
0x72: {  	s0 =	sshra.s32 s0, $0x2;
	[sflag:s23] =	ssyncset.done $0x0  }
0x73: {  	s1 =	sadd.s32 $0x1400, s0;
	[sflag:s23] =	ssyncadd.s32 $0xFFFFC000  }
0x74: {  	[spmem:s2] =	stream.indirect.scatter.add.f32 [tilespmem:s21], [sflag:$0x3], $0x80, s1, s20, $0xb8;
	[tilespmem:$0x1E800] =	vst v63  }
0x75: {  	_ =	swait.ge [sflag:s24], $0x4000  }
0x76: {  	[sflag:s24] =	ssyncset.done $0x0  }
0x77: {  	s1 =	sadd.s32 $0x100, s0;
	[sflag:s24] =	ssyncadd.s32 $0xFFFFC000  }
0x78: {  	[tilespmem:s21], [sflag:$0x1] =	stream.indirect.gather [hbm4b:s6+s20], $0x80, s1, s20, $0xb8;
	[tilespmem:$0x1E800] =	vst v63  }
0x79: {  	_ =	swait.ge [sflag:s25], $0x4000  }
0x7a: {  	[sflag:s25] =	ssyncset.done $0x0  }
.Ltmp1:
0x7b: {  	s1 =	sadd.s32 $0x1480, s0;
	[sflag:s25] =	ssyncadd.s32 $0xFFFFC000;
	(pc) =	sbr.rel @p0 .LBB2_4-.Ltmp1, $4  }
0x7c: {  	[spmem:s2] =	stream.indirect.scatter.add.f32 [tilespmem:s22], [sflag:$0x4], $0x80, s1, s20, $0xb8;
	[tilespmem:$0x1E800] =	vst v63  }
0x7d: {  	_ =	swait.ge [sflag:s26], $0x4000  }
0x7e: {  	[sflag:s26] =	ssyncset.done $0x0  }
0x7f: {  	s1 =	sadd.s32 $0x180, s0;
	[sflag:s26] =	ssyncadd.s32 $0xFFFFC000  }
0x80: {  	[tilespmem:s22], [sflag:$0x2] =	stream.indirect.gather [hbm4b:s6+s20], $0x80, s1, s20, $0xb8;
	[tilespmem:$0x1E800] =	vst v63  }
0x81: {  	_ =	swait.ge [sflag:s23], $0x4000  }
0x82: {  	[sflag:s23] =	ssyncset.done $0x0  }
0x83: {  	[sflag:s23] =	ssyncadd.s32 $0xFFFFC000  }
0x84: {  	[spmem:s2] =	stream.indirect.scatter.add.f32 [tilespmem:s21], [sflag:$0x3], $0x80, s28, s20, $0xb8;
	[tilespmem:$0x1E800] =	vst v63  }
0x85: {  	_ =	swait.ge [sflag:s24], $0x4000  }
0x86: {  	[sflag:s24] =	ssyncset.done $0x0  }
0x87: {  	[sflag:s24] =	ssyncadd.s32 $0xFFFFC000  }
0x88: {  	_ =	swait.ge [sflag:s25], $0x4000  }
0x89: {  	[sflag:s25] =	ssyncset.done $0x0  }
0x8a: {  	[sflag:s25] =	ssyncadd.s32 $0xFFFFC000  }
0x8b: {  	[spmem:s2] =	stream.indirect.scatter.add.f32 [tilespmem:s22], [sflag:$0x4], $0x80, s29, s20, $0xb8;
	[tilespmem:$0x1E800] =	vst v63  }
0x8c: {  	_ =	swait.ge [sflag:s26], $0x4000  }
0x8d: {  	[sflag:s26] =	ssyncset.done $0x0  }
0x8e: {  	[sflag:s26] =	ssyncadd.s32 $0xFFFFC000  }
0x8f: {  	[bflag:$0x0] =	sbarrier.arrive $0xFFFF  }
0x90: {  	[hbm:s12], [sflag:s18] =	dma.local [spmem:s19], $0x2800  }
0x91: {  	_ =	swait.ge [sflag:s16], $0x2800  }
0x92: {  	[sflag:s16] =	ssyncset.done $0x0  }
0x93: {  	[sflag:s16] =	ssyncadd.s32 $0xFFFFD800  }
0x94: {  	[bflag:$0x0] =	sbarrier.arrive $0xFFFF  }
0x95: {  	[spmem:s19], [sflag:s18] =	dma.local [hbm:s4], $0x2800  }
0x96: {  	_ =	swait.ge [sflag:s16], $0x2800  }
0x97: {  	[sflag:s16] =	ssyncset.done $0x0  }
0x98: {  	[sflag:s16] =	ssyncadd.s32 $0xFFFFD800  }
0x99: {  	s0 =	simm.s32 $0x0;
	[bflag:$0x0] =	sbarrier.arrive $0xFFFF  }
0x9a: {  	[tilespmem:s21], [sflag:$0x1] =	stream.indirect.gather [hbm4b:s7+s20], $0x80, s0, s20, $0xb8;
	[tilespmem:$0x1E800] =	vst v63  }
0x9b: {  	_ = 	snop  }
0x9c: {  	[tilespmem:s22], [sflag:$0x2] =	stream.indirect.gather [hbm4b:s7+s20], $0x80, s20, s20, $0xb8;
	[tilespmem:$0x1E800] =	vst v63  }
0x9d: {  	_ =	swait.ge [sflag:s23], $0x4000  }
0x9e: {  	[sflag:s23] =	ssyncset.done $0x0  }
0x9f: {  	s1 =	simm.s32 $0x1400;
	[sflag:s23] =	ssyncadd.s32 $0xFFFFC000  }
0xa0: {  	[spmem:s2] =	stream.indirect.scatter.add.f32 [tilespmem:s21], [sflag:$0x3], $0x80, s1, s20, $0xb8;
	[tilespmem:$0x1E800] =	vst v63  }
0xa1: {  	_ =	swait.ge [sflag:s24], $0x4000  }
0xa2: {  	[sflag:s24] =	ssyncset.done $0x0  }
0xa3: {  	s1 =	simm.s32 $0x100;
	[sflag:s24] =	ssyncadd.s32 $0xFFFFC000  }
0xa4: {  	[tilespmem:s21], [sflag:$0x1] =	stream.indirect.gather [hbm4b:s7+s20], $0x80, s1, s20, $0xb8;
	[tilespmem:$0x1E800] =	vst v63  }
0xa5: {  	_ =	swait.ge [sflag:s25], $0x4000  }
0xa6: {  	[sflag:s25] =	ssyncset.done $0x0  }
0xa7: {  	s1 =	simm.s32 $0x1480;
	[sflag:s25] =	ssyncadd.s32 $0xFFFFC000  }
0xa8: {  	[spmem:s2] =	stream.indirect.scatter.add.f32 [tilespmem:s22], [sflag:$0x4], $0x80, s1, s20, $0xb8;
	[tilespmem:$0x1E800] =	vst v63  }
0xa9: {  	_ =	swait.ge [sflag:s26], $0x4000  }
0xaa: {  	[sflag:s26] =	ssyncset.done $0x0  }
0xab: {  	s31 =	simm.s32 $0x400;
	s1 =	simm.s32 $0x180;
	[sflag:s26] =	ssyncadd.s32 $0xFFFFC000  }
.LBB2_6:
0xac: {  	[tilespmem:s22], [sflag:$0x2] =	stream.indirect.gather [hbm4b:s7+s20], $0x80, s1, s20, $0xb8;
	[tilespmem:$0x1E800] =	vst v63  }
0xad: {  	s0 =	smov.u32 s31  }
0xae: {  	p0 =	sne.s32 s31, $0x4800;
	s31 =	sadd.s32 $0x400, s31;
	_ =	swait.ge [sflag:s23], $0x4000  }
0xaf: {  	s0 =	sshra.s32 s0, $0x2;
	[sflag:s23] =	ssyncset.done $0x0  }
0xb0: {  	s1 =	sadd.s32 $0x1400, s0;
	[sflag:s23] =	ssyncadd.s32 $0xFFFFC000  }
0xb1: {  	[spmem:s2] =	stream.indirect.scatter.add.f32 [tilespmem:s21], [sflag:$0x3], $0x80, s1, s20, $0xb8;
	[tilespmem:$0x1E800] =	vst v63  }
0xb2: {  	_ =	swait.ge [sflag:s24], $0x4000  }
0xb3: {  	[sflag:s24] =	ssyncset.done $0x0  }
0xb4: {  	s1 =	sadd.s32 $0x100, s0;
	[sflag:s24] =	ssyncadd.s32 $0xFFFFC000  }
0xb5: {  	[tilespmem:s21], [sflag:$0x1] =	stream.indirect.gather [hbm4b:s7+s20], $0x80, s1, s20, $0xb8;
	[tilespmem:$0x1E800] =	vst v63  }
0xb6: {  	_ =	swait.ge [sflag:s25], $0x4000  }
0xb7: {  	[sflag:s25] =	ssyncset.done $0x0  }
.Ltmp2:
0xb8: {  	s1 =	sadd.s32 $0x1480, s0;
	[sflag:s25] =	ssyncadd.s32 $0xFFFFC000;
	(pc) =	sbr.rel @p0 .LBB2_6-.Ltmp2, $4  }
0xb9: {  	[spmem:s2] =	stream.indirect.scatter.add.f32 [tilespmem:s22], [sflag:$0x4], $0x80, s1, s20, $0xb8;
	[tilespmem:$0x1E800] =	vst v63  }
0xba: {  	_ =	swait.ge [sflag:s26], $0x4000  }
0xbb: {  	[sflag:s26] =	ssyncset.done $0x0  }
0xbc: {  	s1 =	sadd.s32 $0x180, s0;
	[sflag:s26] =	ssyncadd.s32 $0xFFFFC000  }
0xbd: {  	[tilespmem:s22], [sflag:$0x2] =	stream.indirect.gather [hbm4b:s7+s20], $0x80, s1, s20, $0xb8;
	[tilespmem:$0x1E800] =	vst v63  }
0xbe: {  	_ =	swait.ge [sflag:s23], $0x4000  }
0xbf: {  	[sflag:s23] =	ssyncset.done $0x0  }
0xc0: {  	[sflag:s23] =	ssyncadd.s32 $0xFFFFC000  }
0xc1: {  	[spmem:s2] =	stream.indirect.scatter.add.f32 [tilespmem:s21], [sflag:$0x3], $0x80, s28, s20, $0xb8;
	[tilespmem:$0x1E800] =	vst v63  }
0xc2: {  	_ =	swait.ge [sflag:s24], $0x4000  }
0xc3: {  	[sflag:s24] =	ssyncset.done $0x0  }
0xc4: {  	[sflag:s24] =	ssyncadd.s32 $0xFFFFC000  }
0xc5: {  	_ =	swait.ge [sflag:s25], $0x4000  }
0xc6: {  	[sflag:s25] =	ssyncset.done $0x0  }
0xc7: {  	[sflag:s25] =	ssyncadd.s32 $0xFFFFC000  }
0xc8: {  	[spmem:s2] =	stream.indirect.scatter.add.f32 [tilespmem:s22], [sflag:$0x4], $0x80, s29, s20, $0xb8;
	[tilespmem:$0x1E800] =	vst v63  }
0xc9: {  	_ =	swait.ge [sflag:s26], $0x4000  }
0xca: {  	[sflag:s26] =	ssyncset.done $0x0  }
0xcb: {  	[sflag:s26] =	ssyncadd.s32 $0xFFFFC000  }
0xcc: {  	[bflag:$0x0] =	sbarrier.arrive $0xFFFF  }
0xcd: {  	[hbm:s13], [sflag:s18] =	dma.local [spmem:s19], $0x2800  }
0xce: {  	_ =	swait.ge [sflag:s16], $0x2800  }
0xcf: {  	[sflag:s16] =	ssyncset.done $0x0  }
0xd0: {  	[sflag:s16] =	ssyncadd.s32 $0xFFFFD800  }
0xd1: {  	[bflag:$0x0] =	sbarrier.arrive $0xFFFF  }
0xd2: {  	[spmem:s19], [sflag:s18] =	dma.local [hbm:s4], $0x2800  }
0xd3: {  	_ =	swait.ge [sflag:s16], $0x2800  }
0xd4: {  	[sflag:s16] =	ssyncset.done $0x0  }
0xd5: {  	[sflag:s16] =	ssyncadd.s32 $0xFFFFD800  }
0xd6: {  	s0 =	simm.s32 $0x0;
	[bflag:$0x0] =	sbarrier.arrive $0xFFFF  }
0xd7: {  	[tilespmem:s21], [sflag:$0x1] =	stream.indirect.gather [hbm4b:s8+s20], $0x80, s0, s20, $0xb8;
	[tilespmem:$0x1E800] =	vst v63  }
0xd8: {  	_ = 	snop  }
0xd9: {  	[tilespmem:s22], [sflag:$0x2] =	stream.indirect.gather [hbm4b:s8+s20], $0x80, s20, s20, $0xb8;
	[tilespmem:$0x1E800] =	vst v63  }
0xda: {  	_ =	swait.ge [sflag:s23], $0x4000  }
0xdb: {  	[sflag:s23] =	ssyncset.done $0x0  }
0xdc: {  	s1 =	simm.s32 $0x1400;
	[sflag:s23] =	ssyncadd.s32 $0xFFFFC000  }
0xdd: {  	[spmem:s2] =	stream.indirect.scatter.add.f32 [tilespmem:s21], [sflag:$0x3], $0x80, s1, s20, $0xb8;
	[tilespmem:$0x1E800] =	vst v63  }
0xde: {  	_ =	swait.ge [sflag:s24], $0x4000  }
0xdf: {  	[sflag:s24] =	ssyncset.done $0x0  }
0xe0: {  	s1 =	simm.s32 $0x100;
	[sflag:s24] =	ssyncadd.s32 $0xFFFFC000  }
0xe1: {  	[tilespmem:s21], [sflag:$0x1] =	stream.indirect.gather [hbm4b:s8+s20], $0x80, s1, s20, $0xb8;
	[tilespmem:$0x1E800] =	vst v63  }
0xe2: {  	_ =	swait.ge [sflag:s25], $0x4000  }
0xe3: {  	[sflag:s25] =	ssyncset.done $0x0  }
0xe4: {  	s1 =	simm.s32 $0x1480;
	[sflag:s25] =	ssyncadd.s32 $0xFFFFC000  }
0xe5: {  	[spmem:s2] =	stream.indirect.scatter.add.f32 [tilespmem:s22], [sflag:$0x4], $0x80, s1, s20, $0xb8;
	[tilespmem:$0x1E800] =	vst v63  }
0xe6: {  	_ =	swait.ge [sflag:s26], $0x4000  }
0xe7: {  	[sflag:s26] =	ssyncset.done $0x0  }
0xe8: {  	s31 =	simm.s32 $0x400;
	s1 =	simm.s32 $0x180;
	[sflag:s26] =	ssyncadd.s32 $0xFFFFC000  }
.LBB2_8:
0xe9: {  	[tilespmem:s22], [sflag:$0x2] =	stream.indirect.gather [hbm4b:s8+s20], $0x80, s1, s20, $0xb8;
	[tilespmem:$0x1E800] =	vst v63  }
0xea: {  	s0 =	smov.u32 s31  }
0xeb: {  	p0 =	sne.s32 s31, $0x4800;
	s31 =	sadd.s32 $0x400, s31;
	_ =	swait.ge [sflag:s23], $0x4000  }
0xec: {  	s0 =	sshra.s32 s0, $0x2;
	[sflag:s23] =	ssyncset.done $0x0  }
0xed: {  	s1 =	sadd.s32 $0x1400, s0;
	[sflag:s23] =	ssyncadd.s32 $0xFFFFC000  }
0xee: {  	[spmem:s2] =	stream.indirect.scatter.add.f32 [tilespmem:s21], [sflag:$0x3], $0x80, s1, s20, $0xb8;
	[tilespmem:$0x1E800] =	vst v63  }
0xef: {  	_ =	swait.ge [sflag:s24], $0x4000  }
0xf0: {  	[sflag:s24] =	ssyncset.done $0x0  }
0xf1: {  	s1 =	sadd.s32 $0x100, s0;
	[sflag:s24] =	ssyncadd.s32 $0xFFFFC000  }
0xf2: {  	[tilespmem:s21], [sflag:$0x1] =	stream.indirect.gather [hbm4b:s8+s20], $0x80, s1, s20, $0xb8;
	[tilespmem:$0x1E800] =	vst v63  }
0xf3: {  	_ =	swait.ge [sflag:s25], $0x4000  }
0xf4: {  	[sflag:s25] =	ssyncset.done $0x0  }
.Ltmp3:
0xf5: {  	s1 =	sadd.s32 $0x1480, s0;
	[sflag:s25] =	ssyncadd.s32 $0xFFFFC000;
	(pc) =	sbr.rel @p0 .LBB2_8-.Ltmp3, $4  }
0xf6: {  	[spmem:s2] =	stream.indirect.scatter.add.f32 [tilespmem:s22], [sflag:$0x4], $0x80, s1, s20, $0xb8;
	[tilespmem:$0x1E800] =	vst v63  }
0xf7: {  	_ =	swait.ge [sflag:s26], $0x4000  }
0xf8: {  	[sflag:s26] =	ssyncset.done $0x0  }
0xf9: {  	s1 =	sadd.s32 $0x180, s0;
	[sflag:s26] =	ssyncadd.s32 $0xFFFFC000  }
0xfa: {  	[tilespmem:s22], [sflag:$0x2] =	stream.indirect.gather [hbm4b:s8+s20], $0x80, s1, s20, $0xb8;
	[tilespmem:$0x1E800] =	vst v63  }
0xfb: {  	_ =	swait.ge [sflag:s23], $0x4000  }
0xfc: {  	[sflag:s23] =	ssyncset.done $0x0  }
0xfd: {  	[sflag:s23] =	ssyncadd.s32 $0xFFFFC000  }
0xfe: {  	[spmem:s2] =	stream.indirect.scatter.add.f32 [tilespmem:s21], [sflag:$0x3], $0x80, s28, s20, $0xb8;
	[tilespmem:$0x1E800] =	vst v63  }
0xff: {  	_ =	swait.ge [sflag:s24], $0x4000  }
0x100: {  	[sflag:s24] =	ssyncset.done $0x0  }
0x101: {  	[sflag:s24] =	ssyncadd.s32 $0xFFFFC000  }
0x102: {  	_ =	swait.ge [sflag:s25], $0x4000  }
0x103: {  	[sflag:s25] =	ssyncset.done $0x0  }
0x104: {  	[sflag:s25] =	ssyncadd.s32 $0xFFFFC000  }
0x105: {  	[spmem:s2] =	stream.indirect.scatter.add.f32 [tilespmem:s22], [sflag:$0x4], $0x80, s29, s20, $0xb8;
	[tilespmem:$0x1E800] =	vst v63  }
0x106: {  	_ =	swait.ge [sflag:s26], $0x4000  }
0x107: {  	s30 =	sadd.s32 $0x1, s30;
	[sflag:s26] =	ssyncset.done $0x0  }
0x108: {  	p0 =	sne.s32 s30, s15;
	[sflag:s26] =	ssyncadd.s32 $0xFFFFC000  }
.Ltmp4:
0x109: {  	[bflag:$0x0] =	sbarrier.arrive $0xFFFF;
	(pc) =	sbr.rel @p0 .LBB2_1-.Ltmp4, $4  }
0x10a: {  	[hbm:s14], [sflag:s18] =	dma.local [spmem:s19], $0x2800  }
0x10b: {  	_ =	swait.ge [sflag:s16], $0x2800  }
0x10c: {  	[sflag:s16] =	ssyncset.done $0x0  }
0x10d: {  	[sflag:s16] =	ssyncadd.s32 $0xFFFFD800  }
0x10e: {  	_ =	sfence.sel $0x180000  }
0x10f: {  	[bflag:$0x0] =	sbarrier.arrive $0xFFFF  }
0x110: {  	_ =	strace $0x9000004D  }
0x111: {  	s0 =	stileid.u32;
	[bflag:$0x2] =	sbarrier.arrive $0xFFFF  }
0x112: {  	p0 =	sne.s32 s0, $0x0;
	s0 =	rddreg [dreg:$0x2]  }
0x113: {  	s0 =	sadd.s32 @!p0 $0x100000, s0  }
0x114: {  	[sflag:s0] =	ssyncadd.tile.s32 @!p0 $0x1;
	_ =	shalt  }
.Lfunc_end2:
_tile_overlayer_lowered:
.L_overlay_start_2:
0x115: {  	(tag) =	ssettag $0x2  }
0x116: {  	s0 =	rddreg [dreg:$0x0];
	s2 =	stileid.u32  }
0x117: {  	s1 =	rddreg [dreg:$0x1];
	p0 =	sne.s32 s2, $0x0  }
0x118: {  	s3 =	rddreg [dreg:$0x2];
	[bflag:$0x3] =	sbarrier.arrive $0xFFFF;
	s2 =	simm.s32 @!p0 $0x1C05  }
0x119: {  	[timem:s3], [sflag:s2] =	dma.local @!p0 [hbm:s0], s1  }
0x11a: {  	s0 =	simm.s32 @!p0 $0x5  }
0x11b: {  	_ =	swait.ge @!p0 [sflag:s0], s1  }
0x11c: {  	s1 =	ssub.s32 @!p0 $0x0, s1;
	[sflag:s0] =	ssyncset.done @!p0 $0x0  }
0x11d: {  	[sflag:s0] =	ssyncadd.s32 @!p0 s1  }
0x11e: {  	[bflag:$0x3] =	sbarrier.arrive $0xFFFF  }
0x11f: {  	_ =	shalt  }

</sc_bundles>
